<compile_context>
chip_gen: v7x
topology: tpu7x:2x2x1
jax: 0.10.2.dev20260603
libtpu: 0.0.44.dev20260713+nightly
codegen_flags: <defaults>
</compile_context>

<pallas_src>
import functools

import jax
import jax.numpy as jnp
from jax import lax
from jax.experimental import pallas as pl
from jax.experimental.pallas import tpu as pltpu
from jax.experimental.pallas import tpu_sc as plsc

N = 10000
E = 320000
D = 128
NC = 2
NS = 16
EPT = E // NS
K = 64
KC = 128
NB = 8
NCH = 320
NBLK = NCH // NB
NCHC = (NCH * K) // KC
NBLKC = NCHC // NB
EPAD = NCH * K
PF = 3
NRB = PF + 1
SRP = 640
NP = NS * SRP
CZ = 64

assert EPAD >= EPT and NCH % NB == 0 and SRP % CZ == 0

_mesh = plsc.VectorSubcoreMesh(
    core_axis_name="c", subcore_axis_name="s", num_cores=NC, num_subcores=NS
)


def _zero_stripe(zrow, buf, acc_sh, r0):
    cz = buf.shape[0]
    pltpu.sync_copy(zrow.at[pl.ds(0, cz)], buf)
    for z in range(SRP // cz):
        pltpu.sync_copy(buf, acc_sh.at[pl.ds(r0 + z * cz, cz)])


def _drain_stripe(acc_sh, buf, out, c, r0):
    cz = buf.shape[0]
    for z in range(SRP // cz):
        rz = r0 + z * cz
        pltpu.sync_copy(acc_sh.at[pl.ds(rz, cz)], buf)
        pltpu.sync_copy(buf, out.at[c, pl.ds(rz, cz)])


@functools.partial(
    pl.kernel, mesh=_mesh,
    out_type=jax.ShapeDtypeStruct((NC, NP, D), jnp.float32),
    scratch_types=[
        pltpu.VMEM((NB, K), jnp.int32),
        pltpu.VMEM((NB, K), jnp.int32),
        pltpu.VMEM((NB, K), jnp.int32),
        pltpu.VMEM((NB, K), jnp.int32),
        pltpu.VMEM((CZ, D), jnp.float32),
        [pltpu.VMEM((K, D), jnp.float32) for _ in range(NRB)],
        [pltpu.SemaphoreType.DMA for _ in range(NRB)],
        [pltpu.SemaphoreType.DMA for _ in range(NRB)],
        pltpu.VMEM_SHARED((NP, D), jnp.float32),
    ],
)
def _agg(table, dst5, src5, zrow, sums_out,
         dst_v0, src_v0, dst_v1, src_v1, bounce, rows, sems, ssems, acc_sh):
    c = lax.axis_index("c")
    s = lax.axis_index("s")
    r0 = s * SRP
    _zero_stripe(zrow, bounce, acc_sh, r0)
    plsc.subcore_barrier()

    tbl = table.at[c]
    idxs = ((dst_v0, src_v0), (dst_v1, src_v1))
    NH = NBLK // 2

    def fire(sv, b, t):
        pltpu.async_copy(tbl.at[sv.at[b]], rows[t % NRB], sems[t % NRB])

    pltpu.sync_copy(dst5.at[c, s * NBLK], dst_v0)
    pltpu.sync_copy(src5.at[c, s * NBLK], src_v0)
    for t in range(PF):
        fire(src_v0, t, t)

    def pair(j2, carry):
        w0 = s * NBLK + 2 * j2
        not_last = j2 < NH - 1
        pltpu.sync_copy(dst5.at[c, w0 + 1], dst_v1)
        pltpu.sync_copy(src5.at[c, w0 + 1], src_v1)
        for half, (dv, sv) in enumerate(idxs):
            if half == 1:
                @pl.when(not_last)
                def _():
                    pltpu.sync_copy(dst5.at[c, w0 + 2], dst_v0)
                    pltpu.sync_copy(src5.at[c, w0 + 2], src_v0)
            for b in range(NB):
                t = half * NB + b
                i = t % NRB
                ip = (t + PF) % NRB
                buf = rows[i]
                pltpu.make_async_copy(tbl.at[sv.at[b]], buf, sems[i]).wait()

                def _refire():
                    pltpu.make_async_copy(rows[ip], acc_sh.at[dv.at[b]],
                                          ssems[ip]).wait()
                    tgt = b + PF
                    if tgt < NB:
                        fire(sv, tgt, t + PF)
                    elif half == 0:
                        fire(src_v1, tgt - NB, t + PF)
                    else:
                        @pl.when(not_last)
                        def _():
                            fire(src_v0, tgt - NB, t + PF)

                if t == 0:
                    @pl.when(j2 > 0)
                    def _():
                        _refire()

                    @pl.when(j2 == 0)
                    def _():
                        tgt = b + PF
                        fire(sv, tgt, t + PF)
                else:
                    _refire()
                pltpu.async_copy(buf, acc_sh.at[dv.at[b]], ssems[i], add=True)
        return carry

    lax.fori_loop(0, NH, pair, 0)
    ilast = (2 * NB - 1) % NRB
    pltpu.make_async_copy(rows[ilast], acc_sh.at[dst_v1.at[0]],
                          ssems[ilast]).wait()
    plsc.subcore_barrier()
    _drain_stripe(acc_sh, bounce, sums_out, c, r0)


@functools.partial(
    pl.kernel, mesh=_mesh,
    out_type=jax.ShapeDtypeStruct((NC, NP, D), jnp.float32),
    scratch_types=[
        pltpu.VMEM((NB, KC), jnp.int32),
        pltpu.VMEM((KC, D), jnp.float32),
        pltpu.VMEM_SHARED((NP, D), jnp.float32),
        pltpu.SemaphoreType.DMA,
    ],
)
def _cnt(dst5c, zrow, ones_h, cnts_out, dst_v, ones_v, acc_sh, sem):
    c = lax.axis_index("c")
    s = lax.axis_index("s")
    r0 = s * SRP
    _zero_stripe(zrow, ones_v, acc_sh, r0)
    pltpu.sync_copy(ones_h, ones_v)
    plsc.subcore_barrier()

    def block(j, carry):
        w = s * NBLKC + j
        pltpu.sync_copy(dst5c.at[c, w], dst_v)
        for b in range(NB):
            pltpu.async_copy(ones_v, acc_sh.at[dst_v.at[b]], sem, add=True)
        for b in range(NB):
            pltpu.make_async_copy(ones_v, acc_sh.at[dst_v.at[b]], sem).wait()
        return carry

    lax.fori_loop(0, NBLKC, block, 0)
    plsc.subcore_barrier()
    _drain_stripe(acc_sh, ones_v, cnts_out, c, r0)


RB = 2000


def _layer(sums, cnts, Ws, bs, swap, concat):
    sel = ((lambda j, k: (1 - j, k, 0)) if swap
           else (lambda j, k: (j, k, 0)))
    if concat:
        out_shape = jax.ShapeDtypeStruct((2 * N, D), jnp.float32)
        out_spec = pl.BlockSpec((RB, D), lambda j, k: (j * (N // RB) + k, 0))
    else:
        out_shape = jax.ShapeDtypeStruct((2, N, D), jnp.float32)
        out_spec = pl.BlockSpec((1, RB, D), lambda j, k: (j, k, 0))

    def body(s_ref, c_ref, w_ref, b_ref, o_ref):
        cnt = jnp.maximum(c_ref[0][:, 0:1], 1.0)
        mean = s_ref[0] / cnt
        y = jnp.dot(mean, w_ref[0], preferred_element_type=jnp.float32)
        y = jnp.maximum(y + b_ref[0, 0], 0.0)
        if concat:
            o_ref[...] = y
        else:
            o_ref[0] = y

    return pl.pallas_call(
        body,
        grid=(2, N // RB),
        in_specs=[
            pl.BlockSpec((1, RB, D), sel),
            pl.BlockSpec((1, RB, D), sel),
            pl.BlockSpec((1, D, D), lambda j, k: (j, 0, 0)),
            pl.BlockSpec((1, 1, D), lambda j, k: (j, 0, 0)),
        ],
        out_specs=out_spec,
        out_shape=out_shape,
    )(sums, cnts, Ws, bs.reshape(2, 1, D))


def kernel(ft_a, ft_b, edge_ab, edge_ba, W0ab, b0ab, W0ba, b0ba,
           W1ab, b1ab, W1ba, b1ba):
    f32 = jnp.float32
    table1 = jnp.stack([ft_b, ft_a])
    dst = jnp.stack([edge_ab[0], edge_ba[0]]).astype(jnp.int32)
    src = jnp.stack([edge_ab[1], edge_ba[1]]).astype(jnp.int32)
    pad = ((0, 0), (0, 0), (0, EPAD - EPT))
    dstp = jnp.pad(dst.reshape(NC, NS, EPT), pad, constant_values=N)
    dst5 = dstp.reshape(NC, NS * NBLK, NB, K)
    dst5c = dstp.reshape(NC, NS * NBLKC, NB, KC)
    src5 = jnp.pad(src.reshape(NC, NS, EPT), pad).reshape(NC, NS * NBLK, NB, K)
    zrow = jnp.zeros((KC, D), f32)
    ones_h = jnp.ones((KC, D), f32)

    cnts = _cnt(dst5c, zrow, ones_h)
    sums1 = _agg(table1, dst5, src5, zrow)
    W0s = jnp.stack([W0ba, W0ab])
    b0s = jnp.stack([b0ba, b0ab])
    embs1 = _layer(sums1, cnts, W0s, b0s, swap=True, concat=False)

    sums2 = _agg(embs1, dst5, src5, zrow)
    W1s = jnp.stack([W1ab, W1ba])
    b1s = jnp.stack([b1ab, b1ba])
    return _layer(sums2, cnts, W1s, b1s, swap=False, concat=True)

# --- scband reference (transcript-rebuilt; emitter-appended) ---
"""Pipeline reference for scband-modeler-44220983279800 (READ-ONLY COPY).

The authoritative reference and input builder live on the scoring server;
editing this copy changes nothing except your own understanding.
"""

import jax, jax.numpy as jnp
import numpy as np

N_A = 10000
N_B = 10000
E = 320000
D = 128
H1 = 128
H2 = 128


def mean_agg(edge, feats, num_dst):
    # edge[0] = dst rows of adjacency, edge[1] = src cols; spmm with row-normalized
    # adjacency == mean over neighbors (gather + scatter-add + divide by degree)
    dst = edge[0]
    src = edge[1]
    gathered = jnp.take(feats, src, axis=0)
    summed = jax.ops.segment_sum(gathered, dst, num_segments=num_dst)
    cnt = jax.ops.segment_sum(jnp.ones((edge.shape[1],), feats.dtype), dst, num_segments=num_dst)
    return summed / jnp.maximum(cnt, 1.0)[:, None]


def setup_inputs(seed: int = 0) -> dict:
    key = jax.random.key(seed)
    ks = jax.random.split(key, 16)
    ft_a = jax.random.normal(ks[0], (N_A, D), jnp.float32)
    ft_b = jax.random.normal(ks[1], (N_B, D), jnp.float32)
    edge_ab = jax.random.randint(ks[2], (2, E), 0, N_A)  # adj['a']['b']: dst in a, src in b
    edge_ba = jax.random.randint(ks[3], (2, E), 0, N_B)  # adj['b']['a']: dst in b, src in a
    W0ab = jax.random.normal(ks[4], (D, H1), jnp.float32) * 0.05
    b0ab = jnp.zeros((H1,), jnp.float32)
    W0ba = jax.random.normal(ks[5], (D, H1), jnp.float32) * 0.05
    b0ba = jnp.zeros((H1,), jnp.float32)
    W1ab = jax.random.normal(ks[6], (H1, H2), jnp.float32) * 0.05
    b1ab = jnp.zeros((H2,), jnp.float32)
    W1ba = jax.random.normal(ks[7], (H1, H2), jnp.float32) * 0.05
    b1ba = jnp.zeros((H2,), jnp.float32)
    return {"ft_a": ft_a, "ft_b": ft_b, "edge_ab": edge_ab, "edge_ba": edge_ba,
            "W0ab": W0ab, "b0ab": b0ab, "W0ba": W0ba, "b0ba": b0ba,
            "W1ab": W1ab, "b1ab": b1ab, "W1ba": W1ba, "b1ba": b1ba}


def reference(ft_a, ft_b, edge_ab, edge_ba, W0ab, b0ab, W0ba, b0ba, W1ab, b1ab, W1ba, b1ba):
    # Layer 1: embs1[n] = GCN0_rel(spmm(adj[n][t], ft[t])); single rel per type -> mean of stack is identity
    mn_a = mean_agg(edge_ab, ft_b, N_A)
    embs1_a = jax.nn.relu(mn_a @ W0ab + b0ab)
    mn_b = mean_agg(edge_ba, ft_a, N_B)
    embs1_b = jax.nn.relu(mn_b @ W0ba + b0ba)
    # Layer 2: embs2[n] = GCN1_rel(spmm(adj[n][t], embs1[t]))
    mn_a2 = mean_agg(edge_ab, embs1_b, N_A)
    embs2_a = jax.nn.relu(mn_a2 @ W1ab + b1ab)
    mn_b2 = mean_agg(edge_ba, embs1_a, N_B)
    embs2_b = jax.nn.relu(mn_b2 @ W1ba + b1ba)
    # embs2 dict flattened to a single array (a-rows then b-rows)
    return jnp.concatenate([embs2_a, embs2_b], axis=0)

if __name__ == "__main__":
    import jax
    _d = setup_inputs()
    print(jax.jit(kernel)(*tuple(_d.values())))

</pallas_src>

<mosaic_0001>
#map = affine_map<(d0, d1) -> (0, 0, 0, 0)>
#map1 = affine_map<(d0, d1) -> (0, 0)>
#map2 = affine_map<(d0, d1) -> (0, 0, 0)>
module attributes {stable_mosaic.version = 14 : i64} {
  func.func @_cnt(%arg0: i32, %arg1: i32, %arg2: memref<2x320x8x128xi32, #tpu.memory_space<hbm>>, %arg3: memref<128x128xf32, #tpu.memory_space<hbm>>, %arg4: memref<128x128xf32, #tpu.memory_space<hbm>>, %arg5: memref<2x10240x128xf32, #tpu.memory_space<hbm>>, %arg6: memref<8x128xi32, #tpu.memory_space<vmem>>, %arg7: memref<128x128xf32, #tpu.memory_space<vmem>>, %arg8: memref<10240x128xf32, #tpu.memory_space<vmem_shared>>, %arg9: memref<!tpu.dma_semaphore, #tpu.memory_space<semaphore_mem>>) attributes {dimension_semantics = [#tpu.dimension_semantics<core_parallel>, #tpu.dimension_semantics<subcore_parallel>], iteration_bounds = array<i64: 2, 16>, scalar_prefetch = 0 : i64, scratch_operands = 4 : i64, tpu.core_type = #tpu.core_type<sc_vector_subcore>, window_params = [{transform_indices = #map}, {transform_indices = #map1}, {transform_indices = #map1}, {transform_indices = #map2}]} {
    %mul3A = arith.constant 640 : i32
    %mul3A_0 = arith.muli %arg1, %mul3A : i32
    "tpu.region"() ({
      %run_scoped3A = tpu.sem_alloc : memref<!tpu.dma_semaphore, #tpu.memory_space<semaphore_mem>>
      %dma_start3A = arith.constant 0 : i32
      %dma_start3A_26 = arith.constant 0 : i32
      %dma_start3A_27 = tpu.memref_slice %arg3[%dma_start3A, %dma_start3A_26] : memref<128x128xf32, #tpu.memory_space<hbm>> -> memref<128x128xf32, #tpu.memory_space<hbm>>
      %dma_start3A_28 = arith.constant 0 : i32
      %dma_start3A_29 = arith.constant 0 : i32
      %dma_start3A_30 = tpu.memref_slice %arg3[%dma_start3A_28, %dma_start3A_29] : memref<128x128xf32, #tpu.memory_space<hbm>> -> memref<128x128xf32, #tpu.memory_space<hbm>>
      tpu.enqueue_dma source(%dma_start3A_30 : memref<128x128xf32, #tpu.memory_space<hbm>>) target(%arg7 : memref<128x128xf32, #tpu.memory_space<vmem>>) target_semaphore(%run_scoped3A : memref<!tpu.dma_semaphore, #tpu.memory_space<semaphore_mem>>)
      %dma_wait3A = arith.constant 0 : i32
      %dma_wait3A_31 = arith.constant 0 : i32
      %dma_wait3A_32 = tpu.memref_slice %arg3[%dma_wait3A, %dma_wait3A_31] : memref<128x128xf32, #tpu.memory_space<hbm>> -> memref<128x128xf32, #tpu.memory_space<hbm>>
      %dma_wait3A_33 = arith.constant 0 : i32
      %dma_wait3A_34 = arith.constant 0 : i32
      %dma_wait3A_35 = tpu.memref_slice %arg3[%dma_wait3A_33, %dma_wait3A_34] : memref<128x128xf32, #tpu.memory_space<hbm>> -> memref<128x128xf32, #tpu.memory_space<hbm>>
      tpu.wait_dma2 semaphore(%run_scoped3A : memref<!tpu.dma_semaphore, #tpu.memory_space<semaphore_mem>>) src(%dma_wait3A_35 : memref<128x128xf32, #tpu.memory_space<hbm>>) dst(%arg7 : memref<128x128xf32, #tpu.memory_space<vmem>>)
      tpu.yield
    }) : () -> ()
    %add3A = arith.constant 0 : i32
    %add3A_1 = arith.addi %mul3A_0, %add3A : i32
    "tpu.region"() ({
      %run_scoped3A = tpu.sem_alloc : memref<!tpu.dma_semaphore, #tpu.memory_space<semaphore_mem>>
      %dma_start3A = arith.constant 0 : i32
      %dma_start3A_26 = tpu.memref_slice %arg8[%add3A_1, %dma_start3A] : memref<10240x128xf32, #tpu.memory_space<vmem_shared>> -> memref<128x128xf32, #tpu.memory_space<vmem_shared>>
      %dma_start3A_27 = arith.constant 0 : i32
      %dma_start3A_28 = tpu.memref_slice %arg8[%add3A_1, %dma_start3A_27] : memref<10240x128xf32, #tpu.memory_space<vmem_shared>> -> memref<128x128xf32, #tpu.memory_space<vmem_shared>>
      tpu.enqueue_dma source(%arg7 : memref<128x128xf32, #tpu.memory_space<vmem>>) target(%dma_start3A_28 : memref<128x128xf32, #tpu.memory_space<vmem_shared>>) target_semaphore(%run_scoped3A : memref<!tpu.dma_semaphore, #tpu.memory_space<semaphore_mem>>)
      %dma_wait3A = arith.constant 0 : i32
      %dma_wait3A_29 = tpu.memref_slice %arg8[%add3A_1, %dma_wait3A] : memref<10240x128xf32, #tpu.memory_space<vmem_shared>> -> memref<128x128xf32, #tpu.memory_space<vmem_shared>>
      %dma_wait3A_30 = arith.constant 0 : i32
      %dma_wait3A_31 = tpu.memref_slice %arg8[%add3A_1, %dma_wait3A_30] : memref<10240x128xf32, #tpu.memory_space<vmem_shared>> -> memref<128x128xf32, #tpu.memory_space<vmem_shared>>
      tpu.wait_dma2 semaphore(%run_scoped3A : memref<!tpu.dma_semaphore, #tpu.memory_space<semaphore_mem>>) src(%arg7 : memref<128x128xf32, #tpu.memory_space<vmem>>) dst(%dma_wait3A_31 : memref<128x128xf32, #tpu.memory_space<vmem_shared>>)
      tpu.yield
    }) : () -> ()
    %add3A_2 = arith.constant 128 : i32
    %add3A_3 = arith.addi %mul3A_0, %add3A_2 : i32
    "tpu.region"() ({
      %run_scoped3A = tpu.sem_alloc : memref<!tpu.dma_semaphore, #tpu.memory_space<semaphore_mem>>
      %dma_start3A = arith.constant 0 : i32
      %dma_start3A_26 = tpu.memref_slice %arg8[%add3A_3, %dma_start3A] : memref<10240x128xf32, #tpu.memory_space<vmem_shared>> -> memref<128x128xf32, #tpu.memory_space<vmem_shared>>
      %dma_start3A_27 = arith.constant 0 : i32
      %dma_start3A_28 = tpu.memref_slice %arg8[%add3A_3, %dma_start3A_27] : memref<10240x128xf32, #tpu.memory_space<vmem_shared>> -> memref<128x128xf32, #tpu.memory_space<vmem_shared>>
      tpu.enqueue_dma source(%arg7 : memref<128x128xf32, #tpu.memory_space<vmem>>) target(%dma_start3A_28 : memref<128x128xf32, #tpu.memory_space<vmem_shared>>) target_semaphore(%run_scoped3A : memref<!tpu.dma_semaphore, #tpu.memory_space<semaphore_mem>>)
      %dma_wait3A = arith.constant 0 : i32
      %dma_wait3A_29 = tpu.memref_slice %arg8[%add3A_3, %dma_wait3A] : memref<10240x128xf32, #tpu.memory_space<vmem_shared>> -> memref<128x128xf32, #tpu.memory_space<vmem_shared>>
      %dma_wait3A_30 = arith.constant 0 : i32
      %dma_wait3A_31 = tpu.memref_slice %arg8[%add3A_3, %dma_wait3A_30] : memref<10240x128xf32, #tpu.memory_space<vmem_shared>> -> memref<128x128xf32, #tpu.memory_space<vmem_shared>>
      tpu.wait_dma2 semaphore(%run_scoped3A : memref<!tpu.dma_semaphore, #tpu.memory_space<semaphore_mem>>) src(%arg7 : memref<128x128xf32, #tpu.memory_space<vmem>>) dst(%dma_wait3A_31 : memref<128x128xf32, #tpu.memory_space<vmem_shared>>)
      tpu.yield
    }) : () -> ()
    %add3A_4 = arith.constant 256 : i32
    %add3A_5 = arith.addi %mul3A_0, %add3A_4 : i32
    "tpu.region"() ({
      %run_scoped3A = tpu.sem_alloc : memref<!tpu.dma_semaphore, #tpu.memory_space<semaphore_mem>>
      %dma_start3A = arith.constant 0 : i32
      %dma_start3A_26 = tpu.memref_slice %arg8[%add3A_5, %dma_start3A] : memref<10240x128xf32, #tpu.memory_space<vmem_shared>> -> memref<128x128xf32, #tpu.memory_space<vmem_shared>>
      %dma_start3A_27 = arith.constant 0 : i32
      %dma_start3A_28 = tpu.memref_slice %arg8[%add3A_5, %dma_start3A_27] : memref<10240x128xf32, #tpu.memory_space<vmem_shared>> -> memref<128x128xf32, #tpu.memory_space<vmem_shared>>
      tpu.enqueue_dma source(%arg7 : memref<128x128xf32, #tpu.memory_space<vmem>>) target(%dma_start3A_28 : memref<128x128xf32, #tpu.memory_space<vmem_shared>>) target_semaphore(%run_scoped3A : memref<!tpu.dma_semaphore, #tpu.memory_space<semaphore_mem>>)
      %dma_wait3A = arith.constant 0 : i32
      %dma_wait3A_29 = tpu.memref_slice %arg8[%add3A_5, %dma_wait3A] : memref<10240x128xf32, #tpu.memory_space<vmem_shared>> -> memref<128x128xf32, #tpu.memory_space<vmem_shared>>
      %dma_wait3A_30 = arith.constant 0 : i32
      %dma_wait3A_31 = tpu.memref_slice %arg8[%add3A_5, %dma_wait3A_30] : memref<10240x128xf32, #tpu.memory_space<vmem_shared>> -> memref<128x128xf32, #tpu.memory_space<vmem_shared>>
      tpu.wait_dma2 semaphore(%run_scoped3A : memref<!tpu.dma_semaphore, #tpu.memory_space<semaphore_mem>>) src(%arg7 : memref<128x128xf32, #tpu.memory_space<vmem>>) dst(%dma_wait3A_31 : memref<128x128xf32, #tpu.memory_space<vmem_shared>>)
      tpu.yield
    }) : () -> ()
    %add3A_6 = arith.constant 384 : i32
    %add3A_7 = arith.addi %mul3A_0, %add3A_6 : i32
    "tpu.region"() ({
      %run_scoped3A = tpu.sem_alloc : memref<!tpu.dma_semaphore, #tpu.memory_space<semaphore_mem>>
      %dma_start3A = arith.constant 0 : i32
      %dma_start3A_26 = tpu.memref_slice %arg8[%add3A_7, %dma_start3A] : memref<10240x128xf32, #tpu.memory_space<vmem_shared>> -> memref<128x128xf32, #tpu.memory_space<vmem_shared>>
      %dma_start3A_27 = arith.constant 0 : i32
      %dma_start3A_28 = tpu.memref_slice %arg8[%add3A_7, %dma_start3A_27] : memref<10240x128xf32, #tpu.memory_space<vmem_shared>> -> memref<128x128xf32, #tpu.memory_space<vmem_shared>>
      tpu.enqueue_dma source(%arg7 : memref<128x128xf32, #tpu.memory_space<vmem>>) target(%dma_start3A_28 : memref<128x128xf32, #tpu.memory_space<vmem_shared>>) target_semaphore(%run_scoped3A : memref<!tpu.dma_semaphore, #tpu.memory_space<semaphore_mem>>)
      %dma_wait3A = arith.constant 0 : i32
      %dma_wait3A_29 = tpu.memref_slice %arg8[%add3A_7, %dma_wait3A] : memref<10240x128xf32, #tpu.memory_space<vmem_shared>> -> memref<128x128xf32, #tpu.memory_space<vmem_shared>>
      %dma_wait3A_30 = arith.constant 0 : i32
      %dma_wait3A_31 = tpu.memref_slice %arg8[%add3A_7, %dma_wait3A_30] : memref<10240x128xf32, #tpu.memory_space<vmem_shared>> -> memref<128x128xf32, #tpu.memory_space<vmem_shared>>
      tpu.wait_dma2 semaphore(%run_scoped3A : memref<!tpu.dma_semaphore, #tpu.memory_space<semaphore_mem>>) src(%arg7 : memref<128x128xf32, #tpu.memory_space<vmem>>) dst(%dma_wait3A_31 : memref<128x128xf32, #tpu.memory_space<vmem_shared>>)
      tpu.yield
    }) : () -> ()
    %add3A_8 = arith.constant 512 : i32
    %add3A_9 = arith.addi %mul3A_0, %add3A_8 : i32
    "tpu.region"() ({
      %run_scoped3A = tpu.sem_alloc : memref<!tpu.dma_semaphore, #tpu.memory_space<semaphore_mem>>
      %dma_start3A = arith.constant 0 : i32
      %dma_start3A_26 = tpu.memref_slice %arg8[%add3A_9, %dma_start3A] : memref<10240x128xf32, #tpu.memory_space<vmem_shared>> -> memref<128x128xf32, #tpu.memory_space<vmem_shared>>
      %dma_start3A_27 = arith.constant 0 : i32
      %dma_start3A_28 = tpu.memref_slice %arg8[%add3A_9, %dma_start3A_27] : memref<10240x128xf32, #tpu.memory_space<vmem_shared>> -> memref<128x128xf32, #tpu.memory_space<vmem_shared>>
      tpu.enqueue_dma source(%arg7 : memref<128x128xf32, #tpu.memory_space<vmem>>) target(%dma_start3A_28 : memref<128x128xf32, #tpu.memory_space<vmem_shared>>) target_semaphore(%run_scoped3A : memref<!tpu.dma_semaphore, #tpu.memory_space<semaphore_mem>>)
      %dma_wait3A = arith.constant 0 : i32
      %dma_wait3A_29 = tpu.memref_slice %arg8[%add3A_9, %dma_wait3A] : memref<10240x128xf32, #tpu.memory_space<vmem_shared>> -> memref<128x128xf32, #tpu.memory_space<vmem_shared>>
      %dma_wait3A_30 = arith.constant 0 : i32
      %dma_wait3A_31 = tpu.memref_slice %arg8[%add3A_9, %dma_wait3A_30] : memref<10240x128xf32, #tpu.memory_space<vmem_shared>> -> memref<128x128xf32, #tpu.memory_space<vmem_shared>>
      tpu.wait_dma2 semaphore(%run_scoped3A : memref<!tpu.dma_semaphore, #tpu.memory_space<semaphore_mem>>) src(%arg7 : memref<128x128xf32, #tpu.memory_space<vmem>>) dst(%dma_wait3A_31 : memref<128x128xf32, #tpu.memory_space<vmem_shared>>)
      tpu.yield
    }) : () -> ()
    "tpu.region"() ({
      %run_scoped3A = tpu.sem_alloc : memref<!tpu.dma_semaphore, #tpu.memory_space<semaphore_mem>>
      tpu.enqueue_dma source(%arg4 : memref<128x128xf32, #tpu.memory_space<hbm>>) target(%arg7 : memref<128x128xf32, #tpu.memory_space<vmem>>) target_semaphore(%run_scoped3A : memref<!tpu.dma_semaphore, #tpu.memory_space<semaphore_mem>>)
      tpu.wait_dma2 semaphore(%run_scoped3A : memref<!tpu.dma_semaphore, #tpu.memory_space<semaphore_mem>>) src(%arg4 : memref<128x128xf32, #tpu.memory_space<hbm>>) dst(%arg7 : memref<128x128xf32, #tpu.memory_space<vmem>>)
      tpu.yield
    }) : () -> ()
    %barrier3A = arith.constant 0 : index
    tpu.barrier barrier_id(%barrier3A)
    %scan3A = arith.constant 0 : i32
    %scan3A_10 = arith.constant 0 : i32
    %scan3A_11 = arith.constant 20 : i32
    %scan3A_12 = arith.addi %scan3A_10, %scan3A_11 : i32
    %scan3A_13 = arith.constant 1 : i32
    scf.for %scan3A_26 = %scan3A_10 to %scan3A_12 step %scan3A_13  : i32 {
      %mul3A_27 = arith.constant 20 : i32
      %mul3A_28 = arith.muli %arg1, %mul3A_27 : i32
      %add3A_29 = arith.addi %mul3A_28, %scan3A_26 : i32
      "tpu.region"() ({
        %run_scoped3A = tpu.sem_alloc : memref<!tpu.dma_semaphore, #tpu.memory_space<semaphore_mem>>
        %dma_start3A_140 = arith.constant 0 : i32
        %dma_start3A_141 = arith.constant 0 : i32
        %dma_start3A_142 = tpu.memref_slice %arg2[%arg0, %add3A_29, %dma_start3A_140, %dma_start3A_141] : memref<2x320x8x128xi32, #tpu.memory_space<hbm>> -> memref<1x1x8x128xi32, #tpu.memory_space<hbm>>
        %dma_start3A_143 = tpu.memref_squeeze %dma_start3A_142 : memref<1x1x8x128xi32, #tpu.memory_space<hbm>> -> memref<8x128xi32, #tpu.memory_space<hbm>>
        %dma_start3A_144 = arith.constant 0 : i32
        %dma_start3A_145 = arith.constant 0 : i32
        %dma_start3A_146 = tpu.memref_slice %arg2[%arg0, %add3A_29, %dma_start3A_144, %dma_start3A_145] : memref<2x320x8x128xi32, #tpu.memory_space<hbm>> -> memref<1x1x8x128xi32, #tpu.memory_space<hbm>>
        %dma_start3A_147 = tpu.memref_squeeze %dma_start3A_146 : memref<1x1x8x128xi32, #tpu.memory_space<hbm>> -> memref<8x128xi32, #tpu.memory_space<hbm>>
        tpu.enqueue_dma source(%dma_start3A_147 : memref<8x128xi32, #tpu.memory_space<hbm>>) target(%arg6 : memref<8x128xi32, #tpu.memory_space<vmem>>) target_semaphore(%run_scoped3A : memref<!tpu.dma_semaphore, #tpu.memory_space<semaphore_mem>>)
        %dma_wait3A_148 = arith.constant 0 : i32
        %dma_wait3A_149 = arith.constant 0 : i32
        %dma_wait3A_150 = tpu.memref_slice %arg2[%arg0, %add3A_29, %dma_wait3A_148, %dma_wait3A_149] : memref<2x320x8x128xi32, #tpu.memory_space<hbm>> -> memref<1x1x8x128xi32, #tpu.memory_space<hbm>>
        %dma_wait3A_151 = tpu.memref_squeeze %dma_wait3A_150 : memref<1x1x8x128xi32, #tpu.memory_space<hbm>> -> memref<8x128xi32, #tpu.memory_space<hbm>>
        %dma_wait3A_152 = arith.constant 0 : i32
        %dma_wait3A_153 = arith.constant 0 : i32
        %dma_wait3A_154 = tpu.memref_slice %arg2[%arg0, %add3A_29, %dma_wait3A_152, %dma_wait3A_153] : memref<2x320x8x128xi32, #tpu.memory_space<hbm>> -> memref<1x1x8x128xi32, #tpu.memory_space<hbm>>
        %dma_wait3A_155 = tpu.memref_squeeze %dma_wait3A_154 : memref<1x1x8x128xi32, #tpu.memory_space<hbm>> -> memref<8x128xi32, #tpu.memory_space<hbm>>
        tpu.wait_dma2 semaphore(%run_scoped3A : memref<!tpu.dma_semaphore, #tpu.memory_space<semaphore_mem>>) src(%dma_wait3A_155 : memref<8x128xi32, #tpu.memory_space<hbm>>) dst(%arg6 : memref<8x128xi32, #tpu.memory_space<vmem>>)
        tpu.yield
      }) : () -> ()
      %dma_start3A = arith.constant 0 : i32
      %dma_start3A_30 = arith.constant 0 : i32
      %dma_start3A_31 = tpu.memref_slice %arg6[%dma_start3A, %dma_start3A_30] : memref<8x128xi32, #tpu.memory_space<vmem>> -> memref<1x128xi32, #tpu.memory_space<vmem>>
      %dma_start3A_32 = tpu.memref_squeeze %dma_start3A_31 : memref<1x128xi32, #tpu.memory_space<vmem>> -> memref<128xi32, #tpu.memory_space<vmem>>
      %dma_start3A_33 = arith.constant 0 : i32
      %dma_start3A_34 = arith.constant 0 : i32
      %dma_start3A_35 = tpu.memref_slice %arg8[%dma_start3A_33, %dma_start3A_34] : memref<10240x128xf32, #tpu.memory_space<vmem_shared>> -> memref<10240x128xf32, #tpu.memory_space<vmem_shared>>
      tpu.enqueue_indirect_dma source(%arg7 : memref<128x128xf32, #tpu.memory_space<vmem>>) target(%dma_start3A_35 : memref<10240x128xf32, #tpu.memory_space<vmem_shared>>) offsets(%dma_start3A_32 : memref<128xi32, #tpu.memory_space<vmem>>) semaphore(%arg9 : memref<!tpu.dma_semaphore, #tpu.memory_space<semaphore_mem>>) {add = true}
      %dma_start3A_36 = arith.constant 1 : i32
      %dma_start3A_37 = arith.constant 0 : i32
      %dma_start3A_38 = tpu.memref_slice %arg6[%dma_start3A_36, %dma_start3A_37] : memref<8x128xi32, #tpu.memory_space<vmem>> -> memref<1x128xi32, #tpu.memory_space<vmem>>
      %dma_start3A_39 = tpu.memref_squeeze %dma_start3A_38 : memref<1x128xi32, #tpu.memory_space<vmem>> -> memref<128xi32, #tpu.memory_space<vmem>>
      %dma_start3A_40 = arith.constant 0 : i32
      %dma_start3A_41 = arith.constant 0 : i32
      %dma_start3A_42 = tpu.memref_slice %arg8[%dma_start3A_40, %dma_start3A_41] : memref<10240x128xf32, #tpu.memory_space<vmem_shared>> -> memref<10240x128xf32, #tpu.memory_space<vmem_shared>>
      tpu.enqueue_indirect_dma source(%arg7 : memref<128x128xf32, #tpu.memory_space<vmem>>) target(%dma_start3A_42 : memref<10240x128xf32, #tpu.memory_space<vmem_shared>>) offsets(%dma_start3A_39 : memref<128xi32, #tpu.memory_space<vmem>>) semaphore(%arg9 : memref<!tpu.dma_semaphore, #tpu.memory_space<semaphore_mem>>) {add = true}
      %dma_start3A_43 = arith.constant 2 : i32
      %dma_start3A_44 = arith.constant 0 : i32
      %dma_start3A_45 = tpu.memref_slice %arg6[%dma_start3A_43, %dma_start3A_44] : memref<8x128xi32, #tpu.memory_space<vmem>> -> memref<1x128xi32, #tpu.memory_space<vmem>>
      %dma_start3A_46 = tpu.memref_squeeze %dma_start3A_45 : memref<1x128xi32, #tpu.memory_space<vmem>> -> memref<128xi32, #tpu.memory_space<vmem>>
      %dma_start3A_47 = arith.constant 0 : i32
      %dma_start3A_48 = arith.constant 0 : i32
      %dma_start3A_49 = tpu.memref_slice %arg8[%dma_start3A_47, %dma_start3A_48] : memref<10240x128xf32, #tpu.memory_space<vmem_shared>> -> memref<10240x128xf32, #tpu.memory_space<vmem_shared>>
      tpu.enqueue_indirect_dma source(%arg7 : memref<128x128xf32, #tpu.memory_space<vmem>>) target(%dma_start3A_49 : memref<10240x128xf32, #tpu.memory_space<vmem_shared>>) offsets(%dma_start3A_46 : memref<128xi32, #tpu.memory_space<vmem>>) semaphore(%arg9 : memref<!tpu.dma_semaphore, #tpu.memory_space<semaphore_mem>>) {add = true}
      %dma_start3A_50 = arith.constant 3 : i32
      %dma_start3A_51 = arith.constant 0 : i32
      %dma_start3A_52 = tpu.memref_slice %arg6[%dma_start3A_50, %dma_start3A_51] : memref<8x128xi32, #tpu.memory_space<vmem>> -> memref<1x128xi32, #tpu.memory_space<vmem>>
      %dma_start3A_53 = tpu.memref_squeeze %dma_start3A_52 : memref<1x128xi32, #tpu.memory_space<vmem>> -> memref<128xi32, #tpu.memory_space<vmem>>
      %dma_start3A_54 = arith.constant 0 : i32
      %dma_start3A_55 = arith.constant 0 : i32
      %dma_start3A_56 = tpu.memref_slice %arg8[%dma_start3A_54, %dma_start3A_55] : memref<10240x128xf32, #tpu.memory_space<vmem_shared>> -> memref<10240x128xf32, #tpu.memory_space<vmem_shared>>
      tpu.enqueue_indirect_dma source(%arg7 : memref<128x128xf32, #tpu.memory_space<vmem>>) target(%dma_start3A_56 : memref<10240x128xf32, #tpu.memory_space<vmem_shared>>) offsets(%dma_start3A_53 : memref<128xi32, #tpu.memory_space<vmem>>) semaphore(%arg9 : memref<!tpu.dma_semaphore, #tpu.memory_space<semaphore_mem>>) {add = true}
      %dma_start3A_57 = arith.constant 4 : i32
      %dma_start3A_58 = arith.constant 0 : i32
      %dma_start3A_59 = tpu.memref_slice %arg6[%dma_start3A_57, %dma_start3A_58] : memref<8x128xi32, #tpu.memory_space<vmem>> -> memref<1x128xi32, #tpu.memory_space<vmem>>
      %dma_start3A_60 = tpu.memref_squeeze %dma_start3A_59 : memref<1x128xi32, #tpu.memory_space<vmem>> -> memref<128xi32, #tpu.memory_space<vmem>>
      %dma_start3A_61 = arith.constant 0 : i32
      %dma_start3A_62 = arith.constant 0 : i32
      %dma_start3A_63 = tpu.memref_slice %arg8[%dma_start3A_61, %dma_start3A_62] : memref<10240x128xf32, #tpu.memory_space<vmem_shared>> -> memref<10240x128xf32, #tpu.memory_space<vmem_shared>>
      tpu.enqueue_indirect_dma source(%arg7 : memref<128x128xf32, #tpu.memory_space<vmem>>) target(%dma_start3A_63 : memref<10240x128xf32, #tpu.memory_space<vmem_shared>>) offsets(%dma_start3A_60 : memref<128xi32, #tpu.memory_space<vmem>>) semaphore(%arg9 : memref<!tpu.dma_semaphore, #tpu.memory_space<semaphore_mem>>) {add = true}
      %dma_start3A_64 = arith.constant 5 : i32
      %dma_start3A_65 = arith.constant 0 : i32
      %dma_start3A_66 = tpu.memref_slice %arg6[%dma_start3A_64, %dma_start3A_65] : memref<8x128xi32, #tpu.memory_space<vmem>> -> memref<1x128xi32, #tpu.memory_space<vmem>>
      %dma_start3A_67 = tpu.memref_squeeze %dma_start3A_66 : memref<1x128xi32, #tpu.memory_space<vmem>> -> memref<128xi32, #tpu.memory_space<vmem>>
      %dma_start3A_68 = arith.constant 0 : i32
      %dma_start3A_69 = arith.constant 0 : i32
      %dma_start3A_70 = tpu.memref_slice %arg8[%dma_start3A_68, %dma_start3A_69] : memref<10240x128xf32, #tpu.memory_space<vmem_shared>> -> memref<10240x128xf32, #tpu.memory_space<vmem_shared>>
      tpu.enqueue_indirect_dma source(%arg7 : memref<128x128xf32, #tpu.memory_space<vmem>>) target(%dma_start3A_70 : memref<10240x128xf32, #tpu.memory_space<vmem_shared>>) offsets(%dma_start3A_67 : memref<128xi32, #tpu.memory_space<vmem>>) semaphore(%arg9 : memref<!tpu.dma_semaphore, #tpu.memory_space<semaphore_mem>>) {add = true}
      %dma_start3A_71 = arith.constant 6 : i32
      %dma_start3A_72 = arith.constant 0 : i32
      %dma_start3A_73 = tpu.memref_slice %arg6[%dma_start3A_71, %dma_start3A_72] : memref<8x128xi32, #tpu.memory_space<vmem>> -> memref<1x128xi32, #tpu.memory_space<vmem>>
      %dma_start3A_74 = tpu.memref_squeeze %dma_start3A_73 : memref<1x128xi32, #tpu.memory_space<vmem>> -> memref<128xi32, #tpu.memory_space<vmem>>
      %dma_start3A_75 = arith.constant 0 : i32
      %dma_start3A_76 = arith.constant 0 : i32
      %dma_start3A_77 = tpu.memref_slice %arg8[%dma_start3A_75, %dma_start3A_76] : memref<10240x128xf32, #tpu.memory_space<vmem_shared>> -> memref<10240x128xf32, #tpu.memory_space<vmem_shared>>
      tpu.enqueue_indirect_dma source(%arg7 : memref<128x128xf32, #tpu.memory_space<vmem>>) target(%dma_start3A_77 : memref<10240x128xf32, #tpu.memory_space<vmem_shared>>) offsets(%dma_start3A_74 : memref<128xi32, #tpu.memory_space<vmem>>) semaphore(%arg9 : memref<!tpu.dma_semaphore, #tpu.memory_space<semaphore_mem>>) {add = true}
      %dma_start3A_78 = arith.constant 7 : i32
      %dma_start3A_79 = arith.constant 0 : i32
      %dma_start3A_80 = tpu.memref_slice %arg6[%dma_start3A_78, %dma_start3A_79] : memref<8x128xi32, #tpu.memory_space<vmem>> -> memref<1x128xi32, #tpu.memory_space<vmem>>
      %dma_start3A_81 = tpu.memref_squeeze %dma_start3A_80 : memref<1x128xi32, #tpu.memory_space<vmem>> -> memref<128xi32, #tpu.memory_space<vmem>>
      %dma_start3A_82 = arith.constant 0 : i32
      %dma_start3A_83 = arith.constant 0 : i32
      %dma_start3A_84 = tpu.memref_slice %arg8[%dma_start3A_82, %dma_start3A_83] : memref<10240x128xf32, #tpu.memory_space<vmem_shared>> -> memref<10240x128xf32, #tpu.memory_space<vmem_shared>>
      tpu.enqueue_indirect_dma source(%arg7 : memref<128x128xf32, #tpu.memory_space<vmem>>) target(%dma_start3A_84 : memref<10240x128xf32, #tpu.memory_space<vmem_shared>>) offsets(%dma_start3A_81 : memref<128xi32, #tpu.memory_space<vmem>>) semaphore(%arg9 : memref<!tpu.dma_semaphore, #tpu.memory_space<semaphore_mem>>) {add = true}
      %dma_wait3A = arith.constant 0 : i32
      %dma_wait3A_85 = arith.constant 0 : i32
      %dma_wait3A_86 = tpu.memref_slice %arg6[%dma_wait3A, %dma_wait3A_85] : memref<8x128xi32, #tpu.memory_space<vmem>> -> memref<1x128xi32, #tpu.memory_space<vmem>>
      %dma_wait3A_87 = tpu.memref_squeeze %dma_wait3A_86 : memref<1x128xi32, #tpu.memory_space<vmem>> -> memref<128xi32, #tpu.memory_space<vmem>>
      %dma_wait3A_88 = arith.constant 0 : i32
      %dma_wait3A_89 = arith.constant 0 : i32
      %dma_wait3A_90 = tpu.memref_slice %arg8[%dma_wait3A_88, %dma_wait3A_89] : memref<10240x128xf32, #tpu.memory_space<vmem_shared>> -> memref<10240x128xf32, #tpu.memory_space<vmem_shared>>
      tpu.wait_indirect_dma semaphore(%arg9 : memref<!tpu.dma_semaphore, #tpu.memory_space<semaphore_mem>>) src(%arg7 : memref<128x128xf32, #tpu.memory_space<vmem>>) dst(%dma_wait3A_90 : memref<10240x128xf32, #tpu.memory_space<vmem_shared>>)
      %dma_wait3A_91 = arith.constant 1 : i32
      %dma_wait3A_92 = arith.constant 0 : i32
      %dma_wait3A_93 = tpu.memref_slice %arg6[%dma_wait3A_91, %dma_wait3A_92] : memref<8x128xi32, #tpu.memory_space<vmem>> -> memref<1x128xi32, #tpu.memory_space<vmem>>
      %dma_wait3A_94 = tpu.memref_squeeze %dma_wait3A_93 : memref<1x128xi32, #tpu.memory_space<vmem>> -> memref<128xi32, #tpu.memory_space<vmem>>
      %dma_wait3A_95 = arith.constant 0 : i32
      %dma_wait3A_96 = arith.constant 0 : i32
      %dma_wait3A_97 = tpu.memref_slice %arg8[%dma_wait3A_95, %dma_wait3A_96] : memref<10240x128xf32, #tpu.memory_space<vmem_shared>> -> memref<10240x128xf32, #tpu.memory_space<vmem_shared>>
      tpu.wait_indirect_dma semaphore(%arg9 : memref<!tpu.dma_semaphore, #tpu.memory_space<semaphore_mem>>) src(%arg7 : memref<128x128xf32, #tpu.memory_space<vmem>>) dst(%dma_wait3A_97 : memref<10240x128xf32, #tpu.memory_space<vmem_shared>>)
      %dma_wait3A_98 = arith.constant 2 : i32
      %dma_wait3A_99 = arith.constant 0 : i32
      %dma_wait3A_100 = tpu.memref_slice %arg6[%dma_wait3A_98, %dma_wait3A_99] : memref<8x128xi32, #tpu.memory_space<vmem>> -> memref<1x128xi32, #tpu.memory_space<vmem>>
      %dma_wait3A_101 = tpu.memref_squeeze %dma_wait3A_100 : memref<1x128xi32, #tpu.memory_space<vmem>> -> memref<128xi32, #tpu.memory_space<vmem>>
      %dma_wait3A_102 = arith.constant 0 : i32
      %dma_wait3A_103 = arith.constant 0 : i32
      %dma_wait3A_104 = tpu.memref_slice %arg8[%dma_wait3A_102, %dma_wait3A_103] : memref<10240x128xf32, #tpu.memory_space<vmem_shared>> -> memref<10240x128xf32, #tpu.memory_space<vmem_shared>>
      tpu.wait_indirect_dma semaphore(%arg9 : memref<!tpu.dma_semaphore, #tpu.memory_space<semaphore_mem>>) src(%arg7 : memref<128x128xf32, #tpu.memory_space<vmem>>) dst(%dma_wait3A_104 : memref<10240x128xf32, #tpu.memory_space<vmem_shared>>)
      %dma_wait3A_105 = arith.constant 3 : i32
      %dma_wait3A_106 = arith.constant 0 : i32
      %dma_wait3A_107 = tpu.memref_slice %arg6[%dma_wait3A_105, %dma_wait3A_106] : memref<8x128xi32, #tpu.memory_space<vmem>> -> memref<1x128xi32, #tpu.memory_space<vmem>>
      %dma_wait3A_108 = tpu.memref_squeeze %dma_wait3A_107 : memref<1x128xi32, #tpu.memory_space<vmem>> -> memref<128xi32, #tpu.memory_space<vmem>>
      %dma_wait3A_109 = arith.constant 0 : i32
      %dma_wait3A_110 = arith.constant 0 : i32
      %dma_wait3A_111 = tpu.memref_slice %arg8[%dma_wait3A_109, %dma_wait3A_110] : memref<10240x128xf32, #tpu.memory_space<vmem_shared>> -> memref<10240x128xf32, #tpu.memory_space<vmem_shared>>
      tpu.wait_indirect_dma semaphore(%arg9 : memref<!tpu.dma_semaphore, #tpu.memory_space<semaphore_mem>>) src(%arg7 : memref<128x128xf32, #tpu.memory_space<vmem>>) dst(%dma_wait3A_111 : memref<10240x128xf32, #tpu.memory_space<vmem_shared>>)
      %dma_wait3A_112 = arith.constant 4 : i32
      %dma_wait3A_113 = arith.constant 0 : i32
      %dma_wait3A_114 = tpu.memref_slice %arg6[%dma_wait3A_112, %dma_wait3A_113] : memref<8x128xi32, #tpu.memory_space<vmem>> -> memref<1x128xi32, #tpu.memory_space<vmem>>
      %dma_wait3A_115 = tpu.memref_squeeze %dma_wait3A_114 : memref<1x128xi32, #tpu.memory_space<vmem>> -> memref<128xi32, #tpu.memory_space<vmem>>
      %dma_wait3A_116 = arith.constant 0 : i32
      %dma_wait3A_117 = arith.constant 0 : i32
      %dma_wait3A_118 = tpu.memref_slice %arg8[%dma_wait3A_116, %dma_wait3A_117] : memref<10240x128xf32, #tpu.memory_space<vmem_shared>> -> memref<10240x128xf32, #tpu.memory_space<vmem_shared>>
      tpu.wait_indirect_dma semaphore(%arg9 : memref<!tpu.dma_semaphore, #tpu.memory_space<semaphore_mem>>) src(%arg7 : memref<128x128xf32, #tpu.memory_space<vmem>>) dst(%dma_wait3A_118 : memref<10240x128xf32, #tpu.memory_space<vmem_shared>>)
      %dma_wait3A_119 = arith.constant 5 : i32
      %dma_wait3A_120 = arith.constant 0 : i32
      %dma_wait3A_121 = tpu.memref_slice %arg6[%dma_wait3A_119, %dma_wait3A_120] : memref<8x128xi32, #tpu.memory_space<vmem>> -> memref<1x128xi32, #tpu.memory_space<vmem>>
      %dma_wait3A_122 = tpu.memref_squeeze %dma_wait3A_121 : memref<1x128xi32, #tpu.memory_space<vmem>> -> memref<128xi32, #tpu.memory_space<vmem>>
      %dma_wait3A_123 = arith.constant 0 : i32
      %dma_wait3A_124 = arith.constant 0 : i32
      %dma_wait3A_125 = tpu.memref_slice %arg8[%dma_wait3A_123, %dma_wait3A_124] : memref<10240x128xf32, #tpu.memory_space<vmem_shared>> -> memref<10240x128xf32, #tpu.memory_space<vmem_shared>>
      tpu.wait_indirect_dma semaphore(%arg9 : memref<!tpu.dma_semaphore, #tpu.memory_space<semaphore_mem>>) src(%arg7 : memref<128x128xf32, #tpu.memory_space<vmem>>) dst(%dma_wait3A_125 : memref<10240x128xf32, #tpu.memory_space<vmem_shared>>)
      %dma_wait3A_126 = arith.constant 6 : i32
      %dma_wait3A_127 = arith.constant 0 : i32
      %dma_wait3A_128 = tpu.memref_slice %arg6[%dma_wait3A_126, %dma_wait3A_127] : memref<8x128xi32, #tpu.memory_space<vmem>> -> memref<1x128xi32, #tpu.memory_space<vmem>>
      %dma_wait3A_129 = tpu.memref_squeeze %dma_wait3A_128 : memref<1x128xi32, #tpu.memory_space<vmem>> -> memref<128xi32, #tpu.memory_space<vmem>>
      %dma_wait3A_130 = arith.constant 0 : i32
      %dma_wait3A_131 = arith.constant 0 : i32
      %dma_wait3A_132 = tpu.memref_slice %arg8[%dma_wait3A_130, %dma_wait3A_131] : memref<10240x128xf32, #tpu.memory_space<vmem_shared>> -> memref<10240x128xf32, #tpu.memory_space<vmem_shared>>
      tpu.wait_indirect_dma semaphore(%arg9 : memref<!tpu.dma_semaphore, #tpu.memory_space<semaphore_mem>>) src(%arg7 : memref<128x128xf32, #tpu.memory_space<vmem>>) dst(%dma_wait3A_132 : memref<10240x128xf32, #tpu.memory_space<vmem_shared>>)
      %dma_wait3A_133 = arith.constant 7 : i32
      %dma_wait3A_134 = arith.constant 0 : i32
      %dma_wait3A_135 = tpu.memref_slice %arg6[%dma_wait3A_133, %dma_wait3A_134] : memref<8x128xi32, #tpu.memory_space<vmem>> -> memref<1x128xi32, #tpu.memory_space<vmem>>
      %dma_wait3A_136 = tpu.memref_squeeze %dma_wait3A_135 : memref<1x128xi32, #tpu.memory_space<vmem>> -> memref<128xi32, #tpu.memory_space<vmem>>
      %dma_wait3A_137 = arith.constant 0 : i32
      %dma_wait3A_138 = arith.constant 0 : i32
      %dma_wait3A_139 = tpu.memref_slice %arg8[%dma_wait3A_137, %dma_wait3A_138] : memref<10240x128xf32, #tpu.memory_space<vmem_shared>> -> memref<10240x128xf32, #tpu.memory_space<vmem_shared>>
      tpu.wait_indirect_dma semaphore(%arg9 : memref<!tpu.dma_semaphore, #tpu.memory_space<semaphore_mem>>) src(%arg7 : memref<128x128xf32, #tpu.memory_space<vmem>>) dst(%dma_wait3A_139 : memref<10240x128xf32, #tpu.memory_space<vmem_shared>>)
    }
    %scan3A_14 = arith.constant 20 : i32
    %barrier3A_15 = arith.constant 0 : index
    tpu.barrier barrier_id(%barrier3A_15)
    %add3A_16 = arith.constant 0 : i32
    %add3A_17 = arith.addi %mul3A_0, %add3A_16 : i32
    "tpu.region"() ({
      %run_scoped3A = tpu.sem_alloc : memref<!tpu.dma_semaphore, #tpu.memory_space<semaphore_mem>>
      %dma_start3A = arith.constant 0 : i32
      %dma_start3A_26 = tpu.memref_slice %arg8[%add3A_17, %dma_start3A] : memref<10240x128xf32, #tpu.memory_space<vmem_shared>> -> memref<128x128xf32, #tpu.memory_space<vmem_shared>>
      %dma_start3A_27 = arith.constant 0 : i32
      %dma_start3A_28 = tpu.memref_slice %arg8[%add3A_17, %dma_start3A_27] : memref<10240x128xf32, #tpu.memory_space<vmem_shared>> -> memref<128x128xf32, #tpu.memory_space<vmem_shared>>
      tpu.enqueue_dma source(%dma_start3A_28 : memref<128x128xf32, #tpu.memory_space<vmem_shared>>) target(%arg7 : memref<128x128xf32, #tpu.memory_space<vmem>>) target_semaphore(%run_scoped3A : memref<!tpu.dma_semaphore, #tpu.memory_space<semaphore_mem>>)
      %dma_wait3A = arith.constant 0 : i32
      %dma_wait3A_29 = tpu.memref_slice %arg8[%add3A_17, %dma_wait3A] : memref<10240x128xf32, #tpu.memory_space<vmem_shared>> -> memref<128x128xf32, #tpu.memory_space<vmem_shared>>
      %dma_wait3A_30 = arith.constant 0 : i32
      %dma_wait3A_31 = tpu.memref_slice %arg8[%add3A_17, %dma_wait3A_30] : memref<10240x128xf32, #tpu.memory_space<vmem_shared>> -> memref<128x128xf32, #tpu.memory_space<vmem_shared>>
      tpu.wait_dma2 semaphore(%run_scoped3A : memref<!tpu.dma_semaphore, #tpu.memory_space<semaphore_mem>>) src(%dma_wait3A_31 : memref<128x128xf32, #tpu.memory_space<vmem_shared>>) dst(%arg7 : memref<128x128xf32, #tpu.memory_space<vmem>>)
      tpu.yield
    }) : () -> ()
    "tpu.region"() ({
      %run_scoped3A = tpu.sem_alloc : memref<!tpu.dma_semaphore, #tpu.memory_space<semaphore_mem>>
      %dma_start3A = arith.constant 0 : i32
      %dma_start3A_26 = tpu.memref_slice %arg5[%arg0, %add3A_17, %dma_start3A] : memref<2x10240x128xf32, #tpu.memory_space<hbm>> -> memref<1x128x128xf32, #tpu.memory_space<hbm>>
      %dma_start3A_27 = tpu.memref_squeeze %dma_start3A_26 : memref<1x128x128xf32, #tpu.memory_space<hbm>> -> memref<128x128xf32, #tpu.memory_space<hbm>>
      %dma_start3A_28 = arith.constant 0 : i32
      %dma_start3A_29 = tpu.memref_slice %arg5[%arg0, %add3A_17, %dma_start3A_28] : memref<2x10240x128xf32, #tpu.memory_space<hbm>> -> memref<1x128x128xf32, #tpu.memory_space<hbm>>
      %dma_start3A_30 = tpu.memref_squeeze %dma_start3A_29 : memref<1x128x128xf32, #tpu.memory_space<hbm>> -> memref<128x128xf32, #tpu.memory_space<hbm>>
      tpu.enqueue_dma source(%arg7 : memref<128x128xf32, #tpu.memory_space<vmem>>) target(%dma_start3A_30 : memref<128x128xf32, #tpu.memory_space<hbm>>) target_semaphore(%run_scoped3A : memref<!tpu.dma_semaphore, #tpu.memory_space<semaphore_mem>>)
      %dma_wait3A = arith.constant 0 : i32
      %dma_wait3A_31 = tpu.memref_slice %arg5[%arg0, %add3A_17, %dma_wait3A] : memref<2x10240x128xf32, #tpu.memory_space<hbm>> -> memref<1x128x128xf32, #tpu.memory_space<hbm>>
      %dma_wait3A_32 = tpu.memref_squeeze %dma_wait3A_31 : memref<1x128x128xf32, #tpu.memory_space<hbm>> -> memref<128x128xf32, #tpu.memory_space<hbm>>
      %dma_wait3A_33 = arith.constant 0 : i32
      %dma_wait3A_34 = tpu.memref_slice %arg5[%arg0, %add3A_17, %dma_wait3A_33] : memref<2x10240x128xf32, #tpu.memory_space<hbm>> -> memref<1x128x128xf32, #tpu.memory_space<hbm>>
      %dma_wait3A_35 = tpu.memref_squeeze %dma_wait3A_34 : memref<1x128x128xf32, #tpu.memory_space<hbm>> -> memref<128x128xf32, #tpu.memory_space<hbm>>
      tpu.wait_dma2 semaphore(%run_scoped3A : memref<!tpu.dma_semaphore, #tpu.memory_space<semaphore_mem>>) src(%arg7 : memref<128x128xf32, #tpu.memory_space<vmem>>) dst(%dma_wait3A_35 : memref<128x128xf32, #tpu.memory_space<hbm>>)
      tpu.yield
    }) : () -> ()
    %add3A_18 = arith.constant 128 : i32
    %add3A_19 = arith.addi %mul3A_0, %add3A_18 : i32
    "tpu.region"() ({
      %run_scoped3A = tpu.sem_alloc : memref<!tpu.dma_semaphore, #tpu.memory_space<semaphore_mem>>
      %dma_start3A = arith.constant 0 : i32
      %dma_start3A_26 = tpu.memref_slice %arg8[%add3A_19, %dma_start3A] : memref<10240x128xf32, #tpu.memory_space<vmem_shared>> -> memref<128x128xf32, #tpu.memory_space<vmem_shared>>
      %dma_start3A_27 = arith.constant 0 : i32
      %dma_start3A_28 = tpu.memref_slice %arg8[%add3A_19, %dma_start3A_27] : memref<10240x128xf32, #tpu.memory_space<vmem_shared>> -> memref<128x128xf32, #tpu.memory_space<vmem_shared>>
      tpu.enqueue_dma source(%dma_start3A_28 : memref<128x128xf32, #tpu.memory_space<vmem_shared>>) target(%arg7 : memref<128x128xf32, #tpu.memory_space<vmem>>) target_semaphore(%run_scoped3A : memref<!tpu.dma_semaphore, #tpu.memory_space<semaphore_mem>>)
      %dma_wait3A = arith.constant 0 : i32
      %dma_wait3A_29 = tpu.memref_slice %arg8[%add3A_19, %dma_wait3A] : memref<10240x128xf32, #tpu.memory_space<vmem_shared>> -> memref<128x128xf32, #tpu.memory_space<vmem_shared>>
      %dma_wait3A_30 = arith.constant 0 : i32
      %dma_wait3A_31 = tpu.memref_slice %arg8[%add3A_19, %dma_wait3A_30] : memref<10240x128xf32, #tpu.memory_space<vmem_shared>> -> memref<128x128xf32, #tpu.memory_space<vmem_shared>>
      tpu.wait_dma2 semaphore(%run_scoped3A : memref<!tpu.dma_semaphore, #tpu.memory_space<semaphore_mem>>) src(%dma_wait3A_31 : memref<128x128xf32, #tpu.memory_space<vmem_shared>>) dst(%arg7 : memref<128x128xf32, #tpu.memory_space<vmem>>)
      tpu.yield
    }) : () -> ()
    "tpu.region"() ({
      %run_scoped3A = tpu.sem_alloc : memref<!tpu.dma_semaphore, #tpu.memory_space<semaphore_mem>>
      %dma_start3A = arith.constant 0 : i32
      %dma_start3A_26 = tpu.memref_slice %arg5[%arg0, %add3A_19, %dma_start3A] : memref<2x10240x128xf32, #tpu.memory_space<hbm>> -> memref<1x128x128xf32, #tpu.memory_space<hbm>>
      %dma_start3A_27 = tpu.memref_squeeze %dma_start3A_26 : memref<1x128x128xf32, #tpu.memory_space<hbm>> -> memref<128x128xf32, #tpu.memory_space<hbm>>
      %dma_start3A_28 = arith.constant 0 : i32
      %dma_start3A_29 = tpu.memref_slice %arg5[%arg0, %add3A_19, %dma_start3A_28] : memref<2x10240x128xf32, #tpu.memory_space<hbm>> -> memref<1x128x128xf32, #tpu.memory_space<hbm>>
      %dma_start3A_30 = tpu.memref_squeeze %dma_start3A_29 : memref<1x128x128xf32, #tpu.memory_space<hbm>> -> memref<128x128xf32, #tpu.memory_space<hbm>>
      tpu.enqueue_dma source(%arg7 : memref<128x128xf32, #tpu.memory_space<vmem>>) target(%dma_start3A_30 : memref<128x128xf32, #tpu.memory_space<hbm>>) target_semaphore(%run_scoped3A : memref<!tpu.dma_semaphore, #tpu.memory_space<semaphore_mem>>)
      %dma_wait3A = arith.constant 0 : i32
      %dma_wait3A_31 = tpu.memref_slice %arg5[%arg0, %add3A_19, %dma_wait3A] : memref<2x10240x128xf32, #tpu.memory_space<hbm>> -> memref<1x128x128xf32, #tpu.memory_space<hbm>>
      %dma_wait3A_32 = tpu.memref_squeeze %dma_wait3A_31 : memref<1x128x128xf32, #tpu.memory_space<hbm>> -> memref<128x128xf32, #tpu.memory_space<hbm>>
      %dma_wait3A_33 = arith.constant 0 : i32
      %dma_wait3A_34 = tpu.memref_slice %arg5[%arg0, %add3A_19, %dma_wait3A_33] : memref<2x10240x128xf32, #tpu.memory_space<hbm>> -> memref<1x128x128xf32, #tpu.memory_space<hbm>>
      %dma_wait3A_35 = tpu.memref_squeeze %dma_wait3A_34 : memref<1x128x128xf32, #tpu.memory_space<hbm>> -> memref<128x128xf32, #tpu.memory_space<hbm>>
      tpu.wait_dma2 semaphore(%run_scoped3A : memref<!tpu.dma_semaphore, #tpu.memory_space<semaphore_mem>>) src(%arg7 : memref<128x128xf32, #tpu.memory_space<vmem>>) dst(%dma_wait3A_35 : memref<128x128xf32, #tpu.memory_space<hbm>>)
      tpu.yield
    }) : () -> ()
    %add3A_20 = arith.constant 256 : i32
    %add3A_21 = arith.addi %mul3A_0, %add3A_20 : i32
    "tpu.region"() ({
      %run_scoped3A = tpu.sem_alloc : memref<!tpu.dma_semaphore, #tpu.memory_space<semaphore_mem>>
      %dma_start3A = arith.constant 0 : i32
      %dma_start3A_26 = tpu.memref_slice %arg8[%add3A_21, %dma_start3A] : memref<10240x128xf32, #tpu.memory_space<vmem_shared>> -> memref<128x128xf32, #tpu.memory_space<vmem_shared>>
      %dma_start3A_27 = arith.constant 0 : i32
      %dma_start3A_28 = tpu.memref_slice %arg8[%add3A_21, %dma_start3A_27] : memref<10240x128xf32, #tpu.memory_space<vmem_shared>> -> memref<128x128xf32, #tpu.memory_space<vmem_shared>>
      tpu.enqueue_dma source(%dma_start3A_28 : memref<128x128xf32, #tpu.memory_space<vmem_shared>>) target(%arg7 : memref<128x128xf32, #tpu.memory_space<vmem>>) target_semaphore(%run_scoped3A : memref<!tpu.dma_semaphore, #tpu.memory_space<semaphore_mem>>)
      %dma_wait3A = arith.constant 0 : i32
      %dma_wait3A_29 = tpu.memref_slice %arg8[%add3A_21, %dma_wait3A] : memref<10240x128xf32, #tpu.memory_space<vmem_shared>> -> memref<128x128xf32, #tpu.memory_space<vmem_shared>>
      %dma_wait3A_30 = arith.constant 0 : i32
      %dma_wait3A_31 = tpu.memref_slice %arg8[%add3A_21, %dma_wait3A_30] : memref<10240x128xf32, #tpu.memory_space<vmem_shared>> -> memref<128x128xf32, #tpu.memory_space<vmem_shared>>
      tpu.wait_dma2 semaphore(%run_scoped3A : memref<!tpu.dma_semaphore, #tpu.memory_space<semaphore_mem>>) src(%dma_wait3A_31 : memref<128x128xf32, #tpu.memory_space<vmem_shared>>) dst(%arg7 : memref<128x128xf32, #tpu.memory_space<vmem>>)
      tpu.yield
    }) : () -> ()
    "tpu.region"() ({
      %run_scoped3A = tpu.sem_alloc : memref<!tpu.dma_semaphore, #tpu.memory_space<semaphore_mem>>
      %dma_start3A = arith.constant 0 : i32
      %dma_start3A_26 = tpu.memref_slice %arg5[%arg0, %add3A_21, %dma_start3A] : memref<2x10240x128xf32, #tpu.memory_space<hbm>> -> memref<1x128x128xf32, #tpu.memory_space<hbm>>
      %dma_start3A_27 = tpu.memref_squeeze %dma_start3A_26 : memref<1x128x128xf32, #tpu.memory_space<hbm>> -> memref<128x128xf32, #tpu.memory_space<hbm>>
      %dma_start3A_28 = arith.constant 0 : i32
      %dma_start3A_29 = tpu.memref_slice %arg5[%arg0, %add3A_21, %dma_start3A_28] : memref<2x10240x128xf32, #tpu.memory_space<hbm>> -> memref<1x128x128xf32, #tpu.memory_space<hbm>>
      %dma_start3A_30 = tpu.memref_squeeze %dma_start3A_29 : memref<1x128x128xf32, #tpu.memory_space<hbm>> -> memref<128x128xf32, #tpu.memory_space<hbm>>
      tpu.enqueue_dma source(%arg7 : memref<128x128xf32, #tpu.memory_space<vmem>>) target(%dma_start3A_30 : memref<128x128xf32, #tpu.memory_space<hbm>>) target_semaphore(%run_scoped3A : memref<!tpu.dma_semaphore, #tpu.memory_space<semaphore_mem>>)
      %dma_wait3A = arith.constant 0 : i32
      %dma_wait3A_31 = tpu.memref_slice %arg5[%arg0, %add3A_21, %dma_wait3A] : memref<2x10240x128xf32, #tpu.memory_space<hbm>> -> memref<1x128x128xf32, #tpu.memory_space<hbm>>
      %dma_wait3A_32 = tpu.memref_squeeze %dma_wait3A_31 : memref<1x128x128xf32, #tpu.memory_space<hbm>> -> memref<128x128xf32, #tpu.memory_space<hbm>>
      %dma_wait3A_33 = arith.constant 0 : i32
      %dma_wait3A_34 = tpu.memref_slice %arg5[%arg0, %add3A_21, %dma_wait3A_33] : memref<2x10240x128xf32, #tpu.memory_space<hbm>> -> memref<1x128x128xf32, #tpu.memory_space<hbm>>
      %dma_wait3A_35 = tpu.memref_squeeze %dma_wait3A_34 : memref<1x128x128xf32, #tpu.memory_space<hbm>> -> memref<128x128xf32, #tpu.memory_space<hbm>>
      tpu.wait_dma2 semaphore(%run_scoped3A : memref<!tpu.dma_semaphore, #tpu.memory_space<semaphore_mem>>) src(%arg7 : memref<128x128xf32, #tpu.memory_space<vmem>>) dst(%dma_wait3A_35 : memref<128x128xf32, #tpu.memory_space<hbm>>)
      tpu.yield
    }) : () -> ()
    %add3A_22 = arith.constant 384 : i32
    %add3A_23 = arith.addi %mul3A_0, %add3A_22 : i32
    "tpu.region"() ({
      %run_scoped3A = tpu.sem_alloc : memref<!tpu.dma_semaphore, #tpu.memory_space<semaphore_mem>>
      %dma_start3A = arith.constant 0 : i32
      %dma_start3A_26 = tpu.memref_slice %arg8[%add3A_23, %dma_start3A] : memref<10240x128xf32, #tpu.memory_space<vmem_shared>> -> memref<128x128xf32, #tpu.memory_space<vmem_shared>>
      %dma_start3A_27 = arith.constant 0 : i32
      %dma_start3A_28 = tpu.memref_slice %arg8[%add3A_23, %dma_start3A_27] : memref<10240x128xf32, #tpu.memory_space<vmem_shared>> -> memref<128x128xf32, #tpu.memory_space<vmem_shared>>
      tpu.enqueue_dma source(%dma_start3A_28 : memref<128x128xf32, #tpu.memory_space<vmem_shared>>) target(%arg7 : memref<128x128xf32, #tpu.memory_space<vmem>>) target_semaphore(%run_scoped3A : memref<!tpu.dma_semaphore, #tpu.memory_space<semaphore_mem>>)
      %dma_wait3A = arith.constant 0 : i32
      %dma_wait3A_29 = tpu.memref_slice %arg8[%add3A_23, %dma_wait3A] : memref<10240x128xf32, #tpu.memory_space<vmem_shared>> -> memref<128x128xf32, #tpu.memory_space<vmem_shared>>
      %dma_wait3A_30 = arith.constant 0 : i32
      %dma_wait3A_31 = tpu.memref_slice %arg8[%add3A_23, %dma_wait3A_30] : memref<10240x128xf32, #tpu.memory_space<vmem_shared>> -> memref<128x128xf32, #tpu.memory_space<vmem_shared>>
      tpu.wait_dma2 semaphore(%run_scoped3A : memref<!tpu.dma_semaphore, #tpu.memory_space<semaphore_mem>>) src(%dma_wait3A_31 : memref<128x128xf32, #tpu.memory_space<vmem_shared>>) dst(%arg7 : memref<128x128xf32, #tpu.memory_space<vmem>>)
      tpu.yield
    }) : () -> ()
    "tpu.region"() ({
      %run_scoped3A = tpu.sem_alloc : memref<!tpu.dma_semaphore, #tpu.memory_space<semaphore_mem>>
      %dma_start3A = arith.constant 0 : i32
      %dma_start3A_26 = tpu.memref_slice %arg5[%arg0, %add3A_23, %dma_start3A] : memref<2x10240x128xf32, #tpu.memory_space<hbm>> -> memref<1x128x128xf32, #tpu.memory_space<hbm>>
      %dma_start3A_27 = tpu.memref_squeeze %dma_start3A_26 : memref<1x128x128xf32, #tpu.memory_space<hbm>> -> memref<128x128xf32, #tpu.memory_space<hbm>>
      %dma_start3A_28 = arith.constant 0 : i32
      %dma_start3A_29 = tpu.memref_slice %arg5[%arg0, %add3A_23, %dma_start3A_28] : memref<2x10240x128xf32, #tpu.memory_space<hbm>> -> memref<1x128x128xf32, #tpu.memory_space<hbm>>
      %dma_start3A_30 = tpu.memref_squeeze %dma_start3A_29 : memref<1x128x128xf32, #tpu.memory_space<hbm>> -> memref<128x128xf32, #tpu.memory_space<hbm>>
      tpu.enqueue_dma source(%arg7 : memref<128x128xf32, #tpu.memory_space<vmem>>) target(%dma_start3A_30 : memref<128x128xf32, #tpu.memory_space<hbm>>) target_semaphore(%run_scoped3A : memref<!tpu.dma_semaphore, #tpu.memory_space<semaphore_mem>>)
      %dma_wait3A = arith.constant 0 : i32
      %dma_wait3A_31 = tpu.memref_slice %arg5[%arg0, %add3A_23, %dma_wait3A] : memref<2x10240x128xf32, #tpu.memory_space<hbm>> -> memref<1x128x128xf32, #tpu.memory_space<hbm>>
      %dma_wait3A_32 = tpu.memref_squeeze %dma_wait3A_31 : memref<1x128x128xf32, #tpu.memory_space<hbm>> -> memref<128x128xf32, #tpu.memory_space<hbm>>
      %dma_wait3A_33 = arith.constant 0 : i32
      %dma_wait3A_34 = tpu.memref_slice %arg5[%arg0, %add3A_23, %dma_wait3A_33] : memref<2x10240x128xf32, #tpu.memory_space<hbm>> -> memref<1x128x128xf32, #tpu.memory_space<hbm>>
      %dma_wait3A_35 = tpu.memref_squeeze %dma_wait3A_34 : memref<1x128x128xf32, #tpu.memory_space<hbm>> -> memref<128x128xf32, #tpu.memory_space<hbm>>
      tpu.wait_dma2 semaphore(%run_scoped3A : memref<!tpu.dma_semaphore, #tpu.memory_space<semaphore_mem>>) src(%arg7 : memref<128x128xf32, #tpu.memory_space<vmem>>) dst(%dma_wait3A_35 : memref<128x128xf32, #tpu.memory_space<hbm>>)
      tpu.yield
    }) : () -> ()
    %add3A_24 = arith.constant 512 : i32
    %add3A_25 = arith.addi %mul3A_0, %add3A_24 : i32
    "tpu.region"() ({
      %run_scoped3A = tpu.sem_alloc : memref<!tpu.dma_semaphore, #tpu.memory_space<semaphore_mem>>
      %dma_start3A = arith.constant 0 : i32
      %dma_start3A_26 = tpu.memref_slice %arg8[%add3A_25, %dma_start3A] : memref<10240x128xf32, #tpu.memory_space<vmem_shared>> -> memref<128x128xf32, #tpu.memory_space<vmem_shared>>
      %dma_start3A_27 = arith.constant 0 : i32
      %dma_start3A_28 = tpu.memref_slice %arg8[%add3A_25, %dma_start3A_27] : memref<10240x128xf32, #tpu.memory_space<vmem_shared>> -> memref<128x128xf32, #tpu.memory_space<vmem_shared>>
      tpu.enqueue_dma source(%dma_start3A_28 : memref<128x128xf32, #tpu.memory_space<vmem_shared>>) target(%arg7 : memref<128x128xf32, #tpu.memory_space<vmem>>) target_semaphore(%run_scoped3A : memref<!tpu.dma_semaphore, #tpu.memory_space<semaphore_mem>>)
      %dma_wait3A = arith.constant 0 : i32
      %dma_wait3A_29 = tpu.memref_slice %arg8[%add3A_25, %dma_wait3A] : memref<10240x128xf32, #tpu.memory_space<vmem_shared>> -> memref<128x128xf32, #tpu.memory_space<vmem_shared>>
      %dma_wait3A_30 = arith.constant 0 : i32
      %dma_wait3A_31 = tpu.memref_slice %arg8[%add3A_25, %dma_wait3A_30] : memref<10240x128xf32, #tpu.memory_space<vmem_shared>> -> memref<128x128xf32, #tpu.memory_space<vmem_shared>>
      tpu.wait_dma2 semaphore(%run_scoped3A : memref<!tpu.dma_semaphore, #tpu.memory_space<semaphore_mem>>) src(%dma_wait3A_31 : memref<128x128xf32, #tpu.memory_space<vmem_shared>>) dst(%arg7 : memref<128x128xf32, #tpu.memory_space<vmem>>)
      tpu.yield
    }) : () -> ()
    "tpu.region"() ({
      %run_scoped3A = tpu.sem_alloc : memref<!tpu.dma_semaphore, #tpu.memory_space<semaphore_mem>>
      %dma_start3A = arith.constant 0 : i32
      %dma_start3A_26 = tpu.memref_slice %arg5[%arg0, %add3A_25, %dma_start3A] : memref<2x10240x128xf32, #tpu.memory_space<hbm>> -> memref<1x128x128xf32, #tpu.memory_space<hbm>>
      %dma_start3A_27 = tpu.memref_squeeze %dma_start3A_26 : memref<1x128x128xf32, #tpu.memory_space<hbm>> -> memref<128x128xf32, #tpu.memory_space<hbm>>
      %dma_start3A_28 = arith.constant 0 : i32
      %dma_start3A_29 = tpu.memref_slice %arg5[%arg0, %add3A_25, %dma_start3A_28] : memref<2x10240x128xf32, #tpu.memory_space<hbm>> -> memref<1x128x128xf32, #tpu.memory_space<hbm>>
      %dma_start3A_30 = tpu.memref_squeeze %dma_start3A_29 : memref<1x128x128xf32, #tpu.memory_space<hbm>> -> memref<128x128xf32, #tpu.memory_space<hbm>>
      tpu.enqueue_dma source(%arg7 : memref<128x128xf32, #tpu.memory_space<vmem>>) target(%dma_start3A_30 : memref<128x128xf32, #tpu.memory_space<hbm>>) target_semaphore(%run_scoped3A : memref<!tpu.dma_semaphore, #tpu.memory_space<semaphore_mem>>)
      %dma_wait3A = arith.constant 0 : i32
      %dma_wait3A_31 = tpu.memref_slice %arg5[%arg0, %add3A_25, %dma_wait3A] : memref<2x10240x128xf32, #tpu.memory_space<hbm>> -> memref<1x128x128xf32, #tpu.memory_space<hbm>>
      %dma_wait3A_32 = tpu.memref_squeeze %dma_wait3A_31 : memref<1x128x128xf32, #tpu.memory_space<hbm>> -> memref<128x128xf32, #tpu.memory_space<hbm>>
      %dma_wait3A_33 = arith.constant 0 : i32
      %dma_wait3A_34 = tpu.memref_slice %arg5[%arg0, %add3A_25, %dma_wait3A_33] : memref<2x10240x128xf32, #tpu.memory_space<hbm>> -> memref<1x128x128xf32, #tpu.memory_space<hbm>>
      %dma_wait3A_35 = tpu.memref_squeeze %dma_wait3A_34 : memref<1x128x128xf32, #tpu.memory_space<hbm>> -> memref<128x128xf32, #tpu.memory_space<hbm>>
      tpu.wait_dma2 semaphore(%run_scoped3A : memref<!tpu.dma_semaphore, #tpu.memory_space<semaphore_mem>>) src(%arg7 : memref<128x128xf32, #tpu.memory_space<vmem>>) dst(%dma_wait3A_35 : memref<128x128xf32, #tpu.memory_space<hbm>>)
      tpu.yield
    }) : () -> ()
    return
  }
}

#map = affine_map<(d0, d1) -> (0, 0, 0)>
#map1 = affine_map<(d0, d1) -> (0, 0, 0, 0)>
#map2 = affine_map<(d0, d1) -> (0, 0)>
module attributes {stable_mosaic.version = 14 : i64} {
  func.func @_agg(%arg0: i32, %arg1: i32, %arg2: memref<2x10000x128xf32, #tpu.memory_space<hbm>>, %arg3: memref<2x640x8x64xi32, #tpu.memory_space<hbm>>, %arg4: memref<2x640x8x64xi32, #tpu.memory_space<hbm>>, %arg5: memref<128x128xf32, #tpu.memory_space<hbm>>, %arg6: memref<2x10240x128xf32, #tpu.memory_space<hbm>>, %arg7: memref<8x64xi32, #tpu.memory_space<vmem>>, %arg8: memref<8x64xi32, #tpu.memory_space<vmem>>, %arg9: memref<8x64xi32, #tpu.memory_space<vmem>>, %arg10: memref<8x64xi32, #tpu.memory_space<vmem>>, %arg11: memref<64x128xf32, #tpu.memory_space<vmem>>, %arg12: memref<64x128xf32, #tpu.memory_space<vmem>>, %arg13: memref<64x128xf32, #tpu.memory_space<vmem>>, %arg14: memref<64x128xf32, #tpu.memory_space<vmem>>, %arg15: memref<64x128xf32, #tpu.memory_space<vmem>>, %arg16: memref<!tpu.dma_semaphore, #tpu.memory_space<semaphore_mem>>, %arg17: memref<!tpu.dma_semaphore, #tpu.memory_space<semaphore_mem>>, %arg18: memref<!tpu.dma_semaphore, #tpu.memory_space<semaphore_mem>>, %arg19: memref<!tpu.dma_semaphore, #tpu.memory_space<semaphore_mem>>, %arg20: memref<!tpu.dma_semaphore, #tpu.memory_space<semaphore_mem>>, %arg21: memref<!tpu.dma_semaphore, #tpu.memory_space<semaphore_mem>>, %arg22: memref<!tpu.dma_semaphore, #tpu.memory_space<semaphore_mem>>, %arg23: memref<!tpu.dma_semaphore, #tpu.memory_space<semaphore_mem>>, %arg24: memref<10240x128xf32, #tpu.memory_space<vmem_shared>>) attributes {dimension_semantics = [#tpu.dimension_semantics<core_parallel>, #tpu.dimension_semantics<subcore_parallel>], iteration_bounds = array<i64: 2, 16>, scalar_prefetch = 0 : i64, scratch_operands = 18 : i64, tpu.core_type = #tpu.core_type<sc_vector_subcore>, window_params = [{transform_indices = #map}, {transform_indices = #map1}, {transform_indices = #map1}, {transform_indices = #map2}, {transform_indices = #map}]} {
    %mul3A = arith.constant 640 : i32
    %mul3A_0 = arith.muli %arg1, %mul3A : i32
    "tpu.region"() ({
      %run_scoped3A = tpu.sem_alloc : memref<!tpu.dma_semaphore, #tpu.memory_space<semaphore_mem>>
      %dma_start3A_88 = arith.constant 0 : i32
      %dma_start3A_89 = arith.constant 0 : i32
      %dma_start3A_90 = tpu.memref_slice %arg5[%dma_start3A_88, %dma_start3A_89] : memref<128x128xf32, #tpu.memory_space<hbm>> -> memref<64x128xf32, #tpu.memory_space<hbm>>
      %dma_start3A_91 = arith.constant 0 : i32
      %dma_start3A_92 = arith.constant 0 : i32
      %dma_start3A_93 = tpu.memref_slice %arg5[%dma_start3A_91, %dma_start3A_92] : memref<128x128xf32, #tpu.memory_space<hbm>> -> memref<64x128xf32, #tpu.memory_space<hbm>>
      tpu.enqueue_dma source(%dma_start3A_93 : memref<64x128xf32, #tpu.memory_space<hbm>>) target(%arg11 : memref<64x128xf32, #tpu.memory_space<vmem>>) target_semaphore(%run_scoped3A : memref<!tpu.dma_semaphore, #tpu.memory_space<semaphore_mem>>)
      %dma_wait3A_94 = arith.constant 0 : i32
      %dma_wait3A_95 = arith.constant 0 : i32
      %dma_wait3A_96 = tpu.memref_slice %arg5[%dma_wait3A_94, %dma_wait3A_95] : memref<128x128xf32, #tpu.memory_space<hbm>> -> memref<64x128xf32, #tpu.memory_space<hbm>>
      %dma_wait3A_97 = arith.constant 0 : i32
      %dma_wait3A_98 = arith.constant 0 : i32
      %dma_wait3A_99 = tpu.memref_slice %arg5[%dma_wait3A_97, %dma_wait3A_98] : memref<128x128xf32, #tpu.memory_space<hbm>> -> memref<64x128xf32, #tpu.memory_space<hbm>>
      tpu.wait_dma2 semaphore(%run_scoped3A : memref<!tpu.dma_semaphore, #tpu.memory_space<semaphore_mem>>) src(%dma_wait3A_99 : memref<64x128xf32, #tpu.memory_space<hbm>>) dst(%arg11 : memref<64x128xf32, #tpu.memory_space<vmem>>)
      tpu.yield
    }) : () -> ()
    %add3A = arith.constant 0 : i32
    %add3A_1 = arith.addi %mul3A_0, %add3A : i32
    "tpu.region"() ({
      %run_scoped3A = tpu.sem_alloc : memref<!tpu.dma_semaphore, #tpu.memory_space<semaphore_mem>>
      %dma_start3A_88 = arith.constant 0 : i32
      %dma_start3A_89 = tpu.memref_slice %arg24[%add3A_1, %dma_start3A_88] : memref<10240x128xf32, #tpu.memory_space<vmem_shared>> -> memref<64x128xf32, #tpu.memory_space<vmem_shared>>
      %dma_start3A_90 = arith.constant 0 : i32
      %dma_start3A_91 = tpu.memref_slice %arg24[%add3A_1, %dma_start3A_90] : memref<10240x128xf32, #tpu.memory_space<vmem_shared>> -> memref<64x128xf32, #tpu.memory_space<vmem_shared>>
      tpu.enqueue_dma source(%arg11 : memref<64x128xf32, #tpu.memory_space<vmem>>) target(%dma_start3A_91 : memref<64x128xf32, #tpu.memory_space<vmem_shared>>) target_semaphore(%run_scoped3A : memref<!tpu.dma_semaphore, #tpu.memory_space<semaphore_mem>>)
      %dma_wait3A_92 = arith.constant 0 : i32
      %dma_wait3A_93 = tpu.memref_slice %arg24[%add3A_1, %dma_wait3A_92] : memref<10240x128xf32, #tpu.memory_space<vmem_shared>> -> memref<64x128xf32, #tpu.memory_space<vmem_shared>>
      %dma_wait3A_94 = arith.constant 0 : i32
      %dma_wait3A_95 = tpu.memref_slice %arg24[%add3A_1, %dma_wait3A_94] : memref<10240x128xf32, #tpu.memory_space<vmem_shared>> -> memref<64x128xf32, #tpu.memory_space<vmem_shared>>
      tpu.wait_dma2 semaphore(%run_scoped3A : memref<!tpu.dma_semaphore, #tpu.memory_space<semaphore_mem>>) src(%arg11 : memref<64x128xf32, #tpu.memory_space<vmem>>) dst(%dma_wait3A_95 : memref<64x128xf32, #tpu.memory_space<vmem_shared>>)
      tpu.yield
    }) : () -> ()
    %add3A_2 = arith.constant 64 : i32
    %add3A_3 = arith.addi %mul3A_0, %add3A_2 : i32
    "tpu.region"() ({
      %run_scoped3A = tpu.sem_alloc : memref<!tpu.dma_semaphore, #tpu.memory_space<semaphore_mem>>
      %dma_start3A_88 = arith.constant 0 : i32
      %dma_start3A_89 = tpu.memref_slice %arg24[%add3A_3, %dma_start3A_88] : memref<10240x128xf32, #tpu.memory_space<vmem_shared>> -> memref<64x128xf32, #tpu.memory_space<vmem_shared>>
      %dma_start3A_90 = arith.constant 0 : i32
      %dma_start3A_91 = tpu.memref_slice %arg24[%add3A_3, %dma_start3A_90] : memref<10240x128xf32, #tpu.memory_space<vmem_shared>> -> memref<64x128xf32, #tpu.memory_space<vmem_shared>>
      tpu.enqueue_dma source(%arg11 : memref<64x128xf32, #tpu.memory_space<vmem>>) target(%dma_start3A_91 : memref<64x128xf32, #tpu.memory_space<vmem_shared>>) target_semaphore(%run_scoped3A : memref<!tpu.dma_semaphore, #tpu.memory_space<semaphore_mem>>)
      %dma_wait3A_92 = arith.constant 0 : i32
      %dma_wait3A_93 = tpu.memref_slice %arg24[%add3A_3, %dma_wait3A_92] : memref<10240x128xf32, #tpu.memory_space<vmem_shared>> -> memref<64x128xf32, #tpu.memory_space<vmem_shared>>
      %dma_wait3A_94 = arith.constant 0 : i32
      %dma_wait3A_95 = tpu.memref_slice %arg24[%add3A_3, %dma_wait3A_94] : memref<10240x128xf32, #tpu.memory_space<vmem_shared>> -> memref<64x128xf32, #tpu.memory_space<vmem_shared>>
      tpu.wait_dma2 semaphore(%run_scoped3A : memref<!tpu.dma_semaphore, #tpu.memory_space<semaphore_mem>>) src(%arg11 : memref<64x128xf32, #tpu.memory_space<vmem>>) dst(%dma_wait3A_95 : memref<64x128xf32, #tpu.memory_space<vmem_shared>>)
      tpu.yield
    }) : () -> ()
    %add3A_4 = arith.constant 128 : i32
    %add3A_5 = arith.addi %mul3A_0, %add3A_4 : i32
    "tpu.region"() ({
      %run_scoped3A = tpu.sem_alloc : memref<!tpu.dma_semaphore, #tpu.memory_space<semaphore_mem>>
      %dma_start3A_88 = arith.constant 0 : i32
      %dma_start3A_89 = tpu.memref_slice %arg24[%add3A_5, %dma_start3A_88] : memref<10240x128xf32, #tpu.memory_space<vmem_shared>> -> memref<64x128xf32, #tpu.memory_space<vmem_shared>>
      %dma_start3A_90 = arith.constant 0 : i32
      %dma_start3A_91 = tpu.memref_slice %arg24[%add3A_5, %dma_start3A_90] : memref<10240x128xf32, #tpu.memory_space<vmem_shared>> -> memref<64x128xf32, #tpu.memory_space<vmem_shared>>
      tpu.enqueue_dma source(%arg11 : memref<64x128xf32, #tpu.memory_space<vmem>>) target(%dma_start3A_91 : memref<64x128xf32, #tpu.memory_space<vmem_shared>>) target_semaphore(%run_scoped3A : memref<!tpu.dma_semaphore, #tpu.memory_space<semaphore_mem>>)
      %dma_wait3A_92 = arith.constant 0 : i32
      %dma_wait3A_93 = tpu.memref_slice %arg24[%add3A_5, %dma_wait3A_92] : memref<10240x128xf32, #tpu.memory_space<vmem_shared>> -> memref<64x128xf32, #tpu.memory_space<vmem_shared>>
      %dma_wait3A_94 = arith.constant 0 : i32
      %dma_wait3A_95 = tpu.memref_slice %arg24[%add3A_5, %dma_wait3A_94] : memref<10240x128xf32, #tpu.memory_space<vmem_shared>> -> memref<64x128xf32, #tpu.memory_space<vmem_shared>>
      tpu.wait_dma2 semaphore(%run_scoped3A : memref<!tpu.dma_semaphore, #tpu.memory_space<semaphore_mem>>) src(%arg11 : memref<64x128xf32, #tpu.memory_space<vmem>>) dst(%dma_wait3A_95 : memref<64x128xf32, #tpu.memory_space<vmem_shared>>)
      tpu.yield
    }) : () -> ()
    %add3A_6 = arith.constant 192 : i32
    %add3A_7 = arith.addi %mul3A_0, %add3A_6 : i32
    "tpu.region"() ({
      %run_scoped3A = tpu.sem_alloc : memref<!tpu.dma_semaphore, #tpu.memory_space<semaphore_mem>>
      %dma_start3A_88 = arith.constant 0 : i32
      %dma_start3A_89 = tpu.memref_slice %arg24[%add3A_7, %dma_start3A_88] : memref<10240x128xf32, #tpu.memory_space<vmem_shared>> -> memref<64x128xf32, #tpu.memory_space<vmem_shared>>
      %dma_start3A_90 = arith.constant 0 : i32
      %dma_start3A_91 = tpu.memref_slice %arg24[%add3A_7, %dma_start3A_90] : memref<10240x128xf32, #tpu.memory_space<vmem_shared>> -> memref<64x128xf32, #tpu.memory_space<vmem_shared>>
      tpu.enqueue_dma source(%arg11 : memref<64x128xf32, #tpu.memory_space<vmem>>) target(%dma_start3A_91 : memref<64x128xf32, #tpu.memory_space<vmem_shared>>) target_semaphore(%run_scoped3A : memref<!tpu.dma_semaphore, #tpu.memory_space<semaphore_mem>>)
      %dma_wait3A_92 = arith.constant 0 : i32
      %dma_wait3A_93 = tpu.memref_slice %arg24[%add3A_7, %dma_wait3A_92] : memref<10240x128xf32, #tpu.memory_space<vmem_shared>> -> memref<64x128xf32, #tpu.memory_space<vmem_shared>>
      %dma_wait3A_94 = arith.constant 0 : i32
      %dma_wait3A_95 = tpu.memref_slice %arg24[%add3A_7, %dma_wait3A_94] : memref<10240x128xf32, #tpu.memory_space<vmem_shared>> -> memref<64x128xf32, #tpu.memory_space<vmem_shared>>
      tpu.wait_dma2 semaphore(%run_scoped3A : memref<!tpu.dma_semaphore, #tpu.memory_space<semaphore_mem>>) src(%arg11 : memref<64x128xf32, #tpu.memory_space<vmem>>) dst(%dma_wait3A_95 : memref<64x128xf32, #tpu.memory_space<vmem_shared>>)
      tpu.yield
    }) : () -> ()
    %add3A_8 = arith.constant 256 : i32
    %add3A_9 = arith.addi %mul3A_0, %add3A_8 : i32
    "tpu.region"() ({
      %run_scoped3A = tpu.sem_alloc : memref<!tpu.dma_semaphore, #tpu.memory_space<semaphore_mem>>
      %dma_start3A_88 = arith.constant 0 : i32
      %dma_start3A_89 = tpu.memref_slice %arg24[%add3A_9, %dma_start3A_88] : memref<10240x128xf32, #tpu.memory_space<vmem_shared>> -> memref<64x128xf32, #tpu.memory_space<vmem_shared>>
      %dma_start3A_90 = arith.constant 0 : i32
      %dma_start3A_91 = tpu.memref_slice %arg24[%add3A_9, %dma_start3A_90] : memref<10240x128xf32, #tpu.memory_space<vmem_shared>> -> memref<64x128xf32, #tpu.memory_space<vmem_shared>>
      tpu.enqueue_dma source(%arg11 : memref<64x128xf32, #tpu.memory_space<vmem>>) target(%dma_start3A_91 : memref<64x128xf32, #tpu.memory_space<vmem_shared>>) target_semaphore(%run_scoped3A : memref<!tpu.dma_semaphore, #tpu.memory_space<semaphore_mem>>)
      %dma_wait3A_92 = arith.constant 0 : i32
      %dma_wait3A_93 = tpu.memref_slice %arg24[%add3A_9, %dma_wait3A_92] : memref<10240x128xf32, #tpu.memory_space<vmem_shared>> -> memref<64x128xf32, #tpu.memory_space<vmem_shared>>
      %dma_wait3A_94 = arith.constant 0 : i32
      %dma_wait3A_95 = tpu.memref_slice %arg24[%add3A_9, %dma_wait3A_94] : memref<10240x128xf32, #tpu.memory_space<vmem_shared>> -> memref<64x128xf32, #tpu.memory_space<vmem_shared>>
      tpu.wait_dma2 semaphore(%run_scoped3A : memref<!tpu.dma_semaphore, #tpu.memory_space<semaphore_mem>>) src(%arg11 : memref<64x128xf32, #tpu.memory_space<vmem>>) dst(%dma_wait3A_95 : memref<64x128xf32, #tpu.memory_space<vmem_shared>>)
      tpu.yield
    }) : () -> ()
    %add3A_10 = arith.constant 320 : i32
    %add3A_11 = arith.addi %mul3A_0, %add3A_10 : i32
    "tpu.region"() ({
      %run_scoped3A = tpu.sem_alloc : memref<!tpu.dma_semaphore, #tpu.memory_space<semaphore_mem>>
      %dma_start3A_88 = arith.constant 0 : i32
      %dma_start3A_89 = tpu.memref_slice %arg24[%add3A_11, %dma_start3A_88] : memref<10240x128xf32, #tpu.memory_space<vmem_shared>> -> memref<64x128xf32, #tpu.memory_space<vmem_shared>>
      %dma_start3A_90 = arith.constant 0 : i32
      %dma_start3A_91 = tpu.memref_slice %arg24[%add3A_11, %dma_start3A_90] : memref<10240x128xf32, #tpu.memory_space<vmem_shared>> -> memref<64x128xf32, #tpu.memory_space<vmem_shared>>
      tpu.enqueue_dma source(%arg11 : memref<64x128xf32, #tpu.memory_space<vmem>>) target(%dma_start3A_91 : memref<64x128xf32, #tpu.memory_space<vmem_shared>>) target_semaphore(%run_scoped3A : memref<!tpu.dma_semaphore, #tpu.memory_space<semaphore_mem>>)
      %dma_wait3A_92 = arith.constant 0 : i32
      %dma_wait3A_93 = tpu.memref_slice %arg24[%add3A_11, %dma_wait3A_92] : memref<10240x128xf32, #tpu.memory_space<vmem_shared>> -> memref<64x128xf32, #tpu.memory_space<vmem_shared>>
      %dma_wait3A_94 = arith.constant 0 : i32
      %dma_wait3A_95 = tpu.memref_slice %arg24[%add3A_11, %dma_wait3A_94] : memref<10240x128xf32, #tpu.memory_space<vmem_shared>> -> memref<64x128xf32, #tpu.memory_space<vmem_shared>>
      tpu.wait_dma2 semaphore(%run_scoped3A : memref<!tpu.dma_semaphore, #tpu.memory_space<semaphore_mem>>) src(%arg11 : memref<64x128xf32, #tpu.memory_space<vmem>>) dst(%dma_wait3A_95 : memref<64x128xf32, #tpu.memory_space<vmem_shared>>)
      tpu.yield
    }) : () -> ()
    %add3A_12 = arith.constant 384 : i32
    %add3A_13 = arith.addi %mul3A_0, %add3A_12 : i32
    "tpu.region"() ({
      %run_scoped3A = tpu.sem_alloc : memref<!tpu.dma_semaphore, #tpu.memory_space<semaphore_mem>>
      %dma_start3A_88 = arith.constant 0 : i32
      %dma_start3A_89 = tpu.memref_slice %arg24[%add3A_13, %dma_start3A_88] : memref<10240x128xf32, #tpu.memory_space<vmem_shared>> -> memref<64x128xf32, #tpu.memory_space<vmem_shared>>
      %dma_start3A_90 = arith.constant 0 : i32
      %dma_start3A_91 = tpu.memref_slice %arg24[%add3A_13, %dma_start3A_90] : memref<10240x128xf32, #tpu.memory_space<vmem_shared>> -> memref<64x128xf32, #tpu.memory_space<vmem_shared>>
      tpu.enqueue_dma source(%arg11 : memref<64x128xf32, #tpu.memory_space<vmem>>) target(%dma_start3A_91 : memref<64x128xf32, #tpu.memory_space<vmem_shared>>) target_semaphore(%run_scoped3A : memref<!tpu.dma_semaphore, #tpu.memory_space<semaphore_mem>>)
      %dma_wait3A_92 = arith.constant 0 : i32
      %dma_wait3A_93 = tpu.memref_slice %arg24[%add3A_13, %dma_wait3A_92] : memref<10240x128xf32, #tpu.memory_space<vmem_shared>> -> memref<64x128xf32, #tpu.memory_space<vmem_shared>>
      %dma_wait3A_94 = arith.constant 0 : i32
      %dma_wait3A_95 = tpu.memref_slice %arg24[%add3A_13, %dma_wait3A_94] : memref<10240x128xf32, #tpu.memory_space<vmem_shared>> -> memref<64x128xf32, #tpu.memory_space<vmem_shared>>
      tpu.wait_dma2 semaphore(%run_scoped3A : memref<!tpu.dma_semaphore, #tpu.memory_space<semaphore_mem>>) src(%arg11 : memref<64x128xf32, #tpu.memory_space<vmem>>) dst(%dma_wait3A_95 : memref<64x128xf32, #tpu.memory_space<vmem_shared>>)
      tpu.yield
    }) : () -> ()
    %add3A_14 = arith.constant 448 : i32
    %add3A_15 = arith.addi %mul3A_0, %add3A_14 : i32
    "tpu.region"() ({
      %run_scoped3A = tpu.sem_alloc : memref<!tpu.dma_semaphore, #tpu.memory_space<semaphore_mem>>
      %dma_start3A_88 = arith.constant 0 : i32
      %dma_start3A_89 = tpu.memref_slice %arg24[%add3A_15, %dma_start3A_88] : memref<10240x128xf32, #tpu.memory_space<vmem_shared>> -> memref<64x128xf32, #tpu.memory_space<vmem_shared>>
      %dma_start3A_90 = arith.constant 0 : i32
      %dma_start3A_91 = tpu.memref_slice %arg24[%add3A_15, %dma_start3A_90] : memref<10240x128xf32, #tpu.memory_space<vmem_shared>> -> memref<64x128xf32, #tpu.memory_space<vmem_shared>>
      tpu.enqueue_dma source(%arg11 : memref<64x128xf32, #tpu.memory_space<vmem>>) target(%dma_start3A_91 : memref<64x128xf32, #tpu.memory_space<vmem_shared>>) target_semaphore(%run_scoped3A : memref<!tpu.dma_semaphore, #tpu.memory_space<semaphore_mem>>)
      %dma_wait3A_92 = arith.constant 0 : i32
      %dma_wait3A_93 = tpu.memref_slice %arg24[%add3A_15, %dma_wait3A_92] : memref<10240x128xf32, #tpu.memory_space<vmem_shared>> -> memref<64x128xf32, #tpu.memory_space<vmem_shared>>
      %dma_wait3A_94 = arith.constant 0 : i32
      %dma_wait3A_95 = tpu.memref_slice %arg24[%add3A_15, %dma_wait3A_94] : memref<10240x128xf32, #tpu.memory_space<vmem_shared>> -> memref<64x128xf32, #tpu.memory_space<vmem_shared>>
      tpu.wait_dma2 semaphore(%run_scoped3A : memref<!tpu.dma_semaphore, #tpu.memory_space<semaphore_mem>>) src(%arg11 : memref<64x128xf32, #tpu.memory_space<vmem>>) dst(%dma_wait3A_95 : memref<64x128xf32, #tpu.memory_space<vmem_shared>>)
      tpu.yield
    }) : () -> ()
    %add3A_16 = arith.constant 512 : i32
    %add3A_17 = arith.addi %mul3A_0, %add3A_16 : i32
    "tpu.region"() ({
      %run_scoped3A = tpu.sem_alloc : memref<!tpu.dma_semaphore, #tpu.memory_space<semaphore_mem>>
      %dma_start3A_88 = arith.constant 0 : i32
      %dma_start3A_89 = tpu.memref_slice %arg24[%add3A_17, %dma_start3A_88] : memref<10240x128xf32, #tpu.memory_space<vmem_shared>> -> memref<64x128xf32, #tpu.memory_space<vmem_shared>>
      %dma_start3A_90 = arith.constant 0 : i32
      %dma_start3A_91 = tpu.memref_slice %arg24[%add3A_17, %dma_start3A_90] : memref<10240x128xf32, #tpu.memory_space<vmem_shared>> -> memref<64x128xf32, #tpu.memory_space<vmem_shared>>
      tpu.enqueue_dma source(%arg11 : memref<64x128xf32, #tpu.memory_space<vmem>>) target(%dma_start3A_91 : memref<64x128xf32, #tpu.memory_space<vmem_shared>>) target_semaphore(%run_scoped3A : memref<!tpu.dma_semaphore, #tpu.memory_space<semaphore_mem>>)
      %dma_wait3A_92 = arith.constant 0 : i32
      %dma_wait3A_93 = tpu.memref_slice %arg24[%add3A_17, %dma_wait3A_92] : memref<10240x128xf32, #tpu.memory_space<vmem_shared>> -> memref<64x128xf32, #tpu.memory_space<vmem_shared>>
      %dma_wait3A_94 = arith.constant 0 : i32
      %dma_wait3A_95 = tpu.memref_slice %arg24[%add3A_17, %dma_wait3A_94] : memref<10240x128xf32, #tpu.memory_space<vmem_shared>> -> memref<64x128xf32, #tpu.memory_space<vmem_shared>>
      tpu.wait_dma2 semaphore(%run_scoped3A : memref<!tpu.dma_semaphore, #tpu.memory_space<semaphore_mem>>) src(%arg11 : memref<64x128xf32, #tpu.memory_space<vmem>>) dst(%dma_wait3A_95 : memref<64x128xf32, #tpu.memory_space<vmem_shared>>)
      tpu.yield
    }) : () -> ()
    %add3A_18 = arith.constant 576 : i32
    %add3A_19 = arith.addi %mul3A_0, %add3A_18 : i32
    "tpu.region"() ({
      %run_scoped3A = tpu.sem_alloc : memref<!tpu.dma_semaphore, #tpu.memory_space<semaphore_mem>>
      %dma_start3A_88 = arith.constant 0 : i32
      %dma_start3A_89 = tpu.memref_slice %arg24[%add3A_19, %dma_start3A_88] : memref<10240x128xf32, #tpu.memory_space<vmem_shared>> -> memref<64x128xf32, #tpu.memory_space<vmem_shared>>
      %dma_start3A_90 = arith.constant 0 : i32
      %dma_start3A_91 = tpu.memref_slice %arg24[%add3A_19, %dma_start3A_90] : memref<10240x128xf32, #tpu.memory_space<vmem_shared>> -> memref<64x128xf32, #tpu.memory_space<vmem_shared>>
      tpu.enqueue_dma source(%arg11 : memref<64x128xf32, #tpu.memory_space<vmem>>) target(%dma_start3A_91 : memref<64x128xf32, #tpu.memory_space<vmem_shared>>) target_semaphore(%run_scoped3A : memref<!tpu.dma_semaphore, #tpu.memory_space<semaphore_mem>>)
      %dma_wait3A_92 = arith.constant 0 : i32
      %dma_wait3A_93 = tpu.memref_slice %arg24[%add3A_19, %dma_wait3A_92] : memref<10240x128xf32, #tpu.memory_space<vmem_shared>> -> memref<64x128xf32, #tpu.memory_space<vmem_shared>>
      %dma_wait3A_94 = arith.constant 0 : i32
      %dma_wait3A_95 = tpu.memref_slice %arg24[%add3A_19, %dma_wait3A_94] : memref<10240x128xf32, #tpu.memory_space<vmem_shared>> -> memref<64x128xf32, #tpu.memory_space<vmem_shared>>
      tpu.wait_dma2 semaphore(%run_scoped3A : memref<!tpu.dma_semaphore, #tpu.memory_space<semaphore_mem>>) src(%arg11 : memref<64x128xf32, #tpu.memory_space<vmem>>) dst(%dma_wait3A_95 : memref<64x128xf32, #tpu.memory_space<vmem_shared>>)
      tpu.yield
    }) : () -> ()
    %barrier3A = arith.constant 0 : index
    tpu.barrier barrier_id(%barrier3A)
    %mul3A_20 = arith.constant 40 : i32
    %mul3A_21 = arith.muli %arg1, %mul3A_20 : i32
    "tpu.region"() ({
      %run_scoped3A = tpu.sem_alloc : memref<!tpu.dma_semaphore, #tpu.memory_space<semaphore_mem>>
      %dma_start3A_88 = arith.constant 0 : i32
      %dma_start3A_89 = arith.constant 0 : i32
      %dma_start3A_90 = tpu.memref_slice %arg3[%arg0, %mul3A_21, %dma_start3A_88, %dma_start3A_89] : memref<2x640x8x64xi32, #tpu.memory_space<hbm>> -> memref<1x1x8x64xi32, #tpu.memory_space<hbm>>
      %dma_start3A_91 = tpu.memref_squeeze %dma_start3A_90 : memref<1x1x8x64xi32, #tpu.memory_space<hbm>> -> memref<8x64xi32, #tpu.memory_space<hbm>>
      %dma_start3A_92 = arith.constant 0 : i32
      %dma_start3A_93 = arith.constant 0 : i32
      %dma_start3A_94 = tpu.memref_slice %arg3[%arg0, %mul3A_21, %dma_start3A_92, %dma_start3A_93] : memref<2x640x8x64xi32, #tpu.memory_space<hbm>> -> memref<1x1x8x64xi32, #tpu.memory_space<hbm>>
      %dma_start3A_95 = tpu.memref_squeeze %dma_start3A_94 : memref<1x1x8x64xi32, #tpu.memory_space<hbm>> -> memref<8x64xi32, #tpu.memory_space<hbm>>
      tpu.enqueue_dma source(%dma_start3A_95 : memref<8x64xi32, #tpu.memory_space<hbm>>) target(%arg7 : memref<8x64xi32, #tpu.memory_space<vmem>>) target_semaphore(%run_scoped3A : memref<!tpu.dma_semaphore, #tpu.memory_space<semaphore_mem>>)
      %dma_wait3A_96 = arith.constant 0 : i32
      %dma_wait3A_97 = arith.constant 0 : i32
      %dma_wait3A_98 = tpu.memref_slice %arg3[%arg0, %mul3A_21, %dma_wait3A_96, %dma_wait3A_97] : memref<2x640x8x64xi32, #tpu.memory_space<hbm>> -> memref<1x1x8x64xi32, #tpu.memory_space<hbm>>
      %dma_wait3A_99 = tpu.memref_squeeze %dma_wait3A_98 : memref<1x1x8x64xi32, #tpu.memory_space<hbm>> -> memref<8x64xi32, #tpu.memory_space<hbm>>
      %dma_wait3A_100 = arith.constant 0 : i32
      %dma_wait3A_101 = arith.constant 0 : i32
      %dma_wait3A_102 = tpu.memref_slice %arg3[%arg0, %mul3A_21, %dma_wait3A_100, %dma_wait3A_101] : memref<2x640x8x64xi32, #tpu.memory_space<hbm>> -> memref<1x1x8x64xi32, #tpu.memory_space<hbm>>
      %dma_wait3A_103 = tpu.memref_squeeze %dma_wait3A_102 : memref<1x1x8x64xi32, #tpu.memory_space<hbm>> -> memref<8x64xi32, #tpu.memory_space<hbm>>
      tpu.wait_dma2 semaphore(%run_scoped3A : memref<!tpu.dma_semaphore, #tpu.memory_space<semaphore_mem>>) src(%dma_wait3A_103 : memref<8x64xi32, #tpu.memory_space<hbm>>) dst(%arg7 : memref<8x64xi32, #tpu.memory_space<vmem>>)
      tpu.yield
    }) : () -> ()
    %mul3A_22 = arith.constant 40 : i32
    %mul3A_23 = arith.muli %arg1, %mul3A_22 : i32
    "tpu.region"() ({
      %run_scoped3A = tpu.sem_alloc : memref<!tpu.dma_semaphore, #tpu.memory_space<semaphore_mem>>
      %dma_start3A_88 = arith.constant 0 : i32
      %dma_start3A_89 = arith.constant 0 : i32
      %dma_start3A_90 = tpu.memref_slice %arg4[%arg0, %mul3A_23, %dma_start3A_88, %dma_start3A_89] : memref<2x640x8x64xi32, #tpu.memory_space<hbm>> -> memref<1x1x8x64xi32, #tpu.memory_space<hbm>>
      %dma_start3A_91 = tpu.memref_squeeze %dma_start3A_90 : memref<1x1x8x64xi32, #tpu.memory_space<hbm>> -> memref<8x64xi32, #tpu.memory_space<hbm>>
      %dma_start3A_92 = arith.constant 0 : i32
      %dma_start3A_93 = arith.constant 0 : i32
      %dma_start3A_94 = tpu.memref_slice %arg4[%arg0, %mul3A_23, %dma_start3A_92, %dma_start3A_93] : memref<2x640x8x64xi32, #tpu.memory_space<hbm>> -> memref<1x1x8x64xi32, #tpu.memory_space<hbm>>
      %dma_start3A_95 = tpu.memref_squeeze %dma_start3A_94 : memref<1x1x8x64xi32, #tpu.memory_space<hbm>> -> memref<8x64xi32, #tpu.memory_space<hbm>>
      tpu.enqueue_dma source(%dma_start3A_95 : memref<8x64xi32, #tpu.memory_space<hbm>>) target(%arg8 : memref<8x64xi32, #tpu.memory_space<vmem>>) target_semaphore(%run_scoped3A : memref<!tpu.dma_semaphore, #tpu.memory_space<semaphore_mem>>)
      %dma_wait3A_96 = arith.constant 0 : i32
      %dma_wait3A_97 = arith.constant 0 : i32
      %dma_wait3A_98 = tpu.memref_slice %arg4[%arg0, %mul3A_23, %dma_wait3A_96, %dma_wait3A_97] : memref<2x640x8x64xi32, #tpu.memory_space<hbm>> -> memref<1x1x8x64xi32, #tpu.memory_space<hbm>>
      %dma_wait3A_99 = tpu.memref_squeeze %dma_wait3A_98 : memref<1x1x8x64xi32, #tpu.memory_space<hbm>> -> memref<8x64xi32, #tpu.memory_space<hbm>>
      %dma_wait3A_100 = arith.constant 0 : i32
      %dma_wait3A_101 = arith.constant 0 : i32
      %dma_wait3A_102 = tpu.memref_slice %arg4[%arg0, %mul3A_23, %dma_wait3A_100, %dma_wait3A_101] : memref<2x640x8x64xi32, #tpu.memory_space<hbm>> -> memref<1x1x8x64xi32, #tpu.memory_space<hbm>>
      %dma_wait3A_103 = tpu.memref_squeeze %dma_wait3A_102 : memref<1x1x8x64xi32, #tpu.memory_space<hbm>> -> memref<8x64xi32, #tpu.memory_space<hbm>>
      tpu.wait_dma2 semaphore(%run_scoped3A : memref<!tpu.dma_semaphore, #tpu.memory_space<semaphore_mem>>) src(%dma_wait3A_103 : memref<8x64xi32, #tpu.memory_space<hbm>>) dst(%arg8 : memref<8x64xi32, #tpu.memory_space<vmem>>)
      tpu.yield
    }) : () -> ()
    %dma_start3A = arith.constant 0 : i32
    %dma_start3A_24 = arith.constant 0 : i32
    %dma_start3A_25 = tpu.memref_slice %arg8[%dma_start3A, %dma_start3A_24] : memref<8x64xi32, #tpu.memory_space<vmem>> -> memref<1x64xi32, #tpu.memory_space<vmem>>
    %dma_start3A_26 = tpu.memref_squeeze %dma_start3A_25 : memref<1x64xi32, #tpu.memory_space<vmem>> -> memref<64xi32, #tpu.memory_space<vmem>>
    %dma_start3A_27 = arith.constant 0 : i32
    %dma_start3A_28 = arith.constant 0 : i32
    %dma_start3A_29 = tpu.memref_slice %arg2[%arg0, %dma_start3A_27, %dma_start3A_28] : memref<2x10000x128xf32, #tpu.memory_space<hbm>> -> memref<1x10000x128xf32, #tpu.memory_space<hbm>>
    %dma_start3A_30 = tpu.memref_squeeze %dma_start3A_29 : memref<1x10000x128xf32, #tpu.memory_space<hbm>> -> memref<10000x128xf32, #tpu.memory_space<hbm>>
    %dma_start3A_31 = arith.constant 0 : i32
    %dma_start3A_32 = arith.constant 0 : i32
    %dma_start3A_33 = tpu.memref_slice %dma_start3A_30[%dma_start3A_31, %dma_start3A_32] : memref<10000x128xf32, #tpu.memory_space<hbm>> -> memref<10000x128xf32, #tpu.memory_space<hbm>>
    tpu.enqueue_indirect_dma source(%dma_start3A_33 : memref<10000x128xf32, #tpu.memory_space<hbm>>) target(%arg12 : memref<64x128xf32, #tpu.memory_space<vmem>>) offsets(%dma_start3A_26 : memref<64xi32, #tpu.memory_space<vmem>>) semaphore(%arg16 : memref<!tpu.dma_semaphore, #tpu.memory_space<semaphore_mem>>)
    %dma_start3A_34 = arith.constant 1 : i32
    %dma_start3A_35 = arith.constant 0 : i32
    %dma_start3A_36 = tpu.memref_slice %arg8[%dma_start3A_34, %dma_start3A_35] : memref<8x64xi32, #tpu.memory_space<vmem>> -> memref<1x64xi32, #tpu.memory_space<vmem>>
    %dma_start3A_37 = tpu.memref_squeeze %dma_start3A_36 : memref<1x64xi32, #tpu.memory_space<vmem>> -> memref<64xi32, #tpu.memory_space<vmem>>
    %dma_start3A_38 = arith.constant 0 : i32
    %dma_start3A_39 = arith.constant 0 : i32
    %dma_start3A_40 = tpu.memref_slice %arg2[%arg0, %dma_start3A_38, %dma_start3A_39] : memref<2x10000x128xf32, #tpu.memory_space<hbm>> -> memref<1x10000x128xf32, #tpu.memory_space<hbm>>
    %dma_start3A_41 = tpu.memref_squeeze %dma_start3A_40 : memref<1x10000x128xf32, #tpu.memory_space<hbm>> -> memref<10000x128xf32, #tpu.memory_space<hbm>>
    %dma_start3A_42 = arith.constant 0 : i32
    %dma_start3A_43 = arith.constant 0 : i32
    %dma_start3A_44 = tpu.memref_slice %dma_start3A_41[%dma_start3A_42, %dma_start3A_43] : memref<10000x128xf32, #tpu.memory_space<hbm>> -> memref<10000x128xf32, #tpu.memory_space<hbm>>
    tpu.enqueue_indirect_dma source(%dma_start3A_44 : memref<10000x128xf32, #tpu.memory_space<hbm>>) target(%arg13 : memref<64x128xf32, #tpu.memory_space<vmem>>) offsets(%dma_start3A_37 : memref<64xi32, #tpu.memory_space<vmem>>) semaphore(%arg17 : memref<!tpu.dma_semaphore, #tpu.memory_space<semaphore_mem>>)
    %dma_start3A_45 = arith.constant 2 : i32
    %dma_start3A_46 = arith.constant 0 : i32
    %dma_start3A_47 = tpu.memref_slice %arg8[%dma_start3A_45, %dma_start3A_46] : memref<8x64xi32, #tpu.memory_space<vmem>> -> memref<1x64xi32, #tpu.memory_space<vmem>>
    %dma_start3A_48 = tpu.memref_squeeze %dma_start3A_47 : memref<1x64xi32, #tpu.memory_space<vmem>> -> memref<64xi32, #tpu.memory_space<vmem>>
    %dma_start3A_49 = arith.constant 0 : i32
    %dma_start3A_50 = arith.constant 0 : i32
    %dma_start3A_51 = tpu.memref_slice %arg2[%arg0, %dma_start3A_49, %dma_start3A_50] : memref<2x10000x128xf32, #tpu.memory_space<hbm>> -> memref<1x10000x128xf32, #tpu.memory_space<hbm>>
    %dma_start3A_52 = tpu.memref_squeeze %dma_start3A_51 : memref<1x10000x128xf32, #tpu.memory_space<hbm>> -> memref<10000x128xf32, #tpu.memory_space<hbm>>
    %dma_start3A_53 = arith.constant 0 : i32
    %dma_start3A_54 = arith.constant 0 : i32
    %dma_start3A_55 = tpu.memref_slice %dma_start3A_52[%dma_start3A_53, %dma_start3A_54] : memref<10000x128xf32, #tpu.memory_space<hbm>> -> memref<10000x128xf32, #tpu.memory_space<hbm>>
    tpu.enqueue_indirect_dma source(%dma_start3A_55 : memref<10000x128xf32, #tpu.memory_space<hbm>>) target(%arg14 : memref<64x128xf32, #tpu.memory_space<vmem>>) offsets(%dma_start3A_48 : memref<64xi32, #tpu.memory_space<vmem>>) semaphore(%arg18 : memref<!tpu.dma_semaphore, #tpu.memory_space<semaphore_mem>>)
    %scan3A = arith.constant 0 : i32
    %scan3A_56 = arith.constant 0 : i32
    %scan3A_57 = arith.constant 20 : i32
    %scan3A_58 = arith.addi %scan3A_56, %scan3A_57 : i32
    %scan3A_59 = arith.constant 1 : i32
    scf.for %scan3A_88 = %scan3A_56 to %scan3A_58 step %scan3A_59  : i32 {
      %mul3A_89 = arith.constant 40 : i32
      %mul3A_90 = arith.muli %arg1, %mul3A_89 : i32
      %mul3A_91 = arith.constant 2 : i32
      %mul3A_92 = arith.muli %mul3A_91, %scan3A_88 : i32
      %add3A_93 = arith.addi %mul3A_90, %mul3A_92 : i32
      %lt3A = arith.constant 19 : i32
      %lt3A_94 = arith.cmpi slt, %scan3A_88, %lt3A : i32
      %add3A_95 = arith.constant 1 : i32
      %add3A_96 = arith.addi %add3A_93, %add3A_95 : i32
      "tpu.region"() ({
        %run_scoped3A = tpu.sem_alloc : memref<!tpu.dma_semaphore, #tpu.memory_space<semaphore_mem>>
        %dma_start3A_642 = arith.constant 0 : i32
        %dma_start3A_643 = arith.constant 0 : i32
        %dma_start3A_644 = tpu.memref_slice %arg3[%arg0, %add3A_96, %dma_start3A_642, %dma_start3A_643] : memref<2x640x8x64xi32, #tpu.memory_space<hbm>> -> memref<1x1x8x64xi32, #tpu.memory_space<hbm>>
        %dma_start3A_645 = tpu.memref_squeeze %dma_start3A_644 : memref<1x1x8x64xi32, #tpu.memory_space<hbm>> -> memref<8x64xi32, #tpu.memory_space<hbm>>
        %dma_start3A_646 = arith.constant 0 : i32
        %dma_start3A_647 = arith.constant 0 : i32
        %dma_start3A_648 = tpu.memref_slice %arg3[%arg0, %add3A_96, %dma_start3A_646, %dma_start3A_647] : memref<2x640x8x64xi32, #tpu.memory_space<hbm>> -> memref<1x1x8x64xi32, #tpu.memory_space<hbm>>
        %dma_start3A_649 = tpu.memref_squeeze %dma_start3A_648 : memref<1x1x8x64xi32, #tpu.memory_space<hbm>> -> memref<8x64xi32, #tpu.memory_space<hbm>>
        tpu.enqueue_dma source(%dma_start3A_649 : memref<8x64xi32, #tpu.memory_space<hbm>>) target(%arg9 : memref<8x64xi32, #tpu.memory_space<vmem>>) target_semaphore(%run_scoped3A : memref<!tpu.dma_semaphore, #tpu.memory_space<semaphore_mem>>)
        %dma_wait3A_650 = arith.constant 0 : i32
        %dma_wait3A_651 = arith.constant 0 : i32
        %dma_wait3A_652 = tpu.memref_slice %arg3[%arg0, %add3A_96, %dma_wait3A_650, %dma_wait3A_651] : memref<2x640x8x64xi32, #tpu.memory_space<hbm>> -> memref<1x1x8x64xi32, #tpu.memory_space<hbm>>
        %dma_wait3A_653 = tpu.memref_squeeze %dma_wait3A_652 : memref<1x1x8x64xi32, #tpu.memory_space<hbm>> -> memref<8x64xi32, #tpu.memory_space<hbm>>
        %dma_wait3A_654 = arith.constant 0 : i32
        %dma_wait3A_655 = arith.constant 0 : i32
        %dma_wait3A_656 = tpu.memref_slice %arg3[%arg0, %add3A_96, %dma_wait3A_654, %dma_wait3A_655] : memref<2x640x8x64xi32, #tpu.memory_space<hbm>> -> memref<1x1x8x64xi32, #tpu.memory_space<hbm>>
        %dma_wait3A_657 = tpu.memref_squeeze %dma_wait3A_656 : memref<1x1x8x64xi32, #tpu.memory_space<hbm>> -> memref<8x64xi32, #tpu.memory_space<hbm>>
        tpu.wait_dma2 semaphore(%run_scoped3A : memref<!tpu.dma_semaphore, #tpu.memory_space<semaphore_mem>>) src(%dma_wait3A_657 : memref<8x64xi32, #tpu.memory_space<hbm>>) dst(%arg9 : memref<8x64xi32, #tpu.memory_space<vmem>>)
        tpu.yield
      }) : () -> ()
      %add3A_97 = arith.constant 1 : i32
      %add3A_98 = arith.addi %add3A_93, %add3A_97 : i32
      "tpu.region"() ({
        %run_scoped3A = tpu.sem_alloc : memref<!tpu.dma_semaphore, #tpu.memory_space<semaphore_mem>>
        %dma_start3A_642 = arith.constant 0 : i32
        %dma_start3A_643 = arith.constant 0 : i32
        %dma_start3A_644 = tpu.memref_slice %arg4[%arg0, %add3A_98, %dma_start3A_642, %dma_start3A_643] : memref<2x640x8x64xi32, #tpu.memory_space<hbm>> -> memref<1x1x8x64xi32, #tpu.memory_space<hbm>>
        %dma_start3A_645 = tpu.memref_squeeze %dma_start3A_644 : memref<1x1x8x64xi32, #tpu.memory_space<hbm>> -> memref<8x64xi32, #tpu.memory_space<hbm>>
        %dma_start3A_646 = arith.constant 0 : i32
        %dma_start3A_647 = arith.constant 0 : i32
        %dma_start3A_648 = tpu.memref_slice %arg4[%arg0, %add3A_98, %dma_start3A_646, %dma_start3A_647] : memref<2x640x8x64xi32, #tpu.memory_space<hbm>> -> memref<1x1x8x64xi32, #tpu.memory_space<hbm>>
        %dma_start3A_649 = tpu.memref_squeeze %dma_start3A_648 : memref<1x1x8x64xi32, #tpu.memory_space<hbm>> -> memref<8x64xi32, #tpu.memory_space<hbm>>
        tpu.enqueue_dma source(%dma_start3A_649 : memref<8x64xi32, #tpu.memory_space<hbm>>) target(%arg10 : memref<8x64xi32, #tpu.memory_space<vmem>>) target_semaphore(%run_scoped3A : memref<!tpu.dma_semaphore, #tpu.memory_space<semaphore_mem>>)
        %dma_wait3A_650 = arith.constant 0 : i32
        %dma_wait3A_651 = arith.constant 0 : i32
        %dma_wait3A_652 = tpu.memref_slice %arg4[%arg0, %add3A_98, %dma_wait3A_650, %dma_wait3A_651] : memref<2x640x8x64xi32, #tpu.memory_space<hbm>> -> memref<1x1x8x64xi32, #tpu.memory_space<hbm>>
        %dma_wait3A_653 = tpu.memref_squeeze %dma_wait3A_652 : memref<1x1x8x64xi32, #tpu.memory_space<hbm>> -> memref<8x64xi32, #tpu.memory_space<hbm>>
        %dma_wait3A_654 = arith.constant 0 : i32
        %dma_wait3A_655 = arith.constant 0 : i32
        %dma_wait3A_656 = tpu.memref_slice %arg4[%arg0, %add3A_98, %dma_wait3A_654, %dma_wait3A_655] : memref<2x640x8x64xi32, #tpu.memory_space<hbm>> -> memref<1x1x8x64xi32, #tpu.memory_space<hbm>>
        %dma_wait3A_657 = tpu.memref_squeeze %dma_wait3A_656 : memref<1x1x8x64xi32, #tpu.memory_space<hbm>> -> memref<8x64xi32, #tpu.memory_space<hbm>>
        tpu.wait_dma2 semaphore(%run_scoped3A : memref<!tpu.dma_semaphore, #tpu.memory_space<semaphore_mem>>) src(%dma_wait3A_657 : memref<8x64xi32, #tpu.memory_space<hbm>>) dst(%arg10 : memref<8x64xi32, #tpu.memory_space<vmem>>)
        tpu.yield
      }) : () -> ()
      %dma_wait3A_99 = arith.constant 0 : i32
      %dma_wait3A_100 = arith.constant 0 : i32
      %dma_wait3A_101 = tpu.memref_slice %arg8[%dma_wait3A_99, %dma_wait3A_100] : memref<8x64xi32, #tpu.memory_space<vmem>> -> memref<1x64xi32, #tpu.memory_space<vmem>>
      %dma_wait3A_102 = tpu.memref_squeeze %dma_wait3A_101 : memref<1x64xi32, #tpu.memory_space<vmem>> -> memref<64xi32, #tpu.memory_space<vmem>>
      %dma_wait3A_103 = arith.constant 0 : i32
      %dma_wait3A_104 = arith.constant 0 : i32
      %dma_wait3A_105 = tpu.memref_slice %arg2[%arg0, %dma_wait3A_103, %dma_wait3A_104] : memref<2x10000x128xf32, #tpu.memory_space<hbm>> -> memref<1x10000x128xf32, #tpu.memory_space<hbm>>
      %dma_wait3A_106 = tpu.memref_squeeze %dma_wait3A_105 : memref<1x10000x128xf32, #tpu.memory_space<hbm>> -> memref<10000x128xf32, #tpu.memory_space<hbm>>
      %dma_wait3A_107 = arith.constant 0 : i32
      %dma_wait3A_108 = arith.constant 0 : i32
      %dma_wait3A_109 = tpu.memref_slice %dma_wait3A_106[%dma_wait3A_107, %dma_wait3A_108] : memref<10000x128xf32, #tpu.memory_space<hbm>> -> memref<10000x128xf32, #tpu.memory_space<hbm>>
      tpu.wait_indirect_dma semaphore(%arg16 : memref<!tpu.dma_semaphore, #tpu.memory_space<semaphore_mem>>) src(%dma_wait3A_109 : memref<10000x128xf32, #tpu.memory_space<hbm>>) dst(%arg12 : memref<64x128xf32, #tpu.memory_space<vmem>>)
      %gt3A = arith.constant 0 : i32
      %gt3A_110 = arith.cmpi sgt, %scan3A_88, %gt3A : i32
      %convert_element_type3A = arith.extui %gt3A_110 : i1 to i32
      %cond3A = arith.constant 0 : i32
      %cond3A_111 = arith.cmpi ne, %convert_element_type3A, %cond3A : i32
      scf.if %cond3A_111 {
        %dma_wait3A_642 = arith.constant 0 : i32
        %dma_wait3A_643 = arith.constant 0 : i32
        %dma_wait3A_644 = tpu.memref_slice %arg7[%dma_wait3A_642, %dma_wait3A_643] : memref<8x64xi32, #tpu.memory_space<vmem>> -> memref<1x64xi32, #tpu.memory_space<vmem>>
        %dma_wait3A_645 = tpu.memref_squeeze %dma_wait3A_644 : memref<1x64xi32, #tpu.memory_space<vmem>> -> memref<64xi32, #tpu.memory_space<vmem>>
        %dma_wait3A_646 = arith.constant 0 : i32
        %dma_wait3A_647 = arith.constant 0 : i32
        %dma_wait3A_648 = tpu.memref_slice %arg24[%dma_wait3A_646, %dma_wait3A_647] : memref<10240x128xf32, #tpu.memory_space<vmem_shared>> -> memref<10240x128xf32, #tpu.memory_space<vmem_shared>>
        tpu.wait_indirect_dma semaphore(%arg23 : memref<!tpu.dma_semaphore, #tpu.memory_space<semaphore_mem>>) src(%arg15 : memref<64x128xf32, #tpu.memory_space<vmem>>) dst(%dma_wait3A_648 : memref<10240x128xf32, #tpu.memory_space<vmem_shared>>)
        %dma_start3A_649 = arith.constant 3 : i32
        %dma_start3A_650 = arith.constant 0 : i32
        %dma_start3A_651 = tpu.memref_slice %arg8[%dma_start3A_649, %dma_start3A_650] : memref<8x64xi32, #tpu.memory_space<vmem>> -> memref<1x64xi32, #tpu.memory_space<vmem>>
        %dma_start3A_652 = tpu.memref_squeeze %dma_start3A_651 : memref<1x64xi32, #tpu.memory_space<vmem>> -> memref<64xi32, #tpu.memory_space<vmem>>
        %dma_start3A_653 = arith.constant 0 : i32
        %dma_start3A_654 = arith.constant 0 : i32
        %dma_start3A_655 = tpu.memref_slice %arg2[%arg0, %dma_start3A_653, %dma_start3A_654] : memref<2x10000x128xf32, #tpu.memory_space<hbm>> -> memref<1x10000x128xf32, #tpu.memory_space<hbm>>
        %dma_start3A_656 = tpu.memref_squeeze %dma_start3A_655 : memref<1x10000x128xf32, #tpu.memory_space<hbm>> -> memref<10000x128xf32, #tpu.memory_space<hbm>>
        %dma_start3A_657 = arith.constant 0 : i32
        %dma_start3A_658 = arith.constant 0 : i32
        %dma_start3A_659 = tpu.memref_slice %dma_start3A_656[%dma_start3A_657, %dma_start3A_658] : memref<10000x128xf32, #tpu.memory_space<hbm>> -> memref<10000x128xf32, #tpu.memory_space<hbm>>
        tpu.enqueue_indirect_dma source(%dma_start3A_659 : memref<10000x128xf32, #tpu.memory_space<hbm>>) target(%arg15 : memref<64x128xf32, #tpu.memory_space<vmem>>) offsets(%dma_start3A_652 : memref<64xi32, #tpu.memory_space<vmem>>) semaphore(%arg19 : memref<!tpu.dma_semaphore, #tpu.memory_space<semaphore_mem>>)
      } else {
      }
      %eq3A = arith.constant 0 : i32
      %eq3A_112 = arith.cmpi eq, %scan3A_88, %eq3A : i32
      %convert_element_type3A_113 = arith.extui %eq3A_112 : i1 to i32
      %cond3A_114 = arith.constant 0 : i32
      %cond3A_115 = arith.cmpi ne, %convert_element_type3A_113, %cond3A_114 : i32
      scf.if %cond3A_115 {
        %dma_start3A_642 = arith.constant 3 : i32
        %dma_start3A_643 = arith.constant 0 : i32
        %dma_start3A_644 = tpu.memref_slice %arg8[%dma_start3A_642, %dma_start3A_643] : memref<8x64xi32, #tpu.memory_space<vmem>> -> memref<1x64xi32, #tpu.memory_space<vmem>>
        %dma_start3A_645 = tpu.memref_squeeze %dma_start3A_644 : memref<1x64xi32, #tpu.memory_space<vmem>> -> memref<64xi32, #tpu.memory_space<vmem>>
        %dma_start3A_646 = arith.constant 0 : i32
        %dma_start3A_647 = arith.constant 0 : i32
        %dma_start3A_648 = tpu.memref_slice %arg2[%arg0, %dma_start3A_646, %dma_start3A_647] : memref<2x10000x128xf32, #tpu.memory_space<hbm>> -> memref<1x10000x128xf32, #tpu.memory_space<hbm>>
        %dma_start3A_649 = tpu.memref_squeeze %dma_start3A_648 : memref<1x10000x128xf32, #tpu.memory_space<hbm>> -> memref<10000x128xf32, #tpu.memory_space<hbm>>
        %dma_start3A_650 = arith.constant 0 : i32
        %dma_start3A_651 = arith.constant 0 : i32
        %dma_start3A_652 = tpu.memref_slice %dma_start3A_649[%dma_start3A_650, %dma_start3A_651] : memref<10000x128xf32, #tpu.memory_space<hbm>> -> memref<10000x128xf32, #tpu.memory_space<hbm>>
        tpu.enqueue_indirect_dma source(%dma_start3A_652 : memref<10000x128xf32, #tpu.memory_space<hbm>>) target(%arg15 : memref<64x128xf32, #tpu.memory_space<vmem>>) offsets(%dma_start3A_645 : memref<64xi32, #tpu.memory_space<vmem>>) semaphore(%arg19 : memref<!tpu.dma_semaphore, #tpu.memory_space<semaphore_mem>>)
      } else {
      }
      %dma_start3A_116 = arith.constant 0 : i32
      %dma_start3A_117 = arith.constant 0 : i32
      %dma_start3A_118 = tpu.memref_slice %arg7[%dma_start3A_116, %dma_start3A_117] : memref<8x64xi32, #tpu.memory_space<vmem>> -> memref<1x64xi32, #tpu.memory_space<vmem>>
      %dma_start3A_119 = tpu.memref_squeeze %dma_start3A_118 : memref<1x64xi32, #tpu.memory_space<vmem>> -> memref<64xi32, #tpu.memory_space<vmem>>
      %dma_start3A_120 = arith.constant 0 : i32
      %dma_start3A_121 = arith.constant 0 : i32
      %dma_start3A_122 = tpu.memref_slice %arg24[%dma_start3A_120, %dma_start3A_121] : memref<10240x128xf32, #tpu.memory_space<vmem_shared>> -> memref<10240x128xf32, #tpu.memory_space<vmem_shared>>
      tpu.enqueue_indirect_dma source(%arg12 : memref<64x128xf32, #tpu.memory_space<vmem>>) target(%dma_start3A_122 : memref<10240x128xf32, #tpu.memory_space<vmem_shared>>) offsets(%dma_start3A_119 : memref<64xi32, #tpu.memory_space<vmem>>) semaphore(%arg20 : memref<!tpu.dma_semaphore, #tpu.memory_space<semaphore_mem>>) {add = true}
      %dma_wait3A_123 = arith.constant 1 : i32
      %dma_wait3A_124 = arith.constant 0 : i32
      %dma_wait3A_125 = tpu.memref_slice %arg8[%dma_wait3A_123, %dma_wait3A_124] : memref<8x64xi32, #tpu.memory_space<vmem>> -> memref<1x64xi32, #tpu.memory_space<vmem>>
      %dma_wait3A_126 = tpu.memref_squeeze %dma_wait3A_125 : memref<1x64xi32, #tpu.memory_space<vmem>> -> memref<64xi32, #tpu.memory_space<vmem>>
      %dma_wait3A_127 = arith.constant 0 : i32
      %dma_wait3A_128 = arith.constant 0 : i32
      %dma_wait3A_129 = tpu.memref_slice %arg2[%arg0, %dma_wait3A_127, %dma_wait3A_128] : memref<2x10000x128xf32, #tpu.memory_space<hbm>> -> memref<1x10000x128xf32, #tpu.memory_space<hbm>>
      %dma_wait3A_130 = tpu.memref_squeeze %dma_wait3A_129 : memref<1x10000x128xf32, #tpu.memory_space<hbm>> -> memref<10000x128xf32, #tpu.memory_space<hbm>>
      %dma_wait3A_131 = arith.constant 0 : i32
      %dma_wait3A_132 = arith.constant 0 : i32
      %dma_wait3A_133 = tpu.memref_slice %dma_wait3A_130[%dma_wait3A_131, %dma_wait3A_132] : memref<10000x128xf32, #tpu.memory_space<hbm>> -> memref<10000x128xf32, #tpu.memory_space<hbm>>
      tpu.wait_indirect_dma semaphore(%arg17 : memref<!tpu.dma_semaphore, #tpu.memory_space<semaphore_mem>>) src(%dma_wait3A_133 : memref<10000x128xf32, #tpu.memory_space<hbm>>) dst(%arg13 : memref<64x128xf32, #tpu.memory_space<vmem>>)
      %dma_wait3A_134 = arith.constant 1 : i32
      %dma_wait3A_135 = arith.constant 0 : i32
      %dma_wait3A_136 = tpu.memref_slice %arg7[%dma_wait3A_134, %dma_wait3A_135] : memref<8x64xi32, #tpu.memory_space<vmem>> -> memref<1x64xi32, #tpu.memory_space<vmem>>
      %dma_wait3A_137 = tpu.memref_squeeze %dma_wait3A_136 : memref<1x64xi32, #tpu.memory_space<vmem>> -> memref<64xi32, #tpu.memory_space<vmem>>
      %dma_wait3A_138 = arith.constant 0 : i32
      %dma_wait3A_139 = arith.constant 0 : i32
      %dma_wait3A_140 = tpu.memref_slice %arg24[%dma_wait3A_138, %dma_wait3A_139] : memref<10240x128xf32, #tpu.memory_space<vmem_shared>> -> memref<10240x128xf32, #tpu.memory_space<vmem_shared>>
      tpu.wait_indirect_dma semaphore(%arg20 : memref<!tpu.dma_semaphore, #tpu.memory_space<semaphore_mem>>) src(%arg12 : memref<64x128xf32, #tpu.memory_space<vmem>>) dst(%dma_wait3A_140 : memref<10240x128xf32, #tpu.memory_space<vmem_shared>>)
      %dma_start3A_141 = arith.constant 4 : i32
      %dma_start3A_142 = arith.constant 0 : i32
      %dma_start3A_143 = tpu.memref_slice %arg8[%dma_start3A_141, %dma_start3A_142] : memref<8x64xi32, #tpu.memory_space<vmem>> -> memref<1x64xi32, #tpu.memory_space<vmem>>
      %dma_start3A_144 = tpu.memref_squeeze %dma_start3A_143 : memref<1x64xi32, #tpu.memory_space<vmem>> -> memref<64xi32, #tpu.memory_space<vmem>>
      %dma_start3A_145 = arith.constant 0 : i32
      %dma_start3A_146 = arith.constant 0 : i32
      %dma_start3A_147 = tpu.memref_slice %arg2[%arg0, %dma_start3A_145, %dma_start3A_146] : memref<2x10000x128xf32, #tpu.memory_space<hbm>> -> memref<1x10000x128xf32, #tpu.memory_space<hbm>>
      %dma_start3A_148 = tpu.memref_squeeze %dma_start3A_147 : memref<1x10000x128xf32, #tpu.memory_space<hbm>> -> memref<10000x128xf32, #tpu.memory_space<hbm>>
      %dma_start3A_149 = arith.constant 0 : i32
      %dma_start3A_150 = arith.constant 0 : i32
      %dma_start3A_151 = tpu.memref_slice %dma_start3A_148[%dma_start3A_149, %dma_start3A_150] : memref<10000x128xf32, #tpu.memory_space<hbm>> -> memref<10000x128xf32, #tpu.memory_space<hbm>>
      tpu.enqueue_indirect_dma source(%dma_start3A_151 : memref<10000x128xf32, #tpu.memory_space<hbm>>) target(%arg12 : memref<64x128xf32, #tpu.memory_space<vmem>>) offsets(%dma_start3A_144 : memref<64xi32, #tpu.memory_space<vmem>>) semaphore(%arg16 : memref<!tpu.dma_semaphore, #tpu.memory_space<semaphore_mem>>)
      %dma_start3A_152 = arith.constant 1 : i32
      %dma_start3A_153 = arith.constant 0 : i32
      %dma_start3A_154 = tpu.memref_slice %arg7[%dma_start3A_152, %dma_start3A_153] : memref<8x64xi32, #tpu.memory_space<vmem>> -> memref<1x64xi32, #tpu.memory_space<vmem>>
      %dma_start3A_155 = tpu.memref_squeeze %dma_start3A_154 : memref<1x64xi32, #tpu.memory_space<vmem>> -> memref<64xi32, #tpu.memory_space<vmem>>
      %dma_start3A_156 = arith.constant 0 : i32
      %dma_start3A_157 = arith.constant 0 : i32
      %dma_start3A_158 = tpu.memref_slice %arg24[%dma_start3A_156, %dma_start3A_157] : memref<10240x128xf32, #tpu.memory_space<vmem_shared>> -> memref<10240x128xf32, #tpu.memory_space<vmem_shared>>
      tpu.enqueue_indirect_dma source(%arg13 : memref<64x128xf32, #tpu.memory_space<vmem>>) target(%dma_start3A_158 : memref<10240x128xf32, #tpu.memory_space<vmem_shared>>) offsets(%dma_start3A_155 : memref<64xi32, #tpu.memory_space<vmem>>) semaphore(%arg21 : memref<!tpu.dma_semaphore, #tpu.memory_space<semaphore_mem>>) {add = true}
      %dma_wait3A_159 = arith.constant 2 : i32
      %dma_wait3A_160 = arith.constant 0 : i32
      %dma_wait3A_161 = tpu.memref_slice %arg8[%dma_wait3A_159, %dma_wait3A_160] : memref<8x64xi32, #tpu.memory_space<vmem>> -> memref<1x64xi32, #tpu.memory_space<vmem>>
      %dma_wait3A_162 = tpu.memref_squeeze %dma_wait3A_161 : memref<1x64xi32, #tpu.memory_space<vmem>> -> memref<64xi32, #tpu.memory_space<vmem>>
      %dma_wait3A_163 = arith.constant 0 : i32
      %dma_wait3A_164 = arith.constant 0 : i32
      %dma_wait3A_165 = tpu.memref_slice %arg2[%arg0, %dma_wait3A_163, %dma_wait3A_164] : memref<2x10000x128xf32, #tpu.memory_space<hbm>> -> memref<1x10000x128xf32, #tpu.memory_space<hbm>>
      %dma_wait3A_166 = tpu.memref_squeeze %dma_wait3A_165 : memref<1x10000x128xf32, #tpu.memory_space<hbm>> -> memref<10000x128xf32, #tpu.memory_space<hbm>>
      %dma_wait3A_167 = arith.constant 0 : i32
      %dma_wait3A_168 = arith.constant 0 : i32
      %dma_wait3A_169 = tpu.memref_slice %dma_wait3A_166[%dma_wait3A_167, %dma_wait3A_168] : memref<10000x128xf32, #tpu.memory_space<hbm>> -> memref<10000x128xf32, #tpu.memory_space<hbm>>
      tpu.wait_indirect_dma semaphore(%arg18 : memref<!tpu.dma_semaphore, #tpu.memory_space<semaphore_mem>>) src(%dma_wait3A_169 : memref<10000x128xf32, #tpu.memory_space<hbm>>) dst(%arg14 : memref<64x128xf32, #tpu.memory_space<vmem>>)
      %dma_wait3A_170 = arith.constant 2 : i32
      %dma_wait3A_171 = arith.constant 0 : i32
      %dma_wait3A_172 = tpu.memref_slice %arg7[%dma_wait3A_170, %dma_wait3A_171] : memref<8x64xi32, #tpu.memory_space<vmem>> -> memref<1x64xi32, #tpu.memory_space<vmem>>
      %dma_wait3A_173 = tpu.memref_squeeze %dma_wait3A_172 : memref<1x64xi32, #tpu.memory_space<vmem>> -> memref<64xi32, #tpu.memory_space<vmem>>
      %dma_wait3A_174 = arith.constant 0 : i32
      %dma_wait3A_175 = arith.constant 0 : i32
      %dma_wait3A_176 = tpu.memref_slice %arg24[%dma_wait3A_174, %dma_wait3A_175] : memref<10240x128xf32, #tpu.memory_space<vmem_shared>> -> memref<10240x128xf32, #tpu.memory_space<vmem_shared>>
      tpu.wait_indirect_dma semaphore(%arg21 : memref<!tpu.dma_semaphore, #tpu.memory_space<semaphore_mem>>) src(%arg13 : memref<64x128xf32, #tpu.memory_space<vmem>>) dst(%dma_wait3A_176 : memref<10240x128xf32, #tpu.memory_space<vmem_shared>>)
      %dma_start3A_177 = arith.constant 5 : i32
      %dma_start3A_178 = arith.constant 0 : i32
      %dma_start3A_179 = tpu.memref_slice %arg8[%dma_start3A_177, %dma_start3A_178] : memref<8x64xi32, #tpu.memory_space<vmem>> -> memref<1x64xi32, #tpu.memory_space<vmem>>
      %dma_start3A_180 = tpu.memref_squeeze %dma_start3A_179 : memref<1x64xi32, #tpu.memory_space<vmem>> -> memref<64xi32, #tpu.memory_space<vmem>>
      %dma_start3A_181 = arith.constant 0 : i32
      %dma_start3A_182 = arith.constant 0 : i32
      %dma_start3A_183 = tpu.memref_slice %arg2[%arg0, %dma_start3A_181, %dma_start3A_182] : memref<2x10000x128xf32, #tpu.memory_space<hbm>> -> memref<1x10000x128xf32, #tpu.memory_space<hbm>>
      %dma_start3A_184 = tpu.memref_squeeze %dma_start3A_183 : memref<1x10000x128xf32, #tpu.memory_space<hbm>> -> memref<10000x128xf32, #tpu.memory_space<hbm>>
      %dma_start3A_185 = arith.constant 0 : i32
      %dma_start3A_186 = arith.constant 0 : i32
      %dma_start3A_187 = tpu.memref_slice %dma_start3A_184[%dma_start3A_185, %dma_start3A_186] : memref<10000x128xf32, #tpu.memory_space<hbm>> -> memref<10000x128xf32, #tpu.memory_space<hbm>>
      tpu.enqueue_indirect_dma source(%dma_start3A_187 : memref<10000x128xf32, #tpu.memory_space<hbm>>) target(%arg13 : memref<64x128xf32, #tpu.memory_space<vmem>>) offsets(%dma_start3A_180 : memref<64xi32, #tpu.memory_space<vmem>>) semaphore(%arg17 : memref<!tpu.dma_semaphore, #tpu.memory_space<semaphore_mem>>)
      %dma_start3A_188 = arith.constant 2 : i32
      %dma_start3A_189 = arith.constant 0 : i32
      %dma_start3A_190 = tpu.memref_slice %arg7[%dma_start3A_188, %dma_start3A_189] : memref<8x64xi32, #tpu.memory_space<vmem>> -> memref<1x64xi32, #tpu.memory_space<vmem>>
      %dma_start3A_191 = tpu.memref_squeeze %dma_start3A_190 : memref<1x64xi32, #tpu.memory_space<vmem>> -> memref<64xi32, #tpu.memory_space<vmem>>
      %dma_start3A_192 = arith.constant 0 : i32
      %dma_start3A_193 = arith.constant 0 : i32
      %dma_start3A_194 = tpu.memref_slice %arg24[%dma_start3A_192, %dma_start3A_193] : memref<10240x128xf32, #tpu.memory_space<vmem_shared>> -> memref<10240x128xf32, #tpu.memory_space<vmem_shared>>
      tpu.enqueue_indirect_dma source(%arg14 : memref<64x128xf32, #tpu.memory_space<vmem>>) target(%dma_start3A_194 : memref<10240x128xf32, #tpu.memory_space<vmem_shared>>) offsets(%dma_start3A_191 : memref<64xi32, #tpu.memory_space<vmem>>) semaphore(%arg22 : memref<!tpu.dma_semaphore, #tpu.memory_space<semaphore_mem>>) {add = true}
      %dma_wait3A_195 = arith.constant 3 : i32
      %dma_wait3A_196 = arith.constant 0 : i32
      %dma_wait3A_197 = tpu.memref_slice %arg8[%dma_wait3A_195, %dma_wait3A_196] : memref<8x64xi32, #tpu.memory_space<vmem>> -> memref<1x64xi32, #tpu.memory_space<vmem>>
      %dma_wait3A_198 = tpu.memref_squeeze %dma_wait3A_197 : memref<1x64xi32, #tpu.memory_space<vmem>> -> memref<64xi32, #tpu.memory_space<vmem>>
      %dma_wait3A_199 = arith.constant 0 : i32
      %dma_wait3A_200 = arith.constant 0 : i32
      %dma_wait3A_201 = tpu.memref_slice %arg2[%arg0, %dma_wait3A_199, %dma_wait3A_200] : memref<2x10000x128xf32, #tpu.memory_space<hbm>> -> memref<1x10000x128xf32, #tpu.memory_space<hbm>>
      %dma_wait3A_202 = tpu.memref_squeeze %dma_wait3A_201 : memref<1x10000x128xf32, #tpu.memory_space<hbm>> -> memref<10000x128xf32, #tpu.memory_space<hbm>>
      %dma_wait3A_203 = arith.constant 0 : i32
      %dma_wait3A_204 = arith.constant 0 : i32
      %dma_wait3A_205 = tpu.memref_slice %dma_wait3A_202[%dma_wait3A_203, %dma_wait3A_204] : memref<10000x128xf32, #tpu.memory_space<hbm>> -> memref<10000x128xf32, #tpu.memory_space<hbm>>
      tpu.wait_indirect_dma semaphore(%arg19 : memref<!tpu.dma_semaphore, #tpu.memory_space<semaphore_mem>>) src(%dma_wait3A_205 : memref<10000x128xf32, #tpu.memory_space<hbm>>) dst(%arg15 : memref<64x128xf32, #tpu.memory_space<vmem>>)
      %dma_wait3A_206 = arith.constant 3 : i32
      %dma_wait3A_207 = arith.constant 0 : i32
      %dma_wait3A_208 = tpu.memref_slice %arg7[%dma_wait3A_206, %dma_wait3A_207] : memref<8x64xi32, #tpu.memory_space<vmem>> -> memref<1x64xi32, #tpu.memory_space<vmem>>
      %dma_wait3A_209 = tpu.memref_squeeze %dma_wait3A_208 : memref<1x64xi32, #tpu.memory_space<vmem>> -> memref<64xi32, #tpu.memory_space<vmem>>
      %dma_wait3A_210 = arith.constant 0 : i32
      %dma_wait3A_211 = arith.constant 0 : i32
      %dma_wait3A_212 = tpu.memref_slice %arg24[%dma_wait3A_210, %dma_wait3A_211] : memref<10240x128xf32, #tpu.memory_space<vmem_shared>> -> memref<10240x128xf32, #tpu.memory_space<vmem_shared>>
      tpu.wait_indirect_dma semaphore(%arg22 : memref<!tpu.dma_semaphore, #tpu.memory_space<semaphore_mem>>) src(%arg14 : memref<64x128xf32, #tpu.memory_space<vmem>>) dst(%dma_wait3A_212 : memref<10240x128xf32, #tpu.memory_space<vmem_shared>>)
      %dma_start3A_213 = arith.constant 6 : i32
      %dma_start3A_214 = arith.constant 0 : i32
      %dma_start3A_215 = tpu.memref_slice %arg8[%dma_start3A_213, %dma_start3A_214] : memref<8x64xi32, #tpu.memory_space<vmem>> -> memref<1x64xi32, #tpu.memory_space<vmem>>
      %dma_start3A_216 = tpu.memref_squeeze %dma_start3A_215 : memref<1x64xi32, #tpu.memory_space<vmem>> -> memref<64xi32, #tpu.memory_space<vmem>>
      %dma_start3A_217 = arith.constant 0 : i32
      %dma_start3A_218 = arith.constant 0 : i32
      %dma_start3A_219 = tpu.memref_slice %arg2[%arg0, %dma_start3A_217, %dma_start3A_218] : memref<2x10000x128xf32, #tpu.memory_space<hbm>> -> memref<1x10000x128xf32, #tpu.memory_space<hbm>>
      %dma_start3A_220 = tpu.memref_squeeze %dma_start3A_219 : memref<1x10000x128xf32, #tpu.memory_space<hbm>> -> memref<10000x128xf32, #tpu.memory_space<hbm>>
      %dma_start3A_221 = arith.constant 0 : i32
      %dma_start3A_222 = arith.constant 0 : i32
      %dma_start3A_223 = tpu.memref_slice %dma_start3A_220[%dma_start3A_221, %dma_start3A_222] : memref<10000x128xf32, #tpu.memory_space<hbm>> -> memref<10000x128xf32, #tpu.memory_space<hbm>>
      tpu.enqueue_indirect_dma source(%dma_start3A_223 : memref<10000x128xf32, #tpu.memory_space<hbm>>) target(%arg14 : memref<64x128xf32, #tpu.memory_space<vmem>>) offsets(%dma_start3A_216 : memref<64xi32, #tpu.memory_space<vmem>>) semaphore(%arg18 : memref<!tpu.dma_semaphore, #tpu.memory_space<semaphore_mem>>)
      %dma_start3A_224 = arith.constant 3 : i32
      %dma_start3A_225 = arith.constant 0 : i32
      %dma_start3A_226 = tpu.memref_slice %arg7[%dma_start3A_224, %dma_start3A_225] : memref<8x64xi32, #tpu.memory_space<vmem>> -> memref<1x64xi32, #tpu.memory_space<vmem>>
      %dma_start3A_227 = tpu.memref_squeeze %dma_start3A_226 : memref<1x64xi32, #tpu.memory_space<vmem>> -> memref<64xi32, #tpu.memory_space<vmem>>
      %dma_start3A_228 = arith.constant 0 : i32
      %dma_start3A_229 = arith.constant 0 : i32
      %dma_start3A_230 = tpu.memref_slice %arg24[%dma_start3A_228, %dma_start3A_229] : memref<10240x128xf32, #tpu.memory_space<vmem_shared>> -> memref<10240x128xf32, #tpu.memory_space<vmem_shared>>
      tpu.enqueue_indirect_dma source(%arg15 : memref<64x128xf32, #tpu.memory_space<vmem>>) target(%dma_start3A_230 : memref<10240x128xf32, #tpu.memory_space<vmem_shared>>) offsets(%dma_start3A_227 : memref<64xi32, #tpu.memory_space<vmem>>) semaphore(%arg23 : memref<!tpu.dma_semaphore, #tpu.memory_space<semaphore_mem>>) {add = true}
      %dma_wait3A_231 = arith.constant 4 : i32
      %dma_wait3A_232 = arith.constant 0 : i32
      %dma_wait3A_233 = tpu.memref_slice %arg8[%dma_wait3A_231, %dma_wait3A_232] : memref<8x64xi32, #tpu.memory_space<vmem>> -> memref<1x64xi32, #tpu.memory_space<vmem>>
      %dma_wait3A_234 = tpu.memref_squeeze %dma_wait3A_233 : memref<1x64xi32, #tpu.memory_space<vmem>> -> memref<64xi32, #tpu.memory_space<vmem>>
      %dma_wait3A_235 = arith.constant 0 : i32
      %dma_wait3A_236 = arith.constant 0 : i32
      %dma_wait3A_237 = tpu.memref_slice %arg2[%arg0, %dma_wait3A_235, %dma_wait3A_236] : memref<2x10000x128xf32, #tpu.memory_space<hbm>> -> memref<1x10000x128xf32, #tpu.memory_space<hbm>>
      %dma_wait3A_238 = tpu.memref_squeeze %dma_wait3A_237 : memref<1x10000x128xf32, #tpu.memory_space<hbm>> -> memref<10000x128xf32, #tpu.memory_space<hbm>>
      %dma_wait3A_239 = arith.constant 0 : i32
      %dma_wait3A_240 = arith.constant 0 : i32
      %dma_wait3A_241 = tpu.memref_slice %dma_wait3A_238[%dma_wait3A_239, %dma_wait3A_240] : memref<10000x128xf32, #tpu.memory_space<hbm>> -> memref<10000x128xf32, #tpu.memory_space<hbm>>
      tpu.wait_indirect_dma semaphore(%arg16 : memref<!tpu.dma_semaphore, #tpu.memory_space<semaphore_mem>>) src(%dma_wait3A_241 : memref<10000x128xf32, #tpu.memory_space<hbm>>) dst(%arg12 : memref<64x128xf32, #tpu.memory_space<vmem>>)
      %dma_wait3A_242 = arith.constant 4 : i32
      %dma_wait3A_243 = arith.constant 0 : i32
      %dma_wait3A_244 = tpu.memref_slice %arg7[%dma_wait3A_242, %dma_wait3A_243] : memref<8x64xi32, #tpu.memory_space<vmem>> -> memref<1x64xi32, #tpu.memory_space<vmem>>
      %dma_wait3A_245 = tpu.memref_squeeze %dma_wait3A_244 : memref<1x64xi32, #tpu.memory_space<vmem>> -> memref<64xi32, #tpu.memory_space<vmem>>
      %dma_wait3A_246 = arith.constant 0 : i32
      %dma_wait3A_247 = arith.constant 0 : i32
      %dma_wait3A_248 = tpu.memref_slice %arg24[%dma_wait3A_246, %dma_wait3A_247] : memref<10240x128xf32, #tpu.memory_space<vmem_shared>> -> memref<10240x128xf32, #tpu.memory_space<vmem_shared>>
      tpu.wait_indirect_dma semaphore(%arg23 : memref<!tpu.dma_semaphore, #tpu.memory_space<semaphore_mem>>) src(%arg15 : memref<64x128xf32, #tpu.memory_space<vmem>>) dst(%dma_wait3A_248 : memref<10240x128xf32, #tpu.memory_space<vmem_shared>>)
      %dma_start3A_249 = arith.constant 7 : i32
      %dma_start3A_250 = arith.constant 0 : i32
      %dma_start3A_251 = tpu.memref_slice %arg8[%dma_start3A_249, %dma_start3A_250] : memref<8x64xi32, #tpu.memory_space<vmem>> -> memref<1x64xi32, #tpu.memory_space<vmem>>
      %dma_start3A_252 = tpu.memref_squeeze %dma_start3A_251 : memref<1x64xi32, #tpu.memory_space<vmem>> -> memref<64xi32, #tpu.memory_space<vmem>>
      %dma_start3A_253 = arith.constant 0 : i32
      %dma_start3A_254 = arith.constant 0 : i32
      %dma_start3A_255 = tpu.memref_slice %arg2[%arg0, %dma_start3A_253, %dma_start3A_254] : memref<2x10000x128xf32, #tpu.memory_space<hbm>> -> memref<1x10000x128xf32, #tpu.memory_space<hbm>>
      %dma_start3A_256 = tpu.memref_squeeze %dma_start3A_255 : memref<1x10000x128xf32, #tpu.memory_space<hbm>> -> memref<10000x128xf32, #tpu.memory_space<hbm>>
      %dma_start3A_257 = arith.constant 0 : i32
      %dma_start3A_258 = arith.constant 0 : i32
      %dma_start3A_259 = tpu.memref_slice %dma_start3A_256[%dma_start3A_257, %dma_start3A_258] : memref<10000x128xf32, #tpu.memory_space<hbm>> -> memref<10000x128xf32, #tpu.memory_space<hbm>>
      tpu.enqueue_indirect_dma source(%dma_start3A_259 : memref<10000x128xf32, #tpu.memory_space<hbm>>) target(%arg15 : memref<64x128xf32, #tpu.memory_space<vmem>>) offsets(%dma_start3A_252 : memref<64xi32, #tpu.memory_space<vmem>>) semaphore(%arg19 : memref<!tpu.dma_semaphore, #tpu.memory_space<semaphore_mem>>)
      %dma_start3A_260 = arith.constant 4 : i32
      %dma_start3A_261 = arith.constant 0 : i32
      %dma_start3A_262 = tpu.memref_slice %arg7[%dma_start3A_260, %dma_start3A_261] : memref<8x64xi32, #tpu.memory_space<vmem>> -> memref<1x64xi32, #tpu.memory_space<vmem>>
      %dma_start3A_263 = tpu.memref_squeeze %dma_start3A_262 : memref<1x64xi32, #tpu.memory_space<vmem>> -> memref<64xi32, #tpu.memory_space<vmem>>
      %dma_start3A_264 = arith.constant 0 : i32
      %dma_start3A_265 = arith.constant 0 : i32
      %dma_start3A_266 = tpu.memref_slice %arg24[%dma_start3A_264, %dma_start3A_265] : memref<10240x128xf32, #tpu.memory_space<vmem_shared>> -> memref<10240x128xf32, #tpu.memory_space<vmem_shared>>
      tpu.enqueue_indirect_dma source(%arg12 : memref<64x128xf32, #tpu.memory_space<vmem>>) target(%dma_start3A_266 : memref<10240x128xf32, #tpu.memory_space<vmem_shared>>) offsets(%dma_start3A_263 : memref<64xi32, #tpu.memory_space<vmem>>) semaphore(%arg20 : memref<!tpu.dma_semaphore, #tpu.memory_space<semaphore_mem>>) {add = true}
      %dma_wait3A_267 = arith.constant 5 : i32
      %dma_wait3A_268 = arith.constant 0 : i32
      %dma_wait3A_269 = tpu.memref_slice %arg8[%dma_wait3A_267, %dma_wait3A_268] : memref<8x64xi32, #tpu.memory_space<vmem>> -> memref<1x64xi32, #tpu.memory_space<vmem>>
      %dma_wait3A_270 = tpu.memref_squeeze %dma_wait3A_269 : memref<1x64xi32, #tpu.memory_space<vmem>> -> memref<64xi32, #tpu.memory_space<vmem>>
      %dma_wait3A_271 = arith.constant 0 : i32
      %dma_wait3A_272 = arith.constant 0 : i32
      %dma_wait3A_273 = tpu.memref_slice %arg2[%arg0, %dma_wait3A_271, %dma_wait3A_272] : memref<2x10000x128xf32, #tpu.memory_space<hbm>> -> memref<1x10000x128xf32, #tpu.memory_space<hbm>>
      %dma_wait3A_274 = tpu.memref_squeeze %dma_wait3A_273 : memref<1x10000x128xf32, #tpu.memory_space<hbm>> -> memref<10000x128xf32, #tpu.memory_space<hbm>>
      %dma_wait3A_275 = arith.constant 0 : i32
      %dma_wait3A_276 = arith.constant 0 : i32
      %dma_wait3A_277 = tpu.memref_slice %dma_wait3A_274[%dma_wait3A_275, %dma_wait3A_276] : memref<10000x128xf32, #tpu.memory_space<hbm>> -> memref<10000x128xf32, #tpu.memory_space<hbm>>
      tpu.wait_indirect_dma semaphore(%arg17 : memref<!tpu.dma_semaphore, #tpu.memory_space<semaphore_mem>>) src(%dma_wait3A_277 : memref<10000x128xf32, #tpu.memory_space<hbm>>) dst(%arg13 : memref<64x128xf32, #tpu.memory_space<vmem>>)
      %dma_wait3A_278 = arith.constant 5 : i32
      %dma_wait3A_279 = arith.constant 0 : i32
      %dma_wait3A_280 = tpu.memref_slice %arg7[%dma_wait3A_278, %dma_wait3A_279] : memref<8x64xi32, #tpu.memory_space<vmem>> -> memref<1x64xi32, #tpu.memory_space<vmem>>
      %dma_wait3A_281 = tpu.memref_squeeze %dma_wait3A_280 : memref<1x64xi32, #tpu.memory_space<vmem>> -> memref<64xi32, #tpu.memory_space<vmem>>
      %dma_wait3A_282 = arith.constant 0 : i32
      %dma_wait3A_283 = arith.constant 0 : i32
      %dma_wait3A_284 = tpu.memref_slice %arg24[%dma_wait3A_282, %dma_wait3A_283] : memref<10240x128xf32, #tpu.memory_space<vmem_shared>> -> memref<10240x128xf32, #tpu.memory_space<vmem_shared>>
      tpu.wait_indirect_dma semaphore(%arg20 : memref<!tpu.dma_semaphore, #tpu.memory_space<semaphore_mem>>) src(%arg12 : memref<64x128xf32, #tpu.memory_space<vmem>>) dst(%dma_wait3A_284 : memref<10240x128xf32, #tpu.memory_space<vmem_shared>>)
      %dma_start3A_285 = arith.constant 0 : i32
      %dma_start3A_286 = arith.constant 0 : i32
      %dma_start3A_287 = tpu.memref_slice %arg10[%dma_start3A_285, %dma_start3A_286] : memref<8x64xi32, #tpu.memory_space<vmem>> -> memref<1x64xi32, #tpu.memory_space<vmem>>
      %dma_start3A_288 = tpu.memref_squeeze %dma_start3A_287 : memref<1x64xi32, #tpu.memory_space<vmem>> -> memref<64xi32, #tpu.memory_space<vmem>>
      %dma_start3A_289 = arith.constant 0 : i32
      %dma_start3A_290 = arith.constant 0 : i32
      %dma_start3A_291 = tpu.memref_slice %arg2[%arg0, %dma_start3A_289, %dma_start3A_290] : memref<2x10000x128xf32, #tpu.memory_space<hbm>> -> memref<1x10000x128xf32, #tpu.memory_space<hbm>>
      %dma_start3A_292 = tpu.memref_squeeze %dma_start3A_291 : memref<1x10000x128xf32, #tpu.memory_space<hbm>> -> memref<10000x128xf32, #tpu.memory_space<hbm>>
      %dma_start3A_293 = arith.constant 0 : i32
      %dma_start3A_294 = arith.constant 0 : i32
      %dma_start3A_295 = tpu.memref_slice %dma_start3A_292[%dma_start3A_293, %dma_start3A_294] : memref<10000x128xf32, #tpu.memory_space<hbm>> -> memref<10000x128xf32, #tpu.memory_space<hbm>>
      tpu.enqueue_indirect_dma source(%dma_start3A_295 : memref<10000x128xf32, #tpu.memory_space<hbm>>) target(%arg12 : memref<64x128xf32, #tpu.memory_space<vmem>>) offsets(%dma_start3A_288 : memref<64xi32, #tpu.memory_space<vmem>>) semaphore(%arg16 : memref<!tpu.dma_semaphore, #tpu.memory_space<semaphore_mem>>)
      %dma_start3A_296 = arith.constant 5 : i32
      %dma_start3A_297 = arith.constant 0 : i32
      %dma_start3A_298 = tpu.memref_slice %arg7[%dma_start3A_296, %dma_start3A_297] : memref<8x64xi32, #tpu.memory_space<vmem>> -> memref<1x64xi32, #tpu.memory_space<vmem>>
      %dma_start3A_299 = tpu.memref_squeeze %dma_start3A_298 : memref<1x64xi32, #tpu.memory_space<vmem>> -> memref<64xi32, #tpu.memory_space<vmem>>
      %dma_start3A_300 = arith.constant 0 : i32
      %dma_start3A_301 = arith.constant 0 : i32
      %dma_start3A_302 = tpu.memref_slice %arg24[%dma_start3A_300, %dma_start3A_301] : memref<10240x128xf32, #tpu.memory_space<vmem_shared>> -> memref<10240x128xf32, #tpu.memory_space<vmem_shared>>
      tpu.enqueue_indirect_dma source(%arg13 : memref<64x128xf32, #tpu.memory_space<vmem>>) target(%dma_start3A_302 : memref<10240x128xf32, #tpu.memory_space<vmem_shared>>) offsets(%dma_start3A_299 : memref<64xi32, #tpu.memory_space<vmem>>) semaphore(%arg21 : memref<!tpu.dma_semaphore, #tpu.memory_space<semaphore_mem>>) {add = true}
      %dma_wait3A_303 = arith.constant 6 : i32
      %dma_wait3A_304 = arith.constant 0 : i32
      %dma_wait3A_305 = tpu.memref_slice %arg8[%dma_wait3A_303, %dma_wait3A_304] : memref<8x64xi32, #tpu.memory_space<vmem>> -> memref<1x64xi32, #tpu.memory_space<vmem>>
      %dma_wait3A_306 = tpu.memref_squeeze %dma_wait3A_305 : memref<1x64xi32, #tpu.memory_space<vmem>> -> memref<64xi32, #tpu.memory_space<vmem>>
      %dma_wait3A_307 = arith.constant 0 : i32
      %dma_wait3A_308 = arith.constant 0 : i32
      %dma_wait3A_309 = tpu.memref_slice %arg2[%arg0, %dma_wait3A_307, %dma_wait3A_308] : memref<2x10000x128xf32, #tpu.memory_space<hbm>> -> memref<1x10000x128xf32, #tpu.memory_space<hbm>>
      %dma_wait3A_310 = tpu.memref_squeeze %dma_wait3A_309 : memref<1x10000x128xf32, #tpu.memory_space<hbm>> -> memref<10000x128xf32, #tpu.memory_space<hbm>>
      %dma_wait3A_311 = arith.constant 0 : i32
      %dma_wait3A_312 = arith.constant 0 : i32
      %dma_wait3A_313 = tpu.memref_slice %dma_wait3A_310[%dma_wait3A_311, %dma_wait3A_312] : memref<10000x128xf32, #tpu.memory_space<hbm>> -> memref<10000x128xf32, #tpu.memory_space<hbm>>
      tpu.wait_indirect_dma semaphore(%arg18 : memref<!tpu.dma_semaphore, #tpu.memory_space<semaphore_mem>>) src(%dma_wait3A_313 : memref<10000x128xf32, #tpu.memory_space<hbm>>) dst(%arg14 : memref<64x128xf32, #tpu.memory_space<vmem>>)
      %dma_wait3A_314 = arith.constant 6 : i32
      %dma_wait3A_315 = arith.constant 0 : i32
      %dma_wait3A_316 = tpu.memref_slice %arg7[%dma_wait3A_314, %dma_wait3A_315] : memref<8x64xi32, #tpu.memory_space<vmem>> -> memref<1x64xi32, #tpu.memory_space<vmem>>
      %dma_wait3A_317 = tpu.memref_squeeze %dma_wait3A_316 : memref<1x64xi32, #tpu.memory_space<vmem>> -> memref<64xi32, #tpu.memory_space<vmem>>
      %dma_wait3A_318 = arith.constant 0 : i32
      %dma_wait3A_319 = arith.constant 0 : i32
      %dma_wait3A_320 = tpu.memref_slice %arg24[%dma_wait3A_318, %dma_wait3A_319] : memref<10240x128xf32, #tpu.memory_space<vmem_shared>> -> memref<10240x128xf32, #tpu.memory_space<vmem_shared>>
      tpu.wait_indirect_dma semaphore(%arg21 : memref<!tpu.dma_semaphore, #tpu.memory_space<semaphore_mem>>) src(%arg13 : memref<64x128xf32, #tpu.memory_space<vmem>>) dst(%dma_wait3A_320 : memref<10240x128xf32, #tpu.memory_space<vmem_shared>>)
      %dma_start3A_321 = arith.constant 1 : i32
      %dma_start3A_322 = arith.constant 0 : i32
      %dma_start3A_323 = tpu.memref_slice %arg10[%dma_start3A_321, %dma_start3A_322] : memref<8x64xi32, #tpu.memory_space<vmem>> -> memref<1x64xi32, #tpu.memory_space<vmem>>
      %dma_start3A_324 = tpu.memref_squeeze %dma_start3A_323 : memref<1x64xi32, #tpu.memory_space<vmem>> -> memref<64xi32, #tpu.memory_space<vmem>>
      %dma_start3A_325 = arith.constant 0 : i32
      %dma_start3A_326 = arith.constant 0 : i32
      %dma_start3A_327 = tpu.memref_slice %arg2[%arg0, %dma_start3A_325, %dma_start3A_326] : memref<2x10000x128xf32, #tpu.memory_space<hbm>> -> memref<1x10000x128xf32, #tpu.memory_space<hbm>>
      %dma_start3A_328 = tpu.memref_squeeze %dma_start3A_327 : memref<1x10000x128xf32, #tpu.memory_space<hbm>> -> memref<10000x128xf32, #tpu.memory_space<hbm>>
      %dma_start3A_329 = arith.constant 0 : i32
      %dma_start3A_330 = arith.constant 0 : i32
      %dma_start3A_331 = tpu.memref_slice %dma_start3A_328[%dma_start3A_329, %dma_start3A_330] : memref<10000x128xf32, #tpu.memory_space<hbm>> -> memref<10000x128xf32, #tpu.memory_space<hbm>>
      tpu.enqueue_indirect_dma source(%dma_start3A_331 : memref<10000x128xf32, #tpu.memory_space<hbm>>) target(%arg13 : memref<64x128xf32, #tpu.memory_space<vmem>>) offsets(%dma_start3A_324 : memref<64xi32, #tpu.memory_space<vmem>>) semaphore(%arg17 : memref<!tpu.dma_semaphore, #tpu.memory_space<semaphore_mem>>)
      %dma_start3A_332 = arith.constant 6 : i32
      %dma_start3A_333 = arith.constant 0 : i32
      %dma_start3A_334 = tpu.memref_slice %arg7[%dma_start3A_332, %dma_start3A_333] : memref<8x64xi32, #tpu.memory_space<vmem>> -> memref<1x64xi32, #tpu.memory_space<vmem>>
      %dma_start3A_335 = tpu.memref_squeeze %dma_start3A_334 : memref<1x64xi32, #tpu.memory_space<vmem>> -> memref<64xi32, #tpu.memory_space<vmem>>
      %dma_start3A_336 = arith.constant 0 : i32
      %dma_start3A_337 = arith.constant 0 : i32
      %dma_start3A_338 = tpu.memref_slice %arg24[%dma_start3A_336, %dma_start3A_337] : memref<10240x128xf32, #tpu.memory_space<vmem_shared>> -> memref<10240x128xf32, #tpu.memory_space<vmem_shared>>
      tpu.enqueue_indirect_dma source(%arg14 : memref<64x128xf32, #tpu.memory_space<vmem>>) target(%dma_start3A_338 : memref<10240x128xf32, #tpu.memory_space<vmem_shared>>) offsets(%dma_start3A_335 : memref<64xi32, #tpu.memory_space<vmem>>) semaphore(%arg22 : memref<!tpu.dma_semaphore, #tpu.memory_space<semaphore_mem>>) {add = true}
      %dma_wait3A_339 = arith.constant 7 : i32
      %dma_wait3A_340 = arith.constant 0 : i32
      %dma_wait3A_341 = tpu.memref_slice %arg8[%dma_wait3A_339, %dma_wait3A_340] : memref<8x64xi32, #tpu.memory_space<vmem>> -> memref<1x64xi32, #tpu.memory_space<vmem>>
      %dma_wait3A_342 = tpu.memref_squeeze %dma_wait3A_341 : memref<1x64xi32, #tpu.memory_space<vmem>> -> memref<64xi32, #tpu.memory_space<vmem>>
      %dma_wait3A_343 = arith.constant 0 : i32
      %dma_wait3A_344 = arith.constant 0 : i32
      %dma_wait3A_345 = tpu.memref_slice %arg2[%arg0, %dma_wait3A_343, %dma_wait3A_344] : memref<2x10000x128xf32, #tpu.memory_space<hbm>> -> memref<1x10000x128xf32, #tpu.memory_space<hbm>>
      %dma_wait3A_346 = tpu.memref_squeeze %dma_wait3A_345 : memref<1x10000x128xf32, #tpu.memory_space<hbm>> -> memref<10000x128xf32, #tpu.memory_space<hbm>>
      %dma_wait3A_347 = arith.constant 0 : i32
      %dma_wait3A_348 = arith.constant 0 : i32
      %dma_wait3A_349 = tpu.memref_slice %dma_wait3A_346[%dma_wait3A_347, %dma_wait3A_348] : memref<10000x128xf32, #tpu.memory_space<hbm>> -> memref<10000x128xf32, #tpu.memory_space<hbm>>
      tpu.wait_indirect_dma semaphore(%arg19 : memref<!tpu.dma_semaphore, #tpu.memory_space<semaphore_mem>>) src(%dma_wait3A_349 : memref<10000x128xf32, #tpu.memory_space<hbm>>) dst(%arg15 : memref<64x128xf32, #tpu.memory_space<vmem>>)
      %dma_wait3A_350 = arith.constant 7 : i32
      %dma_wait3A_351 = arith.constant 0 : i32
      %dma_wait3A_352 = tpu.memref_slice %arg7[%dma_wait3A_350, %dma_wait3A_351] : memref<8x64xi32, #tpu.memory_space<vmem>> -> memref<1x64xi32, #tpu.memory_space<vmem>>
      %dma_wait3A_353 = tpu.memref_squeeze %dma_wait3A_352 : memref<1x64xi32, #tpu.memory_space<vmem>> -> memref<64xi32, #tpu.memory_space<vmem>>
      %dma_wait3A_354 = arith.constant 0 : i32
      %dma_wait3A_355 = arith.constant 0 : i32
      %dma_wait3A_356 = tpu.memref_slice %arg24[%dma_wait3A_354, %dma_wait3A_355] : memref<10240x128xf32, #tpu.memory_space<vmem_shared>> -> memref<10240x128xf32, #tpu.memory_space<vmem_shared>>
      tpu.wait_indirect_dma semaphore(%arg22 : memref<!tpu.dma_semaphore, #tpu.memory_space<semaphore_mem>>) src(%arg14 : memref<64x128xf32, #tpu.memory_space<vmem>>) dst(%dma_wait3A_356 : memref<10240x128xf32, #tpu.memory_space<vmem_shared>>)
      %dma_start3A_357 = arith.constant 2 : i32
      %dma_start3A_358 = arith.constant 0 : i32
      %dma_start3A_359 = tpu.memref_slice %arg10[%dma_start3A_357, %dma_start3A_358] : memref<8x64xi32, #tpu.memory_space<vmem>> -> memref<1x64xi32, #tpu.memory_space<vmem>>
      %dma_start3A_360 = tpu.memref_squeeze %dma_start3A_359 : memref<1x64xi32, #tpu.memory_space<vmem>> -> memref<64xi32, #tpu.memory_space<vmem>>
      %dma_start3A_361 = arith.constant 0 : i32
      %dma_start3A_362 = arith.constant 0 : i32
      %dma_start3A_363 = tpu.memref_slice %arg2[%arg0, %dma_start3A_361, %dma_start3A_362] : memref<2x10000x128xf32, #tpu.memory_space<hbm>> -> memref<1x10000x128xf32, #tpu.memory_space<hbm>>
      %dma_start3A_364 = tpu.memref_squeeze %dma_start3A_363 : memref<1x10000x128xf32, #tpu.memory_space<hbm>> -> memref<10000x128xf32, #tpu.memory_space<hbm>>
      %dma_start3A_365 = arith.constant 0 : i32
      %dma_start3A_366 = arith.constant 0 : i32
      %dma_start3A_367 = tpu.memref_slice %dma_start3A_364[%dma_start3A_365, %dma_start3A_366] : memref<10000x128xf32, #tpu.memory_space<hbm>> -> memref<10000x128xf32, #tpu.memory_space<hbm>>
      tpu.enqueue_indirect_dma source(%dma_start3A_367 : memref<10000x128xf32, #tpu.memory_space<hbm>>) target(%arg14 : memref<64x128xf32, #tpu.memory_space<vmem>>) offsets(%dma_start3A_360 : memref<64xi32, #tpu.memory_space<vmem>>) semaphore(%arg18 : memref<!tpu.dma_semaphore, #tpu.memory_space<semaphore_mem>>)
      %dma_start3A_368 = arith.constant 7 : i32
      %dma_start3A_369 = arith.constant 0 : i32
      %dma_start3A_370 = tpu.memref_slice %arg7[%dma_start3A_368, %dma_start3A_369] : memref<8x64xi32, #tpu.memory_space<vmem>> -> memref<1x64xi32, #tpu.memory_space<vmem>>
      %dma_start3A_371 = tpu.memref_squeeze %dma_start3A_370 : memref<1x64xi32, #tpu.memory_space<vmem>> -> memref<64xi32, #tpu.memory_space<vmem>>
      %dma_start3A_372 = arith.constant 0 : i32
      %dma_start3A_373 = arith.constant 0 : i32
      %dma_start3A_374 = tpu.memref_slice %arg24[%dma_start3A_372, %dma_start3A_373] : memref<10240x128xf32, #tpu.memory_space<vmem_shared>> -> memref<10240x128xf32, #tpu.memory_space<vmem_shared>>
      tpu.enqueue_indirect_dma source(%arg15 : memref<64x128xf32, #tpu.memory_space<vmem>>) target(%dma_start3A_374 : memref<10240x128xf32, #tpu.memory_space<vmem_shared>>) offsets(%dma_start3A_371 : memref<64xi32, #tpu.memory_space<vmem>>) semaphore(%arg23 : memref<!tpu.dma_semaphore, #tpu.memory_space<semaphore_mem>>) {add = true}
      %convert_element_type3A_375 = arith.extui %lt3A_94 : i1 to i32
      %cond3A_376 = arith.constant 0 : i32
      %cond3A_377 = arith.cmpi ne, %convert_element_type3A_375, %cond3A_376 : i32
      scf.if %cond3A_377 {
        %add3A_642 = arith.constant 2 : i32
        %add3A_643 = arith.addi %add3A_93, %add3A_642 : i32
        "tpu.region"() ({
          %run_scoped3A = tpu.sem_alloc : memref<!tpu.dma_semaphore, #tpu.memory_space<semaphore_mem>>
          %dma_start3A_646 = arith.constant 0 : i32
          %dma_start3A_647 = arith.constant 0 : i32
          %dma_start3A_648 = tpu.memref_slice %arg3[%arg0, %add3A_643, %dma_start3A_646, %dma_start3A_647] : memref<2x640x8x64xi32, #tpu.memory_space<hbm>> -> memref<1x1x8x64xi32, #tpu.memory_space<hbm>>
          %dma_start3A_649 = tpu.memref_squeeze %dma_start3A_648 : memref<1x1x8x64xi32, #tpu.memory_space<hbm>> -> memref<8x64xi32, #tpu.memory_space<hbm>>
          %dma_start3A_650 = arith.constant 0 : i32
          %dma_start3A_651 = arith.constant 0 : i32
          %dma_start3A_652 = tpu.memref_slice %arg3[%arg0, %add3A_643, %dma_start3A_650, %dma_start3A_651] : memref<2x640x8x64xi32, #tpu.memory_space<hbm>> -> memref<1x1x8x64xi32, #tpu.memory_space<hbm>>
          %dma_start3A_653 = tpu.memref_squeeze %dma_start3A_652 : memref<1x1x8x64xi32, #tpu.memory_space<hbm>> -> memref<8x64xi32, #tpu.memory_space<hbm>>
          tpu.enqueue_dma source(%dma_start3A_653 : memref<8x64xi32, #tpu.memory_space<hbm>>) target(%arg7 : memref<8x64xi32, #tpu.memory_space<vmem>>) target_semaphore(%run_scoped3A : memref<!tpu.dma_semaphore, #tpu.memory_space<semaphore_mem>>)
          %dma_wait3A_654 = arith.constant 0 : i32
          %dma_wait3A_655 = arith.constant 0 : i32
          %dma_wait3A_656 = tpu.memref_slice %arg3[%arg0, %add3A_643, %dma_wait3A_654, %dma_wait3A_655] : memref<2x640x8x64xi32, #tpu.memory_space<hbm>> -> memref<1x1x8x64xi32, #tpu.memory_space<hbm>>
          %dma_wait3A_657 = tpu.memref_squeeze %dma_wait3A_656 : memref<1x1x8x64xi32, #tpu.memory_space<hbm>> -> memref<8x64xi32, #tpu.memory_space<hbm>>
          %dma_wait3A_658 = arith.constant 0 : i32
          %dma_wait3A_659 = arith.constant 0 : i32
          %dma_wait3A_660 = tpu.memref_slice %arg3[%arg0, %add3A_643, %dma_wait3A_658, %dma_wait3A_659] : memref<2x640x8x64xi32, #tpu.memory_space<hbm>> -> memref<1x1x8x64xi32, #tpu.memory_space<hbm>>
          %dma_wait3A_661 = tpu.memref_squeeze %dma_wait3A_660 : memref<1x1x8x64xi32, #tpu.memory_space<hbm>> -> memref<8x64xi32, #tpu.memory_space<hbm>>
          tpu.wait_dma2 semaphore(%run_scoped3A : memref<!tpu.dma_semaphore, #tpu.memory_space<semaphore_mem>>) src(%dma_wait3A_661 : memref<8x64xi32, #tpu.memory_space<hbm>>) dst(%arg7 : memref<8x64xi32, #tpu.memory_space<vmem>>)
          tpu.yield
        }) : () -> ()
        %add3A_644 = arith.constant 2 : i32
        %add3A_645 = arith.addi %add3A_93, %add3A_644 : i32
        "tpu.region"() ({
          %run_scoped3A = tpu.sem_alloc : memref<!tpu.dma_semaphore, #tpu.memory_space<semaphore_mem>>
          %dma_start3A_646 = arith.constant 0 : i32
          %dma_start3A_647 = arith.constant 0 : i32
          %dma_start3A_648 = tpu.memref_slice %arg4[%arg0, %add3A_645, %dma_start3A_646, %dma_start3A_647] : memref<2x640x8x64xi32, #tpu.memory_space<hbm>> -> memref<1x1x8x64xi32, #tpu.memory_space<hbm>>
          %dma_start3A_649 = tpu.memref_squeeze %dma_start3A_648 : memref<1x1x8x64xi32, #tpu.memory_space<hbm>> -> memref<8x64xi32, #tpu.memory_space<hbm>>
          %dma_start3A_650 = arith.constant 0 : i32
          %dma_start3A_651 = arith.constant 0 : i32
          %dma_start3A_652 = tpu.memref_slice %arg4[%arg0, %add3A_645, %dma_start3A_650, %dma_start3A_651] : memref<2x640x8x64xi32, #tpu.memory_space<hbm>> -> memref<1x1x8x64xi32, #tpu.memory_space<hbm>>
          %dma_start3A_653 = tpu.memref_squeeze %dma_start3A_652 : memref<1x1x8x64xi32, #tpu.memory_space<hbm>> -> memref<8x64xi32, #tpu.memory_space<hbm>>
          tpu.enqueue_dma source(%dma_start3A_653 : memref<8x64xi32, #tpu.memory_space<hbm>>) target(%arg8 : memref<8x64xi32, #tpu.memory_space<vmem>>) target_semaphore(%run_scoped3A : memref<!tpu.dma_semaphore, #tpu.memory_space<semaphore_mem>>)
          %dma_wait3A_654 = arith.constant 0 : i32
          %dma_wait3A_655 = arith.constant 0 : i32
          %dma_wait3A_656 = tpu.memref_slice %arg4[%arg0, %add3A_645, %dma_wait3A_654, %dma_wait3A_655] : memref<2x640x8x64xi32, #tpu.memory_space<hbm>> -> memref<1x1x8x64xi32, #tpu.memory_space<hbm>>
          %dma_wait3A_657 = tpu.memref_squeeze %dma_wait3A_656 : memref<1x1x8x64xi32, #tpu.memory_space<hbm>> -> memref<8x64xi32, #tpu.memory_space<hbm>>
          %dma_wait3A_658 = arith.constant 0 : i32
          %dma_wait3A_659 = arith.constant 0 : i32
          %dma_wait3A_660 = tpu.memref_slice %arg4[%arg0, %add3A_645, %dma_wait3A_658, %dma_wait3A_659] : memref<2x640x8x64xi32, #tpu.memory_space<hbm>> -> memref<1x1x8x64xi32, #tpu.memory_space<hbm>>
          %dma_wait3A_661 = tpu.memref_squeeze %dma_wait3A_660 : memref<1x1x8x64xi32, #tpu.memory_space<hbm>> -> memref<8x64xi32, #tpu.memory_space<hbm>>
          tpu.wait_dma2 semaphore(%run_scoped3A : memref<!tpu.dma_semaphore, #tpu.memory_space<semaphore_mem>>) src(%dma_wait3A_661 : memref<8x64xi32, #tpu.memory_space<hbm>>) dst(%arg8 : memref<8x64xi32, #tpu.memory_space<vmem>>)
          tpu.yield
        }) : () -> ()
      } else {
      }
      %dma_wait3A_378 = arith.constant 0 : i32
      %dma_wait3A_379 = arith.constant 0 : i32
      %dma_wait3A_380 = tpu.memref_slice %arg10[%dma_wait3A_378, %dma_wait3A_379] : memref<8x64xi32, #tpu.memory_space<vmem>> -> memref<1x64xi32, #tpu.memory_space<vmem>>
      %dma_wait3A_381 = tpu.memref_squeeze %dma_wait3A_380 : memref<1x64xi32, #tpu.memory_space<vmem>> -> memref<64xi32, #tpu.memory_space<vmem>>
      %dma_wait3A_382 = arith.constant 0 : i32
      %dma_wait3A_383 = arith.constant 0 : i32
      %dma_wait3A_384 = tpu.memref_slice %arg2[%arg0, %dma_wait3A_382, %dma_wait3A_383] : memref<2x10000x128xf32, #tpu.memory_space<hbm>> -> memref<1x10000x128xf32, #tpu.memory_space<hbm>>
      %dma_wait3A_385 = tpu.memref_squeeze %dma_wait3A_384 : memref<1x10000x128xf32, #tpu.memory_space<hbm>> -> memref<10000x128xf32, #tpu.memory_space<hbm>>
      %dma_wait3A_386 = arith.constant 0 : i32
      %dma_wait3A_387 = arith.constant 0 : i32
      %dma_wait3A_388 = tpu.memref_slice %dma_wait3A_385[%dma_wait3A_386, %dma_wait3A_387] : memref<10000x128xf32, #tpu.memory_space<hbm>> -> memref<10000x128xf32, #tpu.memory_space<hbm>>
      tpu.wait_indirect_dma semaphore(%arg16 : memref<!tpu.dma_semaphore, #tpu.memory_space<semaphore_mem>>) src(%dma_wait3A_388 : memref<10000x128xf32, #tpu.memory_space<hbm>>) dst(%arg12 : memref<64x128xf32, #tpu.memory_space<vmem>>)
      %dma_wait3A_389 = arith.constant 0 : i32
      %dma_wait3A_390 = arith.constant 0 : i32
      %dma_wait3A_391 = tpu.memref_slice %arg9[%dma_wait3A_389, %dma_wait3A_390] : memref<8x64xi32, #tpu.memory_space<vmem>> -> memref<1x64xi32, #tpu.memory_space<vmem>>
      %dma_wait3A_392 = tpu.memref_squeeze %dma_wait3A_391 : memref<1x64xi32, #tpu.memory_space<vmem>> -> memref<64xi32, #tpu.memory_space<vmem>>
      %dma_wait3A_393 = arith.constant 0 : i32
      %dma_wait3A_394 = arith.constant 0 : i32
      %dma_wait3A_395 = tpu.memref_slice %arg24[%dma_wait3A_393, %dma_wait3A_394] : memref<10240x128xf32, #tpu.memory_space<vmem_shared>> -> memref<10240x128xf32, #tpu.memory_space<vmem_shared>>
      tpu.wait_indirect_dma semaphore(%arg23 : memref<!tpu.dma_semaphore, #tpu.memory_space<semaphore_mem>>) src(%arg15 : memref<64x128xf32, #tpu.memory_space<vmem>>) dst(%dma_wait3A_395 : memref<10240x128xf32, #tpu.memory_space<vmem_shared>>)
      %dma_start3A_396 = arith.constant 3 : i32
      %dma_start3A_397 = arith.constant 0 : i32
      %dma_start3A_398 = tpu.memref_slice %arg10[%dma_start3A_396, %dma_start3A_397] : memref<8x64xi32, #tpu.memory_space<vmem>> -> memref<1x64xi32, #tpu.memory_space<vmem>>
      %dma_start3A_399 = tpu.memref_squeeze %dma_start3A_398 : memref<1x64xi32, #tpu.memory_space<vmem>> -> memref<64xi32, #tpu.memory_space<vmem>>
      %dma_start3A_400 = arith.constant 0 : i32
      %dma_start3A_401 = arith.constant 0 : i32
      %dma_start3A_402 = tpu.memref_slice %arg2[%arg0, %dma_start3A_400, %dma_start3A_401] : memref<2x10000x128xf32, #tpu.memory_space<hbm>> -> memref<1x10000x128xf32, #tpu.memory_space<hbm>>
      %dma_start3A_403 = tpu.memref_squeeze %dma_start3A_402 : memref<1x10000x128xf32, #tpu.memory_space<hbm>> -> memref<10000x128xf32, #tpu.memory_space<hbm>>
      %dma_start3A_404 = arith.constant 0 : i32
      %dma_start3A_405 = arith.constant 0 : i32
      %dma_start3A_406 = tpu.memref_slice %dma_start3A_403[%dma_start3A_404, %dma_start3A_405] : memref<10000x128xf32, #tpu.memory_space<hbm>> -> memref<10000x128xf32, #tpu.memory_space<hbm>>
      tpu.enqueue_indirect_dma source(%dma_start3A_406 : memref<10000x128xf32, #tpu.memory_space<hbm>>) target(%arg15 : memref<64x128xf32, #tpu.memory_space<vmem>>) offsets(%dma_start3A_399 : memref<64xi32, #tpu.memory_space<vmem>>) semaphore(%arg19 : memref<!tpu.dma_semaphore, #tpu.memory_space<semaphore_mem>>)
      %dma_start3A_407 = arith.constant 0 : i32
      %dma_start3A_408 = arith.constant 0 : i32
      %dma_start3A_409 = tpu.memref_slice %arg9[%dma_start3A_407, %dma_start3A_408] : memref<8x64xi32, #tpu.memory_space<vmem>> -> memref<1x64xi32, #tpu.memory_space<vmem>>
      %dma_start3A_410 = tpu.memref_squeeze %dma_start3A_409 : memref<1x64xi32, #tpu.memory_space<vmem>> -> memref<64xi32, #tpu.memory_space<vmem>>
      %dma_start3A_411 = arith.constant 0 : i32
      %dma_start3A_412 = arith.constant 0 : i32
      %dma_start3A_413 = tpu.memref_slice %arg24[%dma_start3A_411, %dma_start3A_412] : memref<10240x128xf32, #tpu.memory_space<vmem_shared>> -> memref<10240x128xf32, #tpu.memory_space<vmem_shared>>
      tpu.enqueue_indirect_dma source(%arg12 : memref<64x128xf32, #tpu.memory_space<vmem>>) target(%dma_start3A_413 : memref<10240x128xf32, #tpu.memory_space<vmem_shared>>) offsets(%dma_start3A_410 : memref<64xi32, #tpu.memory_space<vmem>>) semaphore(%arg20 : memref<!tpu.dma_semaphore, #tpu.memory_space<semaphore_mem>>) {add = true}
      %dma_wait3A_414 = arith.constant 1 : i32
      %dma_wait3A_415 = arith.constant 0 : i32
      %dma_wait3A_416 = tpu.memref_slice %arg10[%dma_wait3A_414, %dma_wait3A_415] : memref<8x64xi32, #tpu.memory_space<vmem>> -> memref<1x64xi32, #tpu.memory_space<vmem>>
      %dma_wait3A_417 = tpu.memref_squeeze %dma_wait3A_416 : memref<1x64xi32, #tpu.memory_space<vmem>> -> memref<64xi32, #tpu.memory_space<vmem>>
      %dma_wait3A_418 = arith.constant 0 : i32
      %dma_wait3A_419 = arith.constant 0 : i32
      %dma_wait3A_420 = tpu.memref_slice %arg2[%arg0, %dma_wait3A_418, %dma_wait3A_419] : memref<2x10000x128xf32, #tpu.memory_space<hbm>> -> memref<1x10000x128xf32, #tpu.memory_space<hbm>>
      %dma_wait3A_421 = tpu.memref_squeeze %dma_wait3A_420 : memref<1x10000x128xf32, #tpu.memory_space<hbm>> -> memref<10000x128xf32, #tpu.memory_space<hbm>>
      %dma_wait3A_422 = arith.constant 0 : i32
      %dma_wait3A_423 = arith.constant 0 : i32
      %dma_wait3A_424 = tpu.memref_slice %dma_wait3A_421[%dma_wait3A_422, %dma_wait3A_423] : memref<10000x128xf32, #tpu.memory_space<hbm>> -> memref<10000x128xf32, #tpu.memory_space<hbm>>
      tpu.wait_indirect_dma semaphore(%arg17 : memref<!tpu.dma_semaphore, #tpu.memory_space<semaphore_mem>>) src(%dma_wait3A_424 : memref<10000x128xf32, #tpu.memory_space<hbm>>) dst(%arg13 : memref<64x128xf32, #tpu.memory_space<vmem>>)
      %dma_wait3A_425 = arith.constant 1 : i32
      %dma_wait3A_426 = arith.constant 0 : i32
      %dma_wait3A_427 = tpu.memref_slice %arg9[%dma_wait3A_425, %dma_wait3A_426] : memref<8x64xi32, #tpu.memory_space<vmem>> -> memref<1x64xi32, #tpu.memory_space<vmem>>
      %dma_wait3A_428 = tpu.memref_squeeze %dma_wait3A_427 : memref<1x64xi32, #tpu.memory_space<vmem>> -> memref<64xi32, #tpu.memory_space<vmem>>
      %dma_wait3A_429 = arith.constant 0 : i32
      %dma_wait3A_430 = arith.constant 0 : i32
      %dma_wait3A_431 = tpu.memref_slice %arg24[%dma_wait3A_429, %dma_wait3A_430] : memref<10240x128xf32, #tpu.memory_space<vmem_shared>> -> memref<10240x128xf32, #tpu.memory_space<vmem_shared>>
      tpu.wait_indirect_dma semaphore(%arg20 : memref<!tpu.dma_semaphore, #tpu.memory_space<semaphore_mem>>) src(%arg12 : memref<64x128xf32, #tpu.memory_space<vmem>>) dst(%dma_wait3A_431 : memref<10240x128xf32, #tpu.memory_space<vmem_shared>>)
      %dma_start3A_432 = arith.constant 4 : i32
      %dma_start3A_433 = arith.constant 0 : i32
      %dma_start3A_434 = tpu.memref_slice %arg10[%dma_start3A_432, %dma_start3A_433] : memref<8x64xi32, #tpu.memory_space<vmem>> -> memref<1x64xi32, #tpu.memory_space<vmem>>
      %dma_start3A_435 = tpu.memref_squeeze %dma_start3A_434 : memref<1x64xi32, #tpu.memory_space<vmem>> -> memref<64xi32, #tpu.memory_space<vmem>>
      %dma_start3A_436 = arith.constant 0 : i32
      %dma_start3A_437 = arith.constant 0 : i32
      %dma_start3A_438 = tpu.memref_slice %arg2[%arg0, %dma_start3A_436, %dma_start3A_437] : memref<2x10000x128xf32, #tpu.memory_space<hbm>> -> memref<1x10000x128xf32, #tpu.memory_space<hbm>>
      %dma_start3A_439 = tpu.memref_squeeze %dma_start3A_438 : memref<1x10000x128xf32, #tpu.memory_space<hbm>> -> memref<10000x128xf32, #tpu.memory_space<hbm>>
      %dma_start3A_440 = arith.constant 0 : i32
      %dma_start3A_441 = arith.constant 0 : i32
      %dma_start3A_442 = tpu.memref_slice %dma_start3A_439[%dma_start3A_440, %dma_start3A_441] : memref<10000x128xf32, #tpu.memory_space<hbm>> -> memref<10000x128xf32, #tpu.memory_space<hbm>>
      tpu.enqueue_indirect_dma source(%dma_start3A_442 : memref<10000x128xf32, #tpu.memory_space<hbm>>) target(%arg12 : memref<64x128xf32, #tpu.memory_space<vmem>>) offsets(%dma_start3A_435 : memref<64xi32, #tpu.memory_space<vmem>>) semaphore(%arg16 : memref<!tpu.dma_semaphore, #tpu.memory_space<semaphore_mem>>)
      %dma_start3A_443 = arith.constant 1 : i32
      %dma_start3A_444 = arith.constant 0 : i32
      %dma_start3A_445 = tpu.memref_slice %arg9[%dma_start3A_443, %dma_start3A_444] : memref<8x64xi32, #tpu.memory_space<vmem>> -> memref<1x64xi32, #tpu.memory_space<vmem>>
      %dma_start3A_446 = tpu.memref_squeeze %dma_start3A_445 : memref<1x64xi32, #tpu.memory_space<vmem>> -> memref<64xi32, #tpu.memory_space<vmem>>
      %dma_start3A_447 = arith.constant 0 : i32
      %dma_start3A_448 = arith.constant 0 : i32
      %dma_start3A_449 = tpu.memref_slice %arg24[%dma_start3A_447, %dma_start3A_448] : memref<10240x128xf32, #tpu.memory_space<vmem_shared>> -> memref<10240x128xf32, #tpu.memory_space<vmem_shared>>
      tpu.enqueue_indirect_dma source(%arg13 : memref<64x128xf32, #tpu.memory_space<vmem>>) target(%dma_start3A_449 : memref<10240x128xf32, #tpu.memory_space<vmem_shared>>) offsets(%dma_start3A_446 : memref<64xi32, #tpu.memory_space<vmem>>) semaphore(%arg21 : memref<!tpu.dma_semaphore, #tpu.memory_space<semaphore_mem>>) {add = true}
      %dma_wait3A_450 = arith.constant 2 : i32
      %dma_wait3A_451 = arith.constant 0 : i32
      %dma_wait3A_452 = tpu.memref_slice %arg10[%dma_wait3A_450, %dma_wait3A_451] : memref<8x64xi32, #tpu.memory_space<vmem>> -> memref<1x64xi32, #tpu.memory_space<vmem>>
      %dma_wait3A_453 = tpu.memref_squeeze %dma_wait3A_452 : memref<1x64xi32, #tpu.memory_space<vmem>> -> memref<64xi32, #tpu.memory_space<vmem>>
      %dma_wait3A_454 = arith.constant 0 : i32
      %dma_wait3A_455 = arith.constant 0 : i32
      %dma_wait3A_456 = tpu.memref_slice %arg2[%arg0, %dma_wait3A_454, %dma_wait3A_455] : memref<2x10000x128xf32, #tpu.memory_space<hbm>> -> memref<1x10000x128xf32, #tpu.memory_space<hbm>>
      %dma_wait3A_457 = tpu.memref_squeeze %dma_wait3A_456 : memref<1x10000x128xf32, #tpu.memory_space<hbm>> -> memref<10000x128xf32, #tpu.memory_space<hbm>>
      %dma_wait3A_458 = arith.constant 0 : i32
      %dma_wait3A_459 = arith.constant 0 : i32
      %dma_wait3A_460 = tpu.memref_slice %dma_wait3A_457[%dma_wait3A_458, %dma_wait3A_459] : memref<10000x128xf32, #tpu.memory_space<hbm>> -> memref<10000x128xf32, #tpu.memory_space<hbm>>
      tpu.wait_indirect_dma semaphore(%arg18 : memref<!tpu.dma_semaphore, #tpu.memory_space<semaphore_mem>>) src(%dma_wait3A_460 : memref<10000x128xf32, #tpu.memory_space<hbm>>) dst(%arg14 : memref<64x128xf32, #tpu.memory_space<vmem>>)
      %dma_wait3A_461 = arith.constant 2 : i32
      %dma_wait3A_462 = arith.constant 0 : i32
      %dma_wait3A_463 = tpu.memref_slice %arg9[%dma_wait3A_461, %dma_wait3A_462] : memref<8x64xi32, #tpu.memory_space<vmem>> -> memref<1x64xi32, #tpu.memory_space<vmem>>
      %dma_wait3A_464 = tpu.memref_squeeze %dma_wait3A_463 : memref<1x64xi32, #tpu.memory_space<vmem>> -> memref<64xi32, #tpu.memory_space<vmem>>
      %dma_wait3A_465 = arith.constant 0 : i32
      %dma_wait3A_466 = arith.constant 0 : i32
      %dma_wait3A_467 = tpu.memref_slice %arg24[%dma_wait3A_465, %dma_wait3A_466] : memref<10240x128xf32, #tpu.memory_space<vmem_shared>> -> memref<10240x128xf32, #tpu.memory_space<vmem_shared>>
      tpu.wait_indirect_dma semaphore(%arg21 : memref<!tpu.dma_semaphore, #tpu.memory_space<semaphore_mem>>) src(%arg13 : memref<64x128xf32, #tpu.memory_space<vmem>>) dst(%dma_wait3A_467 : memref<10240x128xf32, #tpu.memory_space<vmem_shared>>)
      %dma_start3A_468 = arith.constant 5 : i32
      %dma_start3A_469 = arith.constant 0 : i32
      %dma_start3A_470 = tpu.memref_slice %arg10[%dma_start3A_468, %dma_start3A_469] : memref<8x64xi32, #tpu.memory_space<vmem>> -> memref<1x64xi32, #tpu.memory_space<vmem>>
      %dma_start3A_471 = tpu.memref_squeeze %dma_start3A_470 : memref<1x64xi32, #tpu.memory_space<vmem>> -> memref<64xi32, #tpu.memory_space<vmem>>
      %dma_start3A_472 = arith.constant 0 : i32
      %dma_start3A_473 = arith.constant 0 : i32
      %dma_start3A_474 = tpu.memref_slice %arg2[%arg0, %dma_start3A_472, %dma_start3A_473] : memref<2x10000x128xf32, #tpu.memory_space<hbm>> -> memref<1x10000x128xf32, #tpu.memory_space<hbm>>
      %dma_start3A_475 = tpu.memref_squeeze %dma_start3A_474 : memref<1x10000x128xf32, #tpu.memory_space<hbm>> -> memref<10000x128xf32, #tpu.memory_space<hbm>>
      %dma_start3A_476 = arith.constant 0 : i32
      %dma_start3A_477 = arith.constant 0 : i32
      %dma_start3A_478 = tpu.memref_slice %dma_start3A_475[%dma_start3A_476, %dma_start3A_477] : memref<10000x128xf32, #tpu.memory_space<hbm>> -> memref<10000x128xf32, #tpu.memory_space<hbm>>
      tpu.enqueue_indirect_dma source(%dma_start3A_478 : memref<10000x128xf32, #tpu.memory_space<hbm>>) target(%arg13 : memref<64x128xf32, #tpu.memory_space<vmem>>) offsets(%dma_start3A_471 : memref<64xi32, #tpu.memory_space<vmem>>) semaphore(%arg17 : memref<!tpu.dma_semaphore, #tpu.memory_space<semaphore_mem>>)
      %dma_start3A_479 = arith.constant 2 : i32
      %dma_start3A_480 = arith.constant 0 : i32
      %dma_start3A_481 = tpu.memref_slice %arg9[%dma_start3A_479, %dma_start3A_480] : memref<8x64xi32, #tpu.memory_space<vmem>> -> memref<1x64xi32, #tpu.memory_space<vmem>>
      %dma_start3A_482 = tpu.memref_squeeze %dma_start3A_481 : memref<1x64xi32, #tpu.memory_space<vmem>> -> memref<64xi32, #tpu.memory_space<vmem>>
      %dma_start3A_483 = arith.constant 0 : i32
      %dma_start3A_484 = arith.constant 0 : i32
      %dma_start3A_485 = tpu.memref_slice %arg24[%dma_start3A_483, %dma_start3A_484] : memref<10240x128xf32, #tpu.memory_space<vmem_shared>> -> memref<10240x128xf32, #tpu.memory_space<vmem_shared>>
      tpu.enqueue_indirect_dma source(%arg14 : memref<64x128xf32, #tpu.memory_space<vmem>>) target(%dma_start3A_485 : memref<10240x128xf32, #tpu.memory_space<vmem_shared>>) offsets(%dma_start3A_482 : memref<64xi32, #tpu.memory_space<vmem>>) semaphore(%arg22 : memref<!tpu.dma_semaphore, #tpu.memory_space<semaphore_mem>>) {add = true}
      %dma_wait3A_486 = arith.constant 3 : i32
      %dma_wait3A_487 = arith.constant 0 : i32
      %dma_wait3A_488 = tpu.memref_slice %arg10[%dma_wait3A_486, %dma_wait3A_487] : memref<8x64xi32, #tpu.memory_space<vmem>> -> memref<1x64xi32, #tpu.memory_space<vmem>>
      %dma_wait3A_489 = tpu.memref_squeeze %dma_wait3A_488 : memref<1x64xi32, #tpu.memory_space<vmem>> -> memref<64xi32, #tpu.memory_space<vmem>>
      %dma_wait3A_490 = arith.constant 0 : i32
      %dma_wait3A_491 = arith.constant 0 : i32
      %dma_wait3A_492 = tpu.memref_slice %arg2[%arg0, %dma_wait3A_490, %dma_wait3A_491] : memref<2x10000x128xf32, #tpu.memory_space<hbm>> -> memref<1x10000x128xf32, #tpu.memory_space<hbm>>
      %dma_wait3A_493 = tpu.memref_squeeze %dma_wait3A_492 : memref<1x10000x128xf32, #tpu.memory_space<hbm>> -> memref<10000x128xf32, #tpu.memory_space<hbm>>
      %dma_wait3A_494 = arith.constant 0 : i32
      %dma_wait3A_495 = arith.constant 0 : i32
      %dma_wait3A_496 = tpu.memref_slice %dma_wait3A_493[%dma_wait3A_494, %dma_wait3A_495] : memref<10000x128xf32, #tpu.memory_space<hbm>> -> memref<10000x128xf32, #tpu.memory_space<hbm>>
      tpu.wait_indirect_dma semaphore(%arg19 : memref<!tpu.dma_semaphore, #tpu.memory_space<semaphore_mem>>) src(%dma_wait3A_496 : memref<10000x128xf32, #tpu.memory_space<hbm>>) dst(%arg15 : memref<64x128xf32, #tpu.memory_space<vmem>>)
      %dma_wait3A_497 = arith.constant 3 : i32
      %dma_wait3A_498 = arith.constant 0 : i32
      %dma_wait3A_499 = tpu.memref_slice %arg9[%dma_wait3A_497, %dma_wait3A_498] : memref<8x64xi32, #tpu.memory_space<vmem>> -> memref<1x64xi32, #tpu.memory_space<vmem>>
      %dma_wait3A_500 = tpu.memref_squeeze %dma_wait3A_499 : memref<1x64xi32, #tpu.memory_space<vmem>> -> memref<64xi32, #tpu.memory_space<vmem>>
      %dma_wait3A_501 = arith.constant 0 : i32
      %dma_wait3A_502 = arith.constant 0 : i32
      %dma_wait3A_503 = tpu.memref_slice %arg24[%dma_wait3A_501, %dma_wait3A_502] : memref<10240x128xf32, #tpu.memory_space<vmem_shared>> -> memref<10240x128xf32, #tpu.memory_space<vmem_shared>>
      tpu.wait_indirect_dma semaphore(%arg22 : memref<!tpu.dma_semaphore, #tpu.memory_space<semaphore_mem>>) src(%arg14 : memref<64x128xf32, #tpu.memory_space<vmem>>) dst(%dma_wait3A_503 : memref<10240x128xf32, #tpu.memory_space<vmem_shared>>)
      %dma_start3A_504 = arith.constant 6 : i32
      %dma_start3A_505 = arith.constant 0 : i32
      %dma_start3A_506 = tpu.memref_slice %arg10[%dma_start3A_504, %dma_start3A_505] : memref<8x64xi32, #tpu.memory_space<vmem>> -> memref<1x64xi32, #tpu.memory_space<vmem>>
      %dma_start3A_507 = tpu.memref_squeeze %dma_start3A_506 : memref<1x64xi32, #tpu.memory_space<vmem>> -> memref<64xi32, #tpu.memory_space<vmem>>
      %dma_start3A_508 = arith.constant 0 : i32
      %dma_start3A_509 = arith.constant 0 : i32
      %dma_start3A_510 = tpu.memref_slice %arg2[%arg0, %dma_start3A_508, %dma_start3A_509] : memref<2x10000x128xf32, #tpu.memory_space<hbm>> -> memref<1x10000x128xf32, #tpu.memory_space<hbm>>
      %dma_start3A_511 = tpu.memref_squeeze %dma_start3A_510 : memref<1x10000x128xf32, #tpu.memory_space<hbm>> -> memref<10000x128xf32, #tpu.memory_space<hbm>>
      %dma_start3A_512 = arith.constant 0 : i32
      %dma_start3A_513 = arith.constant 0 : i32
      %dma_start3A_514 = tpu.memref_slice %dma_start3A_511[%dma_start3A_512, %dma_start3A_513] : memref<10000x128xf32, #tpu.memory_space<hbm>> -> memref<10000x128xf32, #tpu.memory_space<hbm>>
      tpu.enqueue_indirect_dma source(%dma_start3A_514 : memref<10000x128xf32, #tpu.memory_space<hbm>>) target(%arg14 : memref<64x128xf32, #tpu.memory_space<vmem>>) offsets(%dma_start3A_507 : memref<64xi32, #tpu.memory_space<vmem>>) semaphore(%arg18 : memref<!tpu.dma_semaphore, #tpu.memory_space<semaphore_mem>>)
      %dma_start3A_515 = arith.constant 3 : i32
      %dma_start3A_516 = arith.constant 0 : i32
      %dma_start3A_517 = tpu.memref_slice %arg9[%dma_start3A_515, %dma_start3A_516] : memref<8x64xi32, #tpu.memory_space<vmem>> -> memref<1x64xi32, #tpu.memory_space<vmem>>
      %dma_start3A_518 = tpu.memref_squeeze %dma_start3A_517 : memref<1x64xi32, #tpu.memory_space<vmem>> -> memref<64xi32, #tpu.memory_space<vmem>>
      %dma_start3A_519 = arith.constant 0 : i32
      %dma_start3A_520 = arith.constant 0 : i32
      %dma_start3A_521 = tpu.memref_slice %arg24[%dma_start3A_519, %dma_start3A_520] : memref<10240x128xf32, #tpu.memory_space<vmem_shared>> -> memref<10240x128xf32, #tpu.memory_space<vmem_shared>>
      tpu.enqueue_indirect_dma source(%arg15 : memref<64x128xf32, #tpu.memory_space<vmem>>) target(%dma_start3A_521 : memref<10240x128xf32, #tpu.memory_space<vmem_shared>>) offsets(%dma_start3A_518 : memref<64xi32, #tpu.memory_space<vmem>>) semaphore(%arg23 : memref<!tpu.dma_semaphore, #tpu.memory_space<semaphore_mem>>) {add = true}
      %dma_wait3A_522 = arith.constant 4 : i32
      %dma_wait3A_523 = arith.constant 0 : i32
      %dma_wait3A_524 = tpu.memref_slice %arg10[%dma_wait3A_522, %dma_wait3A_523] : memref<8x64xi32, #tpu.memory_space<vmem>> -> memref<1x64xi32, #tpu.memory_space<vmem>>
      %dma_wait3A_525 = tpu.memref_squeeze %dma_wait3A_524 : memref<1x64xi32, #tpu.memory_space<vmem>> -> memref<64xi32, #tpu.memory_space<vmem>>
      %dma_wait3A_526 = arith.constant 0 : i32
      %dma_wait3A_527 = arith.constant 0 : i32
      %dma_wait3A_528 = tpu.memref_slice %arg2[%arg0, %dma_wait3A_526, %dma_wait3A_527] : memref<2x10000x128xf32, #tpu.memory_space<hbm>> -> memref<1x10000x128xf32, #tpu.memory_space<hbm>>
      %dma_wait3A_529 = tpu.memref_squeeze %dma_wait3A_528 : memref<1x10000x128xf32, #tpu.memory_space<hbm>> -> memref<10000x128xf32, #tpu.memory_space<hbm>>
      %dma_wait3A_530 = arith.constant 0 : i32
      %dma_wait3A_531 = arith.constant 0 : i32
      %dma_wait3A_532 = tpu.memref_slice %dma_wait3A_529[%dma_wait3A_530, %dma_wait3A_531] : memref<10000x128xf32, #tpu.memory_space<hbm>> -> memref<10000x128xf32, #tpu.memory_space<hbm>>
      tpu.wait_indirect_dma semaphore(%arg16 : memref<!tpu.dma_semaphore, #tpu.memory_space<semaphore_mem>>) src(%dma_wait3A_532 : memref<10000x128xf32, #tpu.memory_space<hbm>>) dst(%arg12 : memref<64x128xf32, #tpu.memory_space<vmem>>)
      %dma_wait3A_533 = arith.constant 4 : i32
      %dma_wait3A_534 = arith.constant 0 : i32
      %dma_wait3A_535 = tpu.memref_slice %arg9[%dma_wait3A_533, %dma_wait3A_534] : memref<8x64xi32, #tpu.memory_space<vmem>> -> memref<1x64xi32, #tpu.memory_space<vmem>>
      %dma_wait3A_536 = tpu.memref_squeeze %dma_wait3A_535 : memref<1x64xi32, #tpu.memory_space<vmem>> -> memref<64xi32, #tpu.memory_space<vmem>>
      %dma_wait3A_537 = arith.constant 0 : i32
      %dma_wait3A_538 = arith.constant 0 : i32
      %dma_wait3A_539 = tpu.memref_slice %arg24[%dma_wait3A_537, %dma_wait3A_538] : memref<10240x128xf32, #tpu.memory_space<vmem_shared>> -> memref<10240x128xf32, #tpu.memory_space<vmem_shared>>
      tpu.wait_indirect_dma semaphore(%arg23 : memref<!tpu.dma_semaphore, #tpu.memory_space<semaphore_mem>>) src(%arg15 : memref<64x128xf32, #tpu.memory_space<vmem>>) dst(%dma_wait3A_539 : memref<10240x128xf32, #tpu.memory_space<vmem_shared>>)
      %dma_start3A_540 = arith.constant 7 : i32
      %dma_start3A_541 = arith.constant 0 : i32
      %dma_start3A_542 = tpu.memref_slice %arg10[%dma_start3A_540, %dma_start3A_541] : memref<8x64xi32, #tpu.memory_space<vmem>> -> memref<1x64xi32, #tpu.memory_space<vmem>>
      %dma_start3A_543 = tpu.memref_squeeze %dma_start3A_542 : memref<1x64xi32, #tpu.memory_space<vmem>> -> memref<64xi32, #tpu.memory_space<vmem>>
      %dma_start3A_544 = arith.constant 0 : i32
      %dma_start3A_545 = arith.constant 0 : i32
      %dma_start3A_546 = tpu.memref_slice %arg2[%arg0, %dma_start3A_544, %dma_start3A_545] : memref<2x10000x128xf32, #tpu.memory_space<hbm>> -> memref<1x10000x128xf32, #tpu.memory_space<hbm>>
      %dma_start3A_547 = tpu.memref_squeeze %dma_start3A_546 : memref<1x10000x128xf32, #tpu.memory_space<hbm>> -> memref<10000x128xf32, #tpu.memory_space<hbm>>
      %dma_start3A_548 = arith.constant 0 : i32
      %dma_start3A_549 = arith.constant 0 : i32
      %dma_start3A_550 = tpu.memref_slice %dma_start3A_547[%dma_start3A_548, %dma_start3A_549] : memref<10000x128xf32, #tpu.memory_space<hbm>> -> memref<10000x128xf32, #tpu.memory_space<hbm>>
      tpu.enqueue_indirect_dma source(%dma_start3A_550 : memref<10000x128xf32, #tpu.memory_space<hbm>>) target(%arg15 : memref<64x128xf32, #tpu.memory_space<vmem>>) offsets(%dma_start3A_543 : memref<64xi32, #tpu.memory_space<vmem>>) semaphore(%arg19 : memref<!tpu.dma_semaphore, #tpu.memory_space<semaphore_mem>>)
      %dma_start3A_551 = arith.constant 4 : i32
      %dma_start3A_552 = arith.constant 0 : i32
      %dma_start3A_553 = tpu.memref_slice %arg9[%dma_start3A_551, %dma_start3A_552] : memref<8x64xi32, #tpu.memory_space<vmem>> -> memref<1x64xi32, #tpu.memory_space<vmem>>
      %dma_start3A_554 = tpu.memref_squeeze %dma_start3A_553 : memref<1x64xi32, #tpu.memory_space<vmem>> -> memref<64xi32, #tpu.memory_space<vmem>>
      %dma_start3A_555 = arith.constant 0 : i32
      %dma_start3A_556 = arith.constant 0 : i32
      %dma_start3A_557 = tpu.memref_slice %arg24[%dma_start3A_555, %dma_start3A_556] : memref<10240x128xf32, #tpu.memory_space<vmem_shared>> -> memref<10240x128xf32, #tpu.memory_space<vmem_shared>>
      tpu.enqueue_indirect_dma source(%arg12 : memref<64x128xf32, #tpu.memory_space<vmem>>) target(%dma_start3A_557 : memref<10240x128xf32, #tpu.memory_space<vmem_shared>>) offsets(%dma_start3A_554 : memref<64xi32, #tpu.memory_space<vmem>>) semaphore(%arg20 : memref<!tpu.dma_semaphore, #tpu.memory_space<semaphore_mem>>) {add = true}
      %dma_wait3A_558 = arith.constant 5 : i32
      %dma_wait3A_559 = arith.constant 0 : i32
      %dma_wait3A_560 = tpu.memref_slice %arg10[%dma_wait3A_558, %dma_wait3A_559] : memref<8x64xi32, #tpu.memory_space<vmem>> -> memref<1x64xi32, #tpu.memory_space<vmem>>
      %dma_wait3A_561 = tpu.memref_squeeze %dma_wait3A_560 : memref<1x64xi32, #tpu.memory_space<vmem>> -> memref<64xi32, #tpu.memory_space<vmem>>
      %dma_wait3A_562 = arith.constant 0 : i32
      %dma_wait3A_563 = arith.constant 0 : i32
      %dma_wait3A_564 = tpu.memref_slice %arg2[%arg0, %dma_wait3A_562, %dma_wait3A_563] : memref<2x10000x128xf32, #tpu.memory_space<hbm>> -> memref<1x10000x128xf32, #tpu.memory_space<hbm>>
      %dma_wait3A_565 = tpu.memref_squeeze %dma_wait3A_564 : memref<1x10000x128xf32, #tpu.memory_space<hbm>> -> memref<10000x128xf32, #tpu.memory_space<hbm>>
      %dma_wait3A_566 = arith.constant 0 : i32
      %dma_wait3A_567 = arith.constant 0 : i32
      %dma_wait3A_568 = tpu.memref_slice %dma_wait3A_565[%dma_wait3A_566, %dma_wait3A_567] : memref<10000x128xf32, #tpu.memory_space<hbm>> -> memref<10000x128xf32, #tpu.memory_space<hbm>>
      tpu.wait_indirect_dma semaphore(%arg17 : memref<!tpu.dma_semaphore, #tpu.memory_space<semaphore_mem>>) src(%dma_wait3A_568 : memref<10000x128xf32, #tpu.memory_space<hbm>>) dst(%arg13 : memref<64x128xf32, #tpu.memory_space<vmem>>)
      %dma_wait3A_569 = arith.constant 5 : i32
      %dma_wait3A_570 = arith.constant 0 : i32
      %dma_wait3A_571 = tpu.memref_slice %arg9[%dma_wait3A_569, %dma_wait3A_570] : memref<8x64xi32, #tpu.memory_space<vmem>> -> memref<1x64xi32, #tpu.memory_space<vmem>>
      %dma_wait3A_572 = tpu.memref_squeeze %dma_wait3A_571 : memref<1x64xi32, #tpu.memory_space<vmem>> -> memref<64xi32, #tpu.memory_space<vmem>>
      %dma_wait3A_573 = arith.constant 0 : i32
      %dma_wait3A_574 = arith.constant 0 : i32
      %dma_wait3A_575 = tpu.memref_slice %arg24[%dma_wait3A_573, %dma_wait3A_574] : memref<10240x128xf32, #tpu.memory_space<vmem_shared>> -> memref<10240x128xf32, #tpu.memory_space<vmem_shared>>
      tpu.wait_indirect_dma semaphore(%arg20 : memref<!tpu.dma_semaphore, #tpu.memory_space<semaphore_mem>>) src(%arg12 : memref<64x128xf32, #tpu.memory_space<vmem>>) dst(%dma_wait3A_575 : memref<10240x128xf32, #tpu.memory_space<vmem_shared>>)
      %convert_element_type3A_576 = arith.extui %lt3A_94 : i1 to i32
      %cond3A_577 = arith.constant 0 : i32
      %cond3A_578 = arith.cmpi ne, %convert_element_type3A_576, %cond3A_577 : i32
      scf.if %cond3A_578 {
        %dma_start3A_642 = arith.constant 0 : i32
        %dma_start3A_643 = arith.constant 0 : i32
        %dma_start3A_644 = tpu.memref_slice %arg8[%dma_start3A_642, %dma_start3A_643] : memref<8x64xi32, #tpu.memory_space<vmem>> -> memref<1x64xi32, #tpu.memory_space<vmem>>
        %dma_start3A_645 = tpu.memref_squeeze %dma_start3A_644 : memref<1x64xi32, #tpu.memory_space<vmem>> -> memref<64xi32, #tpu.memory_space<vmem>>
        %dma_start3A_646 = arith.constant 0 : i32
        %dma_start3A_647 = arith.constant 0 : i32
        %dma_start3A_648 = tpu.memref_slice %arg2[%arg0, %dma_start3A_646, %dma_start3A_647] : memref<2x10000x128xf32, #tpu.memory_space<hbm>> -> memref<1x10000x128xf32, #tpu.memory_space<hbm>>
        %dma_start3A_649 = tpu.memref_squeeze %dma_start3A_648 : memref<1x10000x128xf32, #tpu.memory_space<hbm>> -> memref<10000x128xf32, #tpu.memory_space<hbm>>
        %dma_start3A_650 = arith.constant 0 : i32
        %dma_start3A_651 = arith.constant 0 : i32
        %dma_start3A_652 = tpu.memref_slice %dma_start3A_649[%dma_start3A_650, %dma_start3A_651] : memref<10000x128xf32, #tpu.memory_space<hbm>> -> memref<10000x128xf32, #tpu.memory_space<hbm>>
        tpu.enqueue_indirect_dma source(%dma_start3A_652 : memref<10000x128xf32, #tpu.memory_space<hbm>>) target(%arg12 : memref<64x128xf32, #tpu.memory_space<vmem>>) offsets(%dma_start3A_645 : memref<64xi32, #tpu.memory_space<vmem>>) semaphore(%arg16 : memref<!tpu.dma_semaphore, #tpu.memory_space<semaphore_mem>>)
      } else {
      }
      %dma_start3A_579 = arith.constant 5 : i32
      %dma_start3A_580 = arith.constant 0 : i32
      %dma_start3A_581 = tpu.memref_slice %arg9[%dma_start3A_579, %dma_start3A_580] : memref<8x64xi32, #tpu.memory_space<vmem>> -> memref<1x64xi32, #tpu.memory_space<vmem>>
      %dma_start3A_582 = tpu.memref_squeeze %dma_start3A_581 : memref<1x64xi32, #tpu.memory_space<vmem>> -> memref<64xi32, #tpu.memory_space<vmem>>
      %dma_start3A_583 = arith.constant 0 : i32
      %dma_start3A_584 = arith.constant 0 : i32
      %dma_start3A_585 = tpu.memref_slice %arg24[%dma_start3A_583, %dma_start3A_584] : memref<10240x128xf32, #tpu.memory_space<vmem_shared>> -> memref<10240x128xf32, #tpu.memory_space<vmem_shared>>
      tpu.enqueue_indirect_dma source(%arg13 : memref<64x128xf32, #tpu.memory_space<vmem>>) target(%dma_start3A_585 : memref<10240x128xf32, #tpu.memory_space<vmem_shared>>) offsets(%dma_start3A_582 : memref<64xi32, #tpu.memory_space<vmem>>) semaphore(%arg21 : memref<!tpu.dma_semaphore, #tpu.memory_space<semaphore_mem>>) {add = true}
      %dma_wait3A_586 = arith.constant 6 : i32
      %dma_wait3A_587 = arith.constant 0 : i32
      %dma_wait3A_588 = tpu.memref_slice %arg10[%dma_wait3A_586, %dma_wait3A_587] : memref<8x64xi32, #tpu.memory_space<vmem>> -> memref<1x64xi32, #tpu.memory_space<vmem>>
      %dma_wait3A_589 = tpu.memref_squeeze %dma_wait3A_588 : memref<1x64xi32, #tpu.memory_space<vmem>> -> memref<64xi32, #tpu.memory_space<vmem>>
      %dma_wait3A_590 = arith.constant 0 : i32
      %dma_wait3A_591 = arith.constant 0 : i32
      %dma_wait3A_592 = tpu.memref_slice %arg2[%arg0, %dma_wait3A_590, %dma_wait3A_591] : memref<2x10000x128xf32, #tpu.memory_space<hbm>> -> memref<1x10000x128xf32, #tpu.memory_space<hbm>>
      %dma_wait3A_593 = tpu.memref_squeeze %dma_wait3A_592 : memref<1x10000x128xf32, #tpu.memory_space<hbm>> -> memref<10000x128xf32, #tpu.memory_space<hbm>>
      %dma_wait3A_594 = arith.constant 0 : i32
      %dma_wait3A_595 = arith.constant 0 : i32
      %dma_wait3A_596 = tpu.memref_slice %dma_wait3A_593[%dma_wait3A_594, %dma_wait3A_595] : memref<10000x128xf32, #tpu.memory_space<hbm>> -> memref<10000x128xf32, #tpu.memory_space<hbm>>
      tpu.wait_indirect_dma semaphore(%arg18 : memref<!tpu.dma_semaphore, #tpu.memory_space<semaphore_mem>>) src(%dma_wait3A_596 : memref<10000x128xf32, #tpu.memory_space<hbm>>) dst(%arg14 : memref<64x128xf32, #tpu.memory_space<vmem>>)
      %dma_wait3A_597 = arith.constant 6 : i32
      %dma_wait3A_598 = arith.constant 0 : i32
      %dma_wait3A_599 = tpu.memref_slice %arg9[%dma_wait3A_597, %dma_wait3A_598] : memref<8x64xi32, #tpu.memory_space<vmem>> -> memref<1x64xi32, #tpu.memory_space<vmem>>
      %dma_wait3A_600 = tpu.memref_squeeze %dma_wait3A_599 : memref<1x64xi32, #tpu.memory_space<vmem>> -> memref<64xi32, #tpu.memory_space<vmem>>
      %dma_wait3A_601 = arith.constant 0 : i32
      %dma_wait3A_602 = arith.constant 0 : i32
      %dma_wait3A_603 = tpu.memref_slice %arg24[%dma_wait3A_601, %dma_wait3A_602] : memref<10240x128xf32, #tpu.memory_space<vmem_shared>> -> memref<10240x128xf32, #tpu.memory_space<vmem_shared>>
      tpu.wait_indirect_dma semaphore(%arg21 : memref<!tpu.dma_semaphore, #tpu.memory_space<semaphore_mem>>) src(%arg13 : memref<64x128xf32, #tpu.memory_space<vmem>>) dst(%dma_wait3A_603 : memref<10240x128xf32, #tpu.memory_space<vmem_shared>>)
      %convert_element_type3A_604 = arith.extui %lt3A_94 : i1 to i32
      %cond3A_605 = arith.constant 0 : i32
      %cond3A_606 = arith.cmpi ne, %convert_element_type3A_604, %cond3A_605 : i32
      scf.if %cond3A_606 {
        %dma_start3A_642 = arith.constant 1 : i32
        %dma_start3A_643 = arith.constant 0 : i32
        %dma_start3A_644 = tpu.memref_slice %arg8[%dma_start3A_642, %dma_start3A_643] : memref<8x64xi32, #tpu.memory_space<vmem>> -> memref<1x64xi32, #tpu.memory_space<vmem>>
        %dma_start3A_645 = tpu.memref_squeeze %dma_start3A_644 : memref<1x64xi32, #tpu.memory_space<vmem>> -> memref<64xi32, #tpu.memory_space<vmem>>
        %dma_start3A_646 = arith.constant 0 : i32
        %dma_start3A_647 = arith.constant 0 : i32
        %dma_start3A_648 = tpu.memref_slice %arg2[%arg0, %dma_start3A_646, %dma_start3A_647] : memref<2x10000x128xf32, #tpu.memory_space<hbm>> -> memref<1x10000x128xf32, #tpu.memory_space<hbm>>
        %dma_start3A_649 = tpu.memref_squeeze %dma_start3A_648 : memref<1x10000x128xf32, #tpu.memory_space<hbm>> -> memref<10000x128xf32, #tpu.memory_space<hbm>>
        %dma_start3A_650 = arith.constant 0 : i32
        %dma_start3A_651 = arith.constant 0 : i32
        %dma_start3A_652 = tpu.memref_slice %dma_start3A_649[%dma_start3A_650, %dma_start3A_651] : memref<10000x128xf32, #tpu.memory_space<hbm>> -> memref<10000x128xf32, #tpu.memory_space<hbm>>
        tpu.enqueue_indirect_dma source(%dma_start3A_652 : memref<10000x128xf32, #tpu.memory_space<hbm>>) target(%arg13 : memref<64x128xf32, #tpu.memory_space<vmem>>) offsets(%dma_start3A_645 : memref<64xi32, #tpu.memory_space<vmem>>) semaphore(%arg17 : memref<!tpu.dma_semaphore, #tpu.memory_space<semaphore_mem>>)
      } else {
      }
      %dma_start3A_607 = arith.constant 6 : i32
      %dma_start3A_608 = arith.constant 0 : i32
      %dma_start3A_609 = tpu.memref_slice %arg9[%dma_start3A_607, %dma_start3A_608] : memref<8x64xi32, #tpu.memory_space<vmem>> -> memref<1x64xi32, #tpu.memory_space<vmem>>
      %dma_start3A_610 = tpu.memref_squeeze %dma_start3A_609 : memref<1x64xi32, #tpu.memory_space<vmem>> -> memref<64xi32, #tpu.memory_space<vmem>>
      %dma_start3A_611 = arith.constant 0 : i32
      %dma_start3A_612 = arith.constant 0 : i32
      %dma_start3A_613 = tpu.memref_slice %arg24[%dma_start3A_611, %dma_start3A_612] : memref<10240x128xf32, #tpu.memory_space<vmem_shared>> -> memref<10240x128xf32, #tpu.memory_space<vmem_shared>>
      tpu.enqueue_indirect_dma source(%arg14 : memref<64x128xf32, #tpu.memory_space<vmem>>) target(%dma_start3A_613 : memref<10240x128xf32, #tpu.memory_space<vmem_shared>>) offsets(%dma_start3A_610 : memref<64xi32, #tpu.memory_space<vmem>>) semaphore(%arg22 : memref<!tpu.dma_semaphore, #tpu.memory_space<semaphore_mem>>) {add = true}
      %dma_wait3A_614 = arith.constant 7 : i32
      %dma_wait3A_615 = arith.constant 0 : i32
      %dma_wait3A_616 = tpu.memref_slice %arg10[%dma_wait3A_614, %dma_wait3A_615] : memref<8x64xi32, #tpu.memory_space<vmem>> -> memref<1x64xi32, #tpu.memory_space<vmem>>
      %dma_wait3A_617 = tpu.memref_squeeze %dma_wait3A_616 : memref<1x64xi32, #tpu.memory_space<vmem>> -> memref<64xi32, #tpu.memory_space<vmem>>
      %dma_wait3A_618 = arith.constant 0 : i32
      %dma_wait3A_619 = arith.constant 0 : i32
      %dma_wait3A_620 = tpu.memref_slice %arg2[%arg0, %dma_wait3A_618, %dma_wait3A_619] : memref<2x10000x128xf32, #tpu.memory_space<hbm>> -> memref<1x10000x128xf32, #tpu.memory_space<hbm>>
      %dma_wait3A_621 = tpu.memref_squeeze %dma_wait3A_620 : memref<1x10000x128xf32, #tpu.memory_space<hbm>> -> memref<10000x128xf32, #tpu.memory_space<hbm>>
      %dma_wait3A_622 = arith.constant 0 : i32
      %dma_wait3A_623 = arith.constant 0 : i32
      %dma_wait3A_624 = tpu.memref_slice %dma_wait3A_621[%dma_wait3A_622, %dma_wait3A_623] : memref<10000x128xf32, #tpu.memory_space<hbm>> -> memref<10000x128xf32, #tpu.memory_space<hbm>>
      tpu.wait_indirect_dma semaphore(%arg19 : memref<!tpu.dma_semaphore, #tpu.memory_space<semaphore_mem>>) src(%dma_wait3A_624 : memref<10000x128xf32, #tpu.memory_space<hbm>>) dst(%arg15 : memref<64x128xf32, #tpu.memory_space<vmem>>)
      %dma_wait3A_625 = arith.constant 7 : i32
      %dma_wait3A_626 = arith.constant 0 : i32
      %dma_wait3A_627 = tpu.memref_slice %arg9[%dma_wait3A_625, %dma_wait3A_626] : memref<8x64xi32, #tpu.memory_space<vmem>> -> memref<1x64xi32, #tpu.memory_space<vmem>>
      %dma_wait3A_628 = tpu.memref_squeeze %dma_wait3A_627 : memref<1x64xi32, #tpu.memory_space<vmem>> -> memref<64xi32, #tpu.memory_space<vmem>>
      %dma_wait3A_629 = arith.constant 0 : i32
      %dma_wait3A_630 = arith.constant 0 : i32
      %dma_wait3A_631 = tpu.memref_slice %arg24[%dma_wait3A_629, %dma_wait3A_630] : memref<10240x128xf32, #tpu.memory_space<vmem_shared>> -> memref<10240x128xf32, #tpu.memory_space<vmem_shared>>
      tpu.wait_indirect_dma semaphore(%arg22 : memref<!tpu.dma_semaphore, #tpu.memory_space<semaphore_mem>>) src(%arg14 : memref<64x128xf32, #tpu.memory_space<vmem>>) dst(%dma_wait3A_631 : memref<10240x128xf32, #tpu.memory_space<vmem_shared>>)
      %convert_element_type3A_632 = arith.extui %lt3A_94 : i1 to i32
      %cond3A_633 = arith.constant 0 : i32
      %cond3A_634 = arith.cmpi ne, %convert_element_type3A_632, %cond3A_633 : i32
      scf.if %cond3A_634 {
        %dma_start3A_642 = arith.constant 2 : i32
        %dma_start3A_643 = arith.constant 0 : i32
        %dma_start3A_644 = tpu.memref_slice %arg8[%dma_start3A_642, %dma_start3A_643] : memref<8x64xi32, #tpu.memory_space<vmem>> -> memref<1x64xi32, #tpu.memory_space<vmem>>
        %dma_start3A_645 = tpu.memref_squeeze %dma_start3A_644 : memref<1x64xi32, #tpu.memory_space<vmem>> -> memref<64xi32, #tpu.memory_space<vmem>>
        %dma_start3A_646 = arith.constant 0 : i32
        %dma_start3A_647 = arith.constant 0 : i32
        %dma_start3A_648 = tpu.memref_slice %arg2[%arg0, %dma_start3A_646, %dma_start3A_647] : memref<2x10000x128xf32, #tpu.memory_space<hbm>> -> memref<1x10000x128xf32, #tpu.memory_space<hbm>>
        %dma_start3A_649 = tpu.memref_squeeze %dma_start3A_648 : memref<1x10000x128xf32, #tpu.memory_space<hbm>> -> memref<10000x128xf32, #tpu.memory_space<hbm>>
        %dma_start3A_650 = arith.constant 0 : i32
        %dma_start3A_651 = arith.constant 0 : i32
        %dma_start3A_652 = tpu.memref_slice %dma_start3A_649[%dma_start3A_650, %dma_start3A_651] : memref<10000x128xf32, #tpu.memory_space<hbm>> -> memref<10000x128xf32, #tpu.memory_space<hbm>>
        tpu.enqueue_indirect_dma source(%dma_start3A_652 : memref<10000x128xf32, #tpu.memory_space<hbm>>) target(%arg14 : memref<64x128xf32, #tpu.memory_space<vmem>>) offsets(%dma_start3A_645 : memref<64xi32, #tpu.memory_space<vmem>>) semaphore(%arg18 : memref<!tpu.dma_semaphore, #tpu.memory_space<semaphore_mem>>)
      } else {
      }
      %dma_start3A_635 = arith.constant 7 : i32
      %dma_start3A_636 = arith.constant 0 : i32
      %dma_start3A_637 = tpu.memref_slice %arg9[%dma_start3A_635, %dma_start3A_636] : memref<8x64xi32, #tpu.memory_space<vmem>> -> memref<1x64xi32, #tpu.memory_space<vmem>>
      %dma_start3A_638 = tpu.memref_squeeze %dma_start3A_637 : memref<1x64xi32, #tpu.memory_space<vmem>> -> memref<64xi32, #tpu.memory_space<vmem>>
      %dma_start3A_639 = arith.constant 0 : i32
      %dma_start3A_640 = arith.constant 0 : i32
      %dma_start3A_641 = tpu.memref_slice %arg24[%dma_start3A_639, %dma_start3A_640] : memref<10240x128xf32, #tpu.memory_space<vmem_shared>> -> memref<10240x128xf32, #tpu.memory_space<vmem_shared>>
      tpu.enqueue_indirect_dma source(%arg15 : memref<64x128xf32, #tpu.memory_space<vmem>>) target(%dma_start3A_641 : memref<10240x128xf32, #tpu.memory_space<vmem_shared>>) offsets(%dma_start3A_638 : memref<64xi32, #tpu.memory_space<vmem>>) semaphore(%arg23 : memref<!tpu.dma_semaphore, #tpu.memory_space<semaphore_mem>>) {add = true}
    }
    %scan3A_60 = arith.constant 20 : i32
    %dma_wait3A = arith.constant 0 : i32
    %dma_wait3A_61 = arith.constant 0 : i32
    %dma_wait3A_62 = tpu.memref_slice %arg9[%dma_wait3A, %dma_wait3A_61] : memref<8x64xi32, #tpu.memory_space<vmem>> -> memref<1x64xi32, #tpu.memory_space<vmem>>
    %dma_wait3A_63 = tpu.memref_squeeze %dma_wait3A_62 : memref<1x64xi32, #tpu.memory_space<vmem>> -> memref<64xi32, #tpu.memory_space<vmem>>
    %dma_wait3A_64 = arith.constant 0 : i32
    %dma_wait3A_65 = arith.constant 0 : i32
    %dma_wait3A_66 = tpu.memref_slice %arg24[%dma_wait3A_64, %dma_wait3A_65] : memref<10240x128xf32, #tpu.memory_space<vmem_shared>> -> memref<10240x128xf32, #tpu.memory_space<vmem_shared>>
    tpu.wait_indirect_dma semaphore(%arg23 : memref<!tpu.dma_semaphore, #tpu.memory_space<semaphore_mem>>) src(%arg15 : memref<64x128xf32, #tpu.memory_space<vmem>>) dst(%dma_wait3A_66 : memref<10240x128xf32, #tpu.memory_space<vmem_shared>>)
    %barrier3A_67 = arith.constant 0 : index
    tpu.barrier barrier_id(%barrier3A_67)
    %add3A_68 = arith.constant 0 : i32
    %add3A_69 = arith.addi %mul3A_0, %add3A_68 : i32
    "tpu.region"() ({
      %run_scoped3A = tpu.sem_alloc : memref<!tpu.dma_semaphore, #tpu.memory_space<semaphore_mem>>
      %dma_start3A_88 = arith.constant 0 : i32
      %dma_start3A_89 = tpu.memref_slice %arg24[%add3A_69, %dma_start3A_88] : memref<10240x128xf32, #tpu.memory_space<vmem_shared>> -> memref<64x128xf32, #tpu.memory_space<vmem_shared>>
      %dma_start3A_90 = arith.constant 0 : i32
      %dma_start3A_91 = tpu.memref_slice %arg24[%add3A_69, %dma_start3A_90] : memref<10240x128xf32, #tpu.memory_space<vmem_shared>> -> memref<64x128xf32, #tpu.memory_space<vmem_shared>>
      tpu.enqueue_dma source(%dma_start3A_91 : memref<64x128xf32, #tpu.memory_space<vmem_shared>>) target(%arg11 : memref<64x128xf32, #tpu.memory_space<vmem>>) target_semaphore(%run_scoped3A : memref<!tpu.dma_semaphore, #tpu.memory_space<semaphore_mem>>)
      %dma_wait3A_92 = arith.constant 0 : i32
      %dma_wait3A_93 = tpu.memref_slice %arg24[%add3A_69, %dma_wait3A_92] : memref<10240x128xf32, #tpu.memory_space<vmem_shared>> -> memref<64x128xf32, #tpu.memory_space<vmem_shared>>
      %dma_wait3A_94 = arith.constant 0 : i32
      %dma_wait3A_95 = tpu.memref_slice %arg24[%add3A_69, %dma_wait3A_94] : memref<10240x128xf32, #tpu.memory_space<vmem_shared>> -> memref<64x128xf32, #tpu.memory_space<vmem_shared>>
      tpu.wait_dma2 semaphore(%run_scoped3A : memref<!tpu.dma_semaphore, #tpu.memory_space<semaphore_mem>>) src(%dma_wait3A_95 : memref<64x128xf32, #tpu.memory_space<vmem_shared>>) dst(%arg11 : memref<64x128xf32, #tpu.memory_space<vmem>>)
      tpu.yield
    }) : () -> ()
    "tpu.region"() ({
      %run_scoped3A = tpu.sem_alloc : memref<!tpu.dma_semaphore, #tpu.memory_space<semaphore_mem>>
      %dma_start3A_88 = arith.constant 0 : i32
      %dma_start3A_89 = tpu.memref_slice %arg6[%arg0, %add3A_69, %dma_start3A_88] : memref<2x10240x128xf32, #tpu.memory_space<hbm>> -> memref<1x64x128xf32, #tpu.memory_space<hbm>>
      %dma_start3A_90 = tpu.memref_squeeze %dma_start3A_89 : memref<1x64x128xf32, #tpu.memory_space<hbm>> -> memref<64x128xf32, #tpu.memory_space<hbm>>
      %dma_start3A_91 = arith.constant 0 : i32
      %dma_start3A_92 = tpu.memref_slice %arg6[%arg0, %add3A_69, %dma_start3A_91] : memref<2x10240x128xf32, #tpu.memory_space<hbm>> -> memref<1x64x128xf32, #tpu.memory_space<hbm>>
      %dma_start3A_93 = tpu.memref_squeeze %dma_start3A_92 : memref<1x64x128xf32, #tpu.memory_space<hbm>> -> memref<64x128xf32, #tpu.memory_space<hbm>>
      tpu.enqueue_dma source(%arg11 : memref<64x128xf32, #tpu.memory_space<vmem>>) target(%dma_start3A_93 : memref<64x128xf32, #tpu.memory_space<hbm>>) target_semaphore(%run_scoped3A : memref<!tpu.dma_semaphore, #tpu.memory_space<semaphore_mem>>)
      %dma_wait3A_94 = arith.constant 0 : i32
      %dma_wait3A_95 = tpu.memref_slice %arg6[%arg0, %add3A_69, %dma_wait3A_94] : memref<2x10240x128xf32, #tpu.memory_space<hbm>> -> memref<1x64x128xf32, #tpu.memory_space<hbm>>
      %dma_wait3A_96 = tpu.memref_squeeze %dma_wait3A_95 : memref<1x64x128xf32, #tpu.memory_space<hbm>> -> memref<64x128xf32, #tpu.memory_space<hbm>>
      %dma_wait3A_97 = arith.constant 0 : i32
      %dma_wait3A_98 = tpu.memref_slice %arg6[%arg0, %add3A_69, %dma_wait3A_97] : memref<2x10240x128xf32, #tpu.memory_space<hbm>> -> memref<1x64x128xf32, #tpu.memory_space<hbm>>
      %dma_wait3A_99 = tpu.memref_squeeze %dma_wait3A_98 : memref<1x64x128xf32, #tpu.memory_space<hbm>> -> memref<64x128xf32, #tpu.memory_space<hbm>>
      tpu.wait_dma2 semaphore(%run_scoped3A : memref<!tpu.dma_semaphore, #tpu.memory_space<semaphore_mem>>) src(%arg11 : memref<64x128xf32, #tpu.memory_space<vmem>>) dst(%dma_wait3A_99 : memref<64x128xf32, #tpu.memory_space<hbm>>)
      tpu.yield
    }) : () -> ()
    %add3A_70 = arith.constant 64 : i32
    %add3A_71 = arith.addi %mul3A_0, %add3A_70 : i32
    "tpu.region"() ({
      %run_scoped3A = tpu.sem_alloc : memref<!tpu.dma_semaphore, #tpu.memory_space<semaphore_mem>>
      %dma_start3A_88 = arith.constant 0 : i32
      %dma_start3A_89 = tpu.memref_slice %arg24[%add3A_71, %dma_start3A_88] : memref<10240x128xf32, #tpu.memory_space<vmem_shared>> -> memref<64x128xf32, #tpu.memory_space<vmem_shared>>
      %dma_start3A_90 = arith.constant 0 : i32
      %dma_start3A_91 = tpu.memref_slice %arg24[%add3A_71, %dma_start3A_90] : memref<10240x128xf32, #tpu.memory_space<vmem_shared>> -> memref<64x128xf32, #tpu.memory_space<vmem_shared>>
      tpu.enqueue_dma source(%dma_start3A_91 : memref<64x128xf32, #tpu.memory_space<vmem_shared>>) target(%arg11 : memref<64x128xf32, #tpu.memory_space<vmem>>) target_semaphore(%run_scoped3A : memref<!tpu.dma_semaphore, #tpu.memory_space<semaphore_mem>>)
      %dma_wait3A_92 = arith.constant 0 : i32
      %dma_wait3A_93 = tpu.memref_slice %arg24[%add3A_71, %dma_wait3A_92] : memref<10240x128xf32, #tpu.memory_space<vmem_shared>> -> memref<64x128xf32, #tpu.memory_space<vmem_shared>>
      %dma_wait3A_94 = arith.constant 0 : i32
      %dma_wait3A_95 = tpu.memref_slice %arg24[%add3A_71, %dma_wait3A_94] : memref<10240x128xf32, #tpu.memory_space<vmem_shared>> -> memref<64x128xf32, #tpu.memory_space<vmem_shared>>
      tpu.wait_dma2 semaphore(%run_scoped3A : memref<!tpu.dma_semaphore, #tpu.memory_space<semaphore_mem>>) src(%dma_wait3A_95 : memref<64x128xf32, #tpu.memory_space<vmem_shared>>) dst(%arg11 : memref<64x128xf32, #tpu.memory_space<vmem>>)
      tpu.yield
    }) : () -> ()
    "tpu.region"() ({
      %run_scoped3A = tpu.sem_alloc : memref<!tpu.dma_semaphore, #tpu.memory_space<semaphore_mem>>
      %dma_start3A_88 = arith.constant 0 : i32
      %dma_start3A_89 = tpu.memref_slice %arg6[%arg0, %add3A_71, %dma_start3A_88] : memref<2x10240x128xf32, #tpu.memory_space<hbm>> -> memref<1x64x128xf32, #tpu.memory_space<hbm>>
      %dma_start3A_90 = tpu.memref_squeeze %dma_start3A_89 : memref<1x64x128xf32, #tpu.memory_space<hbm>> -> memref<64x128xf32, #tpu.memory_space<hbm>>
      %dma_start3A_91 = arith.constant 0 : i32
      %dma_start3A_92 = tpu.memref_slice %arg6[%arg0, %add3A_71, %dma_start3A_91] : memref<2x10240x128xf32, #tpu.memory_space<hbm>> -> memref<1x64x128xf32, #tpu.memory_space<hbm>>
      %dma_start3A_93 = tpu.memref_squeeze %dma_start3A_92 : memref<1x64x128xf32, #tpu.memory_space<hbm>> -> memref<64x128xf32, #tpu.memory_space<hbm>>
      tpu.enqueue_dma source(%arg11 : memref<64x128xf32, #tpu.memory_space<vmem>>) target(%dma_start3A_93 : memref<64x128xf32, #tpu.memory_space<hbm>>) target_semaphore(%run_scoped3A : memref<!tpu.dma_semaphore, #tpu.memory_space<semaphore_mem>>)
      %dma_wait3A_94 = arith.constant 0 : i32
      %dma_wait3A_95 = tpu.memref_slice %arg6[%arg0, %add3A_71, %dma_wait3A_94] : memref<2x10240x128xf32, #tpu.memory_space<hbm>> -> memref<1x64x128xf32, #tpu.memory_space<hbm>>
      %dma_wait3A_96 = tpu.memref_squeeze %dma_wait3A_95 : memref<1x64x128xf32, #tpu.memory_space<hbm>> -> memref<64x128xf32, #tpu.memory_space<hbm>>
      %dma_wait3A_97 = arith.constant 0 : i32
      %dma_wait3A_98 = tpu.memref_slice %arg6[%arg0, %add3A_71, %dma_wait3A_97] : memref<2x10240x128xf32, #tpu.memory_space<hbm>> -> memref<1x64x128xf32, #tpu.memory_space<hbm>>
      %dma_wait3A_99 = tpu.memref_squeeze %dma_wait3A_98 : memref<1x64x128xf32, #tpu.memory_space<hbm>> -> memref<64x128xf32, #tpu.memory_space<hbm>>
      tpu.wait_dma2 semaphore(%run_scoped3A : memref<!tpu.dma_semaphore, #tpu.memory_space<semaphore_mem>>) src(%arg11 : memref<64x128xf32, #tpu.memory_space<vmem>>) dst(%dma_wait3A_99 : memref<64x128xf32, #tpu.memory_space<hbm>>)
      tpu.yield
    }) : () -> ()
    %add3A_72 = arith.constant 128 : i32
    %add3A_73 = arith.addi %mul3A_0, %add3A_72 : i32
    "tpu.region"() ({
      %run_scoped3A = tpu.sem_alloc : memref<!tpu.dma_semaphore, #tpu.memory_space<semaphore_mem>>
      %dma_start3A_88 = arith.constant 0 : i32
      %dma_start3A_89 = tpu.memref_slice %arg24[%add3A_73, %dma_start3A_88] : memref<10240x128xf32, #tpu.memory_space<vmem_shared>> -> memref<64x128xf32, #tpu.memory_space<vmem_shared>>
      %dma_start3A_90 = arith.constant 0 : i32
      %dma_start3A_91 = tpu.memref_slice %arg24[%add3A_73, %dma_start3A_90] : memref<10240x128xf32, #tpu.memory_space<vmem_shared>> -> memref<64x128xf32, #tpu.memory_space<vmem_shared>>
      tpu.enqueue_dma source(%dma_start3A_91 : memref<64x128xf32, #tpu.memory_space<vmem_shared>>) target(%arg11 : memref<64x128xf32, #tpu.memory_space<vmem>>) target_semaphore(%run_scoped3A : memref<!tpu.dma_semaphore, #tpu.memory_space<semaphore_mem>>)
      %dma_wait3A_92 = arith.constant 0 : i32
      %dma_wait3A_93 = tpu.memref_slice %arg24[%add3A_73, %dma_wait3A_92] : memref<10240x128xf32, #tpu.memory_space<vmem_shared>> -> memref<64x128xf32, #tpu.memory_space<vmem_shared>>
      %dma_wait3A_94 = arith.constant 0 : i32
      %dma_wait3A_95 = tpu.memref_slice %arg24[%add3A_73, %dma_wait3A_94] : memref<10240x128xf32, #tpu.memory_space<vmem_shared>> -> memref<64x128xf32, #tpu.memory_space<vmem_shared>>
      tpu.wait_dma2 semaphore(%run_scoped3A : memref<!tpu.dma_semaphore, #tpu.memory_space<semaphore_mem>>) src(%dma_wait3A_95 : memref<64x128xf32, #tpu.memory_space<vmem_shared>>) dst(%arg11 : memref<64x128xf32, #tpu.memory_space<vmem>>)
      tpu.yield
    }) : () -> ()
    "tpu.region"() ({
      %run_scoped3A = tpu.sem_alloc : memref<!tpu.dma_semaphore, #tpu.memory_space<semaphore_mem>>
      %dma_start3A_88 = arith.constant 0 : i32
      %dma_start3A_89 = tpu.memref_slice %arg6[%arg0, %add3A_73, %dma_start3A_88] : memref<2x10240x128xf32, #tpu.memory_space<hbm>> -> memref<1x64x128xf32, #tpu.memory_space<hbm>>
      %dma_start3A_90 = tpu.memref_squeeze %dma_start3A_89 : memref<1x64x128xf32, #tpu.memory_space<hbm>> -> memref<64x128xf32, #tpu.memory_space<hbm>>
      %dma_start3A_91 = arith.constant 0 : i32
      %dma_start3A_92 = tpu.memref_slice %arg6[%arg0, %add3A_73, %dma_start3A_91] : memref<2x10240x128xf32, #tpu.memory_space<hbm>> -> memref<1x64x128xf32, #tpu.memory_space<hbm>>
      %dma_start3A_93 = tpu.memref_squeeze %dma_start3A_92 : memref<1x64x128xf32, #tpu.memory_space<hbm>> -> memref<64x128xf32, #tpu.memory_space<hbm>>
      tpu.enqueue_dma source(%arg11 : memref<64x128xf32, #tpu.memory_space<vmem>>) target(%dma_start3A_93 : memref<64x128xf32, #tpu.memory_space<hbm>>) target_semaphore(%run_scoped3A : memref<!tpu.dma_semaphore, #tpu.memory_space<semaphore_mem>>)
      %dma_wait3A_94 = arith.constant 0 : i32
      %dma_wait3A_95 = tpu.memref_slice %arg6[%arg0, %add3A_73, %dma_wait3A_94] : memref<2x10240x128xf32, #tpu.memory_space<hbm>> -> memref<1x64x128xf32, #tpu.memory_space<hbm>>
      %dma_wait3A_96 = tpu.memref_squeeze %dma_wait3A_95 : memref<1x64x128xf32, #tpu.memory_space<hbm>> -> memref<64x128xf32, #tpu.memory_space<hbm>>
      %dma_wait3A_97 = arith.constant 0 : i32
      %dma_wait3A_98 = tpu.memref_slice %arg6[%arg0, %add3A_73, %dma_wait3A_97] : memref<2x10240x128xf32, #tpu.memory_space<hbm>> -> memref<1x64x128xf32, #tpu.memory_space<hbm>>
      %dma_wait3A_99 = tpu.memref_squeeze %dma_wait3A_98 : memref<1x64x128xf32, #tpu.memory_space<hbm>> -> memref<64x128xf32, #tpu.memory_space<hbm>>
      tpu.wait_dma2 semaphore(%run_scoped3A : memref<!tpu.dma_semaphore, #tpu.memory_space<semaphore_mem>>) src(%arg11 : memref<64x128xf32, #tpu.memory_space<vmem>>) dst(%dma_wait3A_99 : memref<64x128xf32, #tpu.memory_space<hbm>>)
      tpu.yield
    }) : () -> ()
    %add3A_74 = arith.constant 192 : i32
    %add3A_75 = arith.addi %mul3A_0, %add3A_74 : i32
    "tpu.region"() ({
      %run_scoped3A = tpu.sem_alloc : memref<!tpu.dma_semaphore, #tpu.memory_space<semaphore_mem>>
      %dma_start3A_88 = arith.constant 0 : i32
      %dma_start3A_89 = tpu.memref_slice %arg24[%add3A_75, %dma_start3A_88] : memref<10240x128xf32, #tpu.memory_space<vmem_shared>> -> memref<64x128xf32, #tpu.memory_space<vmem_shared>>
      %dma_start3A_90 = arith.constant 0 : i32
      %dma_start3A_91 = tpu.memref_slice %arg24[%add3A_75, %dma_start3A_90] : memref<10240x128xf32, #tpu.memory_space<vmem_shared>> -> memref<64x128xf32, #tpu.memory_space<vmem_shared>>
      tpu.enqueue_dma source(%dma_start3A_91 : memref<64x128xf32, #tpu.memory_space<vmem_shared>>) target(%arg11 : memref<64x128xf32, #tpu.memory_space<vmem>>) target_semaphore(%run_scoped3A : memref<!tpu.dma_semaphore, #tpu.memory_space<semaphore_mem>>)
      %dma_wait3A_92 = arith.constant 0 : i32
      %dma_wait3A_93 = tpu.memref_slice %arg24[%add3A_75, %dma_wait3A_92] : memref<10240x128xf32, #tpu.memory_space<vmem_shared>> -> memref<64x128xf32, #tpu.memory_space<vmem_shared>>
      %dma_wait3A_94 = arith.constant 0 : i32
      %dma_wait3A_95 = tpu.memref_slice %arg24[%add3A_75, %dma_wait3A_94] : memref<10240x128xf32, #tpu.memory_space<vmem_shared>> -> memref<64x128xf32, #tpu.memory_space<vmem_shared>>
      tpu.wait_dma2 semaphore(%run_scoped3A : memref<!tpu.dma_semaphore, #tpu.memory_space<semaphore_mem>>) src(%dma_wait3A_95 : memref<64x128xf32, #tpu.memory_space<vmem_shared>>) dst(%arg11 : memref<64x128xf32, #tpu.memory_space<vmem>>)
      tpu.yield
    }) : () -> ()
    "tpu.region"() ({
      %run_scoped3A = tpu.sem_alloc : memref<!tpu.dma_semaphore, #tpu.memory_space<semaphore_mem>>
      %dma_start3A_88 = arith.constant 0 : i32
      %dma_start3A_89 = tpu.memref_slice %arg6[%arg0, %add3A_75, %dma_start3A_88] : memref<2x10240x128xf32, #tpu.memory_space<hbm>> -> memref<1x64x128xf32, #tpu.memory_space<hbm>>
      %dma_start3A_90 = tpu.memref_squeeze %dma_start3A_89 : memref<1x64x128xf32, #tpu.memory_space<hbm>> -> memref<64x128xf32, #tpu.memory_space<hbm>>
      %dma_start3A_91 = arith.constant 0 : i32
      %dma_start3A_92 = tpu.memref_slice %arg6[%arg0, %add3A_75, %dma_start3A_91] : memref<2x10240x128xf32, #tpu.memory_space<hbm>> -> memref<1x64x128xf32, #tpu.memory_space<hbm>>
      %dma_start3A_93 = tpu.memref_squeeze %dma_start3A_92 : memref<1x64x128xf32, #tpu.memory_space<hbm>> -> memref<64x128xf32, #tpu.memory_space<hbm>>
      tpu.enqueue_dma source(%arg11 : memref<64x128xf32, #tpu.memory_space<vmem>>) target(%dma_start3A_93 : memref<64x128xf32, #tpu.memory_space<hbm>>) target_semaphore(%run_scoped3A : memref<!tpu.dma_semaphore, #tpu.memory_space<semaphore_mem>>)
      %dma_wait3A_94 = arith.constant 0 : i32
      %dma_wait3A_95 = tpu.memref_slice %arg6[%arg0, %add3A_75, %dma_wait3A_94] : memref<2x10240x128xf32, #tpu.memory_space<hbm>> -> memref<1x64x128xf32, #tpu.memory_space<hbm>>
      %dma_wait3A_96 = tpu.memref_squeeze %dma_wait3A_95 : memref<1x64x128xf32, #tpu.memory_space<hbm>> -> memref<64x128xf32, #tpu.memory_space<hbm>>
      %dma_wait3A_97 = arith.constant 0 : i32
      %dma_wait3A_98 = tpu.memref_slice %arg6[%arg0, %add3A_75, %dma_wait3A_97] : memref<2x10240x128xf32, #tpu.memory_space<hbm>> -> memref<1x64x128xf32, #tpu.memory_space<hbm>>
      %dma_wait3A_99 = tpu.memref_squeeze %dma_wait3A_98 : memref<1x64x128xf32, #tpu.memory_space<hbm>> -> memref<64x128xf32, #tpu.memory_space<hbm>>
      tpu.wait_dma2 semaphore(%run_scoped3A : memref<!tpu.dma_semaphore, #tpu.memory_space<semaphore_mem>>) src(%arg11 : memref<64x128xf32, #tpu.memory_space<vmem>>) dst(%dma_wait3A_99 : memref<64x128xf32, #tpu.memory_space<hbm>>)
      tpu.yield
    }) : () -> ()
    %add3A_76 = arith.constant 256 : i32
    %add3A_77 = arith.addi %mul3A_0, %add3A_76 : i32
    "tpu.region"() ({
      %run_scoped3A = tpu.sem_alloc : memref<!tpu.dma_semaphore, #tpu.memory_space<semaphore_mem>>
      %dma_start3A_88 = arith.constant 0 : i32
      %dma_start3A_89 = tpu.memref_slice %arg24[%add3A_77, %dma_start3A_88] : memref<10240x128xf32, #tpu.memory_space<vmem_shared>> -> memref<64x128xf32, #tpu.memory_space<vmem_shared>>
      %dma_start3A_90 = arith.constant 0 : i32
      %dma_start3A_91 = tpu.memref_slice %arg24[%add3A_77, %dma_start3A_90] : memref<10240x128xf32, #tpu.memory_space<vmem_shared>> -> memref<64x128xf32, #tpu.memory_space<vmem_shared>>
      tpu.enqueue_dma source(%dma_start3A_91 : memref<64x128xf32, #tpu.memory_space<vmem_shared>>) target(%arg11 : memref<64x128xf32, #tpu.memory_space<vmem>>) target_semaphore(%run_scoped3A : memref<!tpu.dma_semaphore, #tpu.memory_space<semaphore_mem>>)
      %dma_wait3A_92 = arith.constant 0 : i32
      %dma_wait3A_93 = tpu.memref_slice %arg24[%add3A_77, %dma_wait3A_92] : memref<10240x128xf32, #tpu.memory_space<vmem_shared>> -> memref<64x128xf32, #tpu.memory_space<vmem_shared>>
      %dma_wait3A_94 = arith.constant 0 : i32
      %dma_wait3A_95 = tpu.memref_slice %arg24[%add3A_77, %dma_wait3A_94] : memref<10240x128xf32, #tpu.memory_space<vmem_shared>> -> memref<64x128xf32, #tpu.memory_space<vmem_shared>>
      tpu.wait_dma2 semaphore(%run_scoped3A : memref<!tpu.dma_semaphore, #tpu.memory_space<semaphore_mem>>) src(%dma_wait3A_95 : memref<64x128xf32, #tpu.memory_space<vmem_shared>>) dst(%arg11 : memref<64x128xf32, #tpu.memory_space<vmem>>)
      tpu.yield
    }) : () -> ()
    "tpu.region"() ({
      %run_scoped3A = tpu.sem_alloc : memref<!tpu.dma_semaphore, #tpu.memory_space<semaphore_mem>>
      %dma_start3A_88 = arith.constant 0 : i32
      %dma_start3A_89 = tpu.memref_slice %arg6[%arg0, %add3A_77, %dma_start3A_88] : memref<2x10240x128xf32, #tpu.memory_space<hbm>> -> memref<1x64x128xf32, #tpu.memory_space<hbm>>
      %dma_start3A_90 = tpu.memref_squeeze %dma_start3A_89 : memref<1x64x128xf32, #tpu.memory_space<hbm>> -> memref<64x128xf32, #tpu.memory_space<hbm>>
      %dma_start3A_91 = arith.constant 0 : i32
      %dma_start3A_92 = tpu.memref_slice %arg6[%arg0, %add3A_77, %dma_start3A_91] : memref<2x10240x128xf32, #tpu.memory_space<hbm>> -> memref<1x64x128xf32, #tpu.memory_space<hbm>>
      %dma_start3A_93 = tpu.memref_squeeze %dma_start3A_92 : memref<1x64x128xf32, #tpu.memory_space<hbm>> -> memref<64x128xf32, #tpu.memory_space<hbm>>
      tpu.enqueue_dma source(%arg11 : memref<64x128xf32, #tpu.memory_space<vmem>>) target(%dma_start3A_93 : memref<64x128xf32, #tpu.memory_space<hbm>>) target_semaphore(%run_scoped3A : memref<!tpu.dma_semaphore, #tpu.memory_space<semaphore_mem>>)
      %dma_wait3A_94 = arith.constant 0 : i32
      %dma_wait3A_95 = tpu.memref_slice %arg6[%arg0, %add3A_77, %dma_wait3A_94] : memref<2x10240x128xf32, #tpu.memory_space<hbm>> -> memref<1x64x128xf32, #tpu.memory_space<hbm>>
      %dma_wait3A_96 = tpu.memref_squeeze %dma_wait3A_95 : memref<1x64x128xf32, #tpu.memory_space<hbm>> -> memref<64x128xf32, #tpu.memory_space<hbm>>
      %dma_wait3A_97 = arith.constant 0 : i32
      %dma_wait3A_98 = tpu.memref_slice %arg6[%arg0, %add3A_77, %dma_wait3A_97] : memref<2x10240x128xf32, #tpu.memory_space<hbm>> -> memref<1x64x128xf32, #tpu.memory_space<hbm>>
      %dma_wait3A_99 = tpu.memref_squeeze %dma_wait3A_98 : memref<1x64x128xf32, #tpu.memory_space<hbm>> -> memref<64x128xf32, #tpu.memory_space<hbm>>
      tpu.wait_dma2 semaphore(%run_scoped3A : memref<!tpu.dma_semaphore, #tpu.memory_space<semaphore_mem>>) src(%arg11 : memref<64x128xf32, #tpu.memory_space<vmem>>) dst(%dma_wait3A_99 : memref<64x128xf32, #tpu.memory_space<hbm>>)
      tpu.yield
    }) : () -> ()
    %add3A_78 = arith.constant 320 : i32
    %add3A_79 = arith.addi %mul3A_0, %add3A_78 : i32
    "tpu.region"() ({
      %run_scoped3A = tpu.sem_alloc : memref<!tpu.dma_semaphore, #tpu.memory_space<semaphore_mem>>
      %dma_start3A_88 = arith.constant 0 : i32
      %dma_start3A_89 = tpu.memref_slice %arg24[%add3A_79, %dma_start3A_88] : memref<10240x128xf32, #tpu.memory_space<vmem_shared>> -> memref<64x128xf32, #tpu.memory_space<vmem_shared>>
      %dma_start3A_90 = arith.constant 0 : i32
      %dma_start3A_91 = tpu.memref_slice %arg24[%add3A_79, %dma_start3A_90] : memref<10240x128xf32, #tpu.memory_space<vmem_shared>> -> memref<64x128xf32, #tpu.memory_space<vmem_shared>>
      tpu.enqueue_dma source(%dma_start3A_91 : memref<64x128xf32, #tpu.memory_space<vmem_shared>>) target(%arg11 : memref<64x128xf32, #tpu.memory_space<vmem>>) target_semaphore(%run_scoped3A : memref<!tpu.dma_semaphore, #tpu.memory_space<semaphore_mem>>)
      %dma_wait3A_92 = arith.constant 0 : i32
      %dma_wait3A_93 = tpu.memref_slice %arg24[%add3A_79, %dma_wait3A_92] : memref<10240x128xf32, #tpu.memory_space<vmem_shared>> -> memref<64x128xf32, #tpu.memory_space<vmem_shared>>
      %dma_wait3A_94 = arith.constant 0 : i32
      %dma_wait3A_95 = tpu.memref_slice %arg24[%add3A_79, %dma_wait3A_94] : memref<10240x128xf32, #tpu.memory_space<vmem_shared>> -> memref<64x128xf32, #tpu.memory_space<vmem_shared>>
      tpu.wait_dma2 semaphore(%run_scoped3A : memref<!tpu.dma_semaphore, #tpu.memory_space<semaphore_mem>>) src(%dma_wait3A_95 : memref<64x128xf32, #tpu.memory_space<vmem_shared>>) dst(%arg11 : memref<64x128xf32, #tpu.memory_space<vmem>>)
      tpu.yield
    }) : () -> ()
    "tpu.region"() ({
      %run_scoped3A = tpu.sem_alloc : memref<!tpu.dma_semaphore, #tpu.memory_space<semaphore_mem>>
      %dma_start3A_88 = arith.constant 0 : i32
      %dma_start3A_89 = tpu.memref_slice %arg6[%arg0, %add3A_79, %dma_start3A_88] : memref<2x10240x128xf32, #tpu.memory_space<hbm>> -> memref<1x64x128xf32, #tpu.memory_space<hbm>>
      %dma_start3A_90 = tpu.memref_squeeze %dma_start3A_89 : memref<1x64x128xf32, #tpu.memory_space<hbm>> -> memref<64x128xf32, #tpu.memory_space<hbm>>
      %dma_start3A_91 = arith.constant 0 : i32
      %dma_start3A_92 = tpu.memref_slice %arg6[%arg0, %add3A_79, %dma_start3A_91] : memref<2x10240x128xf32, #tpu.memory_space<hbm>> -> memref<1x64x128xf32, #tpu.memory_space<hbm>>
      %dma_start3A_93 = tpu.memref_squeeze %dma_start3A_92 : memref<1x64x128xf32, #tpu.memory_space<hbm>> -> memref<64x128xf32, #tpu.memory_space<hbm>>
      tpu.enqueue_dma source(%arg11 : memref<64x128xf32, #tpu.memory_space<vmem>>) target(%dma_start3A_93 : memref<64x128xf32, #tpu.memory_space<hbm>>) target_semaphore(%run_scoped3A : memref<!tpu.dma_semaphore, #tpu.memory_space<semaphore_mem>>)
      %dma_wait3A_94 = arith.constant 0 : i32
      %dma_wait3A_95 = tpu.memref_slice %arg6[%arg0, %add3A_79, %dma_wait3A_94] : memref<2x10240x128xf32, #tpu.memory_space<hbm>> -> memref<1x64x128xf32, #tpu.memory_space<hbm>>
      %dma_wait3A_96 = tpu.memref_squeeze %dma_wait3A_95 : memref<1x64x128xf32, #tpu.memory_space<hbm>> -> memref<64x128xf32, #tpu.memory_space<hbm>>
      %dma_wait3A_97 = arith.constant 0 : i32
      %dma_wait3A_98 = tpu.memref_slice %arg6[%arg0, %add3A_79, %dma_wait3A_97] : memref<2x10240x128xf32, #tpu.memory_space<hbm>> -> memref<1x64x128xf32, #tpu.memory_space<hbm>>
      %dma_wait3A_99 = tpu.memref_squeeze %dma_wait3A_98 : memref<1x64x128xf32, #tpu.memory_space<hbm>> -> memref<64x128xf32, #tpu.memory_space<hbm>>
      tpu.wait_dma2 semaphore(%run_scoped3A : memref<!tpu.dma_semaphore, #tpu.memory_space<semaphore_mem>>) src(%arg11 : memref<64x128xf32, #tpu.memory_space<vmem>>) dst(%dma_wait3A_99 : memref<64x128xf32, #tpu.memory_space<hbm>>)
      tpu.yield
    }) : () -> ()
    %add3A_80 = arith.constant 384 : i32
    %add3A_81 = arith.addi %mul3A_0, %add3A_80 : i32
    "tpu.region"() ({
      %run_scoped3A = tpu.sem_alloc : memref<!tpu.dma_semaphore, #tpu.memory_space<semaphore_mem>>
      %dma_start3A_88 = arith.constant 0 : i32
      %dma_start3A_89 = tpu.memref_slice %arg24[%add3A_81, %dma_start3A_88] : memref<10240x128xf32, #tpu.memory_space<vmem_shared>> -> memref<64x128xf32, #tpu.memory_space<vmem_shared>>
      %dma_start3A_90 = arith.constant 0 : i32
      %dma_start3A_91 = tpu.memref_slice %arg24[%add3A_81, %dma_start3A_90] : memref<10240x128xf32, #tpu.memory_space<vmem_shared>> -> memref<64x128xf32, #tpu.memory_space<vmem_shared>>
      tpu.enqueue_dma source(%dma_start3A_91 : memref<64x128xf32, #tpu.memory_space<vmem_shared>>) target(%arg11 : memref<64x128xf32, #tpu.memory_space<vmem>>) target_semaphore(%run_scoped3A : memref<!tpu.dma_semaphore, #tpu.memory_space<semaphore_mem>>)
      %dma_wait3A_92 = arith.constant 0 : i32
      %dma_wait3A_93 = tpu.memref_slice %arg24[%add3A_81, %dma_wait3A_92] : memref<10240x128xf32, #tpu.memory_space<vmem_shared>> -> memref<64x128xf32, #tpu.memory_space<vmem_shared>>
      %dma_wait3A_94 = arith.constant 0 : i32
      %dma_wait3A_95 = tpu.memref_slice %arg24[%add3A_81, %dma_wait3A_94] : memref<10240x128xf32, #tpu.memory_space<vmem_shared>> -> memref<64x128xf32, #tpu.memory_space<vmem_shared>>
      tpu.wait_dma2 semaphore(%run_scoped3A : memref<!tpu.dma_semaphore, #tpu.memory_space<semaphore_mem>>) src(%dma_wait3A_95 : memref<64x128xf32, #tpu.memory_space<vmem_shared>>) dst(%arg11 : memref<64x128xf32, #tpu.memory_space<vmem>>)
      tpu.yield
    }) : () -> ()
    "tpu.region"() ({
      %run_scoped3A = tpu.sem_alloc : memref<!tpu.dma_semaphore, #tpu.memory_space<semaphore_mem>>
      %dma_start3A_88 = arith.constant 0 : i32
      %dma_start3A_89 = tpu.memref_slice %arg6[%arg0, %add3A_81, %dma_start3A_88] : memref<2x10240x128xf32, #tpu.memory_space<hbm>> -> memref<1x64x128xf32, #tpu.memory_space<hbm>>
      %dma_start3A_90 = tpu.memref_squeeze %dma_start3A_89 : memref<1x64x128xf32, #tpu.memory_space<hbm>> -> memref<64x128xf32, #tpu.memory_space<hbm>>
      %dma_start3A_91 = arith.constant 0 : i32
      %dma_start3A_92 = tpu.memref_slice %arg6[%arg0, %add3A_81, %dma_start3A_91] : memref<2x10240x128xf32, #tpu.memory_space<hbm>> -> memref<1x64x128xf32, #tpu.memory_space<hbm>>
      %dma_start3A_93 = tpu.memref_squeeze %dma_start3A_92 : memref<1x64x128xf32, #tpu.memory_space<hbm>> -> memref<64x128xf32, #tpu.memory_space<hbm>>
      tpu.enqueue_dma source(%arg11 : memref<64x128xf32, #tpu.memory_space<vmem>>) target(%dma_start3A_93 : memref<64x128xf32, #tpu.memory_space<hbm>>) target_semaphore(%run_scoped3A : memref<!tpu.dma_semaphore, #tpu.memory_space<semaphore_mem>>)
      %dma_wait3A_94 = arith.constant 0 : i32
      %dma_wait3A_95 = tpu.memref_slice %arg6[%arg0, %add3A_81, %dma_wait3A_94] : memref<2x10240x128xf32, #tpu.memory_space<hbm>> -> memref<1x64x128xf32, #tpu.memory_space<hbm>>
      %dma_wait3A_96 = tpu.memref_squeeze %dma_wait3A_95 : memref<1x64x128xf32, #tpu.memory_space<hbm>> -> memref<64x128xf32, #tpu.memory_space<hbm>>
      %dma_wait3A_97 = arith.constant 0 : i32
      %dma_wait3A_98 = tpu.memref_slice %arg6[%arg0, %add3A_81, %dma_wait3A_97] : memref<2x10240x128xf32, #tpu.memory_space<hbm>> -> memref<1x64x128xf32, #tpu.memory_space<hbm>>
      %dma_wait3A_99 = tpu.memref_squeeze %dma_wait3A_98 : memref<1x64x128xf32, #tpu.memory_space<hbm>> -> memref<64x128xf32, #tpu.memory_space<hbm>>
      tpu.wait_dma2 semaphore(%run_scoped3A : memref<!tpu.dma_semaphore, #tpu.memory_space<semaphore_mem>>) src(%arg11 : memref<64x128xf32, #tpu.memory_space<vmem>>) dst(%dma_wait3A_99 : memref<64x128xf32, #tpu.memory_space<hbm>>)
      tpu.yield
    }) : () -> ()
    %add3A_82 = arith.constant 448 : i32
    %add3A_83 = arith.addi %mul3A_0, %add3A_82 : i32
    "tpu.region"() ({
      %run_scoped3A = tpu.sem_alloc : memref<!tpu.dma_semaphore, #tpu.memory_space<semaphore_mem>>
      %dma_start3A_88 = arith.constant 0 : i32
      %dma_start3A_89 = tpu.memref_slice %arg24[%add3A_83, %dma_start3A_88] : memref<10240x128xf32, #tpu.memory_space<vmem_shared>> -> memref<64x128xf32, #tpu.memory_space<vmem_shared>>
      %dma_start3A_90 = arith.constant 0 : i32
      %dma_start3A_91 = tpu.memref_slice %arg24[%add3A_83, %dma_start3A_90] : memref<10240x128xf32, #tpu.memory_space<vmem_shared>> -> memref<64x128xf32, #tpu.memory_space<vmem_shared>>
      tpu.enqueue_dma source(%dma_start3A_91 : memref<64x128xf32, #tpu.memory_space<vmem_shared>>) target(%arg11 : memref<64x128xf32, #tpu.memory_space<vmem>>) target_semaphore(%run_scoped3A : memref<!tpu.dma_semaphore, #tpu.memory_space<semaphore_mem>>)
      %dma_wait3A_92 = arith.constant 0 : i32
      %dma_wait3A_93 = tpu.memref_slice %arg24[%add3A_83, %dma_wait3A_92] : memref<10240x128xf32, #tpu.memory_space<vmem_shared>> -> memref<64x128xf32, #tpu.memory_space<vmem_shared>>
      %dma_wait3A_94 = arith.constant 0 : i32
      %dma_wait3A_95 = tpu.memref_slice %arg24[%add3A_83, %dma_wait3A_94] : memref<10240x128xf32, #tpu.memory_space<vmem_shared>> -> memref<64x128xf32, #tpu.memory_space<vmem_shared>>
      tpu.wait_dma2 semaphore(%run_scoped3A : memref<!tpu.dma_semaphore, #tpu.memory_space<semaphore_mem>>) src(%dma_wait3A_95 : memref<64x128xf32, #tpu.memory_space<vmem_shared>>) dst(%arg11 : memref<64x128xf32, #tpu.memory_space<vmem>>)
      tpu.yield
    }) : () -> ()
    "tpu.region"() ({
      %run_scoped3A = tpu.sem_alloc : memref<!tpu.dma_semaphore, #tpu.memory_space<semaphore_mem>>
      %dma_start3A_88 = arith.constant 0 : i32
      %dma_start3A_89 = tpu.memref_slice %arg6[%arg0, %add3A_83, %dma_start3A_88] : memref<2x10240x128xf32, #tpu.memory_space<hbm>> -> memref<1x64x128xf32, #tpu.memory_space<hbm>>
      %dma_start3A_90 = tpu.memref_squeeze %dma_start3A_89 : memref<1x64x128xf32, #tpu.memory_space<hbm>> -> memref<64x128xf32, #tpu.memory_space<hbm>>
      %dma_start3A_91 = arith.constant 0 : i32
      %dma_start3A_92 = tpu.memref_slice %arg6[%arg0, %add3A_83, %dma_start3A_91] : memref<2x10240x128xf32, #tpu.memory_space<hbm>> -> memref<1x64x128xf32, #tpu.memory_space<hbm>>
      %dma_start3A_93 = tpu.memref_squeeze %dma_start3A_92 : memref<1x64x128xf32, #tpu.memory_space<hbm>> -> memref<64x128xf32, #tpu.memory_space<hbm>>
      tpu.enqueue_dma source(%arg11 : memref<64x128xf32, #tpu.memory_space<vmem>>) target(%dma_start3A_93 : memref<64x128xf32, #tpu.memory_space<hbm>>) target_semaphore(%run_scoped3A : memref<!tpu.dma_semaphore, #tpu.memory_space<semaphore_mem>>)
      %dma_wait3A_94 = arith.constant 0 : i32
      %dma_wait3A_95 = tpu.memref_slice %arg6[%arg0, %add3A_83, %dma_wait3A_94] : memref<2x10240x128xf32, #tpu.memory_space<hbm>> -> memref<1x64x128xf32, #tpu.memory_space<hbm>>
      %dma_wait3A_96 = tpu.memref_squeeze %dma_wait3A_95 : memref<1x64x128xf32, #tpu.memory_space<hbm>> -> memref<64x128xf32, #tpu.memory_space<hbm>>
      %dma_wait3A_97 = arith.constant 0 : i32
      %dma_wait3A_98 = tpu.memref_slice %arg6[%arg0, %add3A_83, %dma_wait3A_97] : memref<2x10240x128xf32, #tpu.memory_space<hbm>> -> memref<1x64x128xf32, #tpu.memory_space<hbm>>
      %dma_wait3A_99 = tpu.memref_squeeze %dma_wait3A_98 : memref<1x64x128xf32, #tpu.memory_space<hbm>> -> memref<64x128xf32, #tpu.memory_space<hbm>>
      tpu.wait_dma2 semaphore(%run_scoped3A : memref<!tpu.dma_semaphore, #tpu.memory_space<semaphore_mem>>) src(%arg11 : memref<64x128xf32, #tpu.memory_space<vmem>>) dst(%dma_wait3A_99 : memref<64x128xf32, #tpu.memory_space<hbm>>)
      tpu.yield
    }) : () -> ()
    %add3A_84 = arith.constant 512 : i32
    %add3A_85 = arith.addi %mul3A_0, %add3A_84 : i32
    "tpu.region"() ({
      %run_scoped3A = tpu.sem_alloc : memref<!tpu.dma_semaphore, #tpu.memory_space<semaphore_mem>>
      %dma_start3A_88 = arith.constant 0 : i32
      %dma_start3A_89 = tpu.memref_slice %arg24[%add3A_85, %dma_start3A_88] : memref<10240x128xf32, #tpu.memory_space<vmem_shared>> -> memref<64x128xf32, #tpu.memory_space<vmem_shared>>
      %dma_start3A_90 = arith.constant 0 : i32
      %dma_start3A_91 = tpu.memref_slice %arg24[%add3A_85, %dma_start3A_90] : memref<10240x128xf32, #tpu.memory_space<vmem_shared>> -> memref<64x128xf32, #tpu.memory_space<vmem_shared>>
      tpu.enqueue_dma source(%dma_start3A_91 : memref<64x128xf32, #tpu.memory_space<vmem_shared>>) target(%arg11 : memref<64x128xf32, #tpu.memory_space<vmem>>) target_semaphore(%run_scoped3A : memref<!tpu.dma_semaphore, #tpu.memory_space<semaphore_mem>>)
      %dma_wait3A_92 = arith.constant 0 : i32
      %dma_wait3A_93 = tpu.memref_slice %arg24[%add3A_85, %dma_wait3A_92] : memref<10240x128xf32, #tpu.memory_space<vmem_shared>> -> memref<64x128xf32, #tpu.memory_space<vmem_shared>>
      %dma_wait3A_94 = arith.constant 0 : i32
      %dma_wait3A_95 = tpu.memref_slice %arg24[%add3A_85, %dma_wait3A_94] : memref<10240x128xf32, #tpu.memory_space<vmem_shared>> -> memref<64x128xf32, #tpu.memory_space<vmem_shared>>
      tpu.wait_dma2 semaphore(%run_scoped3A : memref<!tpu.dma_semaphore, #tpu.memory_space<semaphore_mem>>) src(%dma_wait3A_95 : memref<64x128xf32, #tpu.memory_space<vmem_shared>>) dst(%arg11 : memref<64x128xf32, #tpu.memory_space<vmem>>)
      tpu.yield
    }) : () -> ()
    "tpu.region"() ({
      %run_scoped3A = tpu.sem_alloc : memref<!tpu.dma_semaphore, #tpu.memory_space<semaphore_mem>>
      %dma_start3A_88 = arith.constant 0 : i32
      %dma_start3A_89 = tpu.memref_slice %arg6[%arg0, %add3A_85, %dma_start3A_88] : memref<2x10240x128xf32, #tpu.memory_space<hbm>> -> memref<1x64x128xf32, #tpu.memory_space<hbm>>
      %dma_start3A_90 = tpu.memref_squeeze %dma_start3A_89 : memref<1x64x128xf32, #tpu.memory_space<hbm>> -> memref<64x128xf32, #tpu.memory_space<hbm>>
      %dma_start3A_91 = arith.constant 0 : i32
      %dma_start3A_92 = tpu.memref_slice %arg6[%arg0, %add3A_85, %dma_start3A_91] : memref<2x10240x128xf32, #tpu.memory_space<hbm>> -> memref<1x64x128xf32, #tpu.memory_space<hbm>>
      %dma_start3A_93 = tpu.memref_squeeze %dma_start3A_92 : memref<1x64x128xf32, #tpu.memory_space<hbm>> -> memref<64x128xf32, #tpu.memory_space<hbm>>
      tpu.enqueue_dma source(%arg11 : memref<64x128xf32, #tpu.memory_space<vmem>>) target(%dma_start3A_93 : memref<64x128xf32, #tpu.memory_space<hbm>>) target_semaphore(%run_scoped3A : memref<!tpu.dma_semaphore, #tpu.memory_space<semaphore_mem>>)
      %dma_wait3A_94 = arith.constant 0 : i32
      %dma_wait3A_95 = tpu.memref_slice %arg6[%arg0, %add3A_85, %dma_wait3A_94] : memref<2x10240x128xf32, #tpu.memory_space<hbm>> -> memref<1x64x128xf32, #tpu.memory_space<hbm>>
      %dma_wait3A_96 = tpu.memref_squeeze %dma_wait3A_95 : memref<1x64x128xf32, #tpu.memory_space<hbm>> -> memref<64x128xf32, #tpu.memory_space<hbm>>
      %dma_wait3A_97 = arith.constant 0 : i32
      %dma_wait3A_98 = tpu.memref_slice %arg6[%arg0, %add3A_85, %dma_wait3A_97] : memref<2x10240x128xf32, #tpu.memory_space<hbm>> -> memref<1x64x128xf32, #tpu.memory_space<hbm>>
      %dma_wait3A_99 = tpu.memref_squeeze %dma_wait3A_98 : memref<1x64x128xf32, #tpu.memory_space<hbm>> -> memref<64x128xf32, #tpu.memory_space<hbm>>
      tpu.wait_dma2 semaphore(%run_scoped3A : memref<!tpu.dma_semaphore, #tpu.memory_space<semaphore_mem>>) src(%arg11 : memref<64x128xf32, #tpu.memory_space<vmem>>) dst(%dma_wait3A_99 : memref<64x128xf32, #tpu.memory_space<hbm>>)
      tpu.yield
    }) : () -> ()
    %add3A_86 = arith.constant 576 : i32
    %add3A_87 = arith.addi %mul3A_0, %add3A_86 : i32
    "tpu.region"() ({
      %run_scoped3A = tpu.sem_alloc : memref<!tpu.dma_semaphore, #tpu.memory_space<semaphore_mem>>
      %dma_start3A_88 = arith.constant 0 : i32
      %dma_start3A_89 = tpu.memref_slice %arg24[%add3A_87, %dma_start3A_88] : memref<10240x128xf32, #tpu.memory_space<vmem_shared>> -> memref<64x128xf32, #tpu.memory_space<vmem_shared>>
      %dma_start3A_90 = arith.constant 0 : i32
      %dma_start3A_91 = tpu.memref_slice %arg24[%add3A_87, %dma_start3A_90] : memref<10240x128xf32, #tpu.memory_space<vmem_shared>> -> memref<64x128xf32, #tpu.memory_space<vmem_shared>>
      tpu.enqueue_dma source(%dma_start3A_91 : memref<64x128xf32, #tpu.memory_space<vmem_shared>>) target(%arg11 : memref<64x128xf32, #tpu.memory_space<vmem>>) target_semaphore(%run_scoped3A : memref<!tpu.dma_semaphore, #tpu.memory_space<semaphore_mem>>)
      %dma_wait3A_92 = arith.constant 0 : i32
      %dma_wait3A_93 = tpu.memref_slice %arg24[%add3A_87, %dma_wait3A_92] : memref<10240x128xf32, #tpu.memory_space<vmem_shared>> -> memref<64x128xf32, #tpu.memory_space<vmem_shared>>
      %dma_wait3A_94 = arith.constant 0 : i32
      %dma_wait3A_95 = tpu.memref_slice %arg24[%add3A_87, %dma_wait3A_94] : memref<10240x128xf32, #tpu.memory_space<vmem_shared>> -> memref<64x128xf32, #tpu.memory_space<vmem_shared>>
      tpu.wait_dma2 semaphore(%run_scoped3A : memref<!tpu.dma_semaphore, #tpu.memory_space<semaphore_mem>>) src(%dma_wait3A_95 : memref<64x128xf32, #tpu.memory_space<vmem_shared>>) dst(%arg11 : memref<64x128xf32, #tpu.memory_space<vmem>>)
      tpu.yield
    }) : () -> ()
    "tpu.region"() ({
      %run_scoped3A = tpu.sem_alloc : memref<!tpu.dma_semaphore, #tpu.memory_space<semaphore_mem>>
      %dma_start3A_88 = arith.constant 0 : i32
      %dma_start3A_89 = tpu.memref_slice %arg6[%arg0, %add3A_87, %dma_start3A_88] : memref<2x10240x128xf32, #tpu.memory_space<hbm>> -> memref<1x64x128xf32, #tpu.memory_space<hbm>>
      %dma_start3A_90 = tpu.memref_squeeze %dma_start3A_89 : memref<1x64x128xf32, #tpu.memory_space<hbm>> -> memref<64x128xf32, #tpu.memory_space<hbm>>
      %dma_start3A_91 = arith.constant 0 : i32
      %dma_start3A_92 = tpu.memref_slice %arg6[%arg0, %add3A_87, %dma_start3A_91] : memref<2x10240x128xf32, #tpu.memory_space<hbm>> -> memref<1x64x128xf32, #tpu.memory_space<hbm>>
      %dma_start3A_93 = tpu.memref_squeeze %dma_start3A_92 : memref<1x64x128xf32, #tpu.memory_space<hbm>> -> memref<64x128xf32, #tpu.memory_space<hbm>>
      tpu.enqueue_dma source(%arg11 : memref<64x128xf32, #tpu.memory_space<vmem>>) target(%dma_start3A_93 : memref<64x128xf32, #tpu.memory_space<hbm>>) target_semaphore(%run_scoped3A : memref<!tpu.dma_semaphore, #tpu.memory_space<semaphore_mem>>)
      %dma_wait3A_94 = arith.constant 0 : i32
      %dma_wait3A_95 = tpu.memref_slice %arg6[%arg0, %add3A_87, %dma_wait3A_94] : memref<2x10240x128xf32, #tpu.memory_space<hbm>> -> memref<1x64x128xf32, #tpu.memory_space<hbm>>
      %dma_wait3A_96 = tpu.memref_squeeze %dma_wait3A_95 : memref<1x64x128xf32, #tpu.memory_space<hbm>> -> memref<64x128xf32, #tpu.memory_space<hbm>>
      %dma_wait3A_97 = arith.constant 0 : i32
      %dma_wait3A_98 = tpu.memref_slice %arg6[%arg0, %add3A_87, %dma_wait3A_97] : memref<2x10240x128xf32, #tpu.memory_space<hbm>> -> memref<1x64x128xf32, #tpu.memory_space<hbm>>
      %dma_wait3A_99 = tpu.memref_squeeze %dma_wait3A_98 : memref<1x64x128xf32, #tpu.memory_space<hbm>> -> memref<64x128xf32, #tpu.memory_space<hbm>>
      tpu.wait_dma2 semaphore(%run_scoped3A : memref<!tpu.dma_semaphore, #tpu.memory_space<semaphore_mem>>) src(%arg11 : memref<64x128xf32, #tpu.memory_space<vmem>>) dst(%dma_wait3A_99 : memref<64x128xf32, #tpu.memory_space<hbm>>)
      tpu.yield
    }) : () -> ()
    return
  }
}

#map = affine_map<(d0, d1) -> (0, 0, 0)>
#map1 = affine_map<(d0, d1) -> (0, 0, 0, 0)>
#map2 = affine_map<(d0, d1) -> (0, 0)>
module attributes {stable_mosaic.version = 14 : i64} {
  func.func @_agg(%arg0: i32, %arg1: i32, %arg2: memref<2x10000x128xf32, #tpu.memory_space<hbm>>, %arg3: memref<2x640x8x64xi32, #tpu.memory_space<hbm>>, %arg4: memref<2x640x8x64xi32, #tpu.memory_space<hbm>>, %arg5: memref<128x128xf32, #tpu.memory_space<hbm>>, %arg6: memref<2x10240x128xf32, #tpu.memory_space<hbm>>, %arg7: memref<8x64xi32, #tpu.memory_space<vmem>>, %arg8: memref<8x64xi32, #tpu.memory_space<vmem>>, %arg9: memref<8x64xi32, #tpu.memory_space<vmem>>, %arg10: memref<8x64xi32, #tpu.memory_space<vmem>>, %arg11: memref<64x128xf32, #tpu.memory_space<vmem>>, %arg12: memref<64x128xf32, #tpu.memory_space<vmem>>, %arg13: memref<64x128xf32, #tpu.memory_space<vmem>>, %arg14: memref<64x128xf32, #tpu.memory_space<vmem>>, %arg15: memref<64x128xf32, #tpu.memory_space<vmem>>, %arg16: memref<!tpu.dma_semaphore, #tpu.memory_space<semaphore_mem>>, %arg17: memref<!tpu.dma_semaphore, #tpu.memory_space<semaphore_mem>>, %arg18: memref<!tpu.dma_semaphore, #tpu.memory_space<semaphore_mem>>, %arg19: memref<!tpu.dma_semaphore, #tpu.memory_space<semaphore_mem>>, %arg20: memref<!tpu.dma_semaphore, #tpu.memory_space<semaphore_mem>>, %arg21: memref<!tpu.dma_semaphore, #tpu.memory_space<semaphore_mem>>, %arg22: memref<!tpu.dma_semaphore, #tpu.memory_space<semaphore_mem>>, %arg23: memref<!tpu.dma_semaphore, #tpu.memory_space<semaphore_mem>>, %arg24: memref<10240x128xf32, #tpu.memory_space<vmem_shared>>) attributes {dimension_semantics = [#tpu.dimension_semantics<core_parallel>, #tpu.dimension_semantics<subcore_parallel>], iteration_bounds = array<i64: 2, 16>, scalar_prefetch = 0 : i64, scratch_operands = 18 : i64, tpu.core_type = #tpu.core_type<sc_vector_subcore>, window_params = [{transform_indices = #map}, {transform_indices = #map1}, {transform_indices = #map1}, {transform_indices = #map2}, {transform_indices = #map}]} {
    %mul3A = arith.constant 640 : i32
    %mul3A_0 = arith.muli %arg1, %mul3A : i32
    "tpu.region"() ({
      %run_scoped3A = tpu.sem_alloc : memref<!tpu.dma_semaphore, #tpu.memory_space<semaphore_mem>>
      %dma_start3A_88 = arith.constant 0 : i32
      %dma_start3A_89 = arith.constant 0 : i32
      %dma_start3A_90 = tpu.memref_slice %arg5[%dma_start3A_88, %dma_start3A_89] : memref<128x128xf32, #tpu.memory_space<hbm>> -> memref<64x128xf32, #tpu.memory_space<hbm>>
      %dma_start3A_91 = arith.constant 0 : i32
      %dma_start3A_92 = arith.constant 0 : i32
      %dma_start3A_93 = tpu.memref_slice %arg5[%dma_start3A_91, %dma_start3A_92] : memref<128x128xf32, #tpu.memory_space<hbm>> -> memref<64x128xf32, #tpu.memory_space<hbm>>
      tpu.enqueue_dma source(%dma_start3A_93 : memref<64x128xf32, #tpu.memory_space<hbm>>) target(%arg11 : memref<64x128xf32, #tpu.memory_space<vmem>>) target_semaphore(%run_scoped3A : memref<!tpu.dma_semaphore, #tpu.memory_space<semaphore_mem>>)
      %dma_wait3A_94 = arith.constant 0 : i32
      %dma_wait3A_95 = arith.constant 0 : i32
      %dma_wait3A_96 = tpu.memref_slice %arg5[%dma_wait3A_94, %dma_wait3A_95] : memref<128x128xf32, #tpu.memory_space<hbm>> -> memref<64x128xf32, #tpu.memory_space<hbm>>
      %dma_wait3A_97 = arith.constant 0 : i32
      %dma_wait3A_98 = arith.constant 0 : i32
      %dma_wait3A_99 = tpu.memref_slice %arg5[%dma_wait3A_97, %dma_wait3A_98] : memref<128x128xf32, #tpu.memory_space<hbm>> -> memref<64x128xf32, #tpu.memory_space<hbm>>
      tpu.wait_dma2 semaphore(%run_scoped3A : memref<!tpu.dma_semaphore, #tpu.memory_space<semaphore_mem>>) src(%dma_wait3A_99 : memref<64x128xf32, #tpu.memory_space<hbm>>) dst(%arg11 : memref<64x128xf32, #tpu.memory_space<vmem>>)
      tpu.yield
    }) : () -> ()
    %add3A = arith.constant 0 : i32
    %add3A_1 = arith.addi %mul3A_0, %add3A : i32
    "tpu.region"() ({
      %run_scoped3A = tpu.sem_alloc : memref<!tpu.dma_semaphore, #tpu.memory_space<semaphore_mem>>
      %dma_start3A_88 = arith.constant 0 : i32
      %dma_start3A_89 = tpu.memref_slice %arg24[%add3A_1, %dma_start3A_88] : memref<10240x128xf32, #tpu.memory_space<vmem_shared>> -> memref<64x128xf32, #tpu.memory_space<vmem_shared>>
      %dma_start3A_90 = arith.constant 0 : i32
      %dma_start3A_91 = tpu.memref_slice %arg24[%add3A_1, %dma_start3A_90] : memref<10240x128xf32, #tpu.memory_space<vmem_shared>> -> memref<64x128xf32, #tpu.memory_space<vmem_shared>>
      tpu.enqueue_dma source(%arg11 : memref<64x128xf32, #tpu.memory_space<vmem>>) target(%dma_start3A_91 : memref<64x128xf32, #tpu.memory_space<vmem_shared>>) target_semaphore(%run_scoped3A : memref<!tpu.dma_semaphore, #tpu.memory_space<semaphore_mem>>)
      %dma_wait3A_92 = arith.constant 0 : i32
      %dma_wait3A_93 = tpu.memref_slice %arg24[%add3A_1, %dma_wait3A_92] : memref<10240x128xf32, #tpu.memory_space<vmem_shared>> -> memref<64x128xf32, #tpu.memory_space<vmem_shared>>
      %dma_wait3A_94 = arith.constant 0 : i32
      %dma_wait3A_95 = tpu.memref_slice %arg24[%add3A_1, %dma_wait3A_94] : memref<10240x128xf32, #tpu.memory_space<vmem_shared>> -> memref<64x128xf32, #tpu.memory_space<vmem_shared>>
      tpu.wait_dma2 semaphore(%run_scoped3A : memref<!tpu.dma_semaphore, #tpu.memory_space<semaphore_mem>>) src(%arg11 : memref<64x128xf32, #tpu.memory_space<vmem>>) dst(%dma_wait3A_95 : memref<64x128xf32, #tpu.memory_space<vmem_shared>>)
      tpu.yield
    }) : () -> ()
    %add3A_2 = arith.constant 64 : i32
    %add3A_3 = arith.addi %mul3A_0, %add3A_2 : i32
    "tpu.region"() ({
      %run_scoped3A = tpu.sem_alloc : memref<!tpu.dma_semaphore, #tpu.memory_space<semaphore_mem>>
      %dma_start3A_88 = arith.constant 0 : i32
      %dma_start3A_89 = tpu.memref_slice %arg24[%add3A_3, %dma_start3A_88] : memref<10240x128xf32, #tpu.memory_space<vmem_shared>> -> memref<64x128xf32, #tpu.memory_space<vmem_shared>>
      %dma_start3A_90 = arith.constant 0 : i32
      %dma_start3A_91 = tpu.memref_slice %arg24[%add3A_3, %dma_start3A_90] : memref<10240x128xf32, #tpu.memory_space<vmem_shared>> -> memref<64x128xf32, #tpu.memory_space<vmem_shared>>
      tpu.enqueue_dma source(%arg11 : memref<64x128xf32, #tpu.memory_space<vmem>>) target(%dma_start3A_91 : memref<64x128xf32, #tpu.memory_space<vmem_shared>>) target_semaphore(%run_scoped3A : memref<!tpu.dma_semaphore, #tpu.memory_space<semaphore_mem>>)
      %dma_wait3A_92 = arith.constant 0 : i32
      %dma_wait3A_93 = tpu.memref_slice %arg24[%add3A_3, %dma_wait3A_92] : memref<10240x128xf32, #tpu.memory_space<vmem_shared>> -> memref<64x128xf32, #tpu.memory_space<vmem_shared>>
      %dma_wait3A_94 = arith.constant 0 : i32
      %dma_wait3A_95 = tpu.memref_slice %arg24[%add3A_3, %dma_wait3A_94] : memref<10240x128xf32, #tpu.memory_space<vmem_shared>> -> memref<64x128xf32, #tpu.memory_space<vmem_shared>>
      tpu.wait_dma2 semaphore(%run_scoped3A : memref<!tpu.dma_semaphore, #tpu.memory_space<semaphore_mem>>) src(%arg11 : memref<64x128xf32, #tpu.memory_space<vmem>>) dst(%dma_wait3A_95 : memref<64x128xf32, #tpu.memory_space<vmem_shared>>)
      tpu.yield
    }) : () -> ()
    %add3A_4 = arith.constant 128 : i32
    %add3A_5 = arith.addi %mul3A_0, %add3A_4 : i32
    "tpu.region"() ({
      %run_scoped3A = tpu.sem_alloc : memref<!tpu.dma_semaphore, #tpu.memory_space<semaphore_mem>>
      %dma_start3A_88 = arith.constant 0 : i32
      %dma_start3A_89 = tpu.memref_slice %arg24[%add3A_5, %dma_start3A_88] : memref<10240x128xf32, #tpu.memory_space<vmem_shared>> -> memref<64x128xf32, #tpu.memory_space<vmem_shared>>
      %dma_start3A_90 = arith.constant 0 : i32
      %dma_start3A_91 = tpu.memref_slice %arg24[%add3A_5, %dma_start3A_90] : memref<10240x128xf32, #tpu.memory_space<vmem_shared>> -> memref<64x128xf32, #tpu.memory_space<vmem_shared>>
      tpu.enqueue_dma source(%arg11 : memref<64x128xf32, #tpu.memory_space<vmem>>) target(%dma_start3A_91 : memref<64x128xf32, #tpu.memory_space<vmem_shared>>) target_semaphore(%run_scoped3A : memref<!tpu.dma_semaphore, #tpu.memory_space<semaphore_mem>>)
      %dma_wait3A_92 = arith.constant 0 : i32
      %dma_wait3A_93 = tpu.memref_slice %arg24[%add3A_5, %dma_wait3A_92] : memref<10240x128xf32, #tpu.memory_space<vmem_shared>> -> memref<64x128xf32, #tpu.memory_space<vmem_shared>>
      %dma_wait3A_94 = arith.constant 0 : i32
      %dma_wait3A_95 = tpu.memref_slice %arg24[%add3A_5, %dma_wait3A_94] : memref<10240x128xf32, #tpu.memory_space<vmem_shared>> -> memref<64x128xf32, #tpu.memory_space<vmem_shared>>
      tpu.wait_dma2 semaphore(%run_scoped3A : memref<!tpu.dma_semaphore, #tpu.memory_space<semaphore_mem>>) src(%arg11 : memref<64x128xf32, #tpu.memory_space<vmem>>) dst(%dma_wait3A_95 : memref<64x128xf32, #tpu.memory_space<vmem_shared>>)
      tpu.yield
    }) : () -> ()
    %add3A_6 = arith.constant 192 : i32
    %add3A_7 = arith.addi %mul3A_0, %add3A_6 : i32
    "tpu.region"() ({
      %run_scoped3A = tpu.sem_alloc : memref<!tpu.dma_semaphore, #tpu.memory_space<semaphore_mem>>
      %dma_start3A_88 = arith.constant 0 : i32
      %dma_start3A_89 = tpu.memref_slice %arg24[%add3A_7, %dma_start3A_88] : memref<10240x128xf32, #tpu.memory_space<vmem_shared>> -> memref<64x128xf32, #tpu.memory_space<vmem_shared>>
      %dma_start3A_90 = arith.constant 0 : i32
      %dma_start3A_91 = tpu.memref_slice %arg24[%add3A_7, %dma_start3A_90] : memref<10240x128xf32, #tpu.memory_space<vmem_shared>> -> memref<64x128xf32, #tpu.memory_space<vmem_shared>>
      tpu.enqueue_dma source(%arg11 : memref<64x128xf32, #tpu.memory_space<vmem>>) target(%dma_start3A_91 : memref<64x128xf32, #tpu.memory_space<vmem_shared>>) target_semaphore(%run_scoped3A : memref<!tpu.dma_semaphore, #tpu.memory_space<semaphore_mem>>)
      %dma_wait3A_92 = arith.constant 0 : i32
      %dma_wait3A_93 = tpu.memref_slice %arg24[%add3A_7, %dma_wait3A_92] : memref<10240x128xf32, #tpu.memory_space<vmem_shared>> -> memref<64x128xf32, #tpu.memory_space<vmem_shared>>
      %dma_wait3A_94 = arith.constant 0 : i32
      %dma_wait3A_95 = tpu.memref_slice %arg24[%add3A_7, %dma_wait3A_94] : memref<10240x128xf32, #tpu.memory_space<vmem_shared>> -> memref<64x128xf32, #tpu.memory_space<vmem_shared>>
      tpu.wait_dma2 semaphore(%run_scoped3A : memref<!tpu.dma_semaphore, #tpu.memory_space<semaphore_mem>>) src(%arg11 : memref<64x128xf32, #tpu.memory_space<vmem>>) dst(%dma_wait3A_95 : memref<64x128xf32, #tpu.memory_space<vmem_shared>>)
      tpu.yield
    }) : () -> ()
    %add3A_8 = arith.constant 256 : i32
    %add3A_9 = arith.addi %mul3A_0, %add3A_8 : i32
    "tpu.region"() ({
      %run_scoped3A = tpu.sem_alloc : memref<!tpu.dma_semaphore, #tpu.memory_space<semaphore_mem>>
      %dma_start3A_88 = arith.constant 0 : i32
      %dma_start3A_89 = tpu.memref_slice %arg24[%add3A_9, %dma_start3A_88] : memref<10240x128xf32, #tpu.memory_space<vmem_shared>> -> memref<64x128xf32, #tpu.memory_space<vmem_shared>>
      %dma_start3A_90 = arith.constant 0 : i32
      %dma_start3A_91 = tpu.memref_slice %arg24[%add3A_9, %dma_start3A_90] : memref<10240x128xf32, #tpu.memory_space<vmem_shared>> -> memref<64x128xf32, #tpu.memory_space<vmem_shared>>
      tpu.enqueue_dma source(%arg11 : memref<64x128xf32, #tpu.memory_space<vmem>>) target(%dma_start3A_91 : memref<64x128xf32, #tpu.memory_space<vmem_shared>>) target_semaphore(%run_scoped3A : memref<!tpu.dma_semaphore, #tpu.memory_space<semaphore_mem>>)
      %dma_wait3A_92 = arith.constant 0 : i32
      %dma_wait3A_93 = tpu.memref_slice %arg24[%add3A_9, %dma_wait3A_92] : memref<10240x128xf32, #tpu.memory_space<vmem_shared>> -> memref<64x128xf32, #tpu.memory_space<vmem_shared>>
      %dma_wait3A_94 = arith.constant 0 : i32
      %dma_wait3A_95 = tpu.memref_slice %arg24[%add3A_9, %dma_wait3A_94] : memref<10240x128xf32, #tpu.memory_space<vmem_shared>> -> memref<64x128xf32, #tpu.memory_space<vmem_shared>>
      tpu.wait_dma2 semaphore(%run_scoped3A : memref<!tpu.dma_semaphore, #tpu.memory_space<semaphore_mem>>) src(%arg11 : memref<64x128xf32, #tpu.memory_space<vmem>>) dst(%dma_wait3A_95 : memref<64x128xf32, #tpu.memory_space<vmem_shared>>)
      tpu.yield
    }) : () -> ()
    %add3A_10 = arith.constant 320 : i32
    %add3A_11 = arith.addi %mul3A_0, %add3A_10 : i32
    "tpu.region"() ({
      %run_scoped3A = tpu.sem_alloc : memref<!tpu.dma_semaphore, #tpu.memory_space<semaphore_mem>>
      %dma_start3A_88 = arith.constant 0 : i32
      %dma_start3A_89 = tpu.memref_slice %arg24[%add3A_11, %dma_start3A_88] : memref<10240x128xf32, #tpu.memory_space<vmem_shared>> -> memref<64x128xf32, #tpu.memory_space<vmem_shared>>
      %dma_start3A_90 = arith.constant 0 : i32
      %dma_start3A_91 = tpu.memref_slice %arg24[%add3A_11, %dma_start3A_90] : memref<10240x128xf32, #tpu.memory_space<vmem_shared>> -> memref<64x128xf32, #tpu.memory_space<vmem_shared>>
      tpu.enqueue_dma source(%arg11 : memref<64x128xf32, #tpu.memory_space<vmem>>) target(%dma_start3A_91 : memref<64x128xf32, #tpu.memory_space<vmem_shared>>) target_semaphore(%run_scoped3A : memref<!tpu.dma_semaphore, #tpu.memory_space<semaphore_mem>>)
      %dma_wait3A_92 = arith.constant 0 : i32
      %dma_wait3A_93 = tpu.memref_slice %arg24[%add3A_11, %dma_wait3A_92] : memref<10240x128xf32, #tpu.memory_space<vmem_shared>> -> memref<64x128xf32, #tpu.memory_space<vmem_shared>>
      %dma_wait3A_94 = arith.constant 0 : i32
      %dma_wait3A_95 = tpu.memref_slice %arg24[%add3A_11, %dma_wait3A_94] : memref<10240x128xf32, #tpu.memory_space<vmem_shared>> -> memref<64x128xf32, #tpu.memory_space<vmem_shared>>
      tpu.wait_dma2 semaphore(%run_scoped3A : memref<!tpu.dma_semaphore, #tpu.memory_space<semaphore_mem>>) src(%arg11 : memref<64x128xf32, #tpu.memory_space<vmem>>) dst(%dma_wait3A_95 : memref<64x128xf32, #tpu.memory_space<vmem_shared>>)
      tpu.yield
    }) : () -> ()
    %add3A_12 = arith.constant 384 : i32
    %add3A_13 = arith.addi %mul3A_0, %add3A_12 : i32
    "tpu.region"() ({
      %run_scoped3A = tpu.sem_alloc : memref<!tpu.dma_semaphore, #tpu.memory_space<semaphore_mem>>
      %dma_start3A_88 = arith.constant 0 : i32
      %dma_start3A_89 = tpu.memref_slice %arg24[%add3A_13, %dma_start3A_88] : memref<10240x128xf32, #tpu.memory_space<vmem_shared>> -> memref<64x128xf32, #tpu.memory_space<vmem_shared>>
      %dma_start3A_90 = arith.constant 0 : i32
      %dma_start3A_91 = tpu.memref_slice %arg24[%add3A_13, %dma_start3A_90] : memref<10240x128xf32, #tpu.memory_space<vmem_shared>> -> memref<64x128xf32, #tpu.memory_space<vmem_shared>>
      tpu.enqueue_dma source(%arg11 : memref<64x128xf32, #tpu.memory_space<vmem>>) target(%dma_start3A_91 : memref<64x128xf32, #tpu.memory_space<vmem_shared>>) target_semaphore(%run_scoped3A : memref<!tpu.dma_semaphore, #tpu.memory_space<semaphore_mem>>)
      %dma_wait3A_92 = arith.constant 0 : i32
      %dma_wait3A_93 = tpu.memref_slice %arg24[%add3A_13, %dma_wait3A_92] : memref<10240x128xf32, #tpu.memory_space<vmem_shared>> -> memref<64x128xf32, #tpu.memory_space<vmem_shared>>
      %dma_wait3A_94 = arith.constant 0 : i32
      %dma_wait3A_95 = tpu.memref_slice %arg24[%add3A_13, %dma_wait3A_94] : memref<10240x128xf32, #tpu.memory_space<vmem_shared>> -> memref<64x128xf32, #tpu.memory_space<vmem_shared>>
      tpu.wait_dma2 semaphore(%run_scoped3A : memref<!tpu.dma_semaphore, #tpu.memory_space<semaphore_mem>>) src(%arg11 : memref<64x128xf32, #tpu.memory_space<vmem>>) dst(%dma_wait3A_95 : memref<64x128xf32, #tpu.memory_space<vmem_shared>>)
      tpu.yield
    }) : () -> ()
    %add3A_14 = arith.constant 448 : i32
    %add3A_15 = arith.addi %mul3A_0, %add3A_14 : i32
    "tpu.region"() ({
      %run_scoped3A = tpu.sem_alloc : memref<!tpu.dma_semaphore, #tpu.memory_space<semaphore_mem>>
      %dma_start3A_88 = arith.constant 0 : i32
      %dma_start3A_89 = tpu.memref_slice %arg24[%add3A_15, %dma_start3A_88] : memref<10240x128xf32, #tpu.memory_space<vmem_shared>> -> memref<64x128xf32, #tpu.memory_space<vmem_shared>>
      %dma_start3A_90 = arith.constant 0 : i32
      %dma_start3A_91 = tpu.memref_slice %arg24[%add3A_15, %dma_start3A_90] : memref<10240x128xf32, #tpu.memory_space<vmem_shared>> -> memref<64x128xf32, #tpu.memory_space<vmem_shared>>
      tpu.enqueue_dma source(%arg11 : memref<64x128xf32, #tpu.memory_space<vmem>>) target(%dma_start3A_91 : memref<64x128xf32, #tpu.memory_space<vmem_shared>>) target_semaphore(%run_scoped3A : memref<!tpu.dma_semaphore, #tpu.memory_space<semaphore_mem>>)
      %dma_wait3A_92 = arith.constant 0 : i32
      %dma_wait3A_93 = tpu.memref_slice %arg24[%add3A_15, %dma_wait3A_92] : memref<10240x128xf32, #tpu.memory_space<vmem_shared>> -> memref<64x128xf32, #tpu.memory_space<vmem_shared>>
      %dma_wait3A_94 = arith.constant 0 : i32
      %dma_wait3A_95 = tpu.memref_slice %arg24[%add3A_15, %dma_wait3A_94] : memref<10240x128xf32, #tpu.memory_space<vmem_shared>> -> memref<64x128xf32, #tpu.memory_space<vmem_shared>>
      tpu.wait_dma2 semaphore(%run_scoped3A : memref<!tpu.dma_semaphore, #tpu.memory_space<semaphore_mem>>) src(%arg11 : memref<64x128xf32, #tpu.memory_space<vmem>>) dst(%dma_wait3A_95 : memref<64x128xf32, #tpu.memory_space<vmem_shared>>)
      tpu.yield
    }) : () -> ()
    %add3A_16 = arith.constant 512 : i32
    %add3A_17 = arith.addi %mul3A_0, %add3A_16 : i32
    "tpu.region"() ({
      %run_scoped3A = tpu.sem_alloc : memref<!tpu.dma_semaphore, #tpu.memory_space<semaphore_mem>>
      %dma_start3A_88 = arith.constant 0 : i32
      %dma_start3A_89 = tpu.memref_slice %arg24[%add3A_17, %dma_start3A_88] : memref<10240x128xf32, #tpu.memory_space<vmem_shared>> -> memref<64x128xf32, #tpu.memory_space<vmem_shared>>
      %dma_start3A_90 = arith.constant 0 : i32
      %dma_start3A_91 = tpu.memref_slice %arg24[%add3A_17, %dma_start3A_90] : memref<10240x128xf32, #tpu.memory_space<vmem_shared>> -> memref<64x128xf32, #tpu.memory_space<vmem_shared>>
      tpu.enqueue_dma source(%arg11 : memref<64x128xf32, #tpu.memory_space<vmem>>) target(%dma_start3A_91 : memref<64x128xf32, #tpu.memory_space<vmem_shared>>) target_semaphore(%run_scoped3A : memref<!tpu.dma_semaphore, #tpu.memory_space<semaphore_mem>>)
      %dma_wait3A_92 = arith.constant 0 : i32
      %dma_wait3A_93 = tpu.memref_slice %arg24[%add3A_17, %dma_wait3A_92] : memref<10240x128xf32, #tpu.memory_space<vmem_shared>> -> memref<64x128xf32, #tpu.memory_space<vmem_shared>>
      %dma_wait3A_94 = arith.constant 0 : i32
      %dma_wait3A_95 = tpu.memref_slice %arg24[%add3A_17, %dma_wait3A_94] : memref<10240x128xf32, #tpu.memory_space<vmem_shared>> -> memref<64x128xf32, #tpu.memory_space<vmem_shared>>
      tpu.wait_dma2 semaphore(%run_scoped3A : memref<!tpu.dma_semaphore, #tpu.memory_space<semaphore_mem>>) src(%arg11 : memref<64x128xf32, #tpu.memory_space<vmem>>) dst(%dma_wait3A_95 : memref<64x128xf32, #tpu.memory_space<vmem_shared>>)
      tpu.yield
    }) : () -> ()
    %add3A_18 = arith.constant 576 : i32
    %add3A_19 = arith.addi %mul3A_0, %add3A_18 : i32
    "tpu.region"() ({
      %run_scoped3A = tpu.sem_alloc : memref<!tpu.dma_semaphore, #tpu.memory_space<semaphore_mem>>
      %dma_start3A_88 = arith.constant 0 : i32
      %dma_start3A_89 = tpu.memref_slice %arg24[%add3A_19, %dma_start3A_88] : memref<10240x128xf32, #tpu.memory_space<vmem_shared>> -> memref<64x128xf32, #tpu.memory_space<vmem_shared>>
      %dma_start3A_90 = arith.constant 0 : i32
      %dma_start3A_91 = tpu.memref_slice %arg24[%add3A_19, %dma_start3A_90] : memref<10240x128xf32, #tpu.memory_space<vmem_shared>> -> memref<64x128xf32, #tpu.memory_space<vmem_shared>>
      tpu.enqueue_dma source(%arg11 : memref<64x128xf32, #tpu.memory_space<vmem>>) target(%dma_start3A_91 : memref<64x128xf32, #tpu.memory_space<vmem_shared>>) target_semaphore(%run_scoped3A : memref<!tpu.dma_semaphore, #tpu.memory_space<semaphore_mem>>)
      %dma_wait3A_92 = arith.constant 0 : i32
      %dma_wait3A_93 = tpu.memref_slice %arg24[%add3A_19, %dma_wait3A_92] : memref<10240x128xf32, #tpu.memory_space<vmem_shared>> -> memref<64x128xf32, #tpu.memory_space<vmem_shared>>
      %dma_wait3A_94 = arith.constant 0 : i32
      %dma_wait3A_95 = tpu.memref_slice %arg24[%add3A_19, %dma_wait3A_94] : memref<10240x128xf32, #tpu.memory_space<vmem_shared>> -> memref<64x128xf32, #tpu.memory_space<vmem_shared>>
      tpu.wait_dma2 semaphore(%run_scoped3A : memref<!tpu.dma_semaphore, #tpu.memory_space<semaphore_mem>>) src(%arg11 : memref<64x128xf32, #tpu.memory_space<vmem>>) dst(%dma_wait3A_95 : memref<64x128xf32, #tpu.memory_space<vmem_shared>>)
      tpu.yield
    }) : () -> ()
    %barrier3A = arith.constant 0 : index
    tpu.barrier barrier_id(%barrier3A)
    %mul3A_20 = arith.constant 40 : i32
    %mul3A_21 = arith.muli %arg1, %mul3A_20 : i32
    "tpu.region"() ({
      %run_scoped3A = tpu.sem_alloc : memref<!tpu.dma_semaphore, #tpu.memory_space<semaphore_mem>>
      %dma_start3A_88 = arith.constant 0 : i32
      %dma_start3A_89 = arith.constant 0 : i32
      %dma_start3A_90 = tpu.memref_slice %arg3[%arg0, %mul3A_21, %dma_start3A_88, %dma_start3A_89] : memref<2x640x8x64xi32, #tpu.memory_space<hbm>> -> memref<1x1x8x64xi32, #tpu.memory_space<hbm>>
      %dma_start3A_91 = tpu.memref_squeeze %dma_start3A_90 : memref<1x1x8x64xi32, #tpu.memory_space<hbm>> -> memref<8x64xi32, #tpu.memory_space<hbm>>
      %dma_start3A_92 = arith.constant 0 : i32
      %dma_start3A_93 = arith.constant 0 : i32
      %dma_start3A_94 = tpu.memref_slice %arg3[%arg0, %mul3A_21, %dma_start3A_92, %dma_start3A_93] : memref<2x640x8x64xi32, #tpu.memory_space<hbm>> -> memref<1x1x8x64xi32, #tpu.memory_space<hbm>>
      %dma_start3A_95 = tpu.memref_squeeze %dma_start3A_94 : memref<1x1x8x64xi32, #tpu.memory_space<hbm>> -> memref<8x64xi32, #tpu.memory_space<hbm>>
      tpu.enqueue_dma source(%dma_start3A_95 : memref<8x64xi32, #tpu.memory_space<hbm>>) target(%arg7 : memref<8x64xi32, #tpu.memory_space<vmem>>) target_semaphore(%run_scoped3A : memref<!tpu.dma_semaphore, #tpu.memory_space<semaphore_mem>>)
      %dma_wait3A_96 = arith.constant 0 : i32
      %dma_wait3A_97 = arith.constant 0 : i32
      %dma_wait3A_98 = tpu.memref_slice %arg3[%arg0, %mul3A_21, %dma_wait3A_96, %dma_wait3A_97] : memref<2x640x8x64xi32, #tpu.memory_space<hbm>> -> memref<1x1x8x64xi32, #tpu.memory_space<hbm>>
      %dma_wait3A_99 = tpu.memref_squeeze %dma_wait3A_98 : memref<1x1x8x64xi32, #tpu.memory_space<hbm>> -> memref<8x64xi32, #tpu.memory_space<hbm>>
      %dma_wait3A_100 = arith.constant 0 : i32
      %dma_wait3A_101 = arith.constant 0 : i32
      %dma_wait3A_102 = tpu.memref_slice %arg3[%arg0, %mul3A_21, %dma_wait3A_100, %dma_wait3A_101] : memref<2x640x8x64xi32, #tpu.memory_space<hbm>> -> memref<1x1x8x64xi32, #tpu.memory_space<hbm>>
      %dma_wait3A_103 = tpu.memref_squeeze %dma_wait3A_102 : memref<1x1x8x64xi32, #tpu.memory_space<hbm>> -> memref<8x64xi32, #tpu.memory_space<hbm>>
      tpu.wait_dma2 semaphore(%run_scoped3A : memref<!tpu.dma_semaphore, #tpu.memory_space<semaphore_mem>>) src(%dma_wait3A_103 : memref<8x64xi32, #tpu.memory_space<hbm>>) dst(%arg7 : memref<8x64xi32, #tpu.memory_space<vmem>>)
      tpu.yield
    }) : () -> ()
    %mul3A_22 = arith.constant 40 : i32
    %mul3A_23 = arith.muli %arg1, %mul3A_22 : i32
    "tpu.region"() ({
      %run_scoped3A = tpu.sem_alloc : memref<!tpu.dma_semaphore, #tpu.memory_space<semaphore_mem>>
      %dma_start3A_88 = arith.constant 0 : i32
      %dma_start3A_89 = arith.constant 0 : i32
      %dma_start3A_90 = tpu.memref_slice %arg4[%arg0, %mul3A_23, %dma_start3A_88, %dma_start3A_89] : memref<2x640x8x64xi32, #tpu.memory_space<hbm>> -> memref<1x1x8x64xi32, #tpu.memory_space<hbm>>
      %dma_start3A_91 = tpu.memref_squeeze %dma_start3A_90 : memref<1x1x8x64xi32, #tpu.memory_space<hbm>> -> memref<8x64xi32, #tpu.memory_space<hbm>>
      %dma_start3A_92 = arith.constant 0 : i32
      %dma_start3A_93 = arith.constant 0 : i32
      %dma_start3A_94 = tpu.memref_slice %arg4[%arg0, %mul3A_23, %dma_start3A_92, %dma_start3A_93] : memref<2x640x8x64xi32, #tpu.memory_space<hbm>> -> memref<1x1x8x64xi32, #tpu.memory_space<hbm>>
      %dma_start3A_95 = tpu.memref_squeeze %dma_start3A_94 : memref<1x1x8x64xi32, #tpu.memory_space<hbm>> -> memref<8x64xi32, #tpu.memory_space<hbm>>
      tpu.enqueue_dma source(%dma_start3A_95 : memref<8x64xi32, #tpu.memory_space<hbm>>) target(%arg8 : memref<8x64xi32, #tpu.memory_space<vmem>>) target_semaphore(%run_scoped3A : memref<!tpu.dma_semaphore, #tpu.memory_space<semaphore_mem>>)
      %dma_wait3A_96 = arith.constant 0 : i32
      %dma_wait3A_97 = arith.constant 0 : i32
      %dma_wait3A_98 = tpu.memref_slice %arg4[%arg0, %mul3A_23, %dma_wait3A_96, %dma_wait3A_97] : memref<2x640x8x64xi32, #tpu.memory_space<hbm>> -> memref<1x1x8x64xi32, #tpu.memory_space<hbm>>
      %dma_wait3A_99 = tpu.memref_squeeze %dma_wait3A_98 : memref<1x1x8x64xi32, #tpu.memory_space<hbm>> -> memref<8x64xi32, #tpu.memory_space<hbm>>
      %dma_wait3A_100 = arith.constant 0 : i32
      %dma_wait3A_101 = arith.constant 0 : i32
      %dma_wait3A_102 = tpu.memref_slice %arg4[%arg0, %mul3A_23, %dma_wait3A_100, %dma_wait3A_101] : memref<2x640x8x64xi32, #tpu.memory_space<hbm>> -> memref<1x1x8x64xi32, #tpu.memory_space<hbm>>
      %dma_wait3A_103 = tpu.memref_squeeze %dma_wait3A_102 : memref<1x1x8x64xi32, #tpu.memory_space<hbm>> -> memref<8x64xi32, #tpu.memory_space<hbm>>
      tpu.wait_dma2 semaphore(%run_scoped3A : memref<!tpu.dma_semaphore, #tpu.memory_space<semaphore_mem>>) src(%dma_wait3A_103 : memref<8x64xi32, #tpu.memory_space<hbm>>) dst(%arg8 : memref<8x64xi32, #tpu.memory_space<vmem>>)
      tpu.yield
    }) : () -> ()
    %dma_start3A = arith.constant 0 : i32
    %dma_start3A_24 = arith.constant 0 : i32
    %dma_start3A_25 = tpu.memref_slice %arg8[%dma_start3A, %dma_start3A_24] : memref<8x64xi32, #tpu.memory_space<vmem>> -> memref<1x64xi32, #tpu.memory_space<vmem>>
    %dma_start3A_26 = tpu.memref_squeeze %dma_start3A_25 : memref<1x64xi32, #tpu.memory_space<vmem>> -> memref<64xi32, #tpu.memory_space<vmem>>
    %dma_start3A_27 = arith.constant 0 : i32
    %dma_start3A_28 = arith.constant 0 : i32
    %dma_start3A_29 = tpu.memref_slice %arg2[%arg0, %dma_start3A_27, %dma_start3A_28] : memref<2x10000x128xf32, #tpu.memory_space<hbm>> -> memref<1x10000x128xf32, #tpu.memory_space<hbm>>
    %dma_start3A_30 = tpu.memref_squeeze %dma_start3A_29 : memref<1x10000x128xf32, #tpu.memory_space<hbm>> -> memref<10000x128xf32, #tpu.memory_space<hbm>>
    %dma_start3A_31 = arith.constant 0 : i32
    %dma_start3A_32 = arith.constant 0 : i32
    %dma_start3A_33 = tpu.memref_slice %dma_start3A_30[%dma_start3A_31, %dma_start3A_32] : memref<10000x128xf32, #tpu.memory_space<hbm>> -> memref<10000x128xf32, #tpu.memory_space<hbm>>
    tpu.enqueue_indirect_dma source(%dma_start3A_33 : memref<10000x128xf32, #tpu.memory_space<hbm>>) target(%arg12 : memref<64x128xf32, #tpu.memory_space<vmem>>) offsets(%dma_start3A_26 : memref<64xi32, #tpu.memory_space<vmem>>) semaphore(%arg16 : memref<!tpu.dma_semaphore, #tpu.memory_space<semaphore_mem>>)
    %dma_start3A_34 = arith.constant 1 : i32
    %dma_start3A_35 = arith.constant 0 : i32
    %dma_start3A_36 = tpu.memref_slice %arg8[%dma_start3A_34, %dma_start3A_35] : memref<8x64xi32, #tpu.memory_space<vmem>> -> memref<1x64xi32, #tpu.memory_space<vmem>>
    %dma_start3A_37 = tpu.memref_squeeze %dma_start3A_36 : memref<1x64xi32, #tpu.memory_space<vmem>> -> memref<64xi32, #tpu.memory_space<vmem>>
    %dma_start3A_38 = arith.constant 0 : i32
    %dma_start3A_39 = arith.constant 0 : i32
    %dma_start3A_40 = tpu.memref_slice %arg2[%arg0, %dma_start3A_38, %dma_start3A_39] : memref<2x10000x128xf32, #tpu.memory_space<hbm>> -> memref<1x10000x128xf32, #tpu.memory_space<hbm>>
    %dma_start3A_41 = tpu.memref_squeeze %dma_start3A_40 : memref<1x10000x128xf32, #tpu.memory_space<hbm>> -> memref<10000x128xf32, #tpu.memory_space<hbm>>
    %dma_start3A_42 = arith.constant 0 : i32
    %dma_start3A_43 = arith.constant 0 : i32
    %dma_start3A_44 = tpu.memref_slice %dma_start3A_41[%dma_start3A_42, %dma_start3A_43] : memref<10000x128xf32, #tpu.memory_space<hbm>> -> memref<10000x128xf32, #tpu.memory_space<hbm>>
    tpu.enqueue_indirect_dma source(%dma_start3A_44 : memref<10000x128xf32, #tpu.memory_space<hbm>>) target(%arg13 : memref<64x128xf32, #tpu.memory_space<vmem>>) offsets(%dma_start3A_37 : memref<64xi32, #tpu.memory_space<vmem>>) semaphore(%arg17 : memref<!tpu.dma_semaphore, #tpu.memory_space<semaphore_mem>>)
    %dma_start3A_45 = arith.constant 2 : i32
    %dma_start3A_46 = arith.constant 0 : i32
    %dma_start3A_47 = tpu.memref_slice %arg8[%dma_start3A_45, %dma_start3A_46] : memref<8x64xi32, #tpu.memory_space<vmem>> -> memref<1x64xi32, #tpu.memory_space<vmem>>
    %dma_start3A_48 = tpu.memref_squeeze %dma_start3A_47 : memref<1x64xi32, #tpu.memory_space<vmem>> -> memref<64xi32, #tpu.memory_space<vmem>>
    %dma_start3A_49 = arith.constant 0 : i32
    %dma_start3A_50 = arith.constant 0 : i32
    %dma_start3A_51 = tpu.memref_slice %arg2[%arg0, %dma_start3A_49, %dma_start3A_50] : memref<2x10000x128xf32, #tpu.memory_space<hbm>> -> memref<1x10000x128xf32, #tpu.memory_space<hbm>>
    %dma_start3A_52 = tpu.memref_squeeze %dma_start3A_51 : memref<1x10000x128xf32, #tpu.memory_space<hbm>> -> memref<10000x128xf32, #tpu.memory_space<hbm>>
    %dma_start3A_53 = arith.constant 0 : i32
    %dma_start3A_54 = arith.constant 0 : i32
    %dma_start3A_55 = tpu.memref_slice %dma_start3A_52[%dma_start3A_53, %dma_start3A_54] : memref<10000x128xf32, #tpu.memory_space<hbm>> -> memref<10000x128xf32, #tpu.memory_space<hbm>>
    tpu.enqueue_indirect_dma source(%dma_start3A_55 : memref<10000x128xf32, #tpu.memory_space<hbm>>) target(%arg14 : memref<64x128xf32, #tpu.memory_space<vmem>>) offsets(%dma_start3A_48 : memref<64xi32, #tpu.memory_space<vmem>>) semaphore(%arg18 : memref<!tpu.dma_semaphore, #tpu.memory_space<semaphore_mem>>)
    %scan3A = arith.constant 0 : i32
    %scan3A_56 = arith.constant 0 : i32
    %scan3A_57 = arith.constant 20 : i32
    %scan3A_58 = arith.addi %scan3A_56, %scan3A_57 : i32
    %scan3A_59 = arith.constant 1 : i32
    scf.for %scan3A_88 = %scan3A_56 to %scan3A_58 step %scan3A_59  : i32 {
      %mul3A_89 = arith.constant 40 : i32
      %mul3A_90 = arith.muli %arg1, %mul3A_89 : i32
      %mul3A_91 = arith.constant 2 : i32
      %mul3A_92 = arith.muli %mul3A_91, %scan3A_88 : i32
      %add3A_93 = arith.addi %mul3A_90, %mul3A_92 : i32
      %lt3A = arith.constant 19 : i32
      %lt3A_94 = arith.cmpi slt, %scan3A_88, %lt3A : i32
      %add3A_95 = arith.constant 1 : i32
      %add3A_96 = arith.addi %add3A_93, %add3A_95 : i32
      "tpu.region"() ({
        %run_scoped3A = tpu.sem_alloc : memref<!tpu.dma_semaphore, #tpu.memory_space<semaphore_mem>>
        %dma_start3A_642 = arith.constant 0 : i32
        %dma_start3A_643 = arith.constant 0 : i32
        %dma_start3A_644 = tpu.memref_slice %arg3[%arg0, %add3A_96, %dma_start3A_642, %dma_start3A_643] : memref<2x640x8x64xi32, #tpu.memory_space<hbm>> -> memref<1x1x8x64xi32, #tpu.memory_space<hbm>>
        %dma_start3A_645 = tpu.memref_squeeze %dma_start3A_644 : memref<1x1x8x64xi32, #tpu.memory_space<hbm>> -> memref<8x64xi32, #tpu.memory_space<hbm>>
        %dma_start3A_646 = arith.constant 0 : i32
        %dma_start3A_647 = arith.constant 0 : i32
        %dma_start3A_648 = tpu.memref_slice %arg3[%arg0, %add3A_96, %dma_start3A_646, %dma_start3A_647] : memref<2x640x8x64xi32, #tpu.memory_space<hbm>> -> memref<1x1x8x64xi32, #tpu.memory_space<hbm>>
        %dma_start3A_649 = tpu.memref_squeeze %dma_start3A_648 : memref<1x1x8x64xi32, #tpu.memory_space<hbm>> -> memref<8x64xi32, #tpu.memory_space<hbm>>
        tpu.enqueue_dma source(%dma_start3A_649 : memref<8x64xi32, #tpu.memory_space<hbm>>) target(%arg9 : memref<8x64xi32, #tpu.memory_space<vmem>>) target_semaphore(%run_scoped3A : memref<!tpu.dma_semaphore, #tpu.memory_space<semaphore_mem>>)
        %dma_wait3A_650 = arith.constant 0 : i32
        %dma_wait3A_651 = arith.constant 0 : i32
        %dma_wait3A_652 = tpu.memref_slice %arg3[%arg0, %add3A_96, %dma_wait3A_650, %dma_wait3A_651] : memref<2x640x8x64xi32, #tpu.memory_space<hbm>> -> memref<1x1x8x64xi32, #tpu.memory_space<hbm>>
        %dma_wait3A_653 = tpu.memref_squeeze %dma_wait3A_652 : memref<1x1x8x64xi32, #tpu.memory_space<hbm>> -> memref<8x64xi32, #tpu.memory_space<hbm>>
        %dma_wait3A_654 = arith.constant 0 : i32
        %dma_wait3A_655 = arith.constant 0 : i32
        %dma_wait3A_656 = tpu.memref_slice %arg3[%arg0, %add3A_96, %dma_wait3A_654, %dma_wait3A_655] : memref<2x640x8x64xi32, #tpu.memory_space<hbm>> -> memref<1x1x8x64xi32, #tpu.memory_space<hbm>>
        %dma_wait3A_657 = tpu.memref_squeeze %dma_wait3A_656 : memref<1x1x8x64xi32, #tpu.memory_space<hbm>> -> memref<8x64xi32, #tpu.memory_space<hbm>>
        tpu.wait_dma2 semaphore(%run_scoped3A : memref<!tpu.dma_semaphore, #tpu.memory_space<semaphore_mem>>) src(%dma_wait3A_657 : memref<8x64xi32, #tpu.memory_space<hbm>>) dst(%arg9 : memref<8x64xi32, #tpu.memory_space<vmem>>)
        tpu.yield
      }) : () -> ()
      %add3A_97 = arith.constant 1 : i32
      %add3A_98 = arith.addi %add3A_93, %add3A_97 : i32
      "tpu.region"() ({
        %run_scoped3A = tpu.sem_alloc : memref<!tpu.dma_semaphore, #tpu.memory_space<semaphore_mem>>
        %dma_start3A_642 = arith.constant 0 : i32
        %dma_start3A_643 = arith.constant 0 : i32
        %dma_start3A_644 = tpu.memref_slice %arg4[%arg0, %add3A_98, %dma_start3A_642, %dma_start3A_643] : memref<2x640x8x64xi32, #tpu.memory_space<hbm>> -> memref<1x1x8x64xi32, #tpu.memory_space<hbm>>
        %dma_start3A_645 = tpu.memref_squeeze %dma_start3A_644 : memref<1x1x8x64xi32, #tpu.memory_space<hbm>> -> memref<8x64xi32, #tpu.memory_space<hbm>>
        %dma_start3A_646 = arith.constant 0 : i32
        %dma_start3A_647 = arith.constant 0 : i32
        %dma_start3A_648 = tpu.memref_slice %arg4[%arg0, %add3A_98, %dma_start3A_646, %dma_start3A_647] : memref<2x640x8x64xi32, #tpu.memory_space<hbm>> -> memref<1x1x8x64xi32, #tpu.memory_space<hbm>>
        %dma_start3A_649 = tpu.memref_squeeze %dma_start3A_648 : memref<1x1x8x64xi32, #tpu.memory_space<hbm>> -> memref<8x64xi32, #tpu.memory_space<hbm>>
        tpu.enqueue_dma source(%dma_start3A_649 : memref<8x64xi32, #tpu.memory_space<hbm>>) target(%arg10 : memref<8x64xi32, #tpu.memory_space<vmem>>) target_semaphore(%run_scoped3A : memref<!tpu.dma_semaphore, #tpu.memory_space<semaphore_mem>>)
        %dma_wait3A_650 = arith.constant 0 : i32
        %dma_wait3A_651 = arith.constant 0 : i32
        %dma_wait3A_652 = tpu.memref_slice %arg4[%arg0, %add3A_98, %dma_wait3A_650, %dma_wait3A_651] : memref<2x640x8x64xi32, #tpu.memory_space<hbm>> -> memref<1x1x8x64xi32, #tpu.memory_space<hbm>>
        %dma_wait3A_653 = tpu.memref_squeeze %dma_wait3A_652 : memref<1x1x8x64xi32, #tpu.memory_space<hbm>> -> memref<8x64xi32, #tpu.memory_space<hbm>>
        %dma_wait3A_654 = arith.constant 0 : i32
        %dma_wait3A_655 = arith.constant 0 : i32
        %dma_wait3A_656 = tpu.memref_slice %arg4[%arg0, %add3A_98, %dma_wait3A_654, %dma_wait3A_655] : memref<2x640x8x64xi32, #tpu.memory_space<hbm>> -> memref<1x1x8x64xi32, #tpu.memory_space<hbm>>
        %dma_wait3A_657 = tpu.memref_squeeze %dma_wait3A_656 : memref<1x1x8x64xi32, #tpu.memory_space<hbm>> -> memref<8x64xi32, #tpu.memory_space<hbm>>
        tpu.wait_dma2 semaphore(%run_scoped3A : memref<!tpu.dma_semaphore, #tpu.memory_space<semaphore_mem>>) src(%dma_wait3A_657 : memref<8x64xi32, #tpu.memory_space<hbm>>) dst(%arg10 : memref<8x64xi32, #tpu.memory_space<vmem>>)
        tpu.yield
      }) : () -> ()
      %dma_wait3A_99 = arith.constant 0 : i32
      %dma_wait3A_100 = arith.constant 0 : i32
      %dma_wait3A_101 = tpu.memref_slice %arg8[%dma_wait3A_99, %dma_wait3A_100] : memref<8x64xi32, #tpu.memory_space<vmem>> -> memref<1x64xi32, #tpu.memory_space<vmem>>
      %dma_wait3A_102 = tpu.memref_squeeze %dma_wait3A_101 : memref<1x64xi32, #tpu.memory_space<vmem>> -> memref<64xi32, #tpu.memory_space<vmem>>
      %dma_wait3A_103 = arith.constant 0 : i32
      %dma_wait3A_104 = arith.constant 0 : i32
      %dma_wait3A_105 = tpu.memref_slice %arg2[%arg0, %dma_wait3A_103, %dma_wait3A_104] : memref<2x10000x128xf32, #tpu.memory_space<hbm>> -> memref<1x10000x128xf32, #tpu.memory_space<hbm>>
      %dma_wait3A_106 = tpu.memref_squeeze %dma_wait3A_105 : memref<1x10000x128xf32, #tpu.memory_space<hbm>> -> memref<10000x128xf32, #tpu.memory_space<hbm>>
      %dma_wait3A_107 = arith.constant 0 : i32
      %dma_wait3A_108 = arith.constant 0 : i32
      %dma_wait3A_109 = tpu.memref_slice %dma_wait3A_106[%dma_wait3A_107, %dma_wait3A_108] : memref<10000x128xf32, #tpu.memory_space<hbm>> -> memref<10000x128xf32, #tpu.memory_space<hbm>>
      tpu.wait_indirect_dma semaphore(%arg16 : memref<!tpu.dma_semaphore, #tpu.memory_space<semaphore_mem>>) src(%dma_wait3A_109 : memref<10000x128xf32, #tpu.memory_space<hbm>>) dst(%arg12 : memref<64x128xf32, #tpu.memory_space<vmem>>)
      %gt3A = arith.constant 0 : i32
      %gt3A_110 = arith.cmpi sgt, %scan3A_88, %gt3A : i32
      %convert_element_type3A = arith.extui %gt3A_110 : i1 to i32
      %cond3A = arith.constant 0 : i32
      %cond3A_111 = arith.cmpi ne, %convert_element_type3A, %cond3A : i32
      scf.if %cond3A_111 {
        %dma_wait3A_642 = arith.constant 0 : i32
        %dma_wait3A_643 = arith.constant 0 : i32
        %dma_wait3A_644 = tpu.memref_slice %arg7[%dma_wait3A_642, %dma_wait3A_643] : memref<8x64xi32, #tpu.memory_space<vmem>> -> memref<1x64xi32, #tpu.memory_space<vmem>>
        %dma_wait3A_645 = tpu.memref_squeeze %dma_wait3A_644 : memref<1x64xi32, #tpu.memory_space<vmem>> -> memref<64xi32, #tpu.memory_space<vmem>>
        %dma_wait3A_646 = arith.constant 0 : i32
        %dma_wait3A_647 = arith.constant 0 : i32
        %dma_wait3A_648 = tpu.memref_slice %arg24[%dma_wait3A_646, %dma_wait3A_647] : memref<10240x128xf32, #tpu.memory_space<vmem_shared>> -> memref<10240x128xf32, #tpu.memory_space<vmem_shared>>
        tpu.wait_indirect_dma semaphore(%arg23 : memref<!tpu.dma_semaphore, #tpu.memory_space<semaphore_mem>>) src(%arg15 : memref<64x128xf32, #tpu.memory_space<vmem>>) dst(%dma_wait3A_648 : memref<10240x128xf32, #tpu.memory_space<vmem_shared>>)
        %dma_start3A_649 = arith.constant 3 : i32
        %dma_start3A_650 = arith.constant 0 : i32
        %dma_start3A_651 = tpu.memref_slice %arg8[%dma_start3A_649, %dma_start3A_650] : memref<8x64xi32, #tpu.memory_space<vmem>> -> memref<1x64xi32, #tpu.memory_space<vmem>>
        %dma_start3A_652 = tpu.memref_squeeze %dma_start3A_651 : memref<1x64xi32, #tpu.memory_space<vmem>> -> memref<64xi32, #tpu.memory_space<vmem>>
        %dma_start3A_653 = arith.constant 0 : i32
        %dma_start3A_654 = arith.constant 0 : i32
        %dma_start3A_655 = tpu.memref_slice %arg2[%arg0, %dma_start3A_653, %dma_start3A_654] : memref<2x10000x128xf32, #tpu.memory_space<hbm>> -> memref<1x10000x128xf32, #tpu.memory_space<hbm>>
        %dma_start3A_656 = tpu.memref_squeeze %dma_start3A_655 : memref<1x10000x128xf32, #tpu.memory_space<hbm>> -> memref<10000x128xf32, #tpu.memory_space<hbm>>
        %dma_start3A_657 = arith.constant 0 : i32
        %dma_start3A_658 = arith.constant 0 : i32
        %dma_start3A_659 = tpu.memref_slice %dma_start3A_656[%dma_start3A_657, %dma_start3A_658] : memref<10000x128xf32, #tpu.memory_space<hbm>> -> memref<10000x128xf32, #tpu.memory_space<hbm>>
        tpu.enqueue_indirect_dma source(%dma_start3A_659 : memref<10000x128xf32, #tpu.memory_space<hbm>>) target(%arg15 : memref<64x128xf32, #tpu.memory_space<vmem>>) offsets(%dma_start3A_652 : memref<64xi32, #tpu.memory_space<vmem>>) semaphore(%arg19 : memref<!tpu.dma_semaphore, #tpu.memory_space<semaphore_mem>>)
      } else {
      }
      %eq3A = arith.constant 0 : i32
      %eq3A_112 = arith.cmpi eq, %scan3A_88, %eq3A : i32
      %convert_element_type3A_113 = arith.extui %eq3A_112 : i1 to i32
      %cond3A_114 = arith.constant 0 : i32
      %cond3A_115 = arith.cmpi ne, %convert_element_type3A_113, %cond3A_114 : i32
      scf.if %cond3A_115 {
        %dma_start3A_642 = arith.constant 3 : i32
        %dma_start3A_643 = arith.constant 0 : i32
        %dma_start3A_644 = tpu.memref_slice %arg8[%dma_start3A_642, %dma_start3A_643] : memref<8x64xi32, #tpu.memory_space<vmem>> -> memref<1x64xi32, #tpu.memory_space<vmem>>
        %dma_start3A_645 = tpu.memref_squeeze %dma_start3A_644 : memref<1x64xi32, #tpu.memory_space<vmem>> -> memref<64xi32, #tpu.memory_space<vmem>>
        %dma_start3A_646 = arith.constant 0 : i32
        %dma_start3A_647 = arith.constant 0 : i32
        %dma_start3A_648 = tpu.memref_slice %arg2[%arg0, %dma_start3A_646, %dma_start3A_647] : memref<2x10000x128xf32, #tpu.memory_space<hbm>> -> memref<1x10000x128xf32, #tpu.memory_space<hbm>>
        %dma_start3A_649 = tpu.memref_squeeze %dma_start3A_648 : memref<1x10000x128xf32, #tpu.memory_space<hbm>> -> memref<10000x128xf32, #tpu.memory_space<hbm>>
        %dma_start3A_650 = arith.constant 0 : i32
        %dma_start3A_651 = arith.constant 0 : i32
        %dma_start3A_652 = tpu.memref_slice %dma_start3A_649[%dma_start3A_650, %dma_start3A_651] : memref<10000x128xf32, #tpu.memory_space<hbm>> -> memref<10000x128xf32, #tpu.memory_space<hbm>>
        tpu.enqueue_indirect_dma source(%dma_start3A_652 : memref<10000x128xf32, #tpu.memory_space<hbm>>) target(%arg15 : memref<64x128xf32, #tpu.memory_space<vmem>>) offsets(%dma_start3A_645 : memref<64xi32, #tpu.memory_space<vmem>>) semaphore(%arg19 : memref<!tpu.dma_semaphore, #tpu.memory_space<semaphore_mem>>)
      } else {
      }
      %dma_start3A_116 = arith.constant 0 : i32
      %dma_start3A_117 = arith.constant 0 : i32
      %dma_start3A_118 = tpu.memref_slice %arg7[%dma_start3A_116, %dma_start3A_117] : memref<8x64xi32, #tpu.memory_space<vmem>> -> memref<1x64xi32, #tpu.memory_space<vmem>>
      %dma_start3A_119 = tpu.memref_squeeze %dma_start3A_118 : memref<1x64xi32, #tpu.memory_space<vmem>> -> memref<64xi32, #tpu.memory_space<vmem>>
      %dma_start3A_120 = arith.constant 0 : i32
      %dma_start3A_121 = arith.constant 0 : i32
      %dma_start3A_122 = tpu.memref_slice %arg24[%dma_start3A_120, %dma_start3A_121] : memref<10240x128xf32, #tpu.memory_space<vmem_shared>> -> memref<10240x128xf32, #tpu.memory_space<vmem_shared>>
      tpu.enqueue_indirect_dma source(%arg12 : memref<64x128xf32, #tpu.memory_space<vmem>>) target(%dma_start3A_122 : memref<10240x128xf32, #tpu.memory_space<vmem_shared>>) offsets(%dma_start3A_119 : memref<64xi32, #tpu.memory_space<vmem>>) semaphore(%arg20 : memref<!tpu.dma_semaphore, #tpu.memory_space<semaphore_mem>>) {add = true}
      %dma_wait3A_123 = arith.constant 1 : i32
      %dma_wait3A_124 = arith.constant 0 : i32
      %dma_wait3A_125 = tpu.memref_slice %arg8[%dma_wait3A_123, %dma_wait3A_124] : memref<8x64xi32, #tpu.memory_space<vmem>> -> memref<1x64xi32, #tpu.memory_space<vmem>>
      %dma_wait3A_126 = tpu.memref_squeeze %dma_wait3A_125 : memref<1x64xi32, #tpu.memory_space<vmem>> -> memref<64xi32, #tpu.memory_space<vmem>>
      %dma_wait3A_127 = arith.constant 0 : i32
      %dma_wait3A_128 = arith.constant 0 : i32
      %dma_wait3A_129 = tpu.memref_slice %arg2[%arg0, %dma_wait3A_127, %dma_wait3A_128] : memref<2x10000x128xf32, #tpu.memory_space<hbm>> -> memref<1x10000x128xf32, #tpu.memory_space<hbm>>
      %dma_wait3A_130 = tpu.memref_squeeze %dma_wait3A_129 : memref<1x10000x128xf32, #tpu.memory_space<hbm>> -> memref<10000x128xf32, #tpu.memory_space<hbm>>
      %dma_wait3A_131 = arith.constant 0 : i32
      %dma_wait3A_132 = arith.constant 0 : i32
      %dma_wait3A_133 = tpu.memref_slice %dma_wait3A_130[%dma_wait3A_131, %dma_wait3A_132] : memref<10000x128xf32, #tpu.memory_space<hbm>> -> memref<10000x128xf32, #tpu.memory_space<hbm>>
      tpu.wait_indirect_dma semaphore(%arg17 : memref<!tpu.dma_semaphore, #tpu.memory_space<semaphore_mem>>) src(%dma_wait3A_133 : memref<10000x128xf32, #tpu.memory_space<hbm>>) dst(%arg13 : memref<64x128xf32, #tpu.memory_space<vmem>>)
      %dma_wait3A_134 = arith.constant 1 : i32
      %dma_wait3A_135 = arith.constant 0 : i32
      %dma_wait3A_136 = tpu.memref_slice %arg7[%dma_wait3A_134, %dma_wait3A_135] : memref<8x64xi32, #tpu.memory_space<vmem>> -> memref<1x64xi32, #tpu.memory_space<vmem>>
      %dma_wait3A_137 = tpu.memref_squeeze %dma_wait3A_136 : memref<1x64xi32, #tpu.memory_space<vmem>> -> memref<64xi32, #tpu.memory_space<vmem>>
      %dma_wait3A_138 = arith.constant 0 : i32
      %dma_wait3A_139 = arith.constant 0 : i32
      %dma_wait3A_140 = tpu.memref_slice %arg24[%dma_wait3A_138, %dma_wait3A_139] : memref<10240x128xf32, #tpu.memory_space<vmem_shared>> -> memref<10240x128xf32, #tpu.memory_space<vmem_shared>>
      tpu.wait_indirect_dma semaphore(%arg20 : memref<!tpu.dma_semaphore, #tpu.memory_space<semaphore_mem>>) src(%arg12 : memref<64x128xf32, #tpu.memory_space<vmem>>) dst(%dma_wait3A_140 : memref<10240x128xf32, #tpu.memory_space<vmem_shared>>)
      %dma_start3A_141 = arith.constant 4 : i32
      %dma_start3A_142 = arith.constant 0 : i32
      %dma_start3A_143 = tpu.memref_slice %arg8[%dma_start3A_141, %dma_start3A_142] : memref<8x64xi32, #tpu.memory_space<vmem>> -> memref<1x64xi32, #tpu.memory_space<vmem>>
      %dma_start3A_144 = tpu.memref_squeeze %dma_start3A_143 : memref<1x64xi32, #tpu.memory_space<vmem>> -> memref<64xi32, #tpu.memory_space<vmem>>
      %dma_start3A_145 = arith.constant 0 : i32
      %dma_start3A_146 = arith.constant 0 : i32
      %dma_start3A_147 = tpu.memref_slice %arg2[%arg0, %dma_start3A_145, %dma_start3A_146] : memref<2x10000x128xf32, #tpu.memory_space<hbm>> -> memref<1x10000x128xf32, #tpu.memory_space<hbm>>
      %dma_start3A_148 = tpu.memref_squeeze %dma_start3A_147 : memref<1x10000x128xf32, #tpu.memory_space<hbm>> -> memref<10000x128xf32, #tpu.memory_space<hbm>>
      %dma_start3A_149 = arith.constant 0 : i32
      %dma_start3A_150 = arith.constant 0 : i32
      %dma_start3A_151 = tpu.memref_slice %dma_start3A_148[%dma_start3A_149, %dma_start3A_150] : memref<10000x128xf32, #tpu.memory_space<hbm>> -> memref<10000x128xf32, #tpu.memory_space<hbm>>
      tpu.enqueue_indirect_dma source(%dma_start3A_151 : memref<10000x128xf32, #tpu.memory_space<hbm>>) target(%arg12 : memref<64x128xf32, #tpu.memory_space<vmem>>) offsets(%dma_start3A_144 : memref<64xi32, #tpu.memory_space<vmem>>) semaphore(%arg16 : memref<!tpu.dma_semaphore, #tpu.memory_space<semaphore_mem>>)
      %dma_start3A_152 = arith.constant 1 : i32
      %dma_start3A_153 = arith.constant 0 : i32
      %dma_start3A_154 = tpu.memref_slice %arg7[%dma_start3A_152, %dma_start3A_153] : memref<8x64xi32, #tpu.memory_space<vmem>> -> memref<1x64xi32, #tpu.memory_space<vmem>>
      %dma_start3A_155 = tpu.memref_squeeze %dma_start3A_154 : memref<1x64xi32, #tpu.memory_space<vmem>> -> memref<64xi32, #tpu.memory_space<vmem>>
      %dma_start3A_156 = arith.constant 0 : i32
      %dma_start3A_157 = arith.constant 0 : i32
      %dma_start3A_158 = tpu.memref_slice %arg24[%dma_start3A_156, %dma_start3A_157] : memref<10240x128xf32, #tpu.memory_space<vmem_shared>> -> memref<10240x128xf32, #tpu.memory_space<vmem_shared>>
      tpu.enqueue_indirect_dma source(%arg13 : memref<64x128xf32, #tpu.memory_space<vmem>>) target(%dma_start3A_158 : memref<10240x128xf32, #tpu.memory_space<vmem_shared>>) offsets(%dma_start3A_155 : memref<64xi32, #tpu.memory_space<vmem>>) semaphore(%arg21 : memref<!tpu.dma_semaphore, #tpu.memory_space<semaphore_mem>>) {add = true}
      %dma_wait3A_159 = arith.constant 2 : i32
      %dma_wait3A_160 = arith.constant 0 : i32
      %dma_wait3A_161 = tpu.memref_slice %arg8[%dma_wait3A_159, %dma_wait3A_160] : memref<8x64xi32, #tpu.memory_space<vmem>> -> memref<1x64xi32, #tpu.memory_space<vmem>>
      %dma_wait3A_162 = tpu.memref_squeeze %dma_wait3A_161 : memref<1x64xi32, #tpu.memory_space<vmem>> -> memref<64xi32, #tpu.memory_space<vmem>>
      %dma_wait3A_163 = arith.constant 0 : i32
      %dma_wait3A_164 = arith.constant 0 : i32
      %dma_wait3A_165 = tpu.memref_slice %arg2[%arg0, %dma_wait3A_163, %dma_wait3A_164] : memref<2x10000x128xf32, #tpu.memory_space<hbm>> -> memref<1x10000x128xf32, #tpu.memory_space<hbm>>
      %dma_wait3A_166 = tpu.memref_squeeze %dma_wait3A_165 : memref<1x10000x128xf32, #tpu.memory_space<hbm>> -> memref<10000x128xf32, #tpu.memory_space<hbm>>
      %dma_wait3A_167 = arith.constant 0 : i32
      %dma_wait3A_168 = arith.constant 0 : i32
      %dma_wait3A_169 = tpu.memref_slice %dma_wait3A_166[%dma_wait3A_167, %dma_wait3A_168] : memref<10000x128xf32, #tpu.memory_space<hbm>> -> memref<10000x128xf32, #tpu.memory_space<hbm>>
      tpu.wait_indirect_dma semaphore(%arg18 : memref<!tpu.dma_semaphore, #tpu.memory_space<semaphore_mem>>) src(%dma_wait3A_169 : memref<10000x128xf32, #tpu.memory_space<hbm>>) dst(%arg14 : memref<64x128xf32, #tpu.memory_space<vmem>>)
      %dma_wait3A_170 = arith.constant 2 : i32
      %dma_wait3A_171 = arith.constant 0 : i32
      %dma_wait3A_172 = tpu.memref_slice %arg7[%dma_wait3A_170, %dma_wait3A_171] : memref<8x64xi32, #tpu.memory_space<vmem>> -> memref<1x64xi32, #tpu.memory_space<vmem>>
      %dma_wait3A_173 = tpu.memref_squeeze %dma_wait3A_172 : memref<1x64xi32, #tpu.memory_space<vmem>> -> memref<64xi32, #tpu.memory_space<vmem>>
      %dma_wait3A_174 = arith.constant 0 : i32
      %dma_wait3A_175 = arith.constant 0 : i32
      %dma_wait3A_176 = tpu.memref_slice %arg24[%dma_wait3A_174, %dma_wait3A_175] : memref<10240x128xf32, #tpu.memory_space<vmem_shared>> -> memref<10240x128xf32, #tpu.memory_space<vmem_shared>>
      tpu.wait_indirect_dma semaphore(%arg21 : memref<!tpu.dma_semaphore, #tpu.memory_space<semaphore_mem>>) src(%arg13 : memref<64x128xf32, #tpu.memory_space<vmem>>) dst(%dma_wait3A_176 : memref<10240x128xf32, #tpu.memory_space<vmem_shared>>)
      %dma_start3A_177 = arith.constant 5 : i32
      %dma_start3A_178 = arith.constant 0 : i32
      %dma_start3A_179 = tpu.memref_slice %arg8[%dma_start3A_177, %dma_start3A_178] : memref<8x64xi32, #tpu.memory_space<vmem>> -> memref<1x64xi32, #tpu.memory_space<vmem>>
      %dma_start3A_180 = tpu.memref_squeeze %dma_start3A_179 : memref<1x64xi32, #tpu.memory_space<vmem>> -> memref<64xi32, #tpu.memory_space<vmem>>
      %dma_start3A_181 = arith.constant 0 : i32
      %dma_start3A_182 = arith.constant 0 : i32
      %dma_start3A_183 = tpu.memref_slice %arg2[%arg0, %dma_start3A_181, %dma_start3A_182] : memref<2x10000x128xf32, #tpu.memory_space<hbm>> -> memref<1x10000x128xf32, #tpu.memory_space<hbm>>
      %dma_start3A_184 = tpu.memref_squeeze %dma_start3A_183 : memref<1x10000x128xf32, #tpu.memory_space<hbm>> -> memref<10000x128xf32, #tpu.memory_space<hbm>>
      %dma_start3A_185 = arith.constant 0 : i32
      %dma_start3A_186 = arith.constant 0 : i32
      %dma_start3A_187 = tpu.memref_slice %dma_start3A_184[%dma_start3A_185, %dma_start3A_186] : memref<10000x128xf32, #tpu.memory_space<hbm>> -> memref<10000x128xf32, #tpu.memory_space<hbm>>
      tpu.enqueue_indirect_dma source(%dma_start3A_187 : memref<10000x128xf32, #tpu.memory_space<hbm>>) target(%arg13 : memref<64x128xf32, #tpu.memory_space<vmem>>) offsets(%dma_start3A_180 : memref<64xi32, #tpu.memory_space<vmem>>) semaphore(%arg17 : memref<!tpu.dma_semaphore, #tpu.memory_space<semaphore_mem>>)
      %dma_start3A_188 = arith.constant 2 : i32
      %dma_start3A_189 = arith.constant 0 : i32
      %dma_start3A_190 = tpu.memref_slice %arg7[%dma_start3A_188, %dma_start3A_189] : memref<8x64xi32, #tpu.memory_space<vmem>> -> memref<1x64xi32, #tpu.memory_space<vmem>>
      %dma_start3A_191 = tpu.memref_squeeze %dma_start3A_190 : memref<1x64xi32, #tpu.memory_space<vmem>> -> memref<64xi32, #tpu.memory_space<vmem>>
      %dma_start3A_192 = arith.constant 0 : i32
      %dma_start3A_193 = arith.constant 0 : i32
      %dma_start3A_194 = tpu.memref_slice %arg24[%dma_start3A_192, %dma_start3A_193] : memref<10240x128xf32, #tpu.memory_space<vmem_shared>> -> memref<10240x128xf32, #tpu.memory_space<vmem_shared>>
      tpu.enqueue_indirect_dma source(%arg14 : memref<64x128xf32, #tpu.memory_space<vmem>>) target(%dma_start3A_194 : memref<10240x128xf32, #tpu.memory_space<vmem_shared>>) offsets(%dma_start3A_191 : memref<64xi32, #tpu.memory_space<vmem>>) semaphore(%arg22 : memref<!tpu.dma_semaphore, #tpu.memory_space<semaphore_mem>>) {add = true}
      %dma_wait3A_195 = arith.constant 3 : i32
      %dma_wait3A_196 = arith.constant 0 : i32
      %dma_wait3A_197 = tpu.memref_slice %arg8[%dma_wait3A_195, %dma_wait3A_196] : memref<8x64xi32, #tpu.memory_space<vmem>> -> memref<1x64xi32, #tpu.memory_space<vmem>>
      %dma_wait3A_198 = tpu.memref_squeeze %dma_wait3A_197 : memref<1x64xi32, #tpu.memory_space<vmem>> -> memref<64xi32, #tpu.memory_space<vmem>>
      %dma_wait3A_199 = arith.constant 0 : i32
      %dma_wait3A_200 = arith.constant 0 : i32
      %dma_wait3A_201 = tpu.memref_slice %arg2[%arg0, %dma_wait3A_199, %dma_wait3A_200] : memref<2x10000x128xf32, #tpu.memory_space<hbm>> -> memref<1x10000x128xf32, #tpu.memory_space<hbm>>
      %dma_wait3A_202 = tpu.memref_squeeze %dma_wait3A_201 : memref<1x10000x128xf32, #tpu.memory_space<hbm>> -> memref<10000x128xf32, #tpu.memory_space<hbm>>
      %dma_wait3A_203 = arith.constant 0 : i32
      %dma_wait3A_204 = arith.constant 0 : i32
      %dma_wait3A_205 = tpu.memref_slice %dma_wait3A_202[%dma_wait3A_203, %dma_wait3A_204] : memref<10000x128xf32, #tpu.memory_space<hbm>> -> memref<10000x128xf32, #tpu.memory_space<hbm>>
      tpu.wait_indirect_dma semaphore(%arg19 : memref<!tpu.dma_semaphore, #tpu.memory_space<semaphore_mem>>) src(%dma_wait3A_205 : memref<10000x128xf32, #tpu.memory_space<hbm>>) dst(%arg15 : memref<64x128xf32, #tpu.memory_space<vmem>>)
      %dma_wait3A_206 = arith.constant 3 : i32
      %dma_wait3A_207 = arith.constant 0 : i32
      %dma_wait3A_208 = tpu.memref_slice %arg7[%dma_wait3A_206, %dma_wait3A_207] : memref<8x64xi32, #tpu.memory_space<vmem>> -> memref<1x64xi32, #tpu.memory_space<vmem>>
      %dma_wait3A_209 = tpu.memref_squeeze %dma_wait3A_208 : memref<1x64xi32, #tpu.memory_space<vmem>> -> memref<64xi32, #tpu.memory_space<vmem>>
      %dma_wait3A_210 = arith.constant 0 : i32
      %dma_wait3A_211 = arith.constant 0 : i32
      %dma_wait3A_212 = tpu.memref_slice %arg24[%dma_wait3A_210, %dma_wait3A_211] : memref<10240x128xf32, #tpu.memory_space<vmem_shared>> -> memref<10240x128xf32, #tpu.memory_space<vmem_shared>>
      tpu.wait_indirect_dma semaphore(%arg22 : memref<!tpu.dma_semaphore, #tpu.memory_space<semaphore_mem>>) src(%arg14 : memref<64x128xf32, #tpu.memory_space<vmem>>) dst(%dma_wait3A_212 : memref<10240x128xf32, #tpu.memory_space<vmem_shared>>)
      %dma_start3A_213 = arith.constant 6 : i32
      %dma_start3A_214 = arith.constant 0 : i32
      %dma_start3A_215 = tpu.memref_slice %arg8[%dma_start3A_213, %dma_start3A_214] : memref<8x64xi32, #tpu.memory_space<vmem>> -> memref<1x64xi32, #tpu.memory_space<vmem>>
      %dma_start3A_216 = tpu.memref_squeeze %dma_start3A_215 : memref<1x64xi32, #tpu.memory_space<vmem>> -> memref<64xi32, #tpu.memory_space<vmem>>
      %dma_start3A_217 = arith.constant 0 : i32
      %dma_start3A_218 = arith.constant 0 : i32
      %dma_start3A_219 = tpu.memref_slice %arg2[%arg0, %dma_start3A_217, %dma_start3A_218] : memref<2x10000x128xf32, #tpu.memory_space<hbm>> -> memref<1x10000x128xf32, #tpu.memory_space<hbm>>
      %dma_start3A_220 = tpu.memref_squeeze %dma_start3A_219 : memref<1x10000x128xf32, #tpu.memory_space<hbm>> -> memref<10000x128xf32, #tpu.memory_space<hbm>>
      %dma_start3A_221 = arith.constant 0 : i32
      %dma_start3A_222 = arith.constant 0 : i32
      %dma_start3A_223 = tpu.memref_slice %dma_start3A_220[%dma_start3A_221, %dma_start3A_222] : memref<10000x128xf32, #tpu.memory_space<hbm>> -> memref<10000x128xf32, #tpu.memory_space<hbm>>
      tpu.enqueue_indirect_dma source(%dma_start3A_223 : memref<10000x128xf32, #tpu.memory_space<hbm>>) target(%arg14 : memref<64x128xf32, #tpu.memory_space<vmem>>) offsets(%dma_start3A_216 : memref<64xi32, #tpu.memory_space<vmem>>) semaphore(%arg18 : memref<!tpu.dma_semaphore, #tpu.memory_space<semaphore_mem>>)
      %dma_start3A_224 = arith.constant 3 : i32
      %dma_start3A_225 = arith.constant 0 : i32
      %dma_start3A_226 = tpu.memref_slice %arg7[%dma_start3A_224, %dma_start3A_225] : memref<8x64xi32, #tpu.memory_space<vmem>> -> memref<1x64xi32, #tpu.memory_space<vmem>>
      %dma_start3A_227 = tpu.memref_squeeze %dma_start3A_226 : memref<1x64xi32, #tpu.memory_space<vmem>> -> memref<64xi32, #tpu.memory_space<vmem>>
      %dma_start3A_228 = arith.constant 0 : i32
      %dma_start3A_229 = arith.constant 0 : i32
      %dma_start3A_230 = tpu.memref_slice %arg24[%dma_start3A_228, %dma_start3A_229] : memref<10240x128xf32, #tpu.memory_space<vmem_shared>> -> memref<10240x128xf32, #tpu.memory_space<vmem_shared>>
      tpu.enqueue_indirect_dma source(%arg15 : memref<64x128xf32, #tpu.memory_space<vmem>>) target(%dma_start3A_230 : memref<10240x128xf32, #tpu.memory_space<vmem_shared>>) offsets(%dma_start3A_227 : memref<64xi32, #tpu.memory_space<vmem>>) semaphore(%arg23 : memref<!tpu.dma_semaphore, #tpu.memory_space<semaphore_mem>>) {add = true}
      %dma_wait3A_231 = arith.constant 4 : i32
      %dma_wait3A_232 = arith.constant 0 : i32
      %dma_wait3A_233 = tpu.memref_slice %arg8[%dma_wait3A_231, %dma_wait3A_232] : memref<8x64xi32, #tpu.memory_space<vmem>> -> memref<1x64xi32, #tpu.memory_space<vmem>>
      %dma_wait3A_234 = tpu.memref_squeeze %dma_wait3A_233 : memref<1x64xi32, #tpu.memory_space<vmem>> -> memref<64xi32, #tpu.memory_space<vmem>>
      %dma_wait3A_235 = arith.constant 0 : i32
      %dma_wait3A_236 = arith.constant 0 : i32
      %dma_wait3A_237 = tpu.memref_slice %arg2[%arg0, %dma_wait3A_235, %dma_wait3A_236] : memref<2x10000x128xf32, #tpu.memory_space<hbm>> -> memref<1x10000x128xf32, #tpu.memory_space<hbm>>
      %dma_wait3A_238 = tpu.memref_squeeze %dma_wait3A_237 : memref<1x10000x128xf32, #tpu.memory_space<hbm>> -> memref<10000x128xf32, #tpu.memory_space<hbm>>
      %dma_wait3A_239 = arith.constant 0 : i32
      %dma_wait3A_240 = arith.constant 0 : i32
      %dma_wait3A_241 = tpu.memref_slice %dma_wait3A_238[%dma_wait3A_239, %dma_wait3A_240] : memref<10000x128xf32, #tpu.memory_space<hbm>> -> memref<10000x128xf32, #tpu.memory_space<hbm>>
      tpu.wait_indirect_dma semaphore(%arg16 : memref<!tpu.dma_semaphore, #tpu.memory_space<semaphore_mem>>) src(%dma_wait3A_241 : memref<10000x128xf32, #tpu.memory_space<hbm>>) dst(%arg12 : memref<64x128xf32, #tpu.memory_space<vmem>>)
      %dma_wait3A_242 = arith.constant 4 : i32
      %dma_wait3A_243 = arith.constant 0 : i32
      %dma_wait3A_244 = tpu.memref_slice %arg7[%dma_wait3A_242, %dma_wait3A_243] : memref<8x64xi32, #tpu.memory_space<vmem>> -> memref<1x64xi32, #tpu.memory_space<vmem>>
      %dma_wait3A_245 = tpu.memref_squeeze %dma_wait3A_244 : memref<1x64xi32, #tpu.memory_space<vmem>> -> memref<64xi32, #tpu.memory_space<vmem>>
      %dma_wait3A_246 = arith.constant 0 : i32
      %dma_wait3A_247 = arith.constant 0 : i32
      %dma_wait3A_248 = tpu.memref_slice %arg24[%dma_wait3A_246, %dma_wait3A_247] : memref<10240x128xf32, #tpu.memory_space<vmem_shared>> -> memref<10240x128xf32, #tpu.memory_space<vmem_shared>>
      tpu.wait_indirect_dma semaphore(%arg23 : memref<!tpu.dma_semaphore, #tpu.memory_space<semaphore_mem>>) src(%arg15 : memref<64x128xf32, #tpu.memory_space<vmem>>) dst(%dma_wait3A_248 : memref<10240x128xf32, #tpu.memory_space<vmem_shared>>)
      %dma_start3A_249 = arith.constant 7 : i32
      %dma_start3A_250 = arith.constant 0 : i32
      %dma_start3A_251 = tpu.memref_slice %arg8[%dma_start3A_249, %dma_start3A_250] : memref<8x64xi32, #tpu.memory_space<vmem>> -> memref<1x64xi32, #tpu.memory_space<vmem>>
      %dma_start3A_252 = tpu.memref_squeeze %dma_start3A_251 : memref<1x64xi32, #tpu.memory_space<vmem>> -> memref<64xi32, #tpu.memory_space<vmem>>
      %dma_start3A_253 = arith.constant 0 : i32
      %dma_start3A_254 = arith.constant 0 : i32
      %dma_start3A_255 = tpu.memref_slice %arg2[%arg0, %dma_start3A_253, %dma_start3A_254] : memref<2x10000x128xf32, #tpu.memory_space<hbm>> -> memref<1x10000x128xf32, #tpu.memory_space<hbm>>
      %dma_start3A_256 = tpu.memref_squeeze %dma_start3A_255 : memref<1x10000x128xf32, #tpu.memory_space<hbm>> -> memref<10000x128xf32, #tpu.memory_space<hbm>>
      %dma_start3A_257 = arith.constant 0 : i32
      %dma_start3A_258 = arith.constant 0 : i32
      %dma_start3A_259 = tpu.memref_slice %dma_start3A_256[%dma_start3A_257, %dma_start3A_258] : memref<10000x128xf32, #tpu.memory_space<hbm>> -> memref<10000x128xf32, #tpu.memory_space<hbm>>
      tpu.enqueue_indirect_dma source(%dma_start3A_259 : memref<10000x128xf32, #tpu.memory_space<hbm>>) target(%arg15 : memref<64x128xf32, #tpu.memory_space<vmem>>) offsets(%dma_start3A_252 : memref<64xi32, #tpu.memory_space<vmem>>) semaphore(%arg19 : memref<!tpu.dma_semaphore, #tpu.memory_space<semaphore_mem>>)
      %dma_start3A_260 = arith.constant 4 : i32
      %dma_start3A_261 = arith.constant 0 : i32
      %dma_start3A_262 = tpu.memref_slice %arg7[%dma_start3A_260, %dma_start3A_261] : memref<8x64xi32, #tpu.memory_space<vmem>> -> memref<1x64xi32, #tpu.memory_space<vmem>>
      %dma_start3A_263 = tpu.memref_squeeze %dma_start3A_262 : memref<1x64xi32, #tpu.memory_space<vmem>> -> memref<64xi32, #tpu.memory_space<vmem>>
      %dma_start3A_264 = arith.constant 0 : i32
      %dma_start3A_265 = arith.constant 0 : i32
      %dma_start3A_266 = tpu.memref_slice %arg24[%dma_start3A_264, %dma_start3A_265] : memref<10240x128xf32, #tpu.memory_space<vmem_shared>> -> memref<10240x128xf32, #tpu.memory_space<vmem_shared>>
      tpu.enqueue_indirect_dma source(%arg12 : memref<64x128xf32, #tpu.memory_space<vmem>>) target(%dma_start3A_266 : memref<10240x128xf32, #tpu.memory_space<vmem_shared>>) offsets(%dma_start3A_263 : memref<64xi32, #tpu.memory_space<vmem>>) semaphore(%arg20 : memref<!tpu.dma_semaphore, #tpu.memory_space<semaphore_mem>>) {add = true}
      %dma_wait3A_267 = arith.constant 5 : i32
      %dma_wait3A_268 = arith.constant 0 : i32
      %dma_wait3A_269 = tpu.memref_slice %arg8[%dma_wait3A_267, %dma_wait3A_268] : memref<8x64xi32, #tpu.memory_space<vmem>> -> memref<1x64xi32, #tpu.memory_space<vmem>>
      %dma_wait3A_270 = tpu.memref_squeeze %dma_wait3A_269 : memref<1x64xi32, #tpu.memory_space<vmem>> -> memref<64xi32, #tpu.memory_space<vmem>>
      %dma_wait3A_271 = arith.constant 0 : i32
      %dma_wait3A_272 = arith.constant 0 : i32
      %dma_wait3A_273 = tpu.memref_slice %arg2[%arg0, %dma_wait3A_271, %dma_wait3A_272] : memref<2x10000x128xf32, #tpu.memory_space<hbm>> -> memref<1x10000x128xf32, #tpu.memory_space<hbm>>
      %dma_wait3A_274 = tpu.memref_squeeze %dma_wait3A_273 : memref<1x10000x128xf32, #tpu.memory_space<hbm>> -> memref<10000x128xf32, #tpu.memory_space<hbm>>
      %dma_wait3A_275 = arith.constant 0 : i32
      %dma_wait3A_276 = arith.constant 0 : i32
      %dma_wait3A_277 = tpu.memref_slice %dma_wait3A_274[%dma_wait3A_275, %dma_wait3A_276] : memref<10000x128xf32, #tpu.memory_space<hbm>> -> memref<10000x128xf32, #tpu.memory_space<hbm>>
      tpu.wait_indirect_dma semaphore(%arg17 : memref<!tpu.dma_semaphore, #tpu.memory_space<semaphore_mem>>) src(%dma_wait3A_277 : memref<10000x128xf32, #tpu.memory_space<hbm>>) dst(%arg13 : memref<64x128xf32, #tpu.memory_space<vmem>>)
      %dma_wait3A_278 = arith.constant 5 : i32
      %dma_wait3A_279 = arith.constant 0 : i32
      %dma_wait3A_280 = tpu.memref_slice %arg7[%dma_wait3A_278, %dma_wait3A_279] : memref<8x64xi32, #tpu.memory_space<vmem>> -> memref<1x64xi32, #tpu.memory_space<vmem>>
      %dma_wait3A_281 = tpu.memref_squeeze %dma_wait3A_280 : memref<1x64xi32, #tpu.memory_space<vmem>> -> memref<64xi32, #tpu.memory_space<vmem>>
      %dma_wait3A_282 = arith.constant 0 : i32
      %dma_wait3A_283 = arith.constant 0 : i32
      %dma_wait3A_284 = tpu.memref_slice %arg24[%dma_wait3A_282, %dma_wait3A_283] : memref<10240x128xf32, #tpu.memory_space<vmem_shared>> -> memref<10240x128xf32, #tpu.memory_space<vmem_shared>>
      tpu.wait_indirect_dma semaphore(%arg20 : memref<!tpu.dma_semaphore, #tpu.memory_space<semaphore_mem>>) src(%arg12 : memref<64x128xf32, #tpu.memory_space<vmem>>) dst(%dma_wait3A_284 : memref<10240x128xf32, #tpu.memory_space<vmem_shared>>)
      %dma_start3A_285 = arith.constant 0 : i32
      %dma_start3A_286 = arith.constant 0 : i32
      %dma_start3A_287 = tpu.memref_slice %arg10[%dma_start3A_285, %dma_start3A_286] : memref<8x64xi32, #tpu.memory_space<vmem>> -> memref<1x64xi32, #tpu.memory_space<vmem>>
      %dma_start3A_288 = tpu.memref_squeeze %dma_start3A_287 : memref<1x64xi32, #tpu.memory_space<vmem>> -> memref<64xi32, #tpu.memory_space<vmem>>
      %dma_start3A_289 = arith.constant 0 : i32
      %dma_start3A_290 = arith.constant 0 : i32
      %dma_start3A_291 = tpu.memref_slice %arg2[%arg0, %dma_start3A_289, %dma_start3A_290] : memref<2x10000x128xf32, #tpu.memory_space<hbm>> -> memref<1x10000x128xf32, #tpu.memory_space<hbm>>
      %dma_start3A_292 = tpu.memref_squeeze %dma_start3A_291 : memref<1x10000x128xf32, #tpu.memory_space<hbm>> -> memref<10000x128xf32, #tpu.memory_space<hbm>>
      %dma_start3A_293 = arith.constant 0 : i32
      %dma_start3A_294 = arith.constant 0 : i32
      %dma_start3A_295 = tpu.memref_slice %dma_start3A_292[%dma_start3A_293, %dma_start3A_294] : memref<10000x128xf32, #tpu.memory_space<hbm>> -> memref<10000x128xf32, #tpu.memory_space<hbm>>
      tpu.enqueue_indirect_dma source(%dma_start3A_295 : memref<10000x128xf32, #tpu.memory_space<hbm>>) target(%arg12 : memref<64x128xf32, #tpu.memory_space<vmem>>) offsets(%dma_start3A_288 : memref<64xi32, #tpu.memory_space<vmem>>) semaphore(%arg16 : memref<!tpu.dma_semaphore, #tpu.memory_space<semaphore_mem>>)
      %dma_start3A_296 = arith.constant 5 : i32
      %dma_start3A_297 = arith.constant 0 : i32
      %dma_start3A_298 = tpu.memref_slice %arg7[%dma_start3A_296, %dma_start3A_297] : memref<8x64xi32, #tpu.memory_space<vmem>> -> memref<1x64xi32, #tpu.memory_space<vmem>>
      %dma_start3A_299 = tpu.memref_squeeze %dma_start3A_298 : memref<1x64xi32, #tpu.memory_space<vmem>> -> memref<64xi32, #tpu.memory_space<vmem>>
      %dma_start3A_300 = arith.constant 0 : i32
      %dma_start3A_301 = arith.constant 0 : i32
      %dma_start3A_302 = tpu.memref_slice %arg24[%dma_start3A_300, %dma_start3A_301] : memref<10240x128xf32, #tpu.memory_space<vmem_shared>> -> memref<10240x128xf32, #tpu.memory_space<vmem_shared>>
      tpu.enqueue_indirect_dma source(%arg13 : memref<64x128xf32, #tpu.memory_space<vmem>>) target(%dma_start3A_302 : memref<10240x128xf32, #tpu.memory_space<vmem_shared>>) offsets(%dma_start3A_299 : memref<64xi32, #tpu.memory_space<vmem>>) semaphore(%arg21 : memref<!tpu.dma_semaphore, #tpu.memory_space<semaphore_mem>>) {add = true}
      %dma_wait3A_303 = arith.constant 6 : i32
      %dma_wait3A_304 = arith.constant 0 : i32
      %dma_wait3A_305 = tpu.memref_slice %arg8[%dma_wait3A_303, %dma_wait3A_304] : memref<8x64xi32, #tpu.memory_space<vmem>> -> memref<1x64xi32, #tpu.memory_space<vmem>>
      %dma_wait3A_306 = tpu.memref_squeeze %dma_wait3A_305 : memref<1x64xi32, #tpu.memory_space<vmem>> -> memref<64xi32, #tpu.memory_space<vmem>>
      %dma_wait3A_307 = arith.constant 0 : i32
      %dma_wait3A_308 = arith.constant 0 : i32
      %dma_wait3A_309 = tpu.memref_slice %arg2[%arg0, %dma_wait3A_307, %dma_wait3A_308] : memref<2x10000x128xf32, #tpu.memory_space<hbm>> -> memref<1x10000x128xf32, #tpu.memory_space<hbm>>
      %dma_wait3A_310 = tpu.memref_squeeze %dma_wait3A_309 : memref<1x10000x128xf32, #tpu.memory_space<hbm>> -> memref<10000x128xf32, #tpu.memory_space<hbm>>
      %dma_wait3A_311 = arith.constant 0 : i32
      %dma_wait3A_312 = arith.constant 0 : i32
      %dma_wait3A_313 = tpu.memref_slice %dma_wait3A_310[%dma_wait3A_311, %dma_wait3A_312] : memref<10000x128xf32, #tpu.memory_space<hbm>> -> memref<10000x128xf32, #tpu.memory_space<hbm>>
      tpu.wait_indirect_dma semaphore(%arg18 : memref<!tpu.dma_semaphore, #tpu.memory_space<semaphore_mem>>) src(%dma_wait3A_313 : memref<10000x128xf32, #tpu.memory_space<hbm>>) dst(%arg14 : memref<64x128xf32, #tpu.memory_space<vmem>>)
      %dma_wait3A_314 = arith.constant 6 : i32
      %dma_wait3A_315 = arith.constant 0 : i32
      %dma_wait3A_316 = tpu.memref_slice %arg7[%dma_wait3A_314, %dma_wait3A_315] : memref<8x64xi32, #tpu.memory_space<vmem>> -> memref<1x64xi32, #tpu.memory_space<vmem>>
      %dma_wait3A_317 = tpu.memref_squeeze %dma_wait3A_316 : memref<1x64xi32, #tpu.memory_space<vmem>> -> memref<64xi32, #tpu.memory_space<vmem>>
      %dma_wait3A_318 = arith.constant 0 : i32
      %dma_wait3A_319 = arith.constant 0 : i32
      %dma_wait3A_320 = tpu.memref_slice %arg24[%dma_wait3A_318, %dma_wait3A_319] : memref<10240x128xf32, #tpu.memory_space<vmem_shared>> -> memref<10240x128xf32, #tpu.memory_space<vmem_shared>>
      tpu.wait_indirect_dma semaphore(%arg21 : memref<!tpu.dma_semaphore, #tpu.memory_space<semaphore_mem>>) src(%arg13 : memref<64x128xf32, #tpu.memory_space<vmem>>) dst(%dma_wait3A_320 : memref<10240x128xf32, #tpu.memory_space<vmem_shared>>)
      %dma_start3A_321 = arith.constant 1 : i32
      %dma_start3A_322 = arith.constant 0 : i32
      %dma_start3A_323 = tpu.memref_slice %arg10[%dma_start3A_321, %dma_start3A_322] : memref<8x64xi32, #tpu.memory_space<vmem>> -> memref<1x64xi32, #tpu.memory_space<vmem>>
      %dma_start3A_324 = tpu.memref_squeeze %dma_start3A_323 : memref<1x64xi32, #tpu.memory_space<vmem>> -> memref<64xi32, #tpu.memory_space<vmem>>
      %dma_start3A_325 = arith.constant 0 : i32
      %dma_start3A_326 = arith.constant 0 : i32
      %dma_start3A_327 = tpu.memref_slice %arg2[%arg0, %dma_start3A_325, %dma_start3A_326] : memref<2x10000x128xf32, #tpu.memory_space<hbm>> -> memref<1x10000x128xf32, #tpu.memory_space<hbm>>
      %dma_start3A_328 = tpu.memref_squeeze %dma_start3A_327 : memref<1x10000x128xf32, #tpu.memory_space<hbm>> -> memref<10000x128xf32, #tpu.memory_space<hbm>>
      %dma_start3A_329 = arith.constant 0 : i32
      %dma_start3A_330 = arith.constant 0 : i32
      %dma_start3A_331 = tpu.memref_slice %dma_start3A_328[%dma_start3A_329, %dma_start3A_330] : memref<10000x128xf32, #tpu.memory_space<hbm>> -> memref<10000x128xf32, #tpu.memory_space<hbm>>
      tpu.enqueue_indirect_dma source(%dma_start3A_331 : memref<10000x128xf32, #tpu.memory_space<hbm>>) target(%arg13 : memref<64x128xf32, #tpu.memory_space<vmem>>) offsets(%dma_start3A_324 : memref<64xi32, #tpu.memory_space<vmem>>) semaphore(%arg17 : memref<!tpu.dma_semaphore, #tpu.memory_space<semaphore_mem>>)
      %dma_start3A_332 = arith.constant 6 : i32
      %dma_start3A_333 = arith.constant 0 : i32
      %dma_start3A_334 = tpu.memref_slice %arg7[%dma_start3A_332, %dma_start3A_333] : memref<8x64xi32, #tpu.memory_space<vmem>> -> memref<1x64xi32, #tpu.memory_space<vmem>>
      %dma_start3A_335 = tpu.memref_squeeze %dma_start3A_334 : memref<1x64xi32, #tpu.memory_space<vmem>> -> memref<64xi32, #tpu.memory_space<vmem>>
      %dma_start3A_336 = arith.constant 0 : i32
      %dma_start3A_337 = arith.constant 0 : i32
      %dma_start3A_338 = tpu.memref_slice %arg24[%dma_start3A_336, %dma_start3A_337] : memref<10240x128xf32, #tpu.memory_space<vmem_shared>> -> memref<10240x128xf32, #tpu.memory_space<vmem_shared>>
      tpu.enqueue_indirect_dma source(%arg14 : memref<64x128xf32, #tpu.memory_space<vmem>>) target(%dma_start3A_338 : memref<10240x128xf32, #tpu.memory_space<vmem_shared>>) offsets(%dma_start3A_335 : memref<64xi32, #tpu.memory_space<vmem>>) semaphore(%arg22 : memref<!tpu.dma_semaphore, #tpu.memory_space<semaphore_mem>>) {add = true}
      %dma_wait3A_339 = arith.constant 7 : i32
      %dma_wait3A_340 = arith.constant 0 : i32
      %dma_wait3A_341 = tpu.memref_slice %arg8[%dma_wait3A_339, %dma_wait3A_340] : memref<8x64xi32, #tpu.memory_space<vmem>> -> memref<1x64xi32, #tpu.memory_space<vmem>>
      %dma_wait3A_342 = tpu.memref_squeeze %dma_wait3A_341 : memref<1x64xi32, #tpu.memory_space<vmem>> -> memref<64xi32, #tpu.memory_space<vmem>>
      %dma_wait3A_343 = arith.constant 0 : i32
      %dma_wait3A_344 = arith.constant 0 : i32
      %dma_wait3A_345 = tpu.memref_slice %arg2[%arg0, %dma_wait3A_343, %dma_wait3A_344] : memref<2x10000x128xf32, #tpu.memory_space<hbm>> -> memref<1x10000x128xf32, #tpu.memory_space<hbm>>
      %dma_wait3A_346 = tpu.memref_squeeze %dma_wait3A_345 : memref<1x10000x128xf32, #tpu.memory_space<hbm>> -> memref<10000x128xf32, #tpu.memory_space<hbm>>
      %dma_wait3A_347 = arith.constant 0 : i32
      %dma_wait3A_348 = arith.constant 0 : i32
      %dma_wait3A_349 = tpu.memref_slice %dma_wait3A_346[%dma_wait3A_347, %dma_wait3A_348] : memref<10000x128xf32, #tpu.memory_space<hbm>> -> memref<10000x128xf32, #tpu.memory_space<hbm>>
      tpu.wait_indirect_dma semaphore(%arg19 : memref<!tpu.dma_semaphore, #tpu.memory_space<semaphore_mem>>) src(%dma_wait3A_349 : memref<10000x128xf32, #tpu.memory_space<hbm>>) dst(%arg15 : memref<64x128xf32, #tpu.memory_space<vmem>>)
      %dma_wait3A_350 = arith.constant 7 : i32
      %dma_wait3A_351 = arith.constant 0 : i32
      %dma_wait3A_352 = tpu.memref_slice %arg7[%dma_wait3A_350, %dma_wait3A_351] : memref<8x64xi32, #tpu.memory_space<vmem>> -> memref<1x64xi32, #tpu.memory_space<vmem>>
      %dma_wait3A_353 = tpu.memref_squeeze %dma_wait3A_352 : memref<1x64xi32, #tpu.memory_space<vmem>> -> memref<64xi32, #tpu.memory_space<vmem>>
      %dma_wait3A_354 = arith.constant 0 : i32
      %dma_wait3A_355 = arith.constant 0 : i32
      %dma_wait3A_356 = tpu.memref_slice %arg24[%dma_wait3A_354, %dma_wait3A_355] : memref<10240x128xf32, #tpu.memory_space<vmem_shared>> -> memref<10240x128xf32, #tpu.memory_space<vmem_shared>>
      tpu.wait_indirect_dma semaphore(%arg22 : memref<!tpu.dma_semaphore, #tpu.memory_space<semaphore_mem>>) src(%arg14 : memref<64x128xf32, #tpu.memory_space<vmem>>) dst(%dma_wait3A_356 : memref<10240x128xf32, #tpu.memory_space<vmem_shared>>)
      %dma_start3A_357 = arith.constant 2 : i32
      %dma_start3A_358 = arith.constant 0 : i32
      %dma_start3A_359 = tpu.memref_slice %arg10[%dma_start3A_357, %dma_start3A_358] : memref<8x64xi32, #tpu.memory_space<vmem>> -> memref<1x64xi32, #tpu.memory_space<vmem>>
      %dma_start3A_360 = tpu.memref_squeeze %dma_start3A_359 : memref<1x64xi32, #tpu.memory_space<vmem>> -> memref<64xi32, #tpu.memory_space<vmem>>
      %dma_start3A_361 = arith.constant 0 : i32
      %dma_start3A_362 = arith.constant 0 : i32
      %dma_start3A_363 = tpu.memref_slice %arg2[%arg0, %dma_start3A_361, %dma_start3A_362] : memref<2x10000x128xf32, #tpu.memory_space<hbm>> -> memref<1x10000x128xf32, #tpu.memory_space<hbm>>
      %dma_start3A_364 = tpu.memref_squeeze %dma_start3A_363 : memref<1x10000x128xf32, #tpu.memory_space<hbm>> -> memref<10000x128xf32, #tpu.memory_space<hbm>>
      %dma_start3A_365 = arith.constant 0 : i32
      %dma_start3A_366 = arith.constant 0 : i32
      %dma_start3A_367 = tpu.memref_slice %dma_start3A_364[%dma_start3A_365, %dma_start3A_366] : memref<10000x128xf32, #tpu.memory_space<hbm>> -> memref<10000x128xf32, #tpu.memory_space<hbm>>
      tpu.enqueue_indirect_dma source(%dma_start3A_367 : memref<10000x128xf32, #tpu.memory_space<hbm>>) target(%arg14 : memref<64x128xf32, #tpu.memory_space<vmem>>) offsets(%dma_start3A_360 : memref<64xi32, #tpu.memory_space<vmem>>) semaphore(%arg18 : memref<!tpu.dma_semaphore, #tpu.memory_space<semaphore_mem>>)
      %dma_start3A_368 = arith.constant 7 : i32
      %dma_start3A_369 = arith.constant 0 : i32
      %dma_start3A_370 = tpu.memref_slice %arg7[%dma_start3A_368, %dma_start3A_369] : memref<8x64xi32, #tpu.memory_space<vmem>> -> memref<1x64xi32, #tpu.memory_space<vmem>>
      %dma_start3A_371 = tpu.memref_squeeze %dma_start3A_370 : memref<1x64xi32, #tpu.memory_space<vmem>> -> memref<64xi32, #tpu.memory_space<vmem>>
      %dma_start3A_372 = arith.constant 0 : i32
      %dma_start3A_373 = arith.constant 0 : i32
      %dma_start3A_374 = tpu.memref_slice %arg24[%dma_start3A_372, %dma_start3A_373] : memref<10240x128xf32, #tpu.memory_space<vmem_shared>> -> memref<10240x128xf32, #tpu.memory_space<vmem_shared>>
      tpu.enqueue_indirect_dma source(%arg15 : memref<64x128xf32, #tpu.memory_space<vmem>>) target(%dma_start3A_374 : memref<10240x128xf32, #tpu.memory_space<vmem_shared>>) offsets(%dma_start3A_371 : memref<64xi32, #tpu.memory_space<vmem>>) semaphore(%arg23 : memref<!tpu.dma_semaphore, #tpu.memory_space<semaphore_mem>>) {add = true}
      %convert_element_type3A_375 = arith.extui %lt3A_94 : i1 to i32
      %cond3A_376 = arith.constant 0 : i32
      %cond3A_377 = arith.cmpi ne, %convert_element_type3A_375, %cond3A_376 : i32
      scf.if %cond3A_377 {
        %add3A_642 = arith.constant 2 : i32
        %add3A_643 = arith.addi %add3A_93, %add3A_642 : i32
        "tpu.region"() ({
          %run_scoped3A = tpu.sem_alloc : memref<!tpu.dma_semaphore, #tpu.memory_space<semaphore_mem>>
          %dma_start3A_646 = arith.constant 0 : i32
          %dma_start3A_647 = arith.constant 0 : i32
          %dma_start3A_648 = tpu.memref_slice %arg3[%arg0, %add3A_643, %dma_start3A_646, %dma_start3A_647] : memref<2x640x8x64xi32, #tpu.memory_space<hbm>> -> memref<1x1x8x64xi32, #tpu.memory_space<hbm>>
          %dma_start3A_649 = tpu.memref_squeeze %dma_start3A_648 : memref<1x1x8x64xi32, #tpu.memory_space<hbm>> -> memref<8x64xi32, #tpu.memory_space<hbm>>
          %dma_start3A_650 = arith.constant 0 : i32
          %dma_start3A_651 = arith.constant 0 : i32
          %dma_start3A_652 = tpu.memref_slice %arg3[%arg0, %add3A_643, %dma_start3A_650, %dma_start3A_651] : memref<2x640x8x64xi32, #tpu.memory_space<hbm>> -> memref<1x1x8x64xi32, #tpu.memory_space<hbm>>
          %dma_start3A_653 = tpu.memref_squeeze %dma_start3A_652 : memref<1x1x8x64xi32, #tpu.memory_space<hbm>> -> memref<8x64xi32, #tpu.memory_space<hbm>>
          tpu.enqueue_dma source(%dma_start3A_653 : memref<8x64xi32, #tpu.memory_space<hbm>>) target(%arg7 : memref<8x64xi32, #tpu.memory_space<vmem>>) target_semaphore(%run_scoped3A : memref<!tpu.dma_semaphore, #tpu.memory_space<semaphore_mem>>)
          %dma_wait3A_654 = arith.constant 0 : i32
          %dma_wait3A_655 = arith.constant 0 : i32
          %dma_wait3A_656 = tpu.memref_slice %arg3[%arg0, %add3A_643, %dma_wait3A_654, %dma_wait3A_655] : memref<2x640x8x64xi32, #tpu.memory_space<hbm>> -> memref<1x1x8x64xi32, #tpu.memory_space<hbm>>
          %dma_wait3A_657 = tpu.memref_squeeze %dma_wait3A_656 : memref<1x1x8x64xi32, #tpu.memory_space<hbm>> -> memref<8x64xi32, #tpu.memory_space<hbm>>
          %dma_wait3A_658 = arith.constant 0 : i32
          %dma_wait3A_659 = arith.constant 0 : i32
          %dma_wait3A_660 = tpu.memref_slice %arg3[%arg0, %add3A_643, %dma_wait3A_658, %dma_wait3A_659] : memref<2x640x8x64xi32, #tpu.memory_space<hbm>> -> memref<1x1x8x64xi32, #tpu.memory_space<hbm>>
          %dma_wait3A_661 = tpu.memref_squeeze %dma_wait3A_660 : memref<1x1x8x64xi32, #tpu.memory_space<hbm>> -> memref<8x64xi32, #tpu.memory_space<hbm>>
          tpu.wait_dma2 semaphore(%run_scoped3A : memref<!tpu.dma_semaphore, #tpu.memory_space<semaphore_mem>>) src(%dma_wait3A_661 : memref<8x64xi32, #tpu.memory_space<hbm>>) dst(%arg7 : memref<8x64xi32, #tpu.memory_space<vmem>>)
          tpu.yield
        }) : () -> ()
        %add3A_644 = arith.constant 2 : i32
        %add3A_645 = arith.addi %add3A_93, %add3A_644 : i32
        "tpu.region"() ({
          %run_scoped3A = tpu.sem_alloc : memref<!tpu.dma_semaphore, #tpu.memory_space<semaphore_mem>>
          %dma_start3A_646 = arith.constant 0 : i32
          %dma_start3A_647 = arith.constant 0 : i32
          %dma_start3A_648 = tpu.memref_slice %arg4[%arg0, %add3A_645, %dma_start3A_646, %dma_start3A_647] : memref<2x640x8x64xi32, #tpu.memory_space<hbm>> -> memref<1x1x8x64xi32, #tpu.memory_space<hbm>>
          %dma_start3A_649 = tpu.memref_squeeze %dma_start3A_648 : memref<1x1x8x64xi32, #tpu.memory_space<hbm>> -> memref<8x64xi32, #tpu.memory_space<hbm>>
          %dma_start3A_650 = arith.constant 0 : i32
          %dma_start3A_651 = arith.constant 0 : i32
          %dma_start3A_652 = tpu.memref_slice %arg4[%arg0, %add3A_645, %dma_start3A_650, %dma_start3A_651] : memref<2x640x8x64xi32, #tpu.memory_space<hbm>> -> memref<1x1x8x64xi32, #tpu.memory_space<hbm>>
          %dma_start3A_653 = tpu.memref_squeeze %dma_start3A_652 : memref<1x1x8x64xi32, #tpu.memory_space<hbm>> -> memref<8x64xi32, #tpu.memory_space<hbm>>
          tpu.enqueue_dma source(%dma_start3A_653 : memref<8x64xi32, #tpu.memory_space<hbm>>) target(%arg8 : memref<8x64xi32, #tpu.memory_space<vmem>>) target_semaphore(%run_scoped3A : memref<!tpu.dma_semaphore, #tpu.memory_space<semaphore_mem>>)
          %dma_wait3A_654 = arith.constant 0 : i32
          %dma_wait3A_655 = arith.constant 0 : i32
          %dma_wait3A_656 = tpu.memref_slice %arg4[%arg0, %add3A_645, %dma_wait3A_654, %dma_wait3A_655] : memref<2x640x8x64xi32, #tpu.memory_space<hbm>> -> memref<1x1x8x64xi32, #tpu.memory_space<hbm>>
          %dma_wait3A_657 = tpu.memref_squeeze %dma_wait3A_656 : memref<1x1x8x64xi32, #tpu.memory_space<hbm>> -> memref<8x64xi32, #tpu.memory_space<hbm>>
          %dma_wait3A_658 = arith.constant 0 : i32
          %dma_wait3A_659 = arith.constant 0 : i32
          %dma_wait3A_660 = tpu.memref_slice %arg4[%arg0, %add3A_645, %dma_wait3A_658, %dma_wait3A_659] : memref<2x640x8x64xi32, #tpu.memory_space<hbm>> -> memref<1x1x8x64xi32, #tpu.memory_space<hbm>>
          %dma_wait3A_661 = tpu.memref_squeeze %dma_wait3A_660 : memref<1x1x8x64xi32, #tpu.memory_space<hbm>> -> memref<8x64xi32, #tpu.memory_space<hbm>>
          tpu.wait_dma2 semaphore(%run_scoped3A : memref<!tpu.dma_semaphore, #tpu.memory_space<semaphore_mem>>) src(%dma_wait3A_661 : memref<8x64xi32, #tpu.memory_space<hbm>>) dst(%arg8 : memref<8x64xi32, #tpu.memory_space<vmem>>)
          tpu.yield
        }) : () -> ()
      } else {
      }
      %dma_wait3A_378 = arith.constant 0 : i32
      %dma_wait3A_379 = arith.constant 0 : i32
      %dma_wait3A_380 = tpu.memref_slice %arg10[%dma_wait3A_378, %dma_wait3A_379] : memref<8x64xi32, #tpu.memory_space<vmem>> -> memref<1x64xi32, #tpu.memory_space<vmem>>
      %dma_wait3A_381 = tpu.memref_squeeze %dma_wait3A_380 : memref<1x64xi32, #tpu.memory_space<vmem>> -> memref<64xi32, #tpu.memory_space<vmem>>
      %dma_wait3A_382 = arith.constant 0 : i32
      %dma_wait3A_383 = arith.constant 0 : i32
      %dma_wait3A_384 = tpu.memref_slice %arg2[%arg0, %dma_wait3A_382, %dma_wait3A_383] : memref<2x10000x128xf32, #tpu.memory_space<hbm>> -> memref<1x10000x128xf32, #tpu.memory_space<hbm>>
      %dma_wait3A_385 = tpu.memref_squeeze %dma_wait3A_384 : memref<1x10000x128xf32, #tpu.memory_space<hbm>> -> memref<10000x128xf32, #tpu.memory_space<hbm>>
      %dma_wait3A_386 = arith.constant 0 : i32
      %dma_wait3A_387 = arith.constant 0 : i32
      %dma_wait3A_388 = tpu.memref_slice %dma_wait3A_385[%dma_wait3A_386, %dma_wait3A_387] : memref<10000x128xf32, #tpu.memory_space<hbm>> -> memref<10000x128xf32, #tpu.memory_space<hbm>>
      tpu.wait_indirect_dma semaphore(%arg16 : memref<!tpu.dma_semaphore, #tpu.memory_space<semaphore_mem>>) src(%dma_wait3A_388 : memref<10000x128xf32, #tpu.memory_space<hbm>>) dst(%arg12 : memref<64x128xf32, #tpu.memory_space<vmem>>)
      %dma_wait3A_389 = arith.constant 0 : i32
      %dma_wait3A_390 = arith.constant 0 : i32
      %dma_wait3A_391 = tpu.memref_slice %arg9[%dma_wait3A_389, %dma_wait3A_390] : memref<8x64xi32, #tpu.memory_space<vmem>> -> memref<1x64xi32, #tpu.memory_space<vmem>>
      %dma_wait3A_392 = tpu.memref_squeeze %dma_wait3A_391 : memref<1x64xi32, #tpu.memory_space<vmem>> -> memref<64xi32, #tpu.memory_space<vmem>>
      %dma_wait3A_393 = arith.constant 0 : i32
      %dma_wait3A_394 = arith.constant 0 : i32
      %dma_wait3A_395 = tpu.memref_slice %arg24[%dma_wait3A_393, %dma_wait3A_394] : memref<10240x128xf32, #tpu.memory_space<vmem_shared>> -> memref<10240x128xf32, #tpu.memory_space<vmem_shared>>
      tpu.wait_indirect_dma semaphore(%arg23 : memref<!tpu.dma_semaphore, #tpu.memory_space<semaphore_mem>>) src(%arg15 : memref<64x128xf32, #tpu.memory_space<vmem>>) dst(%dma_wait3A_395 : memref<10240x128xf32, #tpu.memory_space<vmem_shared>>)
      %dma_start3A_396 = arith.constant 3 : i32
      %dma_start3A_397 = arith.constant 0 : i32
      %dma_start3A_398 = tpu.memref_slice %arg10[%dma_start3A_396, %dma_start3A_397] : memref<8x64xi32, #tpu.memory_space<vmem>> -> memref<1x64xi32, #tpu.memory_space<vmem>>
      %dma_start3A_399 = tpu.memref_squeeze %dma_start3A_398 : memref<1x64xi32, #tpu.memory_space<vmem>> -> memref<64xi32, #tpu.memory_space<vmem>>
      %dma_start3A_400 = arith.constant 0 : i32
      %dma_start3A_401 = arith.constant 0 : i32
      %dma_start3A_402 = tpu.memref_slice %arg2[%arg0, %dma_start3A_400, %dma_start3A_401] : memref<2x10000x128xf32, #tpu.memory_space<hbm>> -> memref<1x10000x128xf32, #tpu.memory_space<hbm>>
      %dma_start3A_403 = tpu.memref_squeeze %dma_start3A_402 : memref<1x10000x128xf32, #tpu.memory_space<hbm>> -> memref<10000x128xf32, #tpu.memory_space<hbm>>
      %dma_start3A_404 = arith.constant 0 : i32
      %dma_start3A_405 = arith.constant 0 : i32
      %dma_start3A_406 = tpu.memref_slice %dma_start3A_403[%dma_start3A_404, %dma_start3A_405] : memref<10000x128xf32, #tpu.memory_space<hbm>> -> memref<10000x128xf32, #tpu.memory_space<hbm>>
      tpu.enqueue_indirect_dma source(%dma_start3A_406 : memref<10000x128xf32, #tpu.memory_space<hbm>>) target(%arg15 : memref<64x128xf32, #tpu.memory_space<vmem>>) offsets(%dma_start3A_399 : memref<64xi32, #tpu.memory_space<vmem>>) semaphore(%arg19 : memref<!tpu.dma_semaphore, #tpu.memory_space<semaphore_mem>>)
      %dma_start3A_407 = arith.constant 0 : i32
      %dma_start3A_408 = arith.constant 0 : i32
      %dma_start3A_409 = tpu.memref_slice %arg9[%dma_start3A_407, %dma_start3A_408] : memref<8x64xi32, #tpu.memory_space<vmem>> -> memref<1x64xi32, #tpu.memory_space<vmem>>
      %dma_start3A_410 = tpu.memref_squeeze %dma_start3A_409 : memref<1x64xi32, #tpu.memory_space<vmem>> -> memref<64xi32, #tpu.memory_space<vmem>>
      %dma_start3A_411 = arith.constant 0 : i32
      %dma_start3A_412 = arith.constant 0 : i32
      %dma_start3A_413 = tpu.memref_slice %arg24[%dma_start3A_411, %dma_start3A_412] : memref<10240x128xf32, #tpu.memory_space<vmem_shared>> -> memref<10240x128xf32, #tpu.memory_space<vmem_shared>>
      tpu.enqueue_indirect_dma source(%arg12 : memref<64x128xf32, #tpu.memory_space<vmem>>) target(%dma_start3A_413 : memref<10240x128xf32, #tpu.memory_space<vmem_shared>>) offsets(%dma_start3A_410 : memref<64xi32, #tpu.memory_space<vmem>>) semaphore(%arg20 : memref<!tpu.dma_semaphore, #tpu.memory_space<semaphore_mem>>) {add = true}
      %dma_wait3A_414 = arith.constant 1 : i32
      %dma_wait3A_415 = arith.constant 0 : i32
      %dma_wait3A_416 = tpu.memref_slice %arg10[%dma_wait3A_414, %dma_wait3A_415] : memref<8x64xi32, #tpu.memory_space<vmem>> -> memref<1x64xi32, #tpu.memory_space<vmem>>
      %dma_wait3A_417 = tpu.memref_squeeze %dma_wait3A_416 : memref<1x64xi32, #tpu.memory_space<vmem>> -> memref<64xi32, #tpu.memory_space<vmem>>
      %dma_wait3A_418 = arith.constant 0 : i32
      %dma_wait3A_419 = arith.constant 0 : i32
      %dma_wait3A_420 = tpu.memref_slice %arg2[%arg0, %dma_wait3A_418, %dma_wait3A_419] : memref<2x10000x128xf32, #tpu.memory_space<hbm>> -> memref<1x10000x128xf32, #tpu.memory_space<hbm>>
      %dma_wait3A_421 = tpu.memref_squeeze %dma_wait3A_420 : memref<1x10000x128xf32, #tpu.memory_space<hbm>> -> memref<10000x128xf32, #tpu.memory_space<hbm>>
      %dma_wait3A_422 = arith.constant 0 : i32
      %dma_wait3A_423 = arith.constant 0 : i32
      %dma_wait3A_424 = tpu.memref_slice %dma_wait3A_421[%dma_wait3A_422, %dma_wait3A_423] : memref<10000x128xf32, #tpu.memory_space<hbm>> -> memref<10000x128xf32, #tpu.memory_space<hbm>>
      tpu.wait_indirect_dma semaphore(%arg17 : memref<!tpu.dma_semaphore, #tpu.memory_space<semaphore_mem>>) src(%dma_wait3A_424 : memref<10000x128xf32, #tpu.memory_space<hbm>>) dst(%arg13 : memref<64x128xf32, #tpu.memory_space<vmem>>)
      %dma_wait3A_425 = arith.constant 1 : i32
      %dma_wait3A_426 = arith.constant 0 : i32
      %dma_wait3A_427 = tpu.memref_slice %arg9[%dma_wait3A_425, %dma_wait3A_426] : memref<8x64xi32, #tpu.memory_space<vmem>> -> memref<1x64xi32, #tpu.memory_space<vmem>>
      %dma_wait3A_428 = tpu.memref_squeeze %dma_wait3A_427 : memref<1x64xi32, #tpu.memory_space<vmem>> -> memref<64xi32, #tpu.memory_space<vmem>>
      %dma_wait3A_429 = arith.constant 0 : i32
      %dma_wait3A_430 = arith.constant 0 : i32
      %dma_wait3A_431 = tpu.memref_slice %arg24[%dma_wait3A_429, %dma_wait3A_430] : memref<10240x128xf32, #tpu.memory_space<vmem_shared>> -> memref<10240x128xf32, #tpu.memory_space<vmem_shared>>
      tpu.wait_indirect_dma semaphore(%arg20 : memref<!tpu.dma_semaphore, #tpu.memory_space<semaphore_mem>>) src(%arg12 : memref<64x128xf32, #tpu.memory_space<vmem>>) dst(%dma_wait3A_431 : memref<10240x128xf32, #tpu.memory_space<vmem_shared>>)
      %dma_start3A_432 = arith.constant 4 : i32
      %dma_start3A_433 = arith.constant 0 : i32
      %dma_start3A_434 = tpu.memref_slice %arg10[%dma_start3A_432, %dma_start3A_433] : memref<8x64xi32, #tpu.memory_space<vmem>> -> memref<1x64xi32, #tpu.memory_space<vmem>>
      %dma_start3A_435 = tpu.memref_squeeze %dma_start3A_434 : memref<1x64xi32, #tpu.memory_space<vmem>> -> memref<64xi32, #tpu.memory_space<vmem>>
      %dma_start3A_436 = arith.constant 0 : i32
      %dma_start3A_437 = arith.constant 0 : i32
      %dma_start3A_438 = tpu.memref_slice %arg2[%arg0, %dma_start3A_436, %dma_start3A_437] : memref<2x10000x128xf32, #tpu.memory_space<hbm>> -> memref<1x10000x128xf32, #tpu.memory_space<hbm>>
      %dma_start3A_439 = tpu.memref_squeeze %dma_start3A_438 : memref<1x10000x128xf32, #tpu.memory_space<hbm>> -> memref<10000x128xf32, #tpu.memory_space<hbm>>
      %dma_start3A_440 = arith.constant 0 : i32
      %dma_start3A_441 = arith.constant 0 : i32
      %dma_start3A_442 = tpu.memref_slice %dma_start3A_439[%dma_start3A_440, %dma_start3A_441] : memref<10000x128xf32, #tpu.memory_space<hbm>> -> memref<10000x128xf32, #tpu.memory_space<hbm>>
      tpu.enqueue_indirect_dma source(%dma_start3A_442 : memref<10000x128xf32, #tpu.memory_space<hbm>>) target(%arg12 : memref<64x128xf32, #tpu.memory_space<vmem>>) offsets(%dma_start3A_435 : memref<64xi32, #tpu.memory_space<vmem>>) semaphore(%arg16 : memref<!tpu.dma_semaphore, #tpu.memory_space<semaphore_mem>>)
      %dma_start3A_443 = arith.constant 1 : i32
      %dma_start3A_444 = arith.constant 0 : i32
      %dma_start3A_445 = tpu.memref_slice %arg9[%dma_start3A_443, %dma_start3A_444] : memref<8x64xi32, #tpu.memory_space<vmem>> -> memref<1x64xi32, #tpu.memory_space<vmem>>
      %dma_start3A_446 = tpu.memref_squeeze %dma_start3A_445 : memref<1x64xi32, #tpu.memory_space<vmem>> -> memref<64xi32, #tpu.memory_space<vmem>>
      %dma_start3A_447 = arith.constant 0 : i32
      %dma_start3A_448 = arith.constant 0 : i32
      %dma_start3A_449 = tpu.memref_slice %arg24[%dma_start3A_447, %dma_start3A_448] : memref<10240x128xf32, #tpu.memory_space<vmem_shared>> -> memref<10240x128xf32, #tpu.memory_space<vmem_shared>>
      tpu.enqueue_indirect_dma source(%arg13 : memref<64x128xf32, #tpu.memory_space<vmem>>) target(%dma_start3A_449 : memref<10240x128xf32, #tpu.memory_space<vmem_shared>>) offsets(%dma_start3A_446 : memref<64xi32, #tpu.memory_space<vmem>>) semaphore(%arg21 : memref<!tpu.dma_semaphore, #tpu.memory_space<semaphore_mem>>) {add = true}
      %dma_wait3A_450 = arith.constant 2 : i32
      %dma_wait3A_451 = arith.constant 0 : i32
      %dma_wait3A_452 = tpu.memref_slice %arg10[%dma_wait3A_450, %dma_wait3A_451] : memref<8x64xi32, #tpu.memory_space<vmem>> -> memref<1x64xi32, #tpu.memory_space<vmem>>
      %dma_wait3A_453 = tpu.memref_squeeze %dma_wait3A_452 : memref<1x64xi32, #tpu.memory_space<vmem>> -> memref<64xi32, #tpu.memory_space<vmem>>
      %dma_wait3A_454 = arith.constant 0 : i32
      %dma_wait3A_455 = arith.constant 0 : i32
      %dma_wait3A_456 = tpu.memref_slice %arg2[%arg0, %dma_wait3A_454, %dma_wait3A_455] : memref<2x10000x128xf32, #tpu.memory_space<hbm>> -> memref<1x10000x128xf32, #tpu.memory_space<hbm>>
      %dma_wait3A_457 = tpu.memref_squeeze %dma_wait3A_456 : memref<1x10000x128xf32, #tpu.memory_space<hbm>> -> memref<10000x128xf32, #tpu.memory_space<hbm>>
      %dma_wait3A_458 = arith.constant 0 : i32
      %dma_wait3A_459 = arith.constant 0 : i32
      %dma_wait3A_460 = tpu.memref_slice %dma_wait3A_457[%dma_wait3A_458, %dma_wait3A_459] : memref<10000x128xf32, #tpu.memory_space<hbm>> -> memref<10000x128xf32, #tpu.memory_space<hbm>>
      tpu.wait_indirect_dma semaphore(%arg18 : memref<!tpu.dma_semaphore, #tpu.memory_space<semaphore_mem>>) src(%dma_wait3A_460 : memref<10000x128xf32, #tpu.memory_space<hbm>>) dst(%arg14 : memref<64x128xf32, #tpu.memory_space<vmem>>)
      %dma_wait3A_461 = arith.constant 2 : i32
      %dma_wait3A_462 = arith.constant 0 : i32
      %dma_wait3A_463 = tpu.memref_slice %arg9[%dma_wait3A_461, %dma_wait3A_462] : memref<8x64xi32, #tpu.memory_space<vmem>> -> memref<1x64xi32, #tpu.memory_space<vmem>>
      %dma_wait3A_464 = tpu.memref_squeeze %dma_wait3A_463 : memref<1x64xi32, #tpu.memory_space<vmem>> -> memref<64xi32, #tpu.memory_space<vmem>>
      %dma_wait3A_465 = arith.constant 0 : i32
      %dma_wait3A_466 = arith.constant 0 : i32
      %dma_wait3A_467 = tpu.memref_slice %arg24[%dma_wait3A_465, %dma_wait3A_466] : memref<10240x128xf32, #tpu.memory_space<vmem_shared>> -> memref<10240x128xf32, #tpu.memory_space<vmem_shared>>
      tpu.wait_indirect_dma semaphore(%arg21 : memref<!tpu.dma_semaphore, #tpu.memory_space<semaphore_mem>>) src(%arg13 : memref<64x128xf32, #tpu.memory_space<vmem>>) dst(%dma_wait3A_467 : memref<10240x128xf32, #tpu.memory_space<vmem_shared>>)
      %dma_start3A_468 = arith.constant 5 : i32
      %dma_start3A_469 = arith.constant 0 : i32
      %dma_start3A_470 = tpu.memref_slice %arg10[%dma_start3A_468, %dma_start3A_469] : memref<8x64xi32, #tpu.memory_space<vmem>> -> memref<1x64xi32, #tpu.memory_space<vmem>>
      %dma_start3A_471 = tpu.memref_squeeze %dma_start3A_470 : memref<1x64xi32, #tpu.memory_space<vmem>> -> memref<64xi32, #tpu.memory_space<vmem>>
      %dma_start3A_472 = arith.constant 0 : i32
      %dma_start3A_473 = arith.constant 0 : i32
      %dma_start3A_474 = tpu.memref_slice %arg2[%arg0, %dma_start3A_472, %dma_start3A_473] : memref<2x10000x128xf32, #tpu.memory_space<hbm>> -> memref<1x10000x128xf32, #tpu.memory_space<hbm>>
      %dma_start3A_475 = tpu.memref_squeeze %dma_start3A_474 : memref<1x10000x128xf32, #tpu.memory_space<hbm>> -> memref<10000x128xf32, #tpu.memory_space<hbm>>
      %dma_start3A_476 = arith.constant 0 : i32
      %dma_start3A_477 = arith.constant 0 : i32
      %dma_start3A_478 = tpu.memref_slice %dma_start3A_475[%dma_start3A_476, %dma_start3A_477] : memref<10000x128xf32, #tpu.memory_space<hbm>> -> memref<10000x128xf32, #tpu.memory_space<hbm>>
      tpu.enqueue_indirect_dma source(%dma_start3A_478 : memref<10000x128xf32, #tpu.memory_space<hbm>>) target(%arg13 : memref<64x128xf32, #tpu.memory_space<vmem>>) offsets(%dma_start3A_471 : memref<64xi32, #tpu.memory_space<vmem>>) semaphore(%arg17 : memref<!tpu.dma_semaphore, #tpu.memory_space<semaphore_mem>>)
      %dma_start3A_479 = arith.constant 2 : i32
      %dma_start3A_480 = arith.constant 0 : i32
      %dma_start3A_481 = tpu.memref_slice %arg9[%dma_start3A_479, %dma_start3A_480] : memref<8x64xi32, #tpu.memory_space<vmem>> -> memref<1x64xi32, #tpu.memory_space<vmem>>
      %dma_start3A_482 = tpu.memref_squeeze %dma_start3A_481 : memref<1x64xi32, #tpu.memory_space<vmem>> -> memref<64xi32, #tpu.memory_space<vmem>>
      %dma_start3A_483 = arith.constant 0 : i32
      %dma_start3A_484 = arith.constant 0 : i32
      %dma_start3A_485 = tpu.memref_slice %arg24[%dma_start3A_483, %dma_start3A_484] : memref<10240x128xf32, #tpu.memory_space<vmem_shared>> -> memref<10240x128xf32, #tpu.memory_space<vmem_shared>>
      tpu.enqueue_indirect_dma source(%arg14 : memref<64x128xf32, #tpu.memory_space<vmem>>) target(%dma_start3A_485 : memref<10240x128xf32, #tpu.memory_space<vmem_shared>>) offsets(%dma_start3A_482 : memref<64xi32, #tpu.memory_space<vmem>>) semaphore(%arg22 : memref<!tpu.dma_semaphore, #tpu.memory_space<semaphore_mem>>) {add = true}
      %dma_wait3A_486 = arith.constant 3 : i32
      %dma_wait3A_487 = arith.constant 0 : i32
      %dma_wait3A_488 = tpu.memref_slice %arg10[%dma_wait3A_486, %dma_wait3A_487] : memref<8x64xi32, #tpu.memory_space<vmem>> -> memref<1x64xi32, #tpu.memory_space<vmem>>
      %dma_wait3A_489 = tpu.memref_squeeze %dma_wait3A_488 : memref<1x64xi32, #tpu.memory_space<vmem>> -> memref<64xi32, #tpu.memory_space<vmem>>
      %dma_wait3A_490 = arith.constant 0 : i32
      %dma_wait3A_491 = arith.constant 0 : i32
      %dma_wait3A_492 = tpu.memref_slice %arg2[%arg0, %dma_wait3A_490, %dma_wait3A_491] : memref<2x10000x128xf32, #tpu.memory_space<hbm>> -> memref<1x10000x128xf32, #tpu.memory_space<hbm>>
      %dma_wait3A_493 = tpu.memref_squeeze %dma_wait3A_492 : memref<1x10000x128xf32, #tpu.memory_space<hbm>> -> memref<10000x128xf32, #tpu.memory_space<hbm>>
      %dma_wait3A_494 = arith.constant 0 : i32
      %dma_wait3A_495 = arith.constant 0 : i32
      %dma_wait3A_496 = tpu.memref_slice %dma_wait3A_493[%dma_wait3A_494, %dma_wait3A_495] : memref<10000x128xf32, #tpu.memory_space<hbm>> -> memref<10000x128xf32, #tpu.memory_space<hbm>>
      tpu.wait_indirect_dma semaphore(%arg19 : memref<!tpu.dma_semaphore, #tpu.memory_space<semaphore_mem>>) src(%dma_wait3A_496 : memref<10000x128xf32, #tpu.memory_space<hbm>>) dst(%arg15 : memref<64x128xf32, #tpu.memory_space<vmem>>)
      %dma_wait3A_497 = arith.constant 3 : i32
      %dma_wait3A_498 = arith.constant 0 : i32
      %dma_wait3A_499 = tpu.memref_slice %arg9[%dma_wait3A_497, %dma_wait3A_498] : memref<8x64xi32, #tpu.memory_space<vmem>> -> memref<1x64xi32, #tpu.memory_space<vmem>>
      %dma_wait3A_500 = tpu.memref_squeeze %dma_wait3A_499 : memref<1x64xi32, #tpu.memory_space<vmem>> -> memref<64xi32, #tpu.memory_space<vmem>>
      %dma_wait3A_501 = arith.constant 0 : i32
      %dma_wait3A_502 = arith.constant 0 : i32
      %dma_wait3A_503 = tpu.memref_slice %arg24[%dma_wait3A_501, %dma_wait3A_502] : memref<10240x128xf32, #tpu.memory_space<vmem_shared>> -> memref<10240x128xf32, #tpu.memory_space<vmem_shared>>
      tpu.wait_indirect_dma semaphore(%arg22 : memref<!tpu.dma_semaphore, #tpu.memory_space<semaphore_mem>>) src(%arg14 : memref<64x128xf32, #tpu.memory_space<vmem>>) dst(%dma_wait3A_503 : memref<10240x128xf32, #tpu.memory_space<vmem_shared>>)
      %dma_start3A_504 = arith.constant 6 : i32
      %dma_start3A_505 = arith.constant 0 : i32
      %dma_start3A_506 = tpu.memref_slice %arg10[%dma_start3A_504, %dma_start3A_505] : memref<8x64xi32, #tpu.memory_space<vmem>> -> memref<1x64xi32, #tpu.memory_space<vmem>>
      %dma_start3A_507 = tpu.memref_squeeze %dma_start3A_506 : memref<1x64xi32, #tpu.memory_space<vmem>> -> memref<64xi32, #tpu.memory_space<vmem>>
      %dma_start3A_508 = arith.constant 0 : i32
      %dma_start3A_509 = arith.constant 0 : i32
      %dma_start3A_510 = tpu.memref_slice %arg2[%arg0, %dma_start3A_508, %dma_start3A_509] : memref<2x10000x128xf32, #tpu.memory_space<hbm>> -> memref<1x10000x128xf32, #tpu.memory_space<hbm>>
      %dma_start3A_511 = tpu.memref_squeeze %dma_start3A_510 : memref<1x10000x128xf32, #tpu.memory_space<hbm>> -> memref<10000x128xf32, #tpu.memory_space<hbm>>
      %dma_start3A_512 = arith.constant 0 : i32
      %dma_start3A_513 = arith.constant 0 : i32
      %dma_start3A_514 = tpu.memref_slice %dma_start3A_511[%dma_start3A_512, %dma_start3A_513] : memref<10000x128xf32, #tpu.memory_space<hbm>> -> memref<10000x128xf32, #tpu.memory_space<hbm>>
      tpu.enqueue_indirect_dma source(%dma_start3A_514 : memref<10000x128xf32, #tpu.memory_space<hbm>>) target(%arg14 : memref<64x128xf32, #tpu.memory_space<vmem>>) offsets(%dma_start3A_507 : memref<64xi32, #tpu.memory_space<vmem>>) semaphore(%arg18 : memref<!tpu.dma_semaphore, #tpu.memory_space<semaphore_mem>>)
      %dma_start3A_515 = arith.constant 3 : i32
      %dma_start3A_516 = arith.constant 0 : i32
      %dma_start3A_517 = tpu.memref_slice %arg9[%dma_start3A_515, %dma_start3A_516] : memref<8x64xi32, #tpu.memory_space<vmem>> -> memref<1x64xi32, #tpu.memory_space<vmem>>
      %dma_start3A_518 = tpu.memref_squeeze %dma_start3A_517 : memref<1x64xi32, #tpu.memory_space<vmem>> -> memref<64xi32, #tpu.memory_space<vmem>>
      %dma_start3A_519 = arith.constant 0 : i32
      %dma_start3A_520 = arith.constant 0 : i32
      %dma_start3A_521 = tpu.memref_slice %arg24[%dma_start3A_519, %dma_start3A_520] : memref<10240x128xf32, #tpu.memory_space<vmem_shared>> -> memref<10240x128xf32, #tpu.memory_space<vmem_shared>>
      tpu.enqueue_indirect_dma source(%arg15 : memref<64x128xf32, #tpu.memory_space<vmem>>) target(%dma_start3A_521 : memref<10240x128xf32, #tpu.memory_space<vmem_shared>>) offsets(%dma_start3A_518 : memref<64xi32, #tpu.memory_space<vmem>>) semaphore(%arg23 : memref<!tpu.dma_semaphore, #tpu.memory_space<semaphore_mem>>) {add = true}
      %dma_wait3A_522 = arith.constant 4 : i32
      %dma_wait3A_523 = arith.constant 0 : i32
      %dma_wait3A_524 = tpu.memref_slice %arg10[%dma_wait3A_522, %dma_wait3A_523] : memref<8x64xi32, #tpu.memory_space<vmem>> -> memref<1x64xi32, #tpu.memory_space<vmem>>
      %dma_wait3A_525 = tpu.memref_squeeze %dma_wait3A_524 : memref<1x64xi32, #tpu.memory_space<vmem>> -> memref<64xi32, #tpu.memory_space<vmem>>
      %dma_wait3A_526 = arith.constant 0 : i32
      %dma_wait3A_527 = arith.constant 0 : i32
      %dma_wait3A_528 = tpu.memref_slice %arg2[%arg0, %dma_wait3A_526, %dma_wait3A_527] : memref<2x10000x128xf32, #tpu.memory_space<hbm>> -> memref<1x10000x128xf32, #tpu.memory_space<hbm>>
      %dma_wait3A_529 = tpu.memref_squeeze %dma_wait3A_528 : memref<1x10000x128xf32, #tpu.memory_space<hbm>> -> memref<10000x128xf32, #tpu.memory_space<hbm>>
      %dma_wait3A_530 = arith.constant 0 : i32
      %dma_wait3A_531 = arith.constant 0 : i32
      %dma_wait3A_532 = tpu.memref_slice %dma_wait3A_529[%dma_wait3A_530, %dma_wait3A_531] : memref<10000x128xf32, #tpu.memory_space<hbm>> -> memref<10000x128xf32, #tpu.memory_space<hbm>>
      tpu.wait_indirect_dma semaphore(%arg16 : memref<!tpu.dma_semaphore, #tpu.memory_space<semaphore_mem>>) src(%dma_wait3A_532 : memref<10000x128xf32, #tpu.memory_space<hbm>>) dst(%arg12 : memref<64x128xf32, #tpu.memory_space<vmem>>)
      %dma_wait3A_533 = arith.constant 4 : i32
      %dma_wait3A_534 = arith.constant 0 : i32
      %dma_wait3A_535 = tpu.memref_slice %arg9[%dma_wait3A_533, %dma_wait3A_534] : memref<8x64xi32, #tpu.memory_space<vmem>> -> memref<1x64xi32, #tpu.memory_space<vmem>>
      %dma_wait3A_536 = tpu.memref_squeeze %dma_wait3A_535 : memref<1x64xi32, #tpu.memory_space<vmem>> -> memref<64xi32, #tpu.memory_space<vmem>>
      %dma_wait3A_537 = arith.constant 0 : i32
      %dma_wait3A_538 = arith.constant 0 : i32
      %dma_wait3A_539 = tpu.memref_slice %arg24[%dma_wait3A_537, %dma_wait3A_538] : memref<10240x128xf32, #tpu.memory_space<vmem_shared>> -> memref<10240x128xf32, #tpu.memory_space<vmem_shared>>
      tpu.wait_indirect_dma semaphore(%arg23 : memref<!tpu.dma_semaphore, #tpu.memory_space<semaphore_mem>>) src(%arg15 : memref<64x128xf32, #tpu.memory_space<vmem>>) dst(%dma_wait3A_539 : memref<10240x128xf32, #tpu.memory_space<vmem_shared>>)
      %dma_start3A_540 = arith.constant 7 : i32
      %dma_start3A_541 = arith.constant 0 : i32
      %dma_start3A_542 = tpu.memref_slice %arg10[%dma_start3A_540, %dma_start3A_541] : memref<8x64xi32, #tpu.memory_space<vmem>> -> memref<1x64xi32, #tpu.memory_space<vmem>>
      %dma_start3A_543 = tpu.memref_squeeze %dma_start3A_542 : memref<1x64xi32, #tpu.memory_space<vmem>> -> memref<64xi32, #tpu.memory_space<vmem>>
      %dma_start3A_544 = arith.constant 0 : i32
      %dma_start3A_545 = arith.constant 0 : i32
      %dma_start3A_546 = tpu.memref_slice %arg2[%arg0, %dma_start3A_544, %dma_start3A_545] : memref<2x10000x128xf32, #tpu.memory_space<hbm>> -> memref<1x10000x128xf32, #tpu.memory_space<hbm>>
      %dma_start3A_547 = tpu.memref_squeeze %dma_start3A_546 : memref<1x10000x128xf32, #tpu.memory_space<hbm>> -> memref<10000x128xf32, #tpu.memory_space<hbm>>
      %dma_start3A_548 = arith.constant 0 : i32
      %dma_start3A_549 = arith.constant 0 : i32
      %dma_start3A_550 = tpu.memref_slice %dma_start3A_547[%dma_start3A_548, %dma_start3A_549] : memref<10000x128xf32, #tpu.memory_space<hbm>> -> memref<10000x128xf32, #tpu.memory_space<hbm>>
      tpu.enqueue_indirect_dma source(%dma_start3A_550 : memref<10000x128xf32, #tpu.memory_space<hbm>>) target(%arg15 : memref<64x128xf32, #tpu.memory_space<vmem>>) offsets(%dma_start3A_543 : memref<64xi32, #tpu.memory_space<vmem>>) semaphore(%arg19 : memref<!tpu.dma_semaphore, #tpu.memory_space<semaphore_mem>>)
      %dma_start3A_551 = arith.constant 4 : i32
      %dma_start3A_552 = arith.constant 0 : i32
      %dma_start3A_553 = tpu.memref_slice %arg9[%dma_start3A_551, %dma_start3A_552] : memref<8x64xi32, #tpu.memory_space<vmem>> -> memref<1x64xi32, #tpu.memory_space<vmem>>
      %dma_start3A_554 = tpu.memref_squeeze %dma_start3A_553 : memref<1x64xi32, #tpu.memory_space<vmem>> -> memref<64xi32, #tpu.memory_space<vmem>>
      %dma_start3A_555 = arith.constant 0 : i32
      %dma_start3A_556 = arith.constant 0 : i32
      %dma_start3A_557 = tpu.memref_slice %arg24[%dma_start3A_555, %dma_start3A_556] : memref<10240x128xf32, #tpu.memory_space<vmem_shared>> -> memref<10240x128xf32, #tpu.memory_space<vmem_shared>>
      tpu.enqueue_indirect_dma source(%arg12 : memref<64x128xf32, #tpu.memory_space<vmem>>) target(%dma_start3A_557 : memref<10240x128xf32, #tpu.memory_space<vmem_shared>>) offsets(%dma_start3A_554 : memref<64xi32, #tpu.memory_space<vmem>>) semaphore(%arg20 : memref<!tpu.dma_semaphore, #tpu.memory_space<semaphore_mem>>) {add = true}
      %dma_wait3A_558 = arith.constant 5 : i32
      %dma_wait3A_559 = arith.constant 0 : i32
      %dma_wait3A_560 = tpu.memref_slice %arg10[%dma_wait3A_558, %dma_wait3A_559] : memref<8x64xi32, #tpu.memory_space<vmem>> -> memref<1x64xi32, #tpu.memory_space<vmem>>
      %dma_wait3A_561 = tpu.memref_squeeze %dma_wait3A_560 : memref<1x64xi32, #tpu.memory_space<vmem>> -> memref<64xi32, #tpu.memory_space<vmem>>
      %dma_wait3A_562 = arith.constant 0 : i32
      %dma_wait3A_563 = arith.constant 0 : i32
      %dma_wait3A_564 = tpu.memref_slice %arg2[%arg0, %dma_wait3A_562, %dma_wait3A_563] : memref<2x10000x128xf32, #tpu.memory_space<hbm>> -> memref<1x10000x128xf32, #tpu.memory_space<hbm>>
      %dma_wait3A_565 = tpu.memref_squeeze %dma_wait3A_564 : memref<1x10000x128xf32, #tpu.memory_space<hbm>> -> memref<10000x128xf32, #tpu.memory_space<hbm>>
      %dma_wait3A_566 = arith.constant 0 : i32
      %dma_wait3A_567 = arith.constant 0 : i32
      %dma_wait3A_568 = tpu.memref_slice %dma_wait3A_565[%dma_wait3A_566, %dma_wait3A_567] : memref<10000x128xf32, #tpu.memory_space<hbm>> -> memref<10000x128xf32, #tpu.memory_space<hbm>>
      tpu.wait_indirect_dma semaphore(%arg17 : memref<!tpu.dma_semaphore, #tpu.memory_space<semaphore_mem>>) src(%dma_wait3A_568 : memref<10000x128xf32, #tpu.memory_space<hbm>>) dst(%arg13 : memref<64x128xf32, #tpu.memory_space<vmem>>)
      %dma_wait3A_569 = arith.constant 5 : i32
      %dma_wait3A_570 = arith.constant 0 : i32
      %dma_wait3A_571 = tpu.memref_slice %arg9[%dma_wait3A_569, %dma_wait3A_570] : memref<8x64xi32, #tpu.memory_space<vmem>> -> memref<1x64xi32, #tpu.memory_space<vmem>>
      %dma_wait3A_572 = tpu.memref_squeeze %dma_wait3A_571 : memref<1x64xi32, #tpu.memory_space<vmem>> -> memref<64xi32, #tpu.memory_space<vmem>>
      %dma_wait3A_573 = arith.constant 0 : i32
      %dma_wait3A_574 = arith.constant 0 : i32
      %dma_wait3A_575 = tpu.memref_slice %arg24[%dma_wait3A_573, %dma_wait3A_574] : memref<10240x128xf32, #tpu.memory_space<vmem_shared>> -> memref<10240x128xf32, #tpu.memory_space<vmem_shared>>
      tpu.wait_indirect_dma semaphore(%arg20 : memref<!tpu.dma_semaphore, #tpu.memory_space<semaphore_mem>>) src(%arg12 : memref<64x128xf32, #tpu.memory_space<vmem>>) dst(%dma_wait3A_575 : memref<10240x128xf32, #tpu.memory_space<vmem_shared>>)
      %convert_element_type3A_576 = arith.extui %lt3A_94 : i1 to i32
      %cond3A_577 = arith.constant 0 : i32
      %cond3A_578 = arith.cmpi ne, %convert_element_type3A_576, %cond3A_577 : i32
      scf.if %cond3A_578 {
        %dma_start3A_642 = arith.constant 0 : i32
        %dma_start3A_643 = arith.constant 0 : i32
        %dma_start3A_644 = tpu.memref_slice %arg8[%dma_start3A_642, %dma_start3A_643] : memref<8x64xi32, #tpu.memory_space<vmem>> -> memref<1x64xi32, #tpu.memory_space<vmem>>
        %dma_start3A_645 = tpu.memref_squeeze %dma_start3A_644 : memref<1x64xi32, #tpu.memory_space<vmem>> -> memref<64xi32, #tpu.memory_space<vmem>>
        %dma_start3A_646 = arith.constant 0 : i32
        %dma_start3A_647 = arith.constant 0 : i32
        %dma_start3A_648 = tpu.memref_slice %arg2[%arg0, %dma_start3A_646, %dma_start3A_647] : memref<2x10000x128xf32, #tpu.memory_space<hbm>> -> memref<1x10000x128xf32, #tpu.memory_space<hbm>>
        %dma_start3A_649 = tpu.memref_squeeze %dma_start3A_648 : memref<1x10000x128xf32, #tpu.memory_space<hbm>> -> memref<10000x128xf32, #tpu.memory_space<hbm>>
        %dma_start3A_650 = arith.constant 0 : i32
        %dma_start3A_651 = arith.constant 0 : i32
        %dma_start3A_652 = tpu.memref_slice %dma_start3A_649[%dma_start3A_650, %dma_start3A_651] : memref<10000x128xf32, #tpu.memory_space<hbm>> -> memref<10000x128xf32, #tpu.memory_space<hbm>>
        tpu.enqueue_indirect_dma source(%dma_start3A_652 : memref<10000x128xf32, #tpu.memory_space<hbm>>) target(%arg12 : memref<64x128xf32, #tpu.memory_space<vmem>>) offsets(%dma_start3A_645 : memref<64xi32, #tpu.memory_space<vmem>>) semaphore(%arg16 : memref<!tpu.dma_semaphore, #tpu.memory_space<semaphore_mem>>)
      } else {
      }
      %dma_start3A_579 = arith.constant 5 : i32
      %dma_start3A_580 = arith.constant 0 : i32
      %dma_start3A_581 = tpu.memref_slice %arg9[%dma_start3A_579, %dma_start3A_580] : memref<8x64xi32, #tpu.memory_space<vmem>> -> memref<1x64xi32, #tpu.memory_space<vmem>>
      %dma_start3A_582 = tpu.memref_squeeze %dma_start3A_581 : memref<1x64xi32, #tpu.memory_space<vmem>> -> memref<64xi32, #tpu.memory_space<vmem>>
      %dma_start3A_583 = arith.constant 0 : i32
      %dma_start3A_584 = arith.constant 0 : i32
      %dma_start3A_585 = tpu.memref_slice %arg24[%dma_start3A_583, %dma_start3A_584] : memref<10240x128xf32, #tpu.memory_space<vmem_shared>> -> memref<10240x128xf32, #tpu.memory_space<vmem_shared>>
      tpu.enqueue_indirect_dma source(%arg13 : memref<64x128xf32, #tpu.memory_space<vmem>>) target(%dma_start3A_585 : memref<10240x128xf32, #tpu.memory_space<vmem_shared>>) offsets(%dma_start3A_582 : memref<64xi32, #tpu.memory_space<vmem>>) semaphore(%arg21 : memref<!tpu.dma_semaphore, #tpu.memory_space<semaphore_mem>>) {add = true}
      %dma_wait3A_586 = arith.constant 6 : i32
      %dma_wait3A_587 = arith.constant 0 : i32
      %dma_wait3A_588 = tpu.memref_slice %arg10[%dma_wait3A_586, %dma_wait3A_587] : memref<8x64xi32, #tpu.memory_space<vmem>> -> memref<1x64xi32, #tpu.memory_space<vmem>>
      %dma_wait3A_589 = tpu.memref_squeeze %dma_wait3A_588 : memref<1x64xi32, #tpu.memory_space<vmem>> -> memref<64xi32, #tpu.memory_space<vmem>>
      %dma_wait3A_590 = arith.constant 0 : i32
      %dma_wait3A_591 = arith.constant 0 : i32
      %dma_wait3A_592 = tpu.memref_slice %arg2[%arg0, %dma_wait3A_590, %dma_wait3A_591] : memref<2x10000x128xf32, #tpu.memory_space<hbm>> -> memref<1x10000x128xf32, #tpu.memory_space<hbm>>
      %dma_wait3A_593 = tpu.memref_squeeze %dma_wait3A_592 : memref<1x10000x128xf32, #tpu.memory_space<hbm>> -> memref<10000x128xf32, #tpu.memory_space<hbm>>
      %dma_wait3A_594 = arith.constant 0 : i32
      %dma_wait3A_595 = arith.constant 0 : i32
      %dma_wait3A_596 = tpu.memref_slice %dma_wait3A_593[%dma_wait3A_594, %dma_wait3A_595] : memref<10000x128xf32, #tpu.memory_space<hbm>> -> memref<10000x128xf32, #tpu.memory_space<hbm>>
      tpu.wait_indirect_dma semaphore(%arg18 : memref<!tpu.dma_semaphore, #tpu.memory_space<semaphore_mem>>) src(%dma_wait3A_596 : memref<10000x128xf32, #tpu.memory_space<hbm>>) dst(%arg14 : memref<64x128xf32, #tpu.memory_space<vmem>>)
      %dma_wait3A_597 = arith.constant 6 : i32
      %dma_wait3A_598 = arith.constant 0 : i32
      %dma_wait3A_599 = tpu.memref_slice %arg9[%dma_wait3A_597, %dma_wait3A_598] : memref<8x64xi32, #tpu.memory_space<vmem>> -> memref<1x64xi32, #tpu.memory_space<vmem>>
      %dma_wait3A_600 = tpu.memref_squeeze %dma_wait3A_599 : memref<1x64xi32, #tpu.memory_space<vmem>> -> memref<64xi32, #tpu.memory_space<vmem>>
      %dma_wait3A_601 = arith.constant 0 : i32
      %dma_wait3A_602 = arith.constant 0 : i32
      %dma_wait3A_603 = tpu.memref_slice %arg24[%dma_wait3A_601, %dma_wait3A_602] : memref<10240x128xf32, #tpu.memory_space<vmem_shared>> -> memref<10240x128xf32, #tpu.memory_space<vmem_shared>>
      tpu.wait_indirect_dma semaphore(%arg21 : memref<!tpu.dma_semaphore, #tpu.memory_space<semaphore_mem>>) src(%arg13 : memref<64x128xf32, #tpu.memory_space<vmem>>) dst(%dma_wait3A_603 : memref<10240x128xf32, #tpu.memory_space<vmem_shared>>)
      %convert_element_type3A_604 = arith.extui %lt3A_94 : i1 to i32
      %cond3A_605 = arith.constant 0 : i32
      %cond3A_606 = arith.cmpi ne, %convert_element_type3A_604, %cond3A_605 : i32
      scf.if %cond3A_606 {
        %dma_start3A_642 = arith.constant 1 : i32
        %dma_start3A_643 = arith.constant 0 : i32
        %dma_start3A_644 = tpu.memref_slice %arg8[%dma_start3A_642, %dma_start3A_643] : memref<8x64xi32, #tpu.memory_space<vmem>> -> memref<1x64xi32, #tpu.memory_space<vmem>>
        %dma_start3A_645 = tpu.memref_squeeze %dma_start3A_644 : memref<1x64xi32, #tpu.memory_space<vmem>> -> memref<64xi32, #tpu.memory_space<vmem>>
        %dma_start3A_646 = arith.constant 0 : i32
        %dma_start3A_647 = arith.constant 0 : i32
        %dma_start3A_648 = tpu.memref_slice %arg2[%arg0, %dma_start3A_646, %dma_start3A_647] : memref<2x10000x128xf32, #tpu.memory_space<hbm>> -> memref<1x10000x128xf32, #tpu.memory_space<hbm>>
        %dma_start3A_649 = tpu.memref_squeeze %dma_start3A_648 : memref<1x10000x128xf32, #tpu.memory_space<hbm>> -> memref<10000x128xf32, #tpu.memory_space<hbm>>
        %dma_start3A_650 = arith.constant 0 : i32
        %dma_start3A_651 = arith.constant 0 : i32
        %dma_start3A_652 = tpu.memref_slice %dma_start3A_649[%dma_start3A_650, %dma_start3A_651] : memref<10000x128xf32, #tpu.memory_space<hbm>> -> memref<10000x128xf32, #tpu.memory_space<hbm>>
        tpu.enqueue_indirect_dma source(%dma_start3A_652 : memref<10000x128xf32, #tpu.memory_space<hbm>>) target(%arg13 : memref<64x128xf32, #tpu.memory_space<vmem>>) offsets(%dma_start3A_645 : memref<64xi32, #tpu.memory_space<vmem>>) semaphore(%arg17 : memref<!tpu.dma_semaphore, #tpu.memory_space<semaphore_mem>>)
      } else {
      }
      %dma_start3A_607 = arith.constant 6 : i32
      %dma_start3A_608 = arith.constant 0 : i32
      %dma_start3A_609 = tpu.memref_slice %arg9[%dma_start3A_607, %dma_start3A_608] : memref<8x64xi32, #tpu.memory_space<vmem>> -> memref<1x64xi32, #tpu.memory_space<vmem>>
      %dma_start3A_610 = tpu.memref_squeeze %dma_start3A_609 : memref<1x64xi32, #tpu.memory_space<vmem>> -> memref<64xi32, #tpu.memory_space<vmem>>
      %dma_start3A_611 = arith.constant 0 : i32
      %dma_start3A_612 = arith.constant 0 : i32
      %dma_start3A_613 = tpu.memref_slice %arg24[%dma_start3A_611, %dma_start3A_612] : memref<10240x128xf32, #tpu.memory_space<vmem_shared>> -> memref<10240x128xf32, #tpu.memory_space<vmem_shared>>
      tpu.enqueue_indirect_dma source(%arg14 : memref<64x128xf32, #tpu.memory_space<vmem>>) target(%dma_start3A_613 : memref<10240x128xf32, #tpu.memory_space<vmem_shared>>) offsets(%dma_start3A_610 : memref<64xi32, #tpu.memory_space<vmem>>) semaphore(%arg22 : memref<!tpu.dma_semaphore, #tpu.memory_space<semaphore_mem>>) {add = true}
      %dma_wait3A_614 = arith.constant 7 : i32
      %dma_wait3A_615 = arith.constant 0 : i32
      %dma_wait3A_616 = tpu.memref_slice %arg10[%dma_wait3A_614, %dma_wait3A_615] : memref<8x64xi32, #tpu.memory_space<vmem>> -> memref<1x64xi32, #tpu.memory_space<vmem>>
      %dma_wait3A_617 = tpu.memref_squeeze %dma_wait3A_616 : memref<1x64xi32, #tpu.memory_space<vmem>> -> memref<64xi32, #tpu.memory_space<vmem>>
      %dma_wait3A_618 = arith.constant 0 : i32
      %dma_wait3A_619 = arith.constant 0 : i32
      %dma_wait3A_620 = tpu.memref_slice %arg2[%arg0, %dma_wait3A_618, %dma_wait3A_619] : memref<2x10000x128xf32, #tpu.memory_space<hbm>> -> memref<1x10000x128xf32, #tpu.memory_space<hbm>>
      %dma_wait3A_621 = tpu.memref_squeeze %dma_wait3A_620 : memref<1x10000x128xf32, #tpu.memory_space<hbm>> -> memref<10000x128xf32, #tpu.memory_space<hbm>>
      %dma_wait3A_622 = arith.constant 0 : i32
      %dma_wait3A_623 = arith.constant 0 : i32
      %dma_wait3A_624 = tpu.memref_slice %dma_wait3A_621[%dma_wait3A_622, %dma_wait3A_623] : memref<10000x128xf32, #tpu.memory_space<hbm>> -> memref<10000x128xf32, #tpu.memory_space<hbm>>
      tpu.wait_indirect_dma semaphore(%arg19 : memref<!tpu.dma_semaphore, #tpu.memory_space<semaphore_mem>>) src(%dma_wait3A_624 : memref<10000x128xf32, #tpu.memory_space<hbm>>) dst(%arg15 : memref<64x128xf32, #tpu.memory_space<vmem>>)
      %dma_wait3A_625 = arith.constant 7 : i32
      %dma_wait3A_626 = arith.constant 0 : i32
      %dma_wait3A_627 = tpu.memref_slice %arg9[%dma_wait3A_625, %dma_wait3A_626] : memref<8x64xi32, #tpu.memory_space<vmem>> -> memref<1x64xi32, #tpu.memory_space<vmem>>
      %dma_wait3A_628 = tpu.memref_squeeze %dma_wait3A_627 : memref<1x64xi32, #tpu.memory_space<vmem>> -> memref<64xi32, #tpu.memory_space<vmem>>
      %dma_wait3A_629 = arith.constant 0 : i32
      %dma_wait3A_630 = arith.constant 0 : i32
      %dma_wait3A_631 = tpu.memref_slice %arg24[%dma_wait3A_629, %dma_wait3A_630] : memref<10240x128xf32, #tpu.memory_space<vmem_shared>> -> memref<10240x128xf32, #tpu.memory_space<vmem_shared>>
      tpu.wait_indirect_dma semaphore(%arg22 : memref<!tpu.dma_semaphore, #tpu.memory_space<semaphore_mem>>) src(%arg14 : memref<64x128xf32, #tpu.memory_space<vmem>>) dst(%dma_wait3A_631 : memref<10240x128xf32, #tpu.memory_space<vmem_shared>>)
      %convert_element_type3A_632 = arith.extui %lt3A_94 : i1 to i32
      %cond3A_633 = arith.constant 0 : i32
      %cond3A_634 = arith.cmpi ne, %convert_element_type3A_632, %cond3A_633 : i32
      scf.if %cond3A_634 {
        %dma_start3A_642 = arith.constant 2 : i32
        %dma_start3A_643 = arith.constant 0 : i32
        %dma_start3A_644 = tpu.memref_slice %arg8[%dma_start3A_642, %dma_start3A_643] : memref<8x64xi32, #tpu.memory_space<vmem>> -> memref<1x64xi32, #tpu.memory_space<vmem>>
        %dma_start3A_645 = tpu.memref_squeeze %dma_start3A_644 : memref<1x64xi32, #tpu.memory_space<vmem>> -> memref<64xi32, #tpu.memory_space<vmem>>
        %dma_start3A_646 = arith.constant 0 : i32
        %dma_start3A_647 = arith.constant 0 : i32
        %dma_start3A_648 = tpu.memref_slice %arg2[%arg0, %dma_start3A_646, %dma_start3A_647] : memref<2x10000x128xf32, #tpu.memory_space<hbm>> -> memref<1x10000x128xf32, #tpu.memory_space<hbm>>
        %dma_start3A_649 = tpu.memref_squeeze %dma_start3A_648 : memref<1x10000x128xf32, #tpu.memory_space<hbm>> -> memref<10000x128xf32, #tpu.memory_space<hbm>>
        %dma_start3A_650 = arith.constant 0 : i32
        %dma_start3A_651 = arith.constant 0 : i32
        %dma_start3A_652 = tpu.memref_slice %dma_start3A_649[%dma_start3A_650, %dma_start3A_651] : memref<10000x128xf32, #tpu.memory_space<hbm>> -> memref<10000x128xf32, #tpu.memory_space<hbm>>
        tpu.enqueue_indirect_dma source(%dma_start3A_652 : memref<10000x128xf32, #tpu.memory_space<hbm>>) target(%arg14 : memref<64x128xf32, #tpu.memory_space<vmem>>) offsets(%dma_start3A_645 : memref<64xi32, #tpu.memory_space<vmem>>) semaphore(%arg18 : memref<!tpu.dma_semaphore, #tpu.memory_space<semaphore_mem>>)
      } else {
      }
      %dma_start3A_635 = arith.constant 7 : i32
      %dma_start3A_636 = arith.constant 0 : i32
      %dma_start3A_637 = tpu.memref_slice %arg9[%dma_start3A_635, %dma_start3A_636] : memref<8x64xi32, #tpu.memory_space<vmem>> -> memref<1x64xi32, #tpu.memory_space<vmem>>
      %dma_start3A_638 = tpu.memref_squeeze %dma_start3A_637 : memref<1x64xi32, #tpu.memory_space<vmem>> -> memref<64xi32, #tpu.memory_space<vmem>>
      %dma_start3A_639 = arith.constant 0 : i32
      %dma_start3A_640 = arith.constant 0 : i32
      %dma_start3A_641 = tpu.memref_slice %arg24[%dma_start3A_639, %dma_start3A_640] : memref<10240x128xf32, #tpu.memory_space<vmem_shared>> -> memref<10240x128xf32, #tpu.memory_space<vmem_shared>>
      tpu.enqueue_indirect_dma source(%arg15 : memref<64x128xf32, #tpu.memory_space<vmem>>) target(%dma_start3A_641 : memref<10240x128xf32, #tpu.memory_space<vmem_shared>>) offsets(%dma_start3A_638 : memref<64xi32, #tpu.memory_space<vmem>>) semaphore(%arg23 : memref<!tpu.dma_semaphore, #tpu.memory_space<semaphore_mem>>) {add = true}
    }
    %scan3A_60 = arith.constant 20 : i32
    %dma_wait3A = arith.constant 0 : i32
    %dma_wait3A_61 = arith.constant 0 : i32
    %dma_wait3A_62 = tpu.memref_slice %arg9[%dma_wait3A, %dma_wait3A_61] : memref<8x64xi32, #tpu.memory_space<vmem>> -> memref<1x64xi32, #tpu.memory_space<vmem>>
    %dma_wait3A_63 = tpu.memref_squeeze %dma_wait3A_62 : memref<1x64xi32, #tpu.memory_space<vmem>> -> memref<64xi32, #tpu.memory_space<vmem>>
    %dma_wait3A_64 = arith.constant 0 : i32
    %dma_wait3A_65 = arith.constant 0 : i32
    %dma_wait3A_66 = tpu.memref_slice %arg24[%dma_wait3A_64, %dma_wait3A_65] : memref<10240x128xf32, #tpu.memory_space<vmem_shared>> -> memref<10240x128xf32, #tpu.memory_space<vmem_shared>>
    tpu.wait_indirect_dma semaphore(%arg23 : memref<!tpu.dma_semaphore, #tpu.memory_space<semaphore_mem>>) src(%arg15 : memref<64x128xf32, #tpu.memory_space<vmem>>) dst(%dma_wait3A_66 : memref<10240x128xf32, #tpu.memory_space<vmem_shared>>)
    %barrier3A_67 = arith.constant 0 : index
    tpu.barrier barrier_id(%barrier3A_67)
    %add3A_68 = arith.constant 0 : i32
    %add3A_69 = arith.addi %mul3A_0, %add3A_68 : i32
    "tpu.region"() ({
      %run_scoped3A = tpu.sem_alloc : memref<!tpu.dma_semaphore, #tpu.memory_space<semaphore_mem>>
      %dma_start3A_88 = arith.constant 0 : i32
      %dma_start3A_89 = tpu.memref_slice %arg24[%add3A_69, %dma_start3A_88] : memref<10240x128xf32, #tpu.memory_space<vmem_shared>> -> memref<64x128xf32, #tpu.memory_space<vmem_shared>>
      %dma_start3A_90 = arith.constant 0 : i32
      %dma_start3A_91 = tpu.memref_slice %arg24[%add3A_69, %dma_start3A_90] : memref<10240x128xf32, #tpu.memory_space<vmem_shared>> -> memref<64x128xf32, #tpu.memory_space<vmem_shared>>
      tpu.enqueue_dma source(%dma_start3A_91 : memref<64x128xf32, #tpu.memory_space<vmem_shared>>) target(%arg11 : memref<64x128xf32, #tpu.memory_space<vmem>>) target_semaphore(%run_scoped3A : memref<!tpu.dma_semaphore, #tpu.memory_space<semaphore_mem>>)
      %dma_wait3A_92 = arith.constant 0 : i32
      %dma_wait3A_93 = tpu.memref_slice %arg24[%add3A_69, %dma_wait3A_92] : memref<10240x128xf32, #tpu.memory_space<vmem_shared>> -> memref<64x128xf32, #tpu.memory_space<vmem_shared>>
      %dma_wait3A_94 = arith.constant 0 : i32
      %dma_wait3A_95 = tpu.memref_slice %arg24[%add3A_69, %dma_wait3A_94] : memref<10240x128xf32, #tpu.memory_space<vmem_shared>> -> memref<64x128xf32, #tpu.memory_space<vmem_shared>>
      tpu.wait_dma2 semaphore(%run_scoped3A : memref<!tpu.dma_semaphore, #tpu.memory_space<semaphore_mem>>) src(%dma_wait3A_95 : memref<64x128xf32, #tpu.memory_space<vmem_shared>>) dst(%arg11 : memref<64x128xf32, #tpu.memory_space<vmem>>)
      tpu.yield
    }) : () -> ()
    "tpu.region"() ({
      %run_scoped3A = tpu.sem_alloc : memref<!tpu.dma_semaphore, #tpu.memory_space<semaphore_mem>>
      %dma_start3A_88 = arith.constant 0 : i32
      %dma_start3A_89 = tpu.memref_slice %arg6[%arg0, %add3A_69, %dma_start3A_88] : memref<2x10240x128xf32, #tpu.memory_space<hbm>> -> memref<1x64x128xf32, #tpu.memory_space<hbm>>
      %dma_start3A_90 = tpu.memref_squeeze %dma_start3A_89 : memref<1x64x128xf32, #tpu.memory_space<hbm>> -> memref<64x128xf32, #tpu.memory_space<hbm>>
      %dma_start3A_91 = arith.constant 0 : i32
      %dma_start3A_92 = tpu.memref_slice %arg6[%arg0, %add3A_69, %dma_start3A_91] : memref<2x10240x128xf32, #tpu.memory_space<hbm>> -> memref<1x64x128xf32, #tpu.memory_space<hbm>>
      %dma_start3A_93 = tpu.memref_squeeze %dma_start3A_92 : memref<1x64x128xf32, #tpu.memory_space<hbm>> -> memref<64x128xf32, #tpu.memory_space<hbm>>
      tpu.enqueue_dma source(%arg11 : memref<64x128xf32, #tpu.memory_space<vmem>>) target(%dma_start3A_93 : memref<64x128xf32, #tpu.memory_space<hbm>>) target_semaphore(%run_scoped3A : memref<!tpu.dma_semaphore, #tpu.memory_space<semaphore_mem>>)
      %dma_wait3A_94 = arith.constant 0 : i32
      %dma_wait3A_95 = tpu.memref_slice %arg6[%arg0, %add3A_69, %dma_wait3A_94] : memref<2x10240x128xf32, #tpu.memory_space<hbm>> -> memref<1x64x128xf32, #tpu.memory_space<hbm>>
      %dma_wait3A_96 = tpu.memref_squeeze %dma_wait3A_95 : memref<1x64x128xf32, #tpu.memory_space<hbm>> -> memref<64x128xf32, #tpu.memory_space<hbm>>
      %dma_wait3A_97 = arith.constant 0 : i32
      %dma_wait3A_98 = tpu.memref_slice %arg6[%arg0, %add3A_69, %dma_wait3A_97] : memref<2x10240x128xf32, #tpu.memory_space<hbm>> -> memref<1x64x128xf32, #tpu.memory_space<hbm>>
      %dma_wait3A_99 = tpu.memref_squeeze %dma_wait3A_98 : memref<1x64x128xf32, #tpu.memory_space<hbm>> -> memref<64x128xf32, #tpu.memory_space<hbm>>
      tpu.wait_dma2 semaphore(%run_scoped3A : memref<!tpu.dma_semaphore, #tpu.memory_space<semaphore_mem>>) src(%arg11 : memref<64x128xf32, #tpu.memory_space<vmem>>) dst(%dma_wait3A_99 : memref<64x128xf32, #tpu.memory_space<hbm>>)
      tpu.yield
    }) : () -> ()
    %add3A_70 = arith.constant 64 : i32
    %add3A_71 = arith.addi %mul3A_0, %add3A_70 : i32
    "tpu.region"() ({
      %run_scoped3A = tpu.sem_alloc : memref<!tpu.dma_semaphore, #tpu.memory_space<semaphore_mem>>
      %dma_start3A_88 = arith.constant 0 : i32
      %dma_start3A_89 = tpu.memref_slice %arg24[%add3A_71, %dma_start3A_88] : memref<10240x128xf32, #tpu.memory_space<vmem_shared>> -> memref<64x128xf32, #tpu.memory_space<vmem_shared>>
      %dma_start3A_90 = arith.constant 0 : i32
      %dma_start3A_91 = tpu.memref_slice %arg24[%add3A_71, %dma_start3A_90] : memref<10240x128xf32, #tpu.memory_space<vmem_shared>> -> memref<64x128xf32, #tpu.memory_space<vmem_shared>>
      tpu.enqueue_dma source(%dma_start3A_91 : memref<64x128xf32, #tpu.memory_space<vmem_shared>>) target(%arg11 : memref<64x128xf32, #tpu.memory_space<vmem>>) target_semaphore(%run_scoped3A : memref<!tpu.dma_semaphore, #tpu.memory_space<semaphore_mem>>)
      %dma_wait3A_92 = arith.constant 0 : i32
      %dma_wait3A_93 = tpu.memref_slice %arg24[%add3A_71, %dma_wait3A_92] : memref<10240x128xf32, #tpu.memory_space<vmem_shared>> -> memref<64x128xf32, #tpu.memory_space<vmem_shared>>
      %dma_wait3A_94 = arith.constant 0 : i32
      %dma_wait3A_95 = tpu.memref_slice %arg24[%add3A_71, %dma_wait3A_94] : memref<10240x128xf32, #tpu.memory_space<vmem_shared>> -> memref<64x128xf32, #tpu.memory_space<vmem_shared>>
      tpu.wait_dma2 semaphore(%run_scoped3A : memref<!tpu.dma_semaphore, #tpu.memory_space<semaphore_mem>>) src(%dma_wait3A_95 : memref<64x128xf32, #tpu.memory_space<vmem_shared>>) dst(%arg11 : memref<64x128xf32, #tpu.memory_space<vmem>>)
      tpu.yield
    }) : () -> ()
    "tpu.region"() ({
      %run_scoped3A = tpu.sem_alloc : memref<!tpu.dma_semaphore, #tpu.memory_space<semaphore_mem>>
      %dma_start3A_88 = arith.constant 0 : i32
      %dma_start3A_89 = tpu.memref_slice %arg6[%arg0, %add3A_71, %dma_start3A_88] : memref<2x10240x128xf32, #tpu.memory_space<hbm>> -> memref<1x64x128xf32, #tpu.memory_space<hbm>>
      %dma_start3A_90 = tpu.memref_squeeze %dma_start3A_89 : memref<1x64x128xf32, #tpu.memory_space<hbm>> -> memref<64x128xf32, #tpu.memory_space<hbm>>
      %dma_start3A_91 = arith.constant 0 : i32
      %dma_start3A_92 = tpu.memref_slice %arg6[%arg0, %add3A_71, %dma_start3A_91] : memref<2x10240x128xf32, #tpu.memory_space<hbm>> -> memref<1x64x128xf32, #tpu.memory_space<hbm>>
      %dma_start3A_93 = tpu.memref_squeeze %dma_start3A_92 : memref<1x64x128xf32, #tpu.memory_space<hbm>> -> memref<64x128xf32, #tpu.memory_space<hbm>>
      tpu.enqueue_dma source(%arg11 : memref<64x128xf32, #tpu.memory_space<vmem>>) target(%dma_start3A_93 : memref<64x128xf32, #tpu.memory_space<hbm>>) target_semaphore(%run_scoped3A : memref<!tpu.dma_semaphore, #tpu.memory_space<semaphore_mem>>)
      %dma_wait3A_94 = arith.constant 0 : i32
      %dma_wait3A_95 = tpu.memref_slice %arg6[%arg0, %add3A_71, %dma_wait3A_94] : memref<2x10240x128xf32, #tpu.memory_space<hbm>> -> memref<1x64x128xf32, #tpu.memory_space<hbm>>
      %dma_wait3A_96 = tpu.memref_squeeze %dma_wait3A_95 : memref<1x64x128xf32, #tpu.memory_space<hbm>> -> memref<64x128xf32, #tpu.memory_space<hbm>>
      %dma_wait3A_97 = arith.constant 0 : i32
      %dma_wait3A_98 = tpu.memref_slice %arg6[%arg0, %add3A_71, %dma_wait3A_97] : memref<2x10240x128xf32, #tpu.memory_space<hbm>> -> memref<1x64x128xf32, #tpu.memory_space<hbm>>
      %dma_wait3A_99 = tpu.memref_squeeze %dma_wait3A_98 : memref<1x64x128xf32, #tpu.memory_space<hbm>> -> memref<64x128xf32, #tpu.memory_space<hbm>>
      tpu.wait_dma2 semaphore(%run_scoped3A : memref<!tpu.dma_semaphore, #tpu.memory_space<semaphore_mem>>) src(%arg11 : memref<64x128xf32, #tpu.memory_space<vmem>>) dst(%dma_wait3A_99 : memref<64x128xf32, #tpu.memory_space<hbm>>)
      tpu.yield
    }) : () -> ()
    %add3A_72 = arith.constant 128 : i32
    %add3A_73 = arith.addi %mul3A_0, %add3A_72 : i32
    "tpu.region"() ({
      %run_scoped3A = tpu.sem_alloc : memref<!tpu.dma_semaphore, #tpu.memory_space<semaphore_mem>>
      %dma_start3A_88 = arith.constant 0 : i32
      %dma_start3A_89 = tpu.memref_slice %arg24[%add3A_73, %dma_start3A_88] : memref<10240x128xf32, #tpu.memory_space<vmem_shared>> -> memref<64x128xf32, #tpu.memory_space<vmem_shared>>
      %dma_start3A_90 = arith.constant 0 : i32
      %dma_start3A_91 = tpu.memref_slice %arg24[%add3A_73, %dma_start3A_90] : memref<10240x128xf32, #tpu.memory_space<vmem_shared>> -> memref<64x128xf32, #tpu.memory_space<vmem_shared>>
      tpu.enqueue_dma source(%dma_start3A_91 : memref<64x128xf32, #tpu.memory_space<vmem_shared>>) target(%arg11 : memref<64x128xf32, #tpu.memory_space<vmem>>) target_semaphore(%run_scoped3A : memref<!tpu.dma_semaphore, #tpu.memory_space<semaphore_mem>>)
      %dma_wait3A_92 = arith.constant 0 : i32
      %dma_wait3A_93 = tpu.memref_slice %arg24[%add3A_73, %dma_wait3A_92] : memref<10240x128xf32, #tpu.memory_space<vmem_shared>> -> memref<64x128xf32, #tpu.memory_space<vmem_shared>>
      %dma_wait3A_94 = arith.constant 0 : i32
      %dma_wait3A_95 = tpu.memref_slice %arg24[%add3A_73, %dma_wait3A_94] : memref<10240x128xf32, #tpu.memory_space<vmem_shared>> -> memref<64x128xf32, #tpu.memory_space<vmem_shared>>
      tpu.wait_dma2 semaphore(%run_scoped3A : memref<!tpu.dma_semaphore, #tpu.memory_space<semaphore_mem>>) src(%dma_wait3A_95 : memref<64x128xf32, #tpu.memory_space<vmem_shared>>) dst(%arg11 : memref<64x128xf32, #tpu.memory_space<vmem>>)
      tpu.yield
    }) : () -> ()
    "tpu.region"() ({
      %run_scoped3A = tpu.sem_alloc : memref<!tpu.dma_semaphore, #tpu.memory_space<semaphore_mem>>
      %dma_start3A_88 = arith.constant 0 : i32
      %dma_start3A_89 = tpu.memref_slice %arg6[%arg0, %add3A_73, %dma_start3A_88] : memref<2x10240x128xf32, #tpu.memory_space<hbm>> -> memref<1x64x128xf32, #tpu.memory_space<hbm>>
      %dma_start3A_90 = tpu.memref_squeeze %dma_start3A_89 : memref<1x64x128xf32, #tpu.memory_space<hbm>> -> memref<64x128xf32, #tpu.memory_space<hbm>>
      %dma_start3A_91 = arith.constant 0 : i32
      %dma_start3A_92 = tpu.memref_slice %arg6[%arg0, %add3A_73, %dma_start3A_91] : memref<2x10240x128xf32, #tpu.memory_space<hbm>> -> memref<1x64x128xf32, #tpu.memory_space<hbm>>
      %dma_start3A_93 = tpu.memref_squeeze %dma_start3A_92 : memref<1x64x128xf32, #tpu.memory_space<hbm>> -> memref<64x128xf32, #tpu.memory_space<hbm>>
      tpu.enqueue_dma source(%arg11 : memref<64x128xf32, #tpu.memory_space<vmem>>) target(%dma_start3A_93 : memref<64x128xf32, #tpu.memory_space<hbm>>) target_semaphore(%run_scoped3A : memref<!tpu.dma_semaphore, #tpu.memory_space<semaphore_mem>>)
      %dma_wait3A_94 = arith.constant 0 : i32
      %dma_wait3A_95 = tpu.memref_slice %arg6[%arg0, %add3A_73, %dma_wait3A_94] : memref<2x10240x128xf32, #tpu.memory_space<hbm>> -> memref<1x64x128xf32, #tpu.memory_space<hbm>>
      %dma_wait3A_96 = tpu.memref_squeeze %dma_wait3A_95 : memref<1x64x128xf32, #tpu.memory_space<hbm>> -> memref<64x128xf32, #tpu.memory_space<hbm>>
      %dma_wait3A_97 = arith.constant 0 : i32
      %dma_wait3A_98 = tpu.memref_slice %arg6[%arg0, %add3A_73, %dma_wait3A_97] : memref<2x10240x128xf32, #tpu.memory_space<hbm>> -> memref<1x64x128xf32, #tpu.memory_space<hbm>>
      %dma_wait3A_99 = tpu.memref_squeeze %dma_wait3A_98 : memref<1x64x128xf32, #tpu.memory_space<hbm>> -> memref<64x128xf32, #tpu.memory_space<hbm>>
      tpu.wait_dma2 semaphore(%run_scoped3A : memref<!tpu.dma_semaphore, #tpu.memory_space<semaphore_mem>>) src(%arg11 : memref<64x128xf32, #tpu.memory_space<vmem>>) dst(%dma_wait3A_99 : memref<64x128xf32, #tpu.memory_space<hbm>>)
      tpu.yield
    }) : () -> ()
    %add3A_74 = arith.constant 192 : i32
    %add3A_75 = arith.addi %mul3A_0, %add3A_74 : i32
    "tpu.region"() ({
      %run_scoped3A = tpu.sem_alloc : memref<!tpu.dma_semaphore, #tpu.memory_space<semaphore_mem>>
      %dma_start3A_88 = arith.constant 0 : i32
      %dma_start3A_89 = tpu.memref_slice %arg24[%add3A_75, %dma_start3A_88] : memref<10240x128xf32, #tpu.memory_space<vmem_shared>> -> memref<64x128xf32, #tpu.memory_space<vmem_shared>>
      %dma_start3A_90 = arith.constant 0 : i32
      %dma_start3A_91 = tpu.memref_slice %arg24[%add3A_75, %dma_start3A_90] : memref<10240x128xf32, #tpu.memory_space<vmem_shared>> -> memref<64x128xf32, #tpu.memory_space<vmem_shared>>
      tpu.enqueue_dma source(%dma_start3A_91 : memref<64x128xf32, #tpu.memory_space<vmem_shared>>) target(%arg11 : memref<64x128xf32, #tpu.memory_space<vmem>>) target_semaphore(%run_scoped3A : memref<!tpu.dma_semaphore, #tpu.memory_space<semaphore_mem>>)
      %dma_wait3A_92 = arith.constant 0 : i32
      %dma_wait3A_93 = tpu.memref_slice %arg24[%add3A_75, %dma_wait3A_92] : memref<10240x128xf32, #tpu.memory_space<vmem_shared>> -> memref<64x128xf32, #tpu.memory_space<vmem_shared>>
      %dma_wait3A_94 = arith.constant 0 : i32
      %dma_wait3A_95 = tpu.memref_slice %arg24[%add3A_75, %dma_wait3A_94] : memref<10240x128xf32, #tpu.memory_space<vmem_shared>> -> memref<64x128xf32, #tpu.memory_space<vmem_shared>>
      tpu.wait_dma2 semaphore(%run_scoped3A : memref<!tpu.dma_semaphore, #tpu.memory_space<semaphore_mem>>) src(%dma_wait3A_95 : memref<64x128xf32, #tpu.memory_space<vmem_shared>>) dst(%arg11 : memref<64x128xf32, #tpu.memory_space<vmem>>)
      tpu.yield
    }) : () -> ()
    "tpu.region"() ({
      %run_scoped3A = tpu.sem_alloc : memref<!tpu.dma_semaphore, #tpu.memory_space<semaphore_mem>>
      %dma_start3A_88 = arith.constant 0 : i32
      %dma_start3A_89 = tpu.memref_slice %arg6[%arg0, %add3A_75, %dma_start3A_88] : memref<2x10240x128xf32, #tpu.memory_space<hbm>> -> memref<1x64x128xf32, #tpu.memory_space<hbm>>
      %dma_start3A_90 = tpu.memref_squeeze %dma_start3A_89 : memref<1x64x128xf32, #tpu.memory_space<hbm>> -> memref<64x128xf32, #tpu.memory_space<hbm>>
      %dma_start3A_91 = arith.constant 0 : i32
      %dma_start3A_92 = tpu.memref_slice %arg6[%arg0, %add3A_75, %dma_start3A_91] : memref<2x10240x128xf32, #tpu.memory_space<hbm>> -> memref<1x64x128xf32, #tpu.memory_space<hbm>>
      %dma_start3A_93 = tpu.memref_squeeze %dma_start3A_92 : memref<1x64x128xf32, #tpu.memory_space<hbm>> -> memref<64x128xf32, #tpu.memory_space<hbm>>
      tpu.enqueue_dma source(%arg11 : memref<64x128xf32, #tpu.memory_space<vmem>>) target(%dma_start3A_93 : memref<64x128xf32, #tpu.memory_space<hbm>>) target_semaphore(%run_scoped3A : memref<!tpu.dma_semaphore, #tpu.memory_space<semaphore_mem>>)
      %dma_wait3A_94 = arith.constant 0 : i32
      %dma_wait3A_95 = tpu.memref_slice %arg6[%arg0, %add3A_75, %dma_wait3A_94] : memref<2x10240x128xf32, #tpu.memory_space<hbm>> -> memref<1x64x128xf32, #tpu.memory_space<hbm>>
      %dma_wait3A_96 = tpu.memref_squeeze %dma_wait3A_95 : memref<1x64x128xf32, #tpu.memory_space<hbm>> -> memref<64x128xf32, #tpu.memory_space<hbm>>
      %dma_wait3A_97 = arith.constant 0 : i32
      %dma_wait3A_98 = tpu.memref_slice %arg6[%arg0, %add3A_75, %dma_wait3A_97] : memref<2x10240x128xf32, #tpu.memory_space<hbm>> -> memref<1x64x128xf32, #tpu.memory_space<hbm>>
      %dma_wait3A_99 = tpu.memref_squeeze %dma_wait3A_98 : memref<1x64x128xf32, #tpu.memory_space<hbm>> -> memref<64x128xf32, #tpu.memory_space<hbm>>
      tpu.wait_dma2 semaphore(%run_scoped3A : memref<!tpu.dma_semaphore, #tpu.memory_space<semaphore_mem>>) src(%arg11 : memref<64x128xf32, #tpu.memory_space<vmem>>) dst(%dma_wait3A_99 : memref<64x128xf32, #tpu.memory_space<hbm>>)
      tpu.yield
    }) : () -> ()
    %add3A_76 = arith.constant 256 : i32
    %add3A_77 = arith.addi %mul3A_0, %add3A_76 : i32
    "tpu.region"() ({
      %run_scoped3A = tpu.sem_alloc : memref<!tpu.dma_semaphore, #tpu.memory_space<semaphore_mem>>
      %dma_start3A_88 = arith.constant 0 : i32
      %dma_start3A_89 = tpu.memref_slice %arg24[%add3A_77, %dma_start3A_88] : memref<10240x128xf32, #tpu.memory_space<vmem_shared>> -> memref<64x128xf32, #tpu.memory_space<vmem_shared>>
      %dma_start3A_90 = arith.constant 0 : i32
      %dma_start3A_91 = tpu.memref_slice %arg24[%add3A_77, %dma_start3A_90] : memref<10240x128xf32, #tpu.memory_space<vmem_shared>> -> memref<64x128xf32, #tpu.memory_space<vmem_shared>>
      tpu.enqueue_dma source(%dma_start3A_91 : memref<64x128xf32, #tpu.memory_space<vmem_shared>>) target(%arg11 : memref<64x128xf32, #tpu.memory_space<vmem>>) target_semaphore(%run_scoped3A : memref<!tpu.dma_semaphore, #tpu.memory_space<semaphore_mem>>)
      %dma_wait3A_92 = arith.constant 0 : i32
      %dma_wait3A_93 = tpu.memref_slice %arg24[%add3A_77, %dma_wait3A_92] : memref<10240x128xf32, #tpu.memory_space<vmem_shared>> -> memref<64x128xf32, #tpu.memory_space<vmem_shared>>
      %dma_wait3A_94 = arith.constant 0 : i32
      %dma_wait3A_95 = tpu.memref_slice %arg24[%add3A_77, %dma_wait3A_94] : memref<10240x128xf32, #tpu.memory_space<vmem_shared>> -> memref<64x128xf32, #tpu.memory_space<vmem_shared>>
      tpu.wait_dma2 semaphore(%run_scoped3A : memref<!tpu.dma_semaphore, #tpu.memory_space<semaphore_mem>>) src(%dma_wait3A_95 : memref<64x128xf32, #tpu.memory_space<vmem_shared>>) dst(%arg11 : memref<64x128xf32, #tpu.memory_space<vmem>>)
      tpu.yield
    }) : () -> ()
    "tpu.region"() ({
      %run_scoped3A = tpu.sem_alloc : memref<!tpu.dma_semaphore, #tpu.memory_space<semaphore_mem>>
      %dma_start3A_88 = arith.constant 0 : i32
      %dma_start3A_89 = tpu.memref_slice %arg6[%arg0, %add3A_77, %dma_start3A_88] : memref<2x10240x128xf32, #tpu.memory_space<hbm>> -> memref<1x64x128xf32, #tpu.memory_space<hbm>>
      %dma_start3A_90 = tpu.memref_squeeze %dma_start3A_89 : memref<1x64x128xf32, #tpu.memory_space<hbm>> -> memref<64x128xf32, #tpu.memory_space<hbm>>
      %dma_start3A_91 = arith.constant 0 : i32
      %dma_start3A_92 = tpu.memref_slice %arg6[%arg0, %add3A_77, %dma_start3A_91] : memref<2x10240x128xf32, #tpu.memory_space<hbm>> -> memref<1x64x128xf32, #tpu.memory_space<hbm>>
      %dma_start3A_93 = tpu.memref_squeeze %dma_start3A_92 : memref<1x64x128xf32, #tpu.memory_space<hbm>> -> memref<64x128xf32, #tpu.memory_space<hbm>>
      tpu.enqueue_dma source(%arg11 : memref<64x128xf32, #tpu.memory_space<vmem>>) target(%dma_start3A_93 : memref<64x128xf32, #tpu.memory_space<hbm>>) target_semaphore(%run_scoped3A : memref<!tpu.dma_semaphore, #tpu.memory_space<semaphore_mem>>)
      %dma_wait3A_94 = arith.constant 0 : i32
      %dma_wait3A_95 = tpu.memref_slice %arg6[%arg0, %add3A_77, %dma_wait3A_94] : memref<2x10240x128xf32, #tpu.memory_space<hbm>> -> memref<1x64x128xf32, #tpu.memory_space<hbm>>
      %dma_wait3A_96 = tpu.memref_squeeze %dma_wait3A_95 : memref<1x64x128xf32, #tpu.memory_space<hbm>> -> memref<64x128xf32, #tpu.memory_space<hbm>>
      %dma_wait3A_97 = arith.constant 0 : i32
      %dma_wait3A_98 = tpu.memref_slice %arg6[%arg0, %add3A_77, %dma_wait3A_97] : memref<2x10240x128xf32, #tpu.memory_space<hbm>> -> memref<1x64x128xf32, #tpu.memory_space<hbm>>
      %dma_wait3A_99 = tpu.memref_squeeze %dma_wait3A_98 : memref<1x64x128xf32, #tpu.memory_space<hbm>> -> memref<64x128xf32, #tpu.memory_space<hbm>>
      tpu.wait_dma2 semaphore(%run_scoped3A : memref<!tpu.dma_semaphore, #tpu.memory_space<semaphore_mem>>) src(%arg11 : memref<64x128xf32, #tpu.memory_space<vmem>>) dst(%dma_wait3A_99 : memref<64x128xf32, #tpu.memory_space<hbm>>)
      tpu.yield
    }) : () -> ()
    %add3A_78 = arith.constant 320 : i32
    %add3A_79 = arith.addi %mul3A_0, %add3A_78 : i32
    "tpu.region"() ({
      %run_scoped3A = tpu.sem_alloc : memref<!tpu.dma_semaphore, #tpu.memory_space<semaphore_mem>>
      %dma_start3A_88 = arith.constant 0 : i32
      %dma_start3A_89 = tpu.memref_slice %arg24[%add3A_79, %dma_start3A_88] : memref<10240x128xf32, #tpu.memory_space<vmem_shared>> -> memref<64x128xf32, #tpu.memory_space<vmem_shared>>
      %dma_start3A_90 = arith.constant 0 : i32
      %dma_start3A_91 = tpu.memref_slice %arg24[%add3A_79, %dma_start3A_90] : memref<10240x128xf32, #tpu.memory_space<vmem_shared>> -> memref<64x128xf32, #tpu.memory_space<vmem_shared>>
      tpu.enqueue_dma source(%dma_start3A_91 : memref<64x128xf32, #tpu.memory_space<vmem_shared>>) target(%arg11 : memref<64x128xf32, #tpu.memory_space<vmem>>) target_semaphore(%run_scoped3A : memref<!tpu.dma_semaphore, #tpu.memory_space<semaphore_mem>>)
      %dma_wait3A_92 = arith.constant 0 : i32
      %dma_wait3A_93 = tpu.memref_slice %arg24[%add3A_79, %dma_wait3A_92] : memref<10240x128xf32, #tpu.memory_space<vmem_shared>> -> memref<64x128xf32, #tpu.memory_space<vmem_shared>>
      %dma_wait3A_94 = arith.constant 0 : i32
      %dma_wait3A_95 = tpu.memref_slice %arg24[%add3A_79, %dma_wait3A_94] : memref<10240x128xf32, #tpu.memory_space<vmem_shared>> -> memref<64x128xf32, #tpu.memory_space<vmem_shared>>
      tpu.wait_dma2 semaphore(%run_scoped3A : memref<!tpu.dma_semaphore, #tpu.memory_space<semaphore_mem>>) src(%dma_wait3A_95 : memref<64x128xf32, #tpu.memory_space<vmem_shared>>) dst(%arg11 : memref<64x128xf32, #tpu.memory_space<vmem>>)
      tpu.yield
    }) : () -> ()
    "tpu.region"() ({
      %run_scoped3A = tpu.sem_alloc : memref<!tpu.dma_semaphore, #tpu.memory_space<semaphore_mem>>
      %dma_start3A_88 = arith.constant 0 : i32
      %dma_start3A_89 = tpu.memref_slice %arg6[%arg0, %add3A_79, %dma_start3A_88] : memref<2x10240x128xf32, #tpu.memory_space<hbm>> -> memref<1x64x128xf32, #tpu.memory_space<hbm>>
      %dma_start3A_90 = tpu.memref_squeeze %dma_start3A_89 : memref<1x64x128xf32, #tpu.memory_space<hbm>> -> memref<64x128xf32, #tpu.memory_space<hbm>>
      %dma_start3A_91 = arith.constant 0 : i32
      %dma_start3A_92 = tpu.memref_slice %arg6[%arg0, %add3A_79, %dma_start3A_91] : memref<2x10240x128xf32, #tpu.memory_space<hbm>> -> memref<1x64x128xf32, #tpu.memory_space<hbm>>
      %dma_start3A_93 = tpu.memref_squeeze %dma_start3A_92 : memref<1x64x128xf32, #tpu.memory_space<hbm>> -> memref<64x128xf32, #tpu.memory_space<hbm>>
      tpu.enqueue_dma source(%arg11 : memref<64x128xf32, #tpu.memory_space<vmem>>) target(%dma_start3A_93 : memref<64x128xf32, #tpu.memory_space<hbm>>) target_semaphore(%run_scoped3A : memref<!tpu.dma_semaphore, #tpu.memory_space<semaphore_mem>>)
      %dma_wait3A_94 = arith.constant 0 : i32
      %dma_wait3A_95 = tpu.memref_slice %arg6[%arg0, %add3A_79, %dma_wait3A_94] : memref<2x10240x128xf32, #tpu.memory_space<hbm>> -> memref<1x64x128xf32, #tpu.memory_space<hbm>>
      %dma_wait3A_96 = tpu.memref_squeeze %dma_wait3A_95 : memref<1x64x128xf32, #tpu.memory_space<hbm>> -> memref<64x128xf32, #tpu.memory_space<hbm>>
      %dma_wait3A_97 = arith.constant 0 : i32
      %dma_wait3A_98 = tpu.memref_slice %arg6[%arg0, %add3A_79, %dma_wait3A_97] : memref<2x10240x128xf32, #tpu.memory_space<hbm>> -> memref<1x64x128xf32, #tpu.memory_space<hbm>>
      %dma_wait3A_99 = tpu.memref_squeeze %dma_wait3A_98 : memref<1x64x128xf32, #tpu.memory_space<hbm>> -> memref<64x128xf32, #tpu.memory_space<hbm>>
      tpu.wait_dma2 semaphore(%run_scoped3A : memref<!tpu.dma_semaphore, #tpu.memory_space<semaphore_mem>>) src(%arg11 : memref<64x128xf32, #tpu.memory_space<vmem>>) dst(%dma_wait3A_99 : memref<64x128xf32, #tpu.memory_space<hbm>>)
      tpu.yield
    }) : () -> ()
    %add3A_80 = arith.constant 384 : i32
    %add3A_81 = arith.addi %mul3A_0, %add3A_80 : i32
    "tpu.region"() ({
      %run_scoped3A = tpu.sem_alloc : memref<!tpu.dma_semaphore, #tpu.memory_space<semaphore_mem>>
      %dma_start3A_88 = arith.constant 0 : i32
      %dma_start3A_89 = tpu.memref_slice %arg24[%add3A_81, %dma_start3A_88] : memref<10240x128xf32, #tpu.memory_space<vmem_shared>> -> memref<64x128xf32, #tpu.memory_space<vmem_shared>>
      %dma_start3A_90 = arith.constant 0 : i32
      %dma_start3A_91 = tpu.memref_slice %arg24[%add3A_81, %dma_start3A_90] : memref<10240x128xf32, #tpu.memory_space<vmem_shared>> -> memref<64x128xf32, #tpu.memory_space<vmem_shared>>
      tpu.enqueue_dma source(%dma_start3A_91 : memref<64x128xf32, #tpu.memory_space<vmem_shared>>) target(%arg11 : memref<64x128xf32, #tpu.memory_space<vmem>>) target_semaphore(%run_scoped3A : memref<!tpu.dma_semaphore, #tpu.memory_space<semaphore_mem>>)
      %dma_wait3A_92 = arith.constant 0 : i32
      %dma_wait3A_93 = tpu.memref_slice %arg24[%add3A_81, %dma_wait3A_92] : memref<10240x128xf32, #tpu.memory_space<vmem_shared>> -> memref<64x128xf32, #tpu.memory_space<vmem_shared>>
      %dma_wait3A_94 = arith.constant 0 : i32
      %dma_wait3A_95 = tpu.memref_slice %arg24[%add3A_81, %dma_wait3A_94] : memref<10240x128xf32, #tpu.memory_space<vmem_shared>> -> memref<64x128xf32, #tpu.memory_space<vmem_shared>>
      tpu.wait_dma2 semaphore(%run_scoped3A : memref<!tpu.dma_semaphore, #tpu.memory_space<semaphore_mem>>) src(%dma_wait3A_95 : memref<64x128xf32, #tpu.memory_space<vmem_shared>>) dst(%arg11 : memref<64x128xf32, #tpu.memory_space<vmem>>)
      tpu.yield
    }) : () -> ()
    "tpu.region"() ({
      %run_scoped3A = tpu.sem_alloc : memref<!tpu.dma_semaphore, #tpu.memory_space<semaphore_mem>>
      %dma_start3A_88 = arith.constant 0 : i32
      %dma_start3A_89 = tpu.memref_slice %arg6[%arg0, %add3A_81, %dma_start3A_88] : memref<2x10240x128xf32, #tpu.memory_space<hbm>> -> memref<1x64x128xf32, #tpu.memory_space<hbm>>
      %dma_start3A_90 = tpu.memref_squeeze %dma_start3A_89 : memref<1x64x128xf32, #tpu.memory_space<hbm>> -> memref<64x128xf32, #tpu.memory_space<hbm>>
      %dma_start3A_91 = arith.constant 0 : i32
      %dma_start3A_92 = tpu.memref_slice %arg6[%arg0, %add3A_81, %dma_start3A_91] : memref<2x10240x128xf32, #tpu.memory_space<hbm>> -> memref<1x64x128xf32, #tpu.memory_space<hbm>>
      %dma_start3A_93 = tpu.memref_squeeze %dma_start3A_92 : memref<1x64x128xf32, #tpu.memory_space<hbm>> -> memref<64x128xf32, #tpu.memory_space<hbm>>
      tpu.enqueue_dma source(%arg11 : memref<64x128xf32, #tpu.memory_space<vmem>>) target(%dma_start3A_93 : memref<64x128xf32, #tpu.memory_space<hbm>>) target_semaphore(%run_scoped3A : memref<!tpu.dma_semaphore, #tpu.memory_space<semaphore_mem>>)
      %dma_wait3A_94 = arith.constant 0 : i32
      %dma_wait3A_95 = tpu.memref_slice %arg6[%arg0, %add3A_81, %dma_wait3A_94] : memref<2x10240x128xf32, #tpu.memory_space<hbm>> -> memref<1x64x128xf32, #tpu.memory_space<hbm>>
      %dma_wait3A_96 = tpu.memref_squeeze %dma_wait3A_95 : memref<1x64x128xf32, #tpu.memory_space<hbm>> -> memref<64x128xf32, #tpu.memory_space<hbm>>
      %dma_wait3A_97 = arith.constant 0 : i32
      %dma_wait3A_98 = tpu.memref_slice %arg6[%arg0, %add3A_81, %dma_wait3A_97] : memref<2x10240x128xf32, #tpu.memory_space<hbm>> -> memref<1x64x128xf32, #tpu.memory_space<hbm>>
      %dma_wait3A_99 = tpu.memref_squeeze %dma_wait3A_98 : memref<1x64x128xf32, #tpu.memory_space<hbm>> -> memref<64x128xf32, #tpu.memory_space<hbm>>
      tpu.wait_dma2 semaphore(%run_scoped3A : memref<!tpu.dma_semaphore, #tpu.memory_space<semaphore_mem>>) src(%arg11 : memref<64x128xf32, #tpu.memory_space<vmem>>) dst(%dma_wait3A_99 : memref<64x128xf32, #tpu.memory_space<hbm>>)
      tpu.yield
    }) : () -> ()
    %add3A_82 = arith.constant 448 : i32
    %add3A_83 = arith.addi %mul3A_0, %add3A_82 : i32
    "tpu.region"() ({
      %run_scoped3A = tpu.sem_alloc : memref<!tpu.dma_semaphore, #tpu.memory_space<semaphore_mem>>
      %dma_start3A_88 = arith.constant 0 : i32
      %dma_start3A_89 = tpu.memref_slice %arg24[%add3A_83, %dma_start3A_88] : memref<10240x128xf32, #tpu.memory_space<vmem_shared>> -> memref<64x128xf32, #tpu.memory_space<vmem_shared>>
      %dma_start3A_90 = arith.constant 0 : i32
      %dma_start3A_91 = tpu.memref_slice %arg24[%add3A_83, %dma_start3A_90] : memref<10240x128xf32, #tpu.memory_space<vmem_shared>> -> memref<64x128xf32, #tpu.memory_space<vmem_shared>>
      tpu.enqueue_dma source(%dma_start3A_91 : memref<64x128xf32, #tpu.memory_space<vmem_shared>>) target(%arg11 : memref<64x128xf32, #tpu.memory_space<vmem>>) target_semaphore(%run_scoped3A : memref<!tpu.dma_semaphore, #tpu.memory_space<semaphore_mem>>)
      %dma_wait3A_92 = arith.constant 0 : i32
      %dma_wait3A_93 = tpu.memref_slice %arg24[%add3A_83, %dma_wait3A_92] : memref<10240x128xf32, #tpu.memory_space<vmem_shared>> -> memref<64x128xf32, #tpu.memory_space<vmem_shared>>
      %dma_wait3A_94 = arith.constant 0 : i32
      %dma_wait3A_95 = tpu.memref_slice %arg24[%add3A_83, %dma_wait3A_94] : memref<10240x128xf32, #tpu.memory_space<vmem_shared>> -> memref<64x128xf32, #tpu.memory_space<vmem_shared>>
      tpu.wait_dma2 semaphore(%run_scoped3A : memref<!tpu.dma_semaphore, #tpu.memory_space<semaphore_mem>>) src(%dma_wait3A_95 : memref<64x128xf32, #tpu.memory_space<vmem_shared>>) dst(%arg11 : memref<64x128xf32, #tpu.memory_space<vmem>>)
      tpu.yield
    }) : () -> ()
    "tpu.region"() ({
      %run_scoped3A = tpu.sem_alloc : memref<!tpu.dma_semaphore, #tpu.memory_space<semaphore_mem>>
      %dma_start3A_88 = arith.constant 0 : i32
      %dma_start3A_89 = tpu.memref_slice %arg6[%arg0, %add3A_83, %dma_start3A_88] : memref<2x10240x128xf32, #tpu.memory_space<hbm>> -> memref<1x64x128xf32, #tpu.memory_space<hbm>>
      %dma_start3A_90 = tpu.memref_squeeze %dma_start3A_89 : memref<1x64x128xf32, #tpu.memory_space<hbm>> -> memref<64x128xf32, #tpu.memory_space<hbm>>
      %dma_start3A_91 = arith.constant 0 : i32
      %dma_start3A_92 = tpu.memref_slice %arg6[%arg0, %add3A_83, %dma_start3A_91] : memref<2x10240x128xf32, #tpu.memory_space<hbm>> -> memref<1x64x128xf32, #tpu.memory_space<hbm>>
      %dma_start3A_93 = tpu.memref_squeeze %dma_start3A_92 : memref<1x64x128xf32, #tpu.memory_space<hbm>> -> memref<64x128xf32, #tpu.memory_space<hbm>>
      tpu.enqueue_dma source(%arg11 : memref<64x128xf32, #tpu.memory_space<vmem>>) target(%dma_start3A_93 : memref<64x128xf32, #tpu.memory_space<hbm>>) target_semaphore(%run_scoped3A : memref<!tpu.dma_semaphore, #tpu.memory_space<semaphore_mem>>)
      %dma_wait3A_94 = arith.constant 0 : i32
      %dma_wait3A_95 = tpu.memref_slice %arg6[%arg0, %add3A_83, %dma_wait3A_94] : memref<2x10240x128xf32, #tpu.memory_space<hbm>> -> memref<1x64x128xf32, #tpu.memory_space<hbm>>
      %dma_wait3A_96 = tpu.memref_squeeze %dma_wait3A_95 : memref<1x64x128xf32, #tpu.memory_space<hbm>> -> memref<64x128xf32, #tpu.memory_space<hbm>>
      %dma_wait3A_97 = arith.constant 0 : i32
      %dma_wait3A_98 = tpu.memref_slice %arg6[%arg0, %add3A_83, %dma_wait3A_97] : memref<2x10240x128xf32, #tpu.memory_space<hbm>> -> memref<1x64x128xf32, #tpu.memory_space<hbm>>
      %dma_wait3A_99 = tpu.memref_squeeze %dma_wait3A_98 : memref<1x64x128xf32, #tpu.memory_space<hbm>> -> memref<64x128xf32, #tpu.memory_space<hbm>>
      tpu.wait_dma2 semaphore(%run_scoped3A : memref<!tpu.dma_semaphore, #tpu.memory_space<semaphore_mem>>) src(%arg11 : memref<64x128xf32, #tpu.memory_space<vmem>>) dst(%dma_wait3A_99 : memref<64x128xf32, #tpu.memory_space<hbm>>)
      tpu.yield
    }) : () -> ()
    %add3A_84 = arith.constant 512 : i32
    %add3A_85 = arith.addi %mul3A_0, %add3A_84 : i32
    "tpu.region"() ({
      %run_scoped3A = tpu.sem_alloc : memref<!tpu.dma_semaphore, #tpu.memory_space<semaphore_mem>>
      %dma_start3A_88 = arith.constant 0 : i32
      %dma_start3A_89 = tpu.memref_slice %arg24[%add3A_85, %dma_start3A_88] : memref<10240x128xf32, #tpu.memory_space<vmem_shared>> -> memref<64x128xf32, #tpu.memory_space<vmem_shared>>
      %dma_start3A_90 = arith.constant 0 : i32
      %dma_start3A_91 = tpu.memref_slice %arg24[%add3A_85, %dma_start3A_90] : memref<10240x128xf32, #tpu.memory_space<vmem_shared>> -> memref<64x128xf32, #tpu.memory_space<vmem_shared>>
      tpu.enqueue_dma source(%dma_start3A_91 : memref<64x128xf32, #tpu.memory_space<vmem_shared>>) target(%arg11 : memref<64x128xf32, #tpu.memory_space<vmem>>) target_semaphore(%run_scoped3A : memref<!tpu.dma_semaphore, #tpu.memory_space<semaphore_mem>>)
      %dma_wait3A_92 = arith.constant 0 : i32
      %dma_wait3A_93 = tpu.memref_slice %arg24[%add3A_85, %dma_wait3A_92] : memref<10240x128xf32, #tpu.memory_space<vmem_shared>> -> memref<64x128xf32, #tpu.memory_space<vmem_shared>>
      %dma_wait3A_94 = arith.constant 0 : i32
      %dma_wait3A_95 = tpu.memref_slice %arg24[%add3A_85, %dma_wait3A_94] : memref<10240x128xf32, #tpu.memory_space<vmem_shared>> -> memref<64x128xf32, #tpu.memory_space<vmem_shared>>
      tpu.wait_dma2 semaphore(%run_scoped3A : memref<!tpu.dma_semaphore, #tpu.memory_space<semaphore_mem>>) src(%dma_wait3A_95 : memref<64x128xf32, #tpu.memory_space<vmem_shared>>) dst(%arg11 : memref<64x128xf32, #tpu.memory_space<vmem>>)
      tpu.yield
    }) : () -> ()
    "tpu.region"() ({
      %run_scoped3A = tpu.sem_alloc : memref<!tpu.dma_semaphore, #tpu.memory_space<semaphore_mem>>
      %dma_start3A_88 = arith.constant 0 : i32
      %dma_start3A_89 = tpu.memref_slice %arg6[%arg0, %add3A_85, %dma_start3A_88] : memref<2x10240x128xf32, #tpu.memory_space<hbm>> -> memref<1x64x128xf32, #tpu.memory_space<hbm>>
      %dma_start3A_90 = tpu.memref_squeeze %dma_start3A_89 : memref<1x64x128xf32, #tpu.memory_space<hbm>> -> memref<64x128xf32, #tpu.memory_space<hbm>>
      %dma_start3A_91 = arith.constant 0 : i32
      %dma_start3A_92 = tpu.memref_slice %arg6[%arg0, %add3A_85, %dma_start3A_91] : memref<2x10240x128xf32, #tpu.memory_space<hbm>> -> memref<1x64x128xf32, #tpu.memory_space<hbm>>
      %dma_start3A_93 = tpu.memref_squeeze %dma_start3A_92 : memref<1x64x128xf32, #tpu.memory_space<hbm>> -> memref<64x128xf32, #tpu.memory_space<hbm>>
      tpu.enqueue_dma source(%arg11 : memref<64x128xf32, #tpu.memory_space<vmem>>) target(%dma_start3A_93 : memref<64x128xf32, #tpu.memory_space<hbm>>) target_semaphore(%run_scoped3A : memref<!tpu.dma_semaphore, #tpu.memory_space<semaphore_mem>>)
      %dma_wait3A_94 = arith.constant 0 : i32
      %dma_wait3A_95 = tpu.memref_slice %arg6[%arg0, %add3A_85, %dma_wait3A_94] : memref<2x10240x128xf32, #tpu.memory_space<hbm>> -> memref<1x64x128xf32, #tpu.memory_space<hbm>>
      %dma_wait3A_96 = tpu.memref_squeeze %dma_wait3A_95 : memref<1x64x128xf32, #tpu.memory_space<hbm>> -> memref<64x128xf32, #tpu.memory_space<hbm>>
      %dma_wait3A_97 = arith.constant 0 : i32
      %dma_wait3A_98 = tpu.memref_slice %arg6[%arg0, %add3A_85, %dma_wait3A_97] : memref<2x10240x128xf32, #tpu.memory_space<hbm>> -> memref<1x64x128xf32, #tpu.memory_space<hbm>>
      %dma_wait3A_99 = tpu.memref_squeeze %dma_wait3A_98 : memref<1x64x128xf32, #tpu.memory_space<hbm>> -> memref<64x128xf32, #tpu.memory_space<hbm>>
      tpu.wait_dma2 semaphore(%run_scoped3A : memref<!tpu.dma_semaphore, #tpu.memory_space<semaphore_mem>>) src(%arg11 : memref<64x128xf32, #tpu.memory_space<vmem>>) dst(%dma_wait3A_99 : memref<64x128xf32, #tpu.memory_space<hbm>>)
      tpu.yield
    }) : () -> ()
    %add3A_86 = arith.constant 576 : i32
    %add3A_87 = arith.addi %mul3A_0, %add3A_86 : i32
    "tpu.region"() ({
      %run_scoped3A = tpu.sem_alloc : memref<!tpu.dma_semaphore, #tpu.memory_space<semaphore_mem>>
      %dma_start3A_88 = arith.constant 0 : i32
      %dma_start3A_89 = tpu.memref_slice %arg24[%add3A_87, %dma_start3A_88] : memref<10240x128xf32, #tpu.memory_space<vmem_shared>> -> memref<64x128xf32, #tpu.memory_space<vmem_shared>>
      %dma_start3A_90 = arith.constant 0 : i32
      %dma_start3A_91 = tpu.memref_slice %arg24[%add3A_87, %dma_start3A_90] : memref<10240x128xf32, #tpu.memory_space<vmem_shared>> -> memref<64x128xf32, #tpu.memory_space<vmem_shared>>
      tpu.enqueue_dma source(%dma_start3A_91 : memref<64x128xf32, #tpu.memory_space<vmem_shared>>) target(%arg11 : memref<64x128xf32, #tpu.memory_space<vmem>>) target_semaphore(%run_scoped3A : memref<!tpu.dma_semaphore, #tpu.memory_space<semaphore_mem>>)
      %dma_wait3A_92 = arith.constant 0 : i32
      %dma_wait3A_93 = tpu.memref_slice %arg24[%add3A_87, %dma_wait3A_92] : memref<10240x128xf32, #tpu.memory_space<vmem_shared>> -> memref<64x128xf32, #tpu.memory_space<vmem_shared>>
      %dma_wait3A_94 = arith.constant 0 : i32
      %dma_wait3A_95 = tpu.memref_slice %arg24[%add3A_87, %dma_wait3A_94] : memref<10240x128xf32, #tpu.memory_space<vmem_shared>> -> memref<64x128xf32, #tpu.memory_space<vmem_shared>>
      tpu.wait_dma2 semaphore(%run_scoped3A : memref<!tpu.dma_semaphore, #tpu.memory_space<semaphore_mem>>) src(%dma_wait3A_95 : memref<64x128xf32, #tpu.memory_space<vmem_shared>>) dst(%arg11 : memref<64x128xf32, #tpu.memory_space<vmem>>)
      tpu.yield
    }) : () -> ()
    "tpu.region"() ({
      %run_scoped3A = tpu.sem_alloc : memref<!tpu.dma_semaphore, #tpu.memory_space<semaphore_mem>>
      %dma_start3A_88 = arith.constant 0 : i32
      %dma_start3A_89 = tpu.memref_slice %arg6[%arg0, %add3A_87, %dma_start3A_88] : memref<2x10240x128xf32, #tpu.memory_space<hbm>> -> memref<1x64x128xf32, #tpu.memory_space<hbm>>
      %dma_start3A_90 = tpu.memref_squeeze %dma_start3A_89 : memref<1x64x128xf32, #tpu.memory_space<hbm>> -> memref<64x128xf32, #tpu.memory_space<hbm>>
      %dma_start3A_91 = arith.constant 0 : i32
      %dma_start3A_92 = tpu.memref_slice %arg6[%arg0, %add3A_87, %dma_start3A_91] : memref<2x10240x128xf32, #tpu.memory_space<hbm>> -> memref<1x64x128xf32, #tpu.memory_space<hbm>>
      %dma_start3A_93 = tpu.memref_squeeze %dma_start3A_92 : memref<1x64x128xf32, #tpu.memory_space<hbm>> -> memref<64x128xf32, #tpu.memory_space<hbm>>
      tpu.enqueue_dma source(%arg11 : memref<64x128xf32, #tpu.memory_space<vmem>>) target(%dma_start3A_93 : memref<64x128xf32, #tpu.memory_space<hbm>>) target_semaphore(%run_scoped3A : memref<!tpu.dma_semaphore, #tpu.memory_space<semaphore_mem>>)
      %dma_wait3A_94 = arith.constant 0 : i32
      %dma_wait3A_95 = tpu.memref_slice %arg6[%arg0, %add3A_87, %dma_wait3A_94] : memref<2x10240x128xf32, #tpu.memory_space<hbm>> -> memref<1x64x128xf32, #tpu.memory_space<hbm>>
      %dma_wait3A_96 = tpu.memref_squeeze %dma_wait3A_95 : memref<1x64x128xf32, #tpu.memory_space<hbm>> -> memref<64x128xf32, #tpu.memory_space<hbm>>
      %dma_wait3A_97 = arith.constant 0 : i32
      %dma_wait3A_98 = tpu.memref_slice %arg6[%arg0, %add3A_87, %dma_wait3A_97] : memref<2x10240x128xf32, #tpu.memory_space<hbm>> -> memref<1x64x128xf32, #tpu.memory_space<hbm>>
      %dma_wait3A_99 = tpu.memref_squeeze %dma_wait3A_98 : memref<1x64x128xf32, #tpu.memory_space<hbm>> -> memref<64x128xf32, #tpu.memory_space<hbm>>
      tpu.wait_dma2 semaphore(%run_scoped3A : memref<!tpu.dma_semaphore, #tpu.memory_space<semaphore_mem>>) src(%arg11 : memref<64x128xf32, #tpu.memory_space<vmem>>) dst(%dma_wait3A_99 : memref<64x128xf32, #tpu.memory_space<hbm>>)
      tpu.yield
    }) : () -> ()
    return
  }
}

module attributes {stable_mosaic.version = 14 : i64} {
  func.func @body(%arg0: i32, %arg1: i32, %arg2: memref<1x2000x128xf32, #tpu.memory_space<vmem>>, %arg3: memref<1x2000x128xf32, #tpu.memory_space<vmem>>, %arg4: memref<1x128x128xf32, #tpu.memory_space<vmem>>, %arg5: memref<1x1x128xf32, #tpu.memory_space<vmem>>, %arg6: memref<2000x128xf32, #tpu.memory_space<vmem>>) attributes {dimension_semantics = [#tpu.dimension_semantics<arbitrary>, #tpu.dimension_semantics<arbitrary>], iteration_bounds = array<i64: 2, 5>, scalar_prefetch = 0 : i64, scratch_operands = 0 : i64, tpu.core_type = #tpu.core_type<tc>, window_params = [{transform_indices = @transform_0, window_bounds = array<i64: 1, 2000, 128>}, {transform_indices = @transform_1, window_bounds = array<i64: 1, 2000, 128>}, {transform_indices = @transform_2, window_bounds = array<i64: 1, 128, 128>}, {transform_indices = @transform_3, window_bounds = array<i64: 1, 1, 128>}, {transform_indices = @transform_4, window_bounds = array<i64: 2000, 128>}]} {
    %get3A = arith.constant 0 : index
    %get3A_0 = arith.constant 0 : index
    %get3A_1 = arith.constant 0 : index
    %get3A_2 = vector.load %arg3[%get3A, %get3A_0, %get3A_1] : memref<1x2000x128xf32, #tpu.memory_space<vmem>>, vector<1x2000x128xf32>
    %get3A_3 = vector.shape_cast %get3A_2 : vector<1x2000x128xf32> to vector<2000x128xf32>
    %slice3A = vector.extract_strided_slice %get3A_3 {offsets = [0, 0], sizes = [2000, 1], strides = [1, 1]} : vector<2000x128xf32> to vector<2000x1xf32>
    %max3A = arith.constant 1.000000e+00 : f32
    %max3A_4 = vector.broadcast %max3A : f32 to vector<2000x1xf32>
    %max3A_5 = arith.maximumf %slice3A, %max3A_4 : vector<2000x1xf32>
    %get3A_6 = arith.constant 0 : index
    %get3A_7 = arith.constant 0 : index
    %get3A_8 = arith.constant 0 : index
    %get3A_9 = vector.load %arg2[%get3A_6, %get3A_7, %get3A_8] : memref<1x2000x128xf32, #tpu.memory_space<vmem>>, vector<1x2000x128xf32>
    %get3A_10 = vector.shape_cast %get3A_9 : vector<1x2000x128xf32> to vector<2000x128xf32>
    %div3A = vector.broadcast %max3A_5 : vector<2000x1xf32> to vector<2000x128xf32>
    %div3A_11 = arith.divf %get3A_10, %div3A : vector<2000x128xf32>
    %get3A_12 = arith.constant 0 : index
    %get3A_13 = arith.constant 0 : index
    %get3A_14 = arith.constant 0 : index
    %get3A_15 = vector.load %arg4[%get3A_12, %get3A_13, %get3A_14] : memref<1x128x128xf32, #tpu.memory_space<vmem>>, vector<1x128x128xf32>
    %get3A_16 = vector.shape_cast %get3A_15 : vector<1x128x128xf32> to vector<128x128xf32>
    %dot_general3A = arith.constant dense<0.000000e+00> : vector<2000x128xf32>
    %dot_general3A_17 = tpu.matmul %div3A_11, %get3A_16, %dot_general3A {dimension_numbers = #tpu.dot_dimension_numbers<[1], [0], [0], [1], [0, 0, 1, 1], [], []>, transpose_lhs_hint = false} : vector<2000x128xf32>, vector<128x128xf32>, vector<2000x128xf32> -> vector<2000x128xf32>
    %get3A_18 = arith.constant 0 : index
    %get3A_19 = arith.constant 0 : index
    %get3A_20 = arith.constant 0 : index
    %get3A_21 = vector.load %arg5[%get3A_18, %get3A_19, %get3A_20] : memref<1x1x128xf32, #tpu.memory_space<vmem>>, vector<1x1x128xf32>
    %get3A_22 = vector.shape_cast %get3A_21 : vector<1x1x128xf32> to vector<128xf32>
    %broadcast_in_dim3A = vector.shape_cast %get3A_22 : vector<128xf32> to vector<1x128xf32>
    %add3A = vector.broadcast %broadcast_in_dim3A : vector<1x128xf32> to vector<2000x128xf32>
    %add3A_23 = arith.addf %dot_general3A_17, %add3A : vector<2000x128xf32>
    %max3A_24 = arith.constant 0.000000e+00 : f32
    %max3A_25 = vector.broadcast %max3A_24 : f32 to vector<2000x128xf32>
    %max3A_26 = arith.maximumf %add3A_23, %max3A_25 : vector<2000x128xf32>
    %swap3A = arith.constant 0 : index
    %swap3A_27 = arith.constant 0 : index
    %swap3A_28 = vector.load %arg6[%swap3A, %swap3A_27] : memref<2000x128xf32, #tpu.memory_space<vmem>>, vector<2000x128xf32>
    tpu.vector_store %arg6[%swap3A, %swap3A_27], %max3A_26 {strides = array<i32>} : memref<2000x128xf32, #tpu.memory_space<vmem>>, vector<2000x128xf32>,
    return
  }
  func.func @transform_0(%arg0: i32, %arg1: i32) -> (i32, i32, i32) {
    %c0_i32 = arith.constant 0 : i32
    %c0_i32_0 = arith.constant 0 : i32
    return %arg0, %arg1, %c0_i32 : i32, i32, i32
  }
  func.func @transform_1(%arg0: i32, %arg1: i32) -> (i32, i32, i32) {
    %c0_i32 = arith.constant 0 : i32
    %c0_i32_0 = arith.constant 0 : i32
    return %arg0, %arg1, %c0_i32 : i32, i32, i32
  }
  func.func @transform_2(%arg0: i32, %arg1: i32) -> (i32, i32, i32) {
    %c0_i32 = arith.constant 0 : i32
    %c0_i32_0 = arith.constant 0 : i32
    %c0_i32_1 = arith.constant 0 : i32
    return %arg0, %c0_i32, %c0_i32_0 : i32, i32, i32
  }
  func.func @transform_3(%arg0: i32, %arg1: i32) -> (i32, i32, i32) {
    %c0_i32 = arith.constant 0 : i32
    %c0_i32_0 = arith.constant 0 : i32
    %c0_i32_1 = arith.constant 0 : i32
    return %arg0, %c0_i32, %c0_i32_0 : i32, i32, i32
  }
  func.func @transform_4(%arg0: i32, %arg1: i32) -> (i32, i32) {
    %mul3A = arith.constant 5 : i32
    %mul3A_0 = arith.muli %arg0, %mul3A : i32
    %add3A = arith.addi %mul3A_0, %arg1 : i32
    %c0_i32 = arith.constant 0 : i32
    %c0_i32_1 = arith.constant 0 : i32
    return %add3A, %c0_i32 : i32, i32
  }
}

module attributes {stable_mosaic.version = 14 : i64} {
  func.func @body(%arg0: i32, %arg1: i32, %arg2: memref<1x2000x128xf32, #tpu.memory_space<vmem>>, %arg3: memref<1x2000x128xf32, #tpu.memory_space<vmem>>, %arg4: memref<1x128x128xf32, #tpu.memory_space<vmem>>, %arg5: memref<1x1x128xf32, #tpu.memory_space<vmem>>, %arg6: memref<1x2000x128xf32, #tpu.memory_space<vmem>>) attributes {dimension_semantics = [#tpu.dimension_semantics<arbitrary>, #tpu.dimension_semantics<arbitrary>], iteration_bounds = array<i64: 2, 5>, scalar_prefetch = 0 : i64, scratch_operands = 0 : i64, tpu.core_type = #tpu.core_type<tc>, window_params = [{transform_indices = @transform_0, window_bounds = array<i64: 1, 2000, 128>}, {transform_indices = @transform_1, window_bounds = array<i64: 1, 2000, 128>}, {transform_indices = @transform_2, window_bounds = array<i64: 1, 128, 128>}, {transform_indices = @transform_3, window_bounds = array<i64: 1, 1, 128>}, {transform_indices = @transform_4, window_bounds = array<i64: 1, 2000, 128>}]} {
    %get3A = arith.constant 0 : index
    %get3A_0 = arith.constant 0 : index
    %get3A_1 = arith.constant 0 : index
    %get3A_2 = vector.load %arg3[%get3A, %get3A_0, %get3A_1] : memref<1x2000x128xf32, #tpu.memory_space<vmem>>, vector<1x2000x128xf32>
    %get3A_3 = vector.shape_cast %get3A_2 : vector<1x2000x128xf32> to vector<2000x128xf32>
    %slice3A = vector.extract_strided_slice %get3A_3 {offsets = [0, 0], sizes = [2000, 1], strides = [1, 1]} : vector<2000x128xf32> to vector<2000x1xf32>
    %max3A = arith.constant 1.000000e+00 : f32
    %max3A_4 = vector.broadcast %max3A : f32 to vector<2000x1xf32>
    %max3A_5 = arith.maximumf %slice3A, %max3A_4 : vector<2000x1xf32>
    %get3A_6 = arith.constant 0 : index
    %get3A_7 = arith.constant 0 : index
    %get3A_8 = arith.constant 0 : index
    %get3A_9 = vector.load %arg2[%get3A_6, %get3A_7, %get3A_8] : memref<1x2000x128xf32, #tpu.memory_space<vmem>>, vector<1x2000x128xf32>
    %get3A_10 = vector.shape_cast %get3A_9 : vector<1x2000x128xf32> to vector<2000x128xf32>
    %div3A = vector.broadcast %max3A_5 : vector<2000x1xf32> to vector<2000x128xf32>
    %div3A_11 = arith.divf %get3A_10, %div3A : vector<2000x128xf32>
    %get3A_12 = arith.constant 0 : index
    %get3A_13 = arith.constant 0 : index
    %get3A_14 = arith.constant 0 : index
    %get3A_15 = vector.load %arg4[%get3A_12, %get3A_13, %get3A_14] : memref<1x128x128xf32, #tpu.memory_space<vmem>>, vector<1x128x128xf32>
    %get3A_16 = vector.shape_cast %get3A_15 : vector<1x128x128xf32> to vector<128x128xf32>
    %dot_general3A = arith.constant dense<0.000000e+00> : vector<2000x128xf32>
    %dot_general3A_17 = tpu.matmul %div3A_11, %get3A_16, %dot_general3A {dimension_numbers = #tpu.dot_dimension_numbers<[1], [0], [0], [1], [0, 0, 1, 1], [], []>, transpose_lhs_hint = false} : vector<2000x128xf32>, vector<128x128xf32>, vector<2000x128xf32> -> vector<2000x128xf32>
    %get3A_18 = arith.constant 0 : index
    %get3A_19 = arith.constant 0 : index
    %get3A_20 = arith.constant 0 : index
    %get3A_21 = vector.load %arg5[%get3A_18, %get3A_19, %get3A_20] : memref<1x1x128xf32, #tpu.memory_space<vmem>>, vector<1x1x128xf32>
    %get3A_22 = vector.shape_cast %get3A_21 : vector<1x1x128xf32> to vector<128xf32>
    %broadcast_in_dim3A = vector.shape_cast %get3A_22 : vector<128xf32> to vector<1x128xf32>
    %add3A = vector.broadcast %broadcast_in_dim3A : vector<1x128xf32> to vector<2000x128xf32>
    %add3A_23 = arith.addf %dot_general3A_17, %add3A : vector<2000x128xf32>
    %max3A_24 = arith.constant 0.000000e+00 : f32
    %max3A_25 = vector.broadcast %max3A_24 : f32 to vector<2000x128xf32>
    %max3A_26 = arith.maximumf %add3A_23, %max3A_25 : vector<2000x128xf32>
    %swap3A = arith.constant 0 : index
    %swap3A_27 = arith.constant 0 : index
    %swap3A_28 = arith.constant 0 : index
    %swap3A_29 = vector.load %arg6[%swap3A, %swap3A_27, %swap3A_28] : memref<1x2000x128xf32, #tpu.memory_space<vmem>>, vector<1x2000x128xf32>
    %swap3A_30 = vector.shape_cast %swap3A_29 : vector<1x2000x128xf32> to vector<2000x128xf32>
    %swap3A_31 = vector.shape_cast %max3A_26 : vector<2000x128xf32> to vector<1x2000x128xf32>
    tpu.vector_store %arg6[%swap3A, %swap3A_27, %swap3A_28], %swap3A_31 {strides = array<i32>} : memref<1x2000x128xf32, #tpu.memory_space<vmem>>, vector<1x2000x128xf32>,
    return
  }
  func.func @transform_0(%arg0: i32, %arg1: i32) -> (i32, i32, i32) {
    %sub3A = arith.constant 1 : i32
    %sub3A_0 = arith.subi %sub3A, %arg0 : i32
    %c0_i32 = arith.constant 0 : i32
    %c0_i32_1 = arith.constant 0 : i32
    return %sub3A_0, %arg1, %c0_i32 : i32, i32, i32
  }
  func.func @transform_1(%arg0: i32, %arg1: i32) -> (i32, i32, i32) {
    %sub3A = arith.constant 1 : i32
    %sub3A_0 = arith.subi %sub3A, %arg0 : i32
    %c0_i32 = arith.constant 0 : i32
    %c0_i32_1 = arith.constant 0 : i32
    return %sub3A_0, %arg1, %c0_i32 : i32, i32, i32
  }
  func.func @transform_2(%arg0: i32, %arg1: i32) -> (i32, i32, i32) {
    %c0_i32 = arith.constant 0 : i32
    %c0_i32_0 = arith.constant 0 : i32
    %c0_i32_1 = arith.constant 0 : i32
    return %arg0, %c0_i32, %c0_i32_0 : i32, i32, i32
  }
  func.func @transform_3(%arg0: i32, %arg1: i32) -> (i32, i32, i32) {
    %c0_i32 = arith.constant 0 : i32
    %c0_i32_0 = arith.constant 0 : i32
    %c0_i32_1 = arith.constant 0 : i32
    return %arg0, %c0_i32, %c0_i32_0 : i32, i32, i32
  }
  func.func @transform_4(%arg0: i32, %arg1: i32) -> (i32, i32, i32) {
    %c0_i32 = arith.constant 0 : i32
    %c0_i32_0 = arith.constant 0 : i32
    return %arg0, %arg1, %c0_i32 : i32, i32, i32
  }
}

</mosaic_0001>

<sc_bundles>
// kernel: kernel.10.cloned.1.call-start
scs
__scs_entry_jumppad:
0x0: {  	(pc) =	sbr.rel $0x88, $3  }
0x1: {  	(tag) =	ssettag $0x0;
	lr =	simm.s32 $0x1  }
0x2: {  	[smem:$0x3F95] =	sst lr;
	_ =	strace $0xD0000000  }
0x3: {  	_ = 	snop  }
0x4: {  	_ = 	snop  }
0x5: {  	_ = 	snop  }
0x6: {  	_ = 	snop  }
0x7: {  	_ = 	snop  }
__scs_overlays_trampoline_lowered:
0x8: {  	[smem:$0x3FA4] =	sst s0  }
0x9: {  	[smem:$0x3FA5] =	sst s1  }
0xa: {  	[smem:$0x3FA6] =	sst s2  }
0xb: {  	[smem:$0x3FA7] =	sst s3  }
0xc: {  	[smem:$0x3FA8] =	sst s4  }
0xd: {  	[smem:$0x3FA9] =	sst s5  }
0xe: {  	[smem:$0x3FAA] =	sst s6  }
0xf: {  	[smem:$0x3FAB] =	sst s7  }
0x10: {  	[smem:$0x3FAC] =	sst s8  }
0x11: {  	[smem:$0x3FAD] =	sst s9;
	s0 =	simm.s32 @!p0 $0x0  }
0x12: {  	s1 =	sld [smem:$0x3F93];
	s0 =	simm.s32 @p0 $0x1  }
0x13: {  	[smem:$0x3FAE] =	sst s0;
	s0 =	simm.s32 @!p1 $0x0  }
0x14: {  	s2 =	sld [smem:$0x3F92];
	s0 =	simm.s32 @p1 $0x1  }
0x15: {  	[smem:$0x3FAF] =	sst s0;
	s0 =	simm.s32 @!p2 $0x0  }
0x16: {  	s3 =	sld [smem:$0x3FDB];
	s0 =	simm.s32 @p2 $0x1  }
0x17: {  	s4 =	simm.s32 $0x1BF5;
	[smem:$0x3FB1] =	sst s0  }
0x18: {  	s0 =	sld [smem:$0x3F94];
	_ =	swait.ge [sflag:s4], $0x0  }
0x19: {  	s7 =	sld [smem:$0x3F95]  }
0x1a: {  	s8 =	sadd.s32 $0xFFFFE003, lr  }
0x1b: {  	s9 =	sadd.s32 $0xFFFFFEF7, lr;
	s5 =	simm.s32 $0xFFFFFFFF;
	p2 =	slt.u32 s8, $0xFFFFF086  }
0x1c: {  	p1 =	slt.u32 s9, $0xF7A;
	s5 =	simm.s32 @!p2 $0x0  }
0x1d: {  	s5 =	simm.s32 @p1 $0x1;
	p0 =	seq.s32 s7, s2  }
0x1e: {  	s7 =	smul.u32 @!p0 $0xF7A, s2;
	p2 =	seq.s32 @!p0 s5, $0x0  }
0x1f: {  	s9 =	smul.u32 $0xF7A, s1;
	s8 =	simm.s32 @!p0 $0x1BF5;
	p2 =	por !p2, p0  }
0x20: {  	[sflag:s8] =	ssyncset.s32 @!p0 $0xFFFFF086;
	s6 =	sadd.s32 @!p0 s3, s7;
	s7 =	simm.s32 @!p0 $0x108  }
0x21: {  	s3 =	sadd.s32 s3, s9;
	s6 =	sadd.s32 @!p0 $0x88, s6;
	s7 =	simm.s32 @p2 $0x1082  }
0x22: {  	[simem:s7], [sflag:s8] =	dma.local @!p0 [hbm:s6], $0xF7A  }
0x23: {  	s9 =	sor.u32 $0xD0000000, s2;
	s6 =	simm.s32 $0x108;
	_ =	swait.ge @!p0 [sflag:s8], $0x0  }
0x24: {  	s3 =	sadd.s32 $0x88, s3;
	s6 =	simm.s32 @!p1 $0x1082;
	[sflag:s4] =	ssyncset.s32 $0xFFFFF086  }
0x25: {  	[simem:s6], [sflag:s4] =	dma.local [hbm:s3], $0xF7A  }
0x26: {  	[smem:$0x3F95] =	sst s1;
	(tag) =	ssettag s2;
	_ =	strace s9  }
0x27: {  	s1 =	sld [smem:$0x3FA5]  }
0x28: {  	s2 =	sld [smem:$0x3FA6]  }
0x29: {  	s4 =	sld [smem:$0x3FA8]  }
0x2a: {  	p0 =	seq.s32 s5, $0x0;
	s5 =	sld [smem:$0x3FA9]  }
0x2b: {  	s6 =	sld [smem:$0x3FAA]  }
0x2c: {  	s7 =	sld [smem:$0x3FAB]  }
0x2d: {  	s3 =	simm.s32 $0x108;
	s8 =	sld [smem:$0x3FAC]  }
0x2e: {  	s3 =	simm.s32 @!p0 $0x1082;
	s9 =	sld [smem:$0x3FAD]  }
0x2f: {  	lr =	sadd.s32 s0, s3;
	s0 =	sld [smem:$0x3FA4]  }
0x30: {  	s3 =	sld [smem:$0x3FA7]  }
0x31: {  	[smem:$0x3FB0] =	sst s10  }
0x32: {  	s10 =	sld [smem:$0x3FAE];
	_ =	sdelay $0x3  }
0x33: {  	p0 =	seq.s32 s10, $0x1;
	s10 =	sld [smem:$0x3FB0];
	_ =	sdelay $0x3  }
0x34: {  	[smem:$0x3FB0] =	sst s10  }
0x35: {  	s10 =	sld [smem:$0x3FAF];
	_ =	sdelay $0x3  }
0x36: {  	p1 =	seq.s32 s10, $0x1;
	s10 =	sld [smem:$0x3FB0];
	_ =	sdelay $0x3  }
0x37: {  	[smem:$0x3FB0] =	sst s10  }
0x38: {  	s10 =	sld [smem:$0x3FB1]  }
0x39: {  	_ = 	snop;
	(pc) =	sbr.ind lr, $3  }
0x3a: {  	_ = 	snop  }
0x3b: {  	_ = 	snop  }
0x3c: {  	p2 =	seq.s32 s10, $0x1;
	s10 =	sld [smem:$0x3FB0]  }
0x3d: {  	_ =	shalt  }
0x3e: {  	_ =	shalt  }
0x3f: {  	_ =	shalt  }
0x40: {  	_ =	shalt  }
0x41: {  	_ =	shalt  }
0x42: {  	_ =	shalt  }
0x43: {  	_ =	shalt  }
0x44: {  	_ =	shalt  }
0x45: {  	_ =	shalt  }
0x46: {  	_ =	shalt  }
0x47: {  	_ =	shalt  }
0x48: {  	_ =	shalt  }
0x49: {  	_ =	shalt  }
0x4a: {  	_ =	shalt  }
0x4b: {  	_ =	shalt  }
0x4c: {  	_ =	shalt  }
0x4d: {  	_ =	shalt  }
0x4e: {  	_ =	shalt  }
0x4f: {  	_ =	shalt  }
0x50: {  	_ =	shalt  }
0x51: {  	_ =	shalt  }
0x52: {  	_ =	shalt  }
0x53: {  	_ =	shalt  }
0x54: {  	_ =	shalt  }
0x55: {  	_ =	shalt  }
0x56: {  	_ =	shalt  }
0x57: {  	_ =	shalt  }
0x58: {  	_ =	shalt  }
0x59: {  	_ =	shalt  }
0x5a: {  	_ =	shalt  }
0x5b: {  	_ =	shalt  }
0x5c: {  	_ =	shalt  }
0x5d: {  	_ =	shalt  }
0x5e: {  	_ =	shalt  }
0x5f: {  	_ =	shalt  }
0x60: {  	_ =	shalt  }
0x61: {  	_ =	shalt  }
0x62: {  	_ =	shalt  }
0x63: {  	_ =	shalt  }
0x64: {  	_ =	shalt  }
0x65: {  	_ =	shalt  }
0x66: {  	_ =	shalt  }
0x67: {  	_ =	shalt  }
0x68: {  	_ =	shalt  }
0x69: {  	_ =	shalt  }
0x6a: {  	_ =	shalt  }
0x6b: {  	_ =	shalt  }
0x6c: {  	_ =	shalt  }
0x6d: {  	_ =	shalt  }
0x6e: {  	_ =	shalt  }
0x6f: {  	_ =	shalt  }
0x70: {  	_ =	shalt  }
0x71: {  	_ =	shalt  }
0x72: {  	_ =	shalt  }
0x73: {  	_ =	shalt  }
0x74: {  	_ =	shalt  }
0x75: {  	_ =	shalt  }
0x76: {  	_ =	shalt  }
0x77: {  	_ =	shalt  }
0x78: {  	_ =	shalt  }
0x79: {  	_ =	shalt  }
0x7a: {  	_ =	shalt  }
0x7b: {  	_ =	shalt  }
0x7c: {  	_ =	shalt  }
0x7d: {  	_ =	shalt  }
0x7e: {  	_ =	shalt  }
0x7f: {  	_ =	shalt  }
0x80: {  	_ =	shalt  }
0x81: {  	_ =	shalt  }
0x82: {  	_ =	shalt  }
0x83: {  	_ =	shalt  }
0x84: {  	_ =	shalt  }
0x85: {  	_ =	shalt  }
0x86: {  	_ =	shalt  }
0x87: {  	_ =	shalt  }
.Lfunc_end0:
.L_simem_size_0:
called_computation.1_lowered:
.L_overlay_start_0:
0x88: {  	s2 =	sld [smem:$0x3FD9]  }
0x89: {  	s3 =	sld [smem:$0x3FFE];
	_ =	sdelay $0x1  }
0x8a: {  	s1 =	srdreg.scid  }
0x8b: {  	s0 =	sand.u32 $0x1, s1  }
0x8c: {  	s17 =	sshll.u32 s0, $0xA;
	s2 =	sadd.s32 s3, s2  }
0x8d: {  	s2 =	sadd.s32 s2, s17  }
0x8e: {  	[smem:$0x3FBC] =	sst s2  }
0x8f: {  	_ = 	snop  }
0x90: {  	s2 =	sld [smem:$0x3FD0];
	(tm) =	ssettm $0x1  }
0x91: {  	s18 =	sld [smem:$0x3FFB];
	_ =	sdelay $0x3  }
0x92: {  	_ =	strace s18  }
0x93: {  	s3 =	sld [smem:$0x3FFC];
	_ =	sdelay $0x3  }
0x94: {  	_ =	strace s3  }
0x95: {  	s3 =	sld [smem:$0x3FFD];
	_ =	sdelay $0x3  }
0x96: {  	_ =	strace s3  }
0x97: {  	_ =	strace $0x8FFFFFFF  }
0x98: {  	s19 =	sld [smem:$0x3FDB];
	_ =	sdelay $0x1  }
0x99: {  	s4 =	simm.s32 $_scs_section_size  }
0x9a: {  	s5 =	simm.s32 $_size__tile_overlayer_lowered;
	s6 =	simm.s32 $_tile_overlayer_lowered  }
0x9b: {  	s22 =	simm.s32 $0x1BFF;
	s21 =	sshll.u32 s6, $0x1;
	s3 =	sadd.s32 s4, s19  }
0x9c: {  	s7 =	simm.s32 $0x0;
	s20 =	sshll.u32 s5, $0x1;
	s5 =	sadd.s32 s21, s3  }
0x9d: {  	[timem:s7], [sflag:s22] =	dma.local [hbm:s5], s20  }
0x9e: {  	_ =	swait.ge [sflag:s22], s20  }
0x9f: {  	s4 =	ssub.s32 $0x0, s20;
	[sflag:s22] =	ssyncset.done $0x0  }
0xa0: {  	[sflag:s22] =	ssyncadd.s32 s4;
	_ =	sdelay $0x1  }
0xa1: {  	s23 =	simm.s32 $0x1B8B  }
0xa2: {  	_ =	swait.ge [sflag:s23], $0x1  }
0xa3: {  	[sflag:s23] =	ssyncset.done $0x0  }
0xa4: {  	s25 =	simm.s32 $0x1B8E;
	s24 =	sld [smem:$0x3FFE];
	[sflag:s23] =	ssyncadd.s32 $0xFFFFFFFF  }
0xa5: {  	s26 =	simm.s32 $execute0_lowered;
	[smem:$0x3FD2] =	sst s25  }
0xa6: {  	s5 =	sshll.u32 s26, $0x1;
	_ =	strace $0x80000046;
	[dreg:$0x1] =	wrdreg $0xFFFFFFFF  }
0xa7: {  	s28 =	simm.s32 $_size_execute0_lowered;
	s3 =	sadd.s32 s3, s5;
	[dreg:$0x0] =	wrdreg $0x0  }
0xa8: {  	s5 =	sshll.u32 s28, $0x1;
	[dreg:$0x2] =	wrdreg s3  }
0xa9: {  	[dreg:$0x3] =	wrdreg s5  }
0xaa: {  	[dreg:$0x4] =	wrdreg $0xC0  }
0xab: {  	_ =	task [dreg:s7], $0x5FFFF  }
0xac: {  	[dreg:$0x1] =	wrdreg $0xFFFFFFFF  }
0xad: {  	[dreg:$0x0] =	wrdreg $0x60  }
0xae: {  	[dreg:$0x2] =	wrdreg s2  }
0xaf: {  	[dreg:$0x3] =	wrdreg s24  }
0xb0: {  	[dreg:$0x4] =	wrdreg $0xB0000  }
0xb1: {  	[dreg:$0x5] =	wrdreg $0xA  }
0xb2: {  	_ =	task.clear_ibuf [dreg:s7], $0x6FFFF;
	_ =	strace $0x90000046  }
0xb3: {  	s29 =	simm.s32 $0xA;
	_ =	strace $0x80000048  }
0xb4: {  	_ =	swait.ge [sflag:s29], $0x1  }
0xb5: {  	[sflag:s29] =	ssyncadd.s32 $0xFFFFFFFF  }
0xb6: {  	_ =	strace $0x90000048  }
0xb7: {  	_ =	sfence  }
0xb8: {  	s30 =	sld [smem:$0x0];
	_ =	sdelay $0x2  }
0xb9: {  	s31 =	sshll.u32 s1, $0xD;
	s1 =	sshrl.u32 s1, $0x2  }
0xba: {  	s3 =	sand.u32 $0x4000, s31;
	s1 =	sadd.s32 s1, s30  }
0xbb: {  	s0 =	sor.u32 s3, s0;
	s1 =	sshll.u32 s1, $0x11  }
0xbc: {  	s0 =	sor.u32 s1, s0  }
0xbd: {  	s0 =	sadd.s32 $0x8F2B, s0  }
0xbe: {  	[sflag:s0] =	ssyncadd.remote.s32 $0x1  }
0xbf: {  	_ =	sfence.sel $0xFFFF  }
0xc0: {  	[dreg:$0x0] =	wrdreg $0xFFFFFFFF;
	(pc) =	sbr.abs _section_cstart, $3  }
0xc1: {  	[dreg:$0x1] =	wrdreg $0xFFFFFFFF  }
0xc2: {  	_ =	task.clear_ibuf [dreg:s7], $0x2FFFF;
	_ =	strace $0x9FFFFFFF  }
0xc3: {  	(tm) =	ssettm $0x7FFFFFFF  }
tec
execute0_lowered:
.L_overlay_start_1:
0x0: {  	(tag) =	ssettag $0x1  }
0x1: {  	s2 =	rddreg [dreg:$0x0];
	s0 =	srdreg.scid  }
0x2: {  	s3 =	rddreg [dreg:$0x1];
	s19 =	stileid.u32  }
0x3: {  	s1 =	simm.s32 $0x0;
	s28 =	simm.s32 $0x1000;
	s12 =	smul.u32 $0x14000, s19  }
0x4: {  	s29 =	simm.s32 $0x4;
	s11 =	sand.u32 $0x1, s0;
	s16 =	smul.u32 $0xA000, s19  }
0x5: {  	s30 =	simm.s32 $0x7;
	[smem:$0x7FF] =	sst s1;
	s14 =	smul.u32 $0xA0000, s11  }
0x6: {  	s13 =	sadd.s32 $0x54E00, s3;
	s0 =	ssub.s32 $0x2, s11;
	s15 =	smul.u32 $0x140000, s11  }
0x7: {  	s11 =	smul.u32 $0x27100, s11;
	s4 =	sshrl.u32 s0, $0x1;
	s5 =	sadd.s32 $0x4000, s12  }
0x8: {  	s6 =	sadd.s32 $0x6000, s12;
	s7 =	sadd.s32 $0x8000, s12;
	s8 =	sadd.s32 $0xA000, s12  }
0x9: {  	s9 =	sadd.s32 $0xC000, s12;
	s10 =	sadd.s32 $0xE000, s12;
	s17 =	sadd.s32 $0x10000, s12  }
0xa: {  	s0 =	ssub.s32 s0, s4;
	s4 =	sor.u32 $0x2000, s12;
	s18 =	sadd.s32 s12, s15  }
0xb: {  	s12 =	sadd.s32 $0x12000, s12;
	s14 =	sadd.s32 s16, s14;
	s2 =	sadd.s32 s2, s11  }
0xc: {  	s25 =	sadd.s32 s15, s5;
	s26 =	sadd.s32 s15, s6;
	s21 =	sadd.s32 s15, s7  }
0xd: {  	s22 =	sshrl.u32 s18, $0x3;
	s24 =	sadd.s32 s15, s4;
	s16 =	sshrl.u32 s25, $0x3  }
0xe: {  	s18 =	sshrl.u32 s26, $0x3;
	s0 =	smax.u32 s0, $0x1;
	s23 =	sadd.s32 s13, s22  }
0xf: {  	s11 =	sshrl.u32 s24, $0x3;
	s20 =	sadd.s32 s13, s18;
	s22 =	sadd.s32 s15, s8  }
0x10: {  	s18 =	sadd.s32 s15, s17;
	[dreg:$0x4] =	wrdreg s23;
	s11 =	sadd.s32 s13, s11  }
0x11: {  	[dreg:$0x7] =	wrdreg s20;
	s23 =	sadd.s32 s15, s9;
	s24 =	sshrl.u32 s22, $0x3  }
0x12: {  	s20 =	sshrl.u32 s18, $0x3;
	s22 =	sadd.s32 $0x4600, s3;
	s18 =	rddreg [dreg:$0x2]  }
0x13: {  	[dreg:$0x5] =	wrdreg s11;
	s11 =	sadd.s32 s13, s16;
	s25 =	sshrl.u32 s23, $0x3  }
0x14: {  	s16 =	sadd.s32 s15, s10;
	s15 =	sadd.s32 s15, s12;
	s23 =	sadd.s32 $0x2C600, s3  }
0x15: {  	[dreg:$0x6] =	wrdreg s11;
	s11 =	sshrl.u32 s21, $0x3;
	s26 =	sadd.s32 s13, s25  }
0x16: {  	s15 =	sshrl.u32 s15, $0x3;
	s11 =	sadd.s32 s13, s11;
	[dreg:$0xa] =	wrdreg s26  }
0x17: {  	s3 =	sadd.s32 $0x54600, s3;
	s21 =	sadd.s32 s13, s15;
	[dreg:$0x8] =	wrdreg s11  }
0x18: {  	s25 =	sor.u32 $0x800, s14;
	s11 =	sadd.s32 s13, s24;
	[dreg:$0xd] =	wrdreg s21  }
0x19: {  	s24 =	sshrl.u32 s14, $0x3;
	s14 =	sor.u32 $0x400, s14;
	s21 =	smul.u32 $0x50000, s19  }
0x1a: {  	[dreg:$0x9] =	wrdreg s11;
	s11 =	sshrl.u32 s16, $0x3;
	s26 =	sadd.s32 s22, s24  }
0x1b: {  	s15 =	sadd.s32 s23, s24;
	s16 =	sshrl.u32 s25, $0x3;
	s14 =	sshrl.u32 s14, $0x3  }
0x1c: {  	s24 =	sadd.s32 s8, s18;
	s25 =	sadd.s32 s9, s18;
	s8 =	simm.s32 $0x5000  }
0x1d: {  	s9 =	simm.s32 $0xB00;
	s11 =	sadd.s32 s13, s11;
	[dreg:$0xe] =	wrdreg s26  }
0x1e: {  	[dreg:$0xf] =	wrdreg s15;
	s15 =	sadd.s32 s16, s23;
	s16 =	sadd.s32 s16, s22  }
0x1f: {  	s19 =	sadd.s32 s14, s23;
	[dreg:$0xb] =	wrdreg s11;
	s11 =	sadd.s32 s13, s20  }
0x20: {  	s23 =	sadd.s32 s7, s18;
	s20 =	sadd.s32 s14, s22;
	[dreg:$0xc] =	wrdreg s11  }
0x21: {  	s14 =	sadd.s32 s4, s18;
	_ =	strace $0x80000047;
	[dreg:$0x10] =	wrdreg s3  }
0x22: {  	s13 =	sshrl.u32 s21, $0x2;
	s21 =	sadd.s32 s5, s18;
	[dreg:$0x12] =	wrdreg s14  }
0x23: {  	s26 =	sadd.s32 s10, s18;
	s22 =	sadd.s32 s6, s18;
	[dreg:$0x13] =	wrdreg s21  }
0x24: {  	s7 =	simm.s32 $0x3000;
	s10 =	simm.s32 $0x7000;
	[dreg:$0x14] =	wrdreg s22  }
0x25: {  	s4 =	simm.s32 $0x9;
	s6 =	simm.s32 $0x40;
	[dreg:$0x15] =	wrdreg s23  }
0x26: {  	s5 =	simm.s32 $0x2;
	s31 =	sadd.s32 s13, s18;
	[dreg:$0x16] =	wrdreg s24  }
0x27: {  	s11 =	simm.s32 $0x800;
	s13 =	simm.s32 $0x1;
	[dreg:$0x17] =	wrdreg s25  }
0x28: {  	[dreg:$0x18] =	wrdreg s26;
	s23 =	sadd.s32 s17, s18;
	s26 =	sadd.s32 s12, s18  }
.Ltmp0:
0x29: {  	[dreg:$0x1b] =	wrdreg s0;
	s12 =	simm.s32 $0xC00;
	(pc) =	sbr.rel .LBB2_1-.Ltmp0, $4  }
0x2a: {  	s21 =	simm.s32 $0x9000;
	s22 =	simm.s32 $0x0;
	[dreg:$0x11] =	wrdreg s31  }
0x2b: {  	s0 =	simm.s32 $0x5;
	s24 =	simm.s32 $0x3;
	[dreg:$0x1c] =	wrdreg s22  }
0x2c: {  	s25 =	simm.s32 $0x6;
	s3 =	simm.s32 $0x8;
	[dreg:$0x19] =	wrdreg s23  }
0x2d: {  	s17 =	simm.s32 $0xA00;
	s14 =	simm.s32 $0xB80;
	[dreg:$0x1a] =	wrdreg s26  }
.LBB2_4:
0x2e: {  	[spmem:s18] =	stream.indirect.scatter.add.f32 [tilespmem:s21], [sflag:$0x8], $0x80, s14, s6, $0xb8;
	[tilespmem:$0x1F000] =	vst v63  }
0x2f: {  	_ =	swait.ge [sflag:s3], $0x2000  }
0x30: {  	[sflag:s3] =	ssyncset.done $0x0  }
0x31: {  	[sflag:s3] =	ssyncadd.s32 $0xFFFFE000  }
0x32: {  	[bflag:$0x0] =	sbarrier.arrive $0xFFFF  }
0x33: {  	s28 =	simm.s32 $0x1000;
	s22 =	rddreg [dreg:$0x11]  }
0x34: {  	[tilespmem:s28], [sflag:$0x9] =	stream.linear.gather [spmem:s22], $0x2000, $0x38;
	[tilespmem:$0x1F000] =	vst v63  }
0x35: {  	_ =	swait.ge [sflag:s4], $0x2000  }
0x36: {  	[sflag:s4] =	ssyncset.done $0x0  }
0x37: {  	s23 =	rddreg [dreg:$0x4];
	[sflag:s4] =	ssyncadd.s32 $0xFFFFE000  }
0x38: {  	[hbm4b:s23+s1] =	stream.linear.scatter [tilespmem:s28], [sflag:$0x9], $0x2000, $0x38;
	[tilespmem:$0x1F000] =	vst v63  }
0x39: {  	_ =	swait.ge [sflag:s4], $0x2000  }
0x3a: {  	[sflag:s4] =	ssyncset.done $0x0  }
0x3b: {  	s26 =	rddreg [dreg:$0x12];
	[sflag:s4] =	ssyncadd.s32 $0xFFFFE000  }
0x3c: {  	[tilespmem:s28], [sflag:$0x9] =	stream.linear.gather [spmem:s26], $0x2000, $0x38;
	[tilespmem:$0x1F000] =	vst v63  }
0x3d: {  	_ =	swait.ge [sflag:s4], $0x2000  }
0x3e: {  	[sflag:s4] =	ssyncset.done $0x0  }
0x3f: {  	s23 =	rddreg [dreg:$0x5];
	[sflag:s4] =	ssyncadd.s32 $0xFFFFE000  }
0x40: {  	[hbm4b:s23+s1] =	stream.linear.scatter [tilespmem:s28], [sflag:$0x9], $0x2000, $0x38;
	[tilespmem:$0x1F000] =	vst v63  }
0x41: {  	_ =	swait.ge [sflag:s4], $0x2000  }
0x42: {  	[sflag:s4] =	ssyncset.done $0x0  }
0x43: {  	s26 =	rddreg [dreg:$0x13];
	[sflag:s4] =	ssyncadd.s32 $0xFFFFE000  }
0x44: {  	[tilespmem:s28], [sflag:$0x9] =	stream.linear.gather [spmem:s26], $0x2000, $0x38;
	[tilespmem:$0x1F000] =	vst v63  }
0x45: {  	_ =	swait.ge [sflag:s4], $0x2000  }
0x46: {  	[sflag:s4] =	ssyncset.done $0x0  }
0x47: {  	s23 =	rddreg [dreg:$0x6];
	[sflag:s4] =	ssyncadd.s32 $0xFFFFE000  }
0x48: {  	[hbm4b:s23+s1] =	stream.linear.scatter [tilespmem:s28], [sflag:$0x9], $0x2000, $0x38;
	[tilespmem:$0x1F000] =	vst v63  }
0x49: {  	_ =	swait.ge [sflag:s4], $0x2000  }
0x4a: {  	[sflag:s4] =	ssyncset.done $0x0  }
0x4b: {  	s26 =	rddreg [dreg:$0x14];
	[sflag:s4] =	ssyncadd.s32 $0xFFFFE000  }
0x4c: {  	[tilespmem:s28], [sflag:$0x9] =	stream.linear.gather [spmem:s26], $0x2000, $0x38;
	[tilespmem:$0x1F000] =	vst v63  }
0x4d: {  	_ =	swait.ge [sflag:s4], $0x2000  }
0x4e: {  	[sflag:s4] =	ssyncset.done $0x0  }
0x4f: {  	s23 =	rddreg [dreg:$0x7];
	[sflag:s4] =	ssyncadd.s32 $0xFFFFE000  }
0x50: {  	[hbm4b:s23+s1] =	stream.linear.scatter [tilespmem:s28], [sflag:$0x9], $0x2000, $0x38;
	[tilespmem:$0x1F000] =	vst v63  }
0x51: {  	_ =	swait.ge [sflag:s4], $0x2000  }
0x52: {  	[sflag:s4] =	ssyncset.done $0x0  }
0x53: {  	s26 =	rddreg [dreg:$0x15];
	[sflag:s4] =	ssyncadd.s32 $0xFFFFE000  }
0x54: {  	[tilespmem:s28], [sflag:$0x9] =	stream.linear.gather [spmem:s26], $0x2000, $0x38;
	[tilespmem:$0x1F000] =	vst v63  }
0x55: {  	_ =	swait.ge [sflag:s4], $0x2000  }
0x56: {  	[sflag:s4] =	ssyncset.done $0x0  }
0x57: {  	s23 =	rddreg [dreg:$0x8];
	[sflag:s4] =	ssyncadd.s32 $0xFFFFE000  }
0x58: {  	[hbm4b:s23+s1] =	stream.linear.scatter [tilespmem:s28], [sflag:$0x9], $0x2000, $0x38;
	[tilespmem:$0x1F000] =	vst v63  }
0x59: {  	_ =	swait.ge [sflag:s4], $0x2000  }
0x5a: {  	[sflag:s4] =	ssyncset.done $0x0  }
0x5b: {  	s26 =	rddreg [dreg:$0x16];
	[sflag:s4] =	ssyncadd.s32 $0xFFFFE000  }
0x5c: {  	[tilespmem:s28], [sflag:$0x9] =	stream.linear.gather [spmem:s26], $0x2000, $0x38;
	[tilespmem:$0x1F000] =	vst v63  }
0x5d: {  	_ =	swait.ge [sflag:s4], $0x2000  }
0x5e: {  	[sflag:s4] =	ssyncset.done $0x0  }
0x5f: {  	s23 =	rddreg [dreg:$0x9];
	[sflag:s4] =	ssyncadd.s32 $0xFFFFE000  }
0x60: {  	[hbm4b:s23+s1] =	stream.linear.scatter [tilespmem:s28], [sflag:$0x9], $0x2000, $0x38;
	[tilespmem:$0x1F000] =	vst v63  }
0x61: {  	_ =	swait.ge [sflag:s4], $0x2000  }
0x62: {  	[sflag:s4] =	ssyncset.done $0x0  }
0x63: {  	s26 =	rddreg [dreg:$0x17];
	[sflag:s4] =	ssyncadd.s32 $0xFFFFE000  }
0x64: {  	[tilespmem:s28], [sflag:$0x9] =	stream.linear.gather [spmem:s26], $0x2000, $0x38;
	[tilespmem:$0x1F000] =	vst v63  }
0x65: {  	_ =	swait.ge [sflag:s4], $0x2000  }
0x66: {  	[sflag:s4] =	ssyncset.done $0x0  }
0x67: {  	s23 =	rddreg [dreg:$0xa];
	[sflag:s4] =	ssyncadd.s32 $0xFFFFE000  }
0x68: {  	[hbm4b:s23+s1] =	stream.linear.scatter [tilespmem:s28], [sflag:$0x9], $0x2000, $0x38;
	[tilespmem:$0x1F000] =	vst v63  }
0x69: {  	_ =	swait.ge [sflag:s4], $0x2000  }
0x6a: {  	[sflag:s4] =	ssyncset.done $0x0  }
0x6b: {  	s26 =	rddreg [dreg:$0x18];
	[sflag:s4] =	ssyncadd.s32 $0xFFFFE000  }
0x6c: {  	[tilespmem:s28], [sflag:$0x9] =	stream.linear.gather [spmem:s26], $0x2000, $0x38;
	[tilespmem:$0x1F000] =	vst v63  }
0x6d: {  	_ =	swait.ge [sflag:s4], $0x2000  }
0x6e: {  	[sflag:s4] =	ssyncset.done $0x0  }
0x6f: {  	s23 =	rddreg [dreg:$0xb];
	[sflag:s4] =	ssyncadd.s32 $0xFFFFE000  }
0x70: {  	[hbm4b:s23+s1] =	stream.linear.scatter [tilespmem:s28], [sflag:$0x9], $0x2000, $0x38;
	[tilespmem:$0x1F000] =	vst v63  }
0x71: {  	_ =	swait.ge [sflag:s4], $0x2000  }
0x72: {  	[sflag:s4] =	ssyncset.done $0x0  }
0x73: {  	s23 =	rddreg [dreg:$0x19];
	[sflag:s4] =	ssyncadd.s32 $0xFFFFE000  }
0x74: {  	[tilespmem:s28], [sflag:$0x9] =	stream.linear.gather [spmem:s23], $0x2000, $0x38;
	[tilespmem:$0x1F000] =	vst v63  }
0x75: {  	_ =	swait.ge [sflag:s4], $0x2000  }
0x76: {  	[sflag:s4] =	ssyncset.done $0x0  }
0x77: {  	s26 =	rddreg [dreg:$0xc];
	[sflag:s4] =	ssyncadd.s32 $0xFFFFE000  }
0x78: {  	[hbm4b:s26+s1] =	stream.linear.scatter [tilespmem:s28], [sflag:$0x9], $0x2000, $0x38;
	[tilespmem:$0x1F000] =	vst v63  }
0x79: {  	_ =	swait.ge [sflag:s4], $0x2000  }
0x7a: {  	[sflag:s4] =	ssyncset.done $0x0  }
0x7b: {  	s26 =	rddreg [dreg:$0x1a];
	[sflag:s4] =	ssyncadd.s32 $0xFFFFE000  }
0x7c: {  	[tilespmem:s28], [sflag:$0x9] =	stream.linear.gather [spmem:s26], $0x2000, $0x38;
	[tilespmem:$0x1F000] =	vst v63  }
0x7d: {  	_ =	swait.ge [sflag:s4], $0x2000  }
0x7e: {  	[sflag:s4] =	ssyncset.done $0x0  }
0x7f: {  	s22 =	rddreg [dreg:$0xd];
	[sflag:s4] =	ssyncadd.s32 $0xFFFFE000  }
0x80: {  	[hbm4b:s22+s1] =	stream.linear.scatter [tilespmem:s28], [sflag:$0x9], $0x2000, $0x38;
	[tilespmem:$0x1F000] =	vst v63  }
0x81: {  	_ =	swait.ge [sflag:s4], $0x2000  }
0x82: {  	s31 =	rddreg [dreg:$0x1c]  }
0x83: {  	s22 =	rddreg [dreg:$0x1b];
	s31 =	sadd.s32 $0x1, s31  }
0x84: {  	p0 =	sne.s32 s31, s22  }
.Ltmp1:
0x85: {  	_ = 	snop;
	(pc) =	sbr.rel @!p0 .LBB2_5-.Ltmp1, $3  }
0x86: {  	_ =	sdelay $0x1  }
0x87: {  	[sflag:s4] =	ssyncset.done $0x0;
	[dreg:$0x1c] =	wrdreg s31  }
0x88: {  	[sflag:s4] =	ssyncadd.s32 $0xFFFFE000;
	s31 =	rddreg [dreg:$0x11]  }
.LBB2_1:
0x89: {  	s22 =	rddreg [dreg:$0x10]  }
0x8a: {  	[tilespmem:s28], [sflag:$0x9] =	stream.linear.gather [hbm4b:s22+s1], $0x2000, $0x38;
	[tilespmem:$0x1F000] =	vst v63  }
0x8b: {  	_ =	swait.ge [sflag:s4], $0x2000  }
0x8c: {  	[sflag:s4] =	ssyncset.done $0x0  }
0x8d: {  	[sflag:s4] =	ssyncadd.s32 $0xFFFFE000  }
0x8e: {  	[spmem:s31] =	stream.linear.scatter [tilespmem:s28], [sflag:$0x9], $0x2000, $0x38;
	[tilespmem:$0x1F000] =	vst v63  }
0x8f: {  	_ =	swait.ge [sflag:s4], $0x2000  }
0x90: {  	[sflag:s4] =	ssyncset.done $0x0  }
0x91: {  	s31 =	rddreg [dreg:$0x12];
	[sflag:s4] =	ssyncadd.s32 $0xFFFFE000  }
0x92: {  	[spmem:s31] =	stream.linear.scatter [tilespmem:s28], [sflag:$0x9], $0x2000, $0x38;
	[tilespmem:$0x1F000] =	vst v63  }
0x93: {  	_ =	swait.ge [sflag:s4], $0x2000  }
0x94: {  	[sflag:s4] =	ssyncset.done $0x0  }
0x95: {  	s31 =	rddreg [dreg:$0x13];
	[sflag:s4] =	ssyncadd.s32 $0xFFFFE000  }
0x96: {  	[spmem:s31] =	stream.linear.scatter [tilespmem:s28], [sflag:$0x9], $0x2000, $0x38;
	[tilespmem:$0x1F000] =	vst v63  }
0x97: {  	_ =	swait.ge [sflag:s4], $0x2000  }
0x98: {  	[sflag:s4] =	ssyncset.done $0x0  }
0x99: {  	s31 =	rddreg [dreg:$0x14];
	[sflag:s4] =	ssyncadd.s32 $0xFFFFE000  }
0x9a: {  	[spmem:s31] =	stream.linear.scatter [tilespmem:s28], [sflag:$0x9], $0x2000, $0x38;
	[tilespmem:$0x1F000] =	vst v63  }
0x9b: {  	_ =	swait.ge [sflag:s4], $0x2000  }
0x9c: {  	[sflag:s4] =	ssyncset.done $0x0  }
0x9d: {  	s31 =	rddreg [dreg:$0x15];
	[sflag:s4] =	ssyncadd.s32 $0xFFFFE000  }
0x9e: {  	[spmem:s31] =	stream.linear.scatter [tilespmem:s28], [sflag:$0x9], $0x2000, $0x38;
	[tilespmem:$0x1F000] =	vst v63  }
0x9f: {  	_ =	swait.ge [sflag:s4], $0x2000  }
0xa0: {  	[sflag:s4] =	ssyncset.done $0x0  }
0xa1: {  	s31 =	rddreg [dreg:$0x16];
	[sflag:s4] =	ssyncadd.s32 $0xFFFFE000  }
0xa2: {  	[spmem:s31] =	stream.linear.scatter [tilespmem:s28], [sflag:$0x9], $0x2000, $0x38;
	[tilespmem:$0x1F000] =	vst v63  }
0xa3: {  	_ =	swait.ge [sflag:s4], $0x2000  }
0xa4: {  	[sflag:s4] =	ssyncset.done $0x0  }
0xa5: {  	s31 =	rddreg [dreg:$0x17];
	[sflag:s4] =	ssyncadd.s32 $0xFFFFE000  }
0xa6: {  	[spmem:s31] =	stream.linear.scatter [tilespmem:s28], [sflag:$0x9], $0x2000, $0x38;
	[tilespmem:$0x1F000] =	vst v63  }
0xa7: {  	_ =	swait.ge [sflag:s4], $0x2000  }
0xa8: {  	[sflag:s4] =	ssyncset.done $0x0  }
0xa9: {  	s31 =	rddreg [dreg:$0x18];
	[sflag:s4] =	ssyncadd.s32 $0xFFFFE000  }
0xaa: {  	[spmem:s31] =	stream.linear.scatter [tilespmem:s28], [sflag:$0x9], $0x2000, $0x38;
	[tilespmem:$0x1F000] =	vst v63  }
0xab: {  	_ =	swait.ge [sflag:s4], $0x2000  }
0xac: {  	[sflag:s4] =	ssyncset.done $0x0  }
0xad: {  	[sflag:s4] =	ssyncadd.s32 $0xFFFFE000  }
0xae: {  	[spmem:s23] =	stream.linear.scatter [tilespmem:s28], [sflag:$0x9], $0x2000, $0x38;
	[tilespmem:$0x1F000] =	vst v63  }
0xaf: {  	_ =	swait.ge [sflag:s4], $0x2000  }
0xb0: {  	[sflag:s4] =	ssyncset.done $0x0  }
0xb1: {  	[sflag:s4] =	ssyncadd.s32 $0xFFFFE000  }
0xb2: {  	[spmem:s26] =	stream.linear.scatter [tilespmem:s28], [sflag:$0x9], $0x2000, $0x38;
	[tilespmem:$0x1F000] =	vst v63  }
0xb3: {  	_ =	swait.ge [sflag:s4], $0x2000  }
0xb4: {  	[sflag:s4] =	ssyncset.done $0x0  }
0xb5: {  	[sflag:s4] =	ssyncadd.s32 $0xFFFFE000  }
0xb6: {  	[bflag:$0x0] =	sbarrier.arrive $0xFFFF  }
0xb7: {  	s31 =	rddreg [dreg:$0xe]  }
0xb8: {  	[tilespmem:s1], [sflag:$0x9] =	stream.linear.gather [hbm4b:s31+s1], $0x400, $0x38;
	[tilespmem:$0x1F000] =	vst v63  }
0xb9: {  	_ =	swait.ge [sflag:s4], $0x400  }
0xba: {  	[sflag:s4] =	ssyncset.done $0x0  }
0xbb: {  	s26 =	simm.s32 $0x400;
	s23 =	rddreg [dreg:$0xf];
	[sflag:s4] =	ssyncadd.s32 $0xFFFFFC00  }
0xbc: {  	[tilespmem:s26], [sflag:$0x9] =	stream.linear.gather [hbm4b:s23+s1], $0x400, $0x38;
	[tilespmem:$0x1F000] =	vst v63  }
0xbd: {  	_ =	swait.ge [sflag:s4], $0x400  }
0xbe: {  	[sflag:s4] =	ssyncset.done $0x0  }
0xbf: {  	[sflag:s4] =	ssyncadd.s32 $0xFFFFFC00  }
0xc0: {  	[tilespmem:s7], [sflag:$0x1] =	stream.indirect.gather [hbm4b:s2+s6], $0x80, s26, s6, $0xb8;
	[tilespmem:$0x1F000] =	vst v63  }
0xc1: {  	s28 =	simm.s32 $0x480  }
0xc2: {  	[tilespmem:s8], [sflag:$0x2] =	stream.indirect.gather [hbm4b:s2+s6], $0x80, s28, s6, $0xb8;
	[tilespmem:$0x1F000] =	vst v63  }
0xc3: {  	s22 =	simm.s32 $0x0;
	s31 =	simm.s32 $0x500  }
0xc4: {  	[tilespmem:s10], [sflag:$0x3] =	stream.indirect.gather [hbm4b:s2+s6], $0x80, s31, s6, $0xb8;
	[tilespmem:$0x1F000] =	vst v63  }
.LBB2_2:
0xc5: {  	s23 =	sadd.s32 s22, s20  }
0xc6: {  	[tilespmem:s11], [sflag:$0x9] =	stream.linear.gather [hbm4b:s23+s1], $0x400, $0x38;
	[tilespmem:$0x1F000] =	vst v63  }
0xc7: {  	_ =	swait.ge [sflag:s4], $0x400  }
0xc8: {  	[sflag:s4] =	ssyncset.done $0x0  }
0xc9: {  	s28 =	sadd.s32 s22, s19;
	[sflag:s4] =	ssyncadd.s32 $0xFFFFFC00  }
0xca: {  	[tilespmem:s12], [sflag:$0x9] =	stream.linear.gather [hbm4b:s28+s1], $0x400, $0x38;
	[tilespmem:$0x1F000] =	vst v63  }
0xcb: {  	_ =	swait.ge [sflag:s4], $0x400  }
0xcc: {  	[sflag:s4] =	ssyncset.done $0x0  }
0xcd: {  	[sflag:s4] =	ssyncadd.s32 $0xFFFFFC00  }
0xce: {  	_ =	swait.ge [sflag:s13], $0x2000  }
0xcf: {  	p0 =	seq.s32 s22, $0x0;
	[sflag:s13] =	ssyncset.done $0x0  }
0xd0: {  	s23 =	simm.s32 @!p0 $0x8;
	[sflag:s13] =	ssyncadd.s32 $0xFFFFE000  }
0xd1: {  	_ =	swait.ge @!p0 [sflag:s23], $0x2000  }
0xd2: {  	[sflag:s23] =	ssyncset.done @!p0 $0x0  }
0xd3: {  	s31 =	simm.s32 $0x580;
	[sflag:s23] =	ssyncadd.s32 @!p0 $0xFFFFE000  }
0xd4: {  	[tilespmem:s21], [sflag:$0x4] =	stream.indirect.gather [hbm4b:s2+s6], $0x80, s31, s6, $0xb8;
	[tilespmem:$0x1F000] =	vst v63  }
0xd5: {  	_ = 	snop  }
0xd6: {  	[spmem:s18] =	stream.indirect.scatter.add.f32 [tilespmem:s7], [sflag:$0x5], $0x80, s1, s6, $0xb8;
	[tilespmem:$0x1F000] =	vst v63  }
0xd7: {  	_ =	swait.ge [sflag:s5], $0x2000  }
0xd8: {  	[sflag:s5] =	ssyncset.done $0x0  }
0xd9: {  	[sflag:s5] =	ssyncadd.s32 $0xFFFFE000  }
0xda: {  	_ =	swait.ge [sflag:s0], $0x2000  }
0xdb: {  	[sflag:s0] =	ssyncset.done $0x0  }
0xdc: {  	s26 =	simm.s32 $0x600;
	[sflag:s0] =	ssyncadd.s32 $0xFFFFE000  }
0xdd: {  	[tilespmem:s7], [sflag:$0x1] =	stream.indirect.gather [hbm4b:s2+s6], $0x80, s26, s6, $0xb8;
	[tilespmem:$0x1F000] =	vst v63  }
0xde: {  	s28 =	simm.s32 $0x80  }
0xdf: {  	[spmem:s18] =	stream.indirect.scatter.add.f32 [tilespmem:s8], [sflag:$0x6], $0x80, s28, s6, $0xb8;
	[tilespmem:$0x1F000] =	vst v63  }
0xe0: {  	_ =	swait.ge [sflag:s24], $0x2000  }
0xe1: {  	[sflag:s24] =	ssyncset.done $0x0  }
0xe2: {  	[sflag:s24] =	ssyncadd.s32 $0xFFFFE000  }
0xe3: {  	_ =	swait.ge [sflag:s25], $0x2000  }
0xe4: {  	[sflag:s25] =	ssyncset.done $0x0  }
0xe5: {  	s31 =	simm.s32 $0x680;
	[sflag:s25] =	ssyncadd.s32 $0xFFFFE000  }
0xe6: {  	[tilespmem:s8], [sflag:$0x2] =	stream.indirect.gather [hbm4b:s2+s6], $0x80, s31, s6, $0xb8;
	[tilespmem:$0x1F000] =	vst v63  }
0xe7: {  	s26 =	simm.s32 $0x100  }
0xe8: {  	[spmem:s18] =	stream.indirect.scatter.add.f32 [tilespmem:s10], [sflag:$0x7], $0x80, s26, s6, $0xb8;
	[tilespmem:$0x1F000] =	vst v63  }
0xe9: {  	_ =	swait.ge [sflag:s29], $0x2000  }
0xea: {  	[sflag:s29] =	ssyncset.done $0x0  }
0xeb: {  	[sflag:s29] =	ssyncadd.s32 $0xFFFFE000  }
0xec: {  	_ =	swait.ge [sflag:s30], $0x2000  }
0xed: {  	[sflag:s30] =	ssyncset.done $0x0  }
0xee: {  	s28 =	simm.s32 $0x700;
	[sflag:s30] =	ssyncadd.s32 $0xFFFFE000  }
0xef: {  	[tilespmem:s10], [sflag:$0x3] =	stream.indirect.gather [hbm4b:s2+s6], $0x80, s28, s6, $0xb8;
	[tilespmem:$0x1F000] =	vst v63  }
0xf0: {  	s31 =	simm.s32 $0x180  }
0xf1: {  	[spmem:s18] =	stream.indirect.scatter.add.f32 [tilespmem:s21], [sflag:$0x8], $0x80, s31, s6, $0xb8;
	[tilespmem:$0x1F000] =	vst v63  }
0xf2: {  	_ =	swait.ge [sflag:s13], $0x2000  }
0xf3: {  	[sflag:s13] =	ssyncset.done $0x0  }
0xf4: {  	[sflag:s13] =	ssyncadd.s32 $0xFFFFE000  }
0xf5: {  	_ =	swait.ge [sflag:s3], $0x2000  }
0xf6: {  	[sflag:s3] =	ssyncset.done $0x0  }
0xf7: {  	s26 =	simm.s32 $0x780;
	[sflag:s3] =	ssyncadd.s32 $0xFFFFE000  }
0xf8: {  	[tilespmem:s21], [sflag:$0x4] =	stream.indirect.gather [hbm4b:s2+s6], $0x80, s26, s6, $0xb8;
	[tilespmem:$0x1F000] =	vst v63  }
0xf9: {  	s28 =	simm.s32 $0x200  }
0xfa: {  	[spmem:s18] =	stream.indirect.scatter.add.f32 [tilespmem:s7], [sflag:$0x5], $0x80, s28, s6, $0xb8;
	[tilespmem:$0x1F000] =	vst v63  }
0xfb: {  	_ =	swait.ge [sflag:s5], $0x2000  }
0xfc: {  	[sflag:s5] =	ssyncset.done $0x0  }
0xfd: {  	[sflag:s5] =	ssyncadd.s32 $0xFFFFE000  }
0xfe: {  	_ =	swait.ge [sflag:s0], $0x2000  }
0xff: {  	[sflag:s0] =	ssyncset.done $0x0  }
0x100: {  	[sflag:s0] =	ssyncadd.s32 $0xFFFFE000  }
0x101: {  	[tilespmem:s7], [sflag:$0x1] =	stream.indirect.gather [hbm4b:s2+s6], $0x80, s12, s6, $0xb8;
	[tilespmem:$0x1F000] =	vst v63  }
0x102: {  	s31 =	simm.s32 $0x280  }
0x103: {  	[spmem:s18] =	stream.indirect.scatter.add.f32 [tilespmem:s8], [sflag:$0x6], $0x80, s31, s6, $0xb8;
	[tilespmem:$0x1F000] =	vst v63  }
0x104: {  	_ =	swait.ge [sflag:s24], $0x2000  }
0x105: {  	[sflag:s24] =	ssyncset.done $0x0  }
0x106: {  	[sflag:s24] =	ssyncadd.s32 $0xFFFFE000  }
0x107: {  	_ =	swait.ge [sflag:s25], $0x2000  }
0x108: {  	[sflag:s25] =	ssyncset.done $0x0  }
0x109: {  	s26 =	simm.s32 $0xC80;
	[sflag:s25] =	ssyncadd.s32 $0xFFFFE000  }
0x10a: {  	[tilespmem:s8], [sflag:$0x2] =	stream.indirect.gather [hbm4b:s2+s6], $0x80, s26, s6, $0xb8;
	[tilespmem:$0x1F000] =	vst v63  }
0x10b: {  	s28 =	simm.s32 $0x300  }
0x10c: {  	[spmem:s18] =	stream.indirect.scatter.add.f32 [tilespmem:s10], [sflag:$0x7], $0x80, s28, s6, $0xb8;
	[tilespmem:$0x1F000] =	vst v63  }
0x10d: {  	_ =	swait.ge [sflag:s29], $0x2000  }
0x10e: {  	[sflag:s29] =	ssyncset.done $0x0  }
0x10f: {  	[sflag:s29] =	ssyncadd.s32 $0xFFFFE000  }
0x110: {  	_ =	swait.ge [sflag:s30], $0x2000  }
0x111: {  	[sflag:s30] =	ssyncset.done $0x0  }
0x112: {  	s31 =	simm.s32 $0xD00;
	[sflag:s30] =	ssyncadd.s32 $0xFFFFE000  }
0x113: {  	[tilespmem:s10], [sflag:$0x3] =	stream.indirect.gather [hbm4b:s2+s6], $0x80, s31, s6, $0xb8;
	[tilespmem:$0x1F000] =	vst v63  }
0x114: {  	p0 =	seq.s32 s22, $0x1300;
	s26 =	simm.s32 $0x380  }
0x115: {  	[spmem:s18] =	stream.indirect.scatter.add.f32 [tilespmem:s21], [sflag:$0x8], $0x80, s26, s6, $0xb8;
	[tilespmem:$0x1F000] =	vst v63  }
0x116: {  	s23 =	sadd.s32 @!p0 s22, s16;
	s28 =	simm.s32 @!p0 $0x9;
	s26 =	simm.s32 @!p0 $0x0  }
0x117: {  	[tilespmem:s26], [sflag:$0x9] =	stream.linear.gather @!p0 [hbm4b:s23+s26], $0x400, $0x38;
	[tilespmem:$0x1F000] =	vst v63  }
0x118: {  	_ =	swait.ge @!p0 [sflag:s28], $0x400  }
0x119: {  	[sflag:s28] =	ssyncset.done @!p0 $0x0  }
0x11a: {  	s31 =	sadd.s32 @!p0 s22, s15;
	s23 =	simm.s32 @!p0 $0x400;
	[sflag:s28] =	ssyncadd.s32 @!p0 $0xFFFFFC00  }
0x11b: {  	[tilespmem:s23], [sflag:$0x9] =	stream.linear.gather @!p0 [hbm4b:s31+s26], $0x400, $0x38;
	[tilespmem:$0x1F000] =	vst v63  }
0x11c: {  	_ =	swait.ge @!p0 [sflag:s28], $0x400  }
0x11d: {  	[sflag:s28] =	ssyncset.done @!p0 $0x0  }
0x11e: {  	[sflag:s28] =	ssyncadd.s32 @!p0 $0xFFFFFC00  }
0x11f: {  	_ =	swait.ge [sflag:s13], $0x2000  }
0x120: {  	[sflag:s13] =	ssyncset.done $0x0  }
0x121: {  	[sflag:s13] =	ssyncadd.s32 $0xFFFFE000  }
0x122: {  	_ =	swait.ge [sflag:s3], $0x2000  }
0x123: {  	[sflag:s3] =	ssyncset.done $0x0  }
0x124: {  	s28 =	simm.s32 $0xD80;
	[sflag:s3] =	ssyncadd.s32 $0xFFFFE000  }
0x125: {  	[tilespmem:s21], [sflag:$0x4] =	stream.indirect.gather [hbm4b:s2+s6], $0x80, s28, s6, $0xb8;
	[tilespmem:$0x1F000] =	vst v63  }
0x126: {  	_ = 	snop  }
0x127: {  	[spmem:s18] =	stream.indirect.scatter.add.f32 [tilespmem:s7], [sflag:$0x5], $0x80, s11, s6, $0xb8;
	[tilespmem:$0x1F000] =	vst v63  }
0x128: {  	_ =	swait.ge [sflag:s5], $0x2000  }
0x129: {  	[sflag:s5] =	ssyncset.done $0x0  }
0x12a: {  	[sflag:s5] =	ssyncadd.s32 $0xFFFFE000  }
0x12b: {  	_ =	swait.ge [sflag:s0], $0x2000  }
0x12c: {  	[sflag:s0] =	ssyncset.done $0x0  }
0x12d: {  	s31 =	simm.s32 $0xE00;
	[sflag:s0] =	ssyncadd.s32 $0xFFFFE000  }
0x12e: {  	[tilespmem:s7], [sflag:$0x1] =	stream.indirect.gather [hbm4b:s2+s6], $0x80, s31, s6, $0xb8;
	[tilespmem:$0x1F000] =	vst v63  }
0x12f: {  	s28 =	simm.s32 $0x880  }
0x130: {  	[spmem:s18] =	stream.indirect.scatter.add.f32 [tilespmem:s8], [sflag:$0x6], $0x80, s28, s6, $0xb8;
	[tilespmem:$0x1F000] =	vst v63  }
0x131: {  	_ =	swait.ge [sflag:s24], $0x2000  }
0x132: {  	[sflag:s24] =	ssyncset.done $0x0  }
0x133: {  	[sflag:s24] =	ssyncadd.s32 $0xFFFFE000  }
0x134: {  	_ =	swait.ge [sflag:s25], $0x2000  }
0x135: {  	[sflag:s25] =	ssyncset.done $0x0  }
0x136: {  	s31 =	simm.s32 $0xE80;
	[sflag:s25] =	ssyncadd.s32 $0xFFFFE000  }
0x137: {  	[tilespmem:s8], [sflag:$0x2] =	stream.indirect.gather [hbm4b:s2+s6], $0x80, s31, s6, $0xb8;
	[tilespmem:$0x1F000] =	vst v63  }
0x138: {  	s28 =	simm.s32 $0x900  }
0x139: {  	[spmem:s18] =	stream.indirect.scatter.add.f32 [tilespmem:s10], [sflag:$0x7], $0x80, s28, s6, $0xb8;
	[tilespmem:$0x1F000] =	vst v63  }
0x13a: {  	_ =	swait.ge [sflag:s29], $0x2000  }
0x13b: {  	[sflag:s29] =	ssyncset.done $0x0  }
0x13c: {  	[sflag:s29] =	ssyncadd.s32 $0xFFFFE000  }
0x13d: {  	_ =	swait.ge [sflag:s30], $0x2000  }
0x13e: {  	[sflag:s30] =	ssyncset.done $0x0  }
0x13f: {  	s31 =	simm.s32 $0xF00;
	[sflag:s30] =	ssyncadd.s32 $0xFFFFE000  }
0x140: {  	[tilespmem:s10], [sflag:$0x3] =	stream.indirect.gather [hbm4b:s2+s6], $0x80, s31, s6, $0xb8;
	[tilespmem:$0x1F000] =	vst v63  }
0x141: {  	s28 =	simm.s32 $0x980  }
0x142: {  	[spmem:s18] =	stream.indirect.scatter.add.f32 [tilespmem:s21], [sflag:$0x8], $0x80, s28, s6, $0xb8;
	[tilespmem:$0x1F000] =	vst v63  }
0x143: {  	_ =	swait.ge [sflag:s13], $0x2000  }
0x144: {  	[sflag:s13] =	ssyncset.done $0x0  }
0x145: {  	[sflag:s13] =	ssyncadd.s32 $0xFFFFE000  }
0x146: {  	_ =	swait.ge [sflag:s3], $0x2000  }
0x147: {  	[sflag:s3] =	ssyncset.done $0x0  }
0x148: {  	s31 =	simm.s32 $0xF80;
	[sflag:s3] =	ssyncadd.s32 $0xFFFFE000  }
0x149: {  	[tilespmem:s21], [sflag:$0x4] =	stream.indirect.gather [hbm4b:s2+s6], $0x80, s31, s6, $0xb8;
	[tilespmem:$0x1F000] =	vst v63  }
0x14a: {  	_ = 	snop  }
0x14b: {  	[spmem:s18] =	stream.indirect.scatter.add.f32 [tilespmem:s7], [sflag:$0x5], $0x80, s17, s6, $0xb8;
	[tilespmem:$0x1F000] =	vst v63  }
0x14c: {  	_ =	swait.ge [sflag:s5], $0x2000  }
0x14d: {  	[sflag:s5] =	ssyncset.done $0x0  }
0x14e: {  	[sflag:s5] =	ssyncadd.s32 $0xFFFFE000  }
0x14f: {  	_ =	swait.ge [sflag:s0], $0x2000  }
0x150: {  	s26 =	simm.s32 @p0 $0x40;
	[sflag:s0] =	ssyncset.done $0x0  }
0x151: {  	s28 =	simm.s32 @p0 $0xA80;
	s31 =	simm.s32 @p0 $0x5000;
	[sflag:s0] =	ssyncadd.s32 $0xFFFFE000  }
0x152: {  	[spmem:s18] =	stream.indirect.scatter.add.f32 @p0 [tilespmem:s31], [sflag:$0x6], $0x80, s28, s26, $0xb8;
	[tilespmem:$0x1F000] =	vst v63  }
0x153: {  	s26 =	simm.s32 @p0 $0x3  }
0x154: {  	_ =	swait.ge @p0 [sflag:s26], $0x2000  }
0x155: {  	[sflag:s26] =	ssyncset.done @p0 $0x0  }
0x156: {  	[sflag:s26] =	ssyncadd.s32 @p0 $0xFFFFE000;
	s26 =	simm.s32 @p0 $0x6  }
0x157: {  	_ =	swait.ge @p0 [sflag:s26], $0x2000  }
0x158: {  	[sflag:s26] =	ssyncset.done @p0 $0x0  }
0x159: {  	s28 =	simm.s32 @!p0 $0x3000;
	[sflag:s26] =	ssyncadd.s32 @p0 $0xFFFFE000;
	s26 =	simm.s32 @!p0 $0x40  }
0x15a: {  	[tilespmem:s28], [sflag:$0x1] =	stream.indirect.gather @!p0 [hbm4b:s2+s26], $0x80, s23, s26, $0xb8;
	[tilespmem:$0x1F000] =	vst v63  }
0x15b: {  	s23 =	simm.s32 @!p0 $0xA80;
	s28 =	simm.s32 @!p0 $0x5000  }
0x15c: {  	[spmem:s18] =	stream.indirect.scatter.add.f32 @!p0 [tilespmem:s28], [sflag:$0x6], $0x80, s23, s26, $0xb8;
	[tilespmem:$0x1F000] =	vst v63  }
0x15d: {  	s23 =	simm.s32 @!p0 $0x3  }
0x15e: {  	_ =	swait.ge @!p0 [sflag:s23], $0x2000  }
0x15f: {  	[sflag:s23] =	ssyncset.done @!p0 $0x0  }
0x160: {  	[sflag:s23] =	ssyncadd.s32 @!p0 $0xFFFFE000;
	s23 =	simm.s32 @!p0 $0x6  }
0x161: {  	_ =	swait.ge @!p0 [sflag:s23], $0x2000  }
0x162: {  	[sflag:s23] =	ssyncset.done @!p0 $0x0  }
0x163: {  	[sflag:s23] =	ssyncadd.s32 @!p0 $0xFFFFE000;
	s23 =	simm.s32 @!p0 $0x480  }
0x164: {  	[tilespmem:s28], [sflag:$0x2] =	stream.indirect.gather @!p0 [hbm4b:s2+s26], $0x80, s23, s26, $0xb8;
	[tilespmem:$0x1F000] =	vst v63  }
0x165: {  	_ = 	snop  }
0x166: {  	[spmem:s18] =	stream.indirect.scatter.add.f32 [tilespmem:s10], [sflag:$0x7], $0x80, s9, s6, $0xb8;
	[tilespmem:$0x1F000] =	vst v63  }
0x167: {  	_ =	swait.ge [sflag:s29], $0x2000  }
.Ltmp2:
0x168: {  	[sflag:s29] =	ssyncset.done $0x0;
	(pc) =	sbr.rel @p0 .LBB2_4-.Ltmp2, $4  }
0x169: {  	[sflag:s29] =	ssyncadd.s32 $0xFFFFE000  }
0x16a: {  	_ =	swait.ge [sflag:s30], $0x2000  }
0x16b: {  	[sflag:s30] =	ssyncset.done $0x0  }
0x16c: {  	[sflag:s30] =	ssyncadd.s32 $0xFFFFE000  }
.Ltmp3:
0x16d: {  	(pc) =	sbr.rel .LBB2_2-.Ltmp3, $4  }
0x16e: {  	s23 =	simm.s32 $0x500  }
0x16f: {  	[tilespmem:s10], [sflag:$0x3] =	stream.indirect.gather [hbm4b:s2+s6], $0x80, s23, s6, $0xb8;
	[tilespmem:$0x1F000] =	vst v63  }
0x170: {  	s22 =	sadd.s32 $0x100, s22  }
0x171: {  	[spmem:s18] =	stream.indirect.scatter.add.f32 [tilespmem:s21], [sflag:$0x8], $0x80, s14, s6, $0xb8;
	[tilespmem:$0x1F000] =	vst v63  }
.LBB2_5:
0x172: {  	_ =	sfence.sel $0x180000  }
0x173: {  	[bflag:$0x0] =	sbarrier.arrive $0xFFFF  }
0x174: {  	_ =	strace $0x90000047  }
0x175: {  	s0 =	stileid.u32;
	[bflag:$0x2] =	sbarrier.arrive $0xFFFF  }
0x176: {  	p0 =	sne.s32 s0, $0x0;
	s0 =	rddreg [dreg:$0x3]  }
0x177: {  	s0 =	sadd.s32 @!p0 $0x100000, s0  }
0x178: {  	[sflag:s0] =	ssyncadd.tile.s32 @!p0 $0x1;
	_ =	shalt  }
.Lfunc_end2:
_tile_overlayer_lowered:
.L_overlay_start_2:
0x179: {  	(tag) =	ssettag $0x2  }
0x17a: {  	s0 =	rddreg [dreg:$0x0];
	s2 =	stileid.u32  }
0x17b: {  	s1 =	rddreg [dreg:$0x1];
	p0 =	sne.s32 s2, $0x0  }
0x17c: {  	s3 =	rddreg [dreg:$0x2];
	[bflag:$0x3] =	sbarrier.arrive $0xFFFF;
	s2 =	simm.s32 @!p0 $0x1C09  }
0x17d: {  	[timem:s3], [sflag:s2] =	dma.local @!p0 [hbm:s0], s1  }
0x17e: {  	s0 =	simm.s32 @!p0 $0x9  }
0x17f: {  	_ =	swait.ge @!p0 [sflag:s0], s1  }
0x180: {  	s1 =	ssub.s32 @!p0 $0x0, s1;
	[sflag:s0] =	ssyncset.done @!p0 $0x0  }
0x181: {  	[sflag:s0] =	ssyncadd.s32 @!p0 s1  }
0x182: {  	[bflag:$0x3] =	sbarrier.arrive $0xFFFF  }
0x183: {  	_ =	shalt  }

// kernel: kernel.13.cloned.1.call-start
scs
__scs_entry_jumppad:
0x0: {  	(pc) =	sbr.rel $0x88, $3  }
0x1: {  	(tag) =	ssettag $0x0;
	lr =	simm.s32 $0x1  }
0x2: {  	[smem:$0x3F95] =	sst lr;
	_ =	strace $0xD0000000  }
0x3: {  	_ = 	snop  }
0x4: {  	_ = 	snop  }
0x5: {  	_ = 	snop  }
0x6: {  	_ = 	snop  }
0x7: {  	_ = 	snop  }
__scs_overlays_trampoline_lowered:
0x8: {  	[smem:$0x3FA4] =	sst s0  }
0x9: {  	[smem:$0x3FA5] =	sst s1  }
0xa: {  	[smem:$0x3FA6] =	sst s2  }
0xb: {  	[smem:$0x3FA7] =	sst s3  }
0xc: {  	[smem:$0x3FA8] =	sst s4  }
0xd: {  	[smem:$0x3FA9] =	sst s5  }
0xe: {  	[smem:$0x3FAA] =	sst s6  }
0xf: {  	[smem:$0x3FAB] =	sst s7  }
0x10: {  	[smem:$0x3FAC] =	sst s8  }
0x11: {  	[smem:$0x3FAD] =	sst s9;
	s0 =	simm.s32 @!p0 $0x0  }
0x12: {  	s1 =	sld [smem:$0x3F93];
	s0 =	simm.s32 @p0 $0x1  }
0x13: {  	[smem:$0x3FAE] =	sst s0;
	s0 =	simm.s32 @!p1 $0x0  }
0x14: {  	s2 =	sld [smem:$0x3F92];
	s0 =	simm.s32 @p1 $0x1  }
0x15: {  	[smem:$0x3FAF] =	sst s0;
	s0 =	simm.s32 @!p2 $0x0  }
0x16: {  	s3 =	sld [smem:$0x3FDB];
	s0 =	simm.s32 @p2 $0x1  }
0x17: {  	s4 =	simm.s32 $0x1BF5;
	[smem:$0x3FB1] =	sst s0  }
0x18: {  	s0 =	sld [smem:$0x3F94];
	_ =	swait.ge [sflag:s4], $0x0  }
0x19: {  	s7 =	sld [smem:$0x3F95]  }
0x1a: {  	s8 =	sadd.s32 $0xFFFFE003, lr  }
0x1b: {  	s9 =	sadd.s32 $0xFFFFFEF7, lr;
	s5 =	simm.s32 $0xFFFFFFFF;
	p2 =	slt.u32 s8, $0xFFFFF086  }
0x1c: {  	p1 =	slt.u32 s9, $0xF7A;
	s5 =	simm.s32 @!p2 $0x0  }
0x1d: {  	s5 =	simm.s32 @p1 $0x1;
	p0 =	seq.s32 s7, s2  }
0x1e: {  	s7 =	smul.u32 @!p0 $0xF7A, s2;
	p2 =	seq.s32 @!p0 s5, $0x0  }
0x1f: {  	s9 =	smul.u32 $0xF7A, s1;
	s8 =	simm.s32 @!p0 $0x1BF5;
	p2 =	por !p2, p0  }
0x20: {  	[sflag:s8] =	ssyncset.s32 @!p0 $0xFFFFF086;
	s6 =	sadd.s32 @!p0 s3, s7;
	s7 =	simm.s32 @!p0 $0x108  }
0x21: {  	s3 =	sadd.s32 s3, s9;
	s6 =	sadd.s32 @!p0 $0x88, s6;
	s7 =	simm.s32 @p2 $0x1082  }
0x22: {  	[simem:s7], [sflag:s8] =	dma.local @!p0 [hbm:s6], $0xF7A  }
0x23: {  	s9 =	sor.u32 $0xD0000000, s2;
	s6 =	simm.s32 $0x108;
	_ =	swait.ge @!p0 [sflag:s8], $0x0  }
0x24: {  	s3 =	sadd.s32 $0x88, s3;
	s6 =	simm.s32 @!p1 $0x1082;
	[sflag:s4] =	ssyncset.s32 $0xFFFFF086  }
0x25: {  	[simem:s6], [sflag:s4] =	dma.local [hbm:s3], $0xF7A  }
0x26: {  	[smem:$0x3F95] =	sst s1;
	(tag) =	ssettag s2;
	_ =	strace s9  }
0x27: {  	s1 =	sld [smem:$0x3FA5]  }
0x28: {  	s2 =	sld [smem:$0x3FA6]  }
0x29: {  	s4 =	sld [smem:$0x3FA8]  }
0x2a: {  	p0 =	seq.s32 s5, $0x0;
	s5 =	sld [smem:$0x3FA9]  }
0x2b: {  	s6 =	sld [smem:$0x3FAA]  }
0x2c: {  	s7 =	sld [smem:$0x3FAB]  }
0x2d: {  	s3 =	simm.s32 $0x108;
	s8 =	sld [smem:$0x3FAC]  }
0x2e: {  	s3 =	simm.s32 @!p0 $0x1082;
	s9 =	sld [smem:$0x3FAD]  }
0x2f: {  	lr =	sadd.s32 s0, s3;
	s0 =	sld [smem:$0x3FA4]  }
0x30: {  	s3 =	sld [smem:$0x3FA7]  }
0x31: {  	[smem:$0x3FB0] =	sst s10  }
0x32: {  	s10 =	sld [smem:$0x3FAE];
	_ =	sdelay $0x3  }
0x33: {  	p0 =	seq.s32 s10, $0x1;
	s10 =	sld [smem:$0x3FB0];
	_ =	sdelay $0x3  }
0x34: {  	[smem:$0x3FB0] =	sst s10  }
0x35: {  	s10 =	sld [smem:$0x3FAF];
	_ =	sdelay $0x3  }
0x36: {  	p1 =	seq.s32 s10, $0x1;
	s10 =	sld [smem:$0x3FB0];
	_ =	sdelay $0x3  }
0x37: {  	[smem:$0x3FB0] =	sst s10  }
0x38: {  	s10 =	sld [smem:$0x3FB1]  }
0x39: {  	_ = 	snop;
	(pc) =	sbr.ind lr, $3  }
0x3a: {  	_ = 	snop  }
0x3b: {  	_ = 	snop  }
0x3c: {  	p2 =	seq.s32 s10, $0x1;
	s10 =	sld [smem:$0x3FB0]  }
0x3d: {  	_ =	shalt  }
0x3e: {  	_ =	shalt  }
0x3f: {  	_ =	shalt  }
0x40: {  	_ =	shalt  }
0x41: {  	_ =	shalt  }
0x42: {  	_ =	shalt  }
0x43: {  	_ =	shalt  }
0x44: {  	_ =	shalt  }
0x45: {  	_ =	shalt  }
0x46: {  	_ =	shalt  }
0x47: {  	_ =	shalt  }
0x48: {  	_ =	shalt  }
0x49: {  	_ =	shalt  }
0x4a: {  	_ =	shalt  }
0x4b: {  	_ =	shalt  }
0x4c: {  	_ =	shalt  }
0x4d: {  	_ =	shalt  }
0x4e: {  	_ =	shalt  }
0x4f: {  	_ =	shalt  }
0x50: {  	_ =	shalt  }
0x51: {  	_ =	shalt  }
0x52: {  	_ =	shalt  }
0x53: {  	_ =	shalt  }
0x54: {  	_ =	shalt  }
0x55: {  	_ =	shalt  }
0x56: {  	_ =	shalt  }
0x57: {  	_ =	shalt  }
0x58: {  	_ =	shalt  }
0x59: {  	_ =	shalt  }
0x5a: {  	_ =	shalt  }
0x5b: {  	_ =	shalt  }
0x5c: {  	_ =	shalt  }
0x5d: {  	_ =	shalt  }
0x5e: {  	_ =	shalt  }
0x5f: {  	_ =	shalt  }
0x60: {  	_ =	shalt  }
0x61: {  	_ =	shalt  }
0x62: {  	_ =	shalt  }
0x63: {  	_ =	shalt  }
0x64: {  	_ =	shalt  }
0x65: {  	_ =	shalt  }
0x66: {  	_ =	shalt  }
0x67: {  	_ =	shalt  }
0x68: {  	_ =	shalt  }
0x69: {  	_ =	shalt  }
0x6a: {  	_ =	shalt  }
0x6b: {  	_ =	shalt  }
0x6c: {  	_ =	shalt  }
0x6d: {  	_ =	shalt  }
0x6e: {  	_ =	shalt  }
0x6f: {  	_ =	shalt  }
0x70: {  	_ =	shalt  }
0x71: {  	_ =	shalt  }
0x72: {  	_ =	shalt  }
0x73: {  	_ =	shalt  }
0x74: {  	_ =	shalt  }
0x75: {  	_ =	shalt  }
0x76: {  	_ =	shalt  }
0x77: {  	_ =	shalt  }
0x78: {  	_ =	shalt  }
0x79: {  	_ =	shalt  }
0x7a: {  	_ =	shalt  }
0x7b: {  	_ =	shalt  }
0x7c: {  	_ =	shalt  }
0x7d: {  	_ =	shalt  }
0x7e: {  	_ =	shalt  }
0x7f: {  	_ =	shalt  }
0x80: {  	_ =	shalt  }
0x81: {  	_ =	shalt  }
0x82: {  	_ =	shalt  }
0x83: {  	_ =	shalt  }
0x84: {  	_ =	shalt  }
0x85: {  	_ =	shalt  }
0x86: {  	_ =	shalt  }
0x87: {  	_ =	shalt  }
.Lfunc_end0:
.L_simem_size_0:
called_computation.2_lowered:
.L_overlay_start_0:
0x88: {  	s2 =	sld [smem:$0x3FD9]  }
0x89: {  	s3 =	sld [smem:$0x3FFE];
	_ =	sdelay $0x1  }
0x8a: {  	s1 =	srdreg.scid  }
0x8b: {  	s0 =	sand.u32 $0x1, s1  }
0x8c: {  	s17 =	sshll.u32 s0, $0xA;
	s2 =	sadd.s32 s3, s2  }
0x8d: {  	s2 =	sadd.s32 s2, s17  }
0x8e: {  	[smem:$0x3FBC] =	sst s2  }
0x8f: {  	_ = 	snop  }
0x90: {  	s2 =	sld [smem:$0x3FD0];
	(tm) =	ssettm $0x1  }
0x91: {  	s18 =	sld [smem:$0x3FFB];
	_ =	sdelay $0x3  }
0x92: {  	_ =	strace s18  }
0x93: {  	s3 =	sld [smem:$0x3FFC];
	_ =	sdelay $0x3  }
0x94: {  	_ =	strace s3  }
0x95: {  	s3 =	sld [smem:$0x3FFD];
	_ =	sdelay $0x3  }
0x96: {  	_ =	strace s3  }
0x97: {  	_ =	strace $0x8FFFFFFF  }
0x98: {  	s19 =	sld [smem:$0x3FDB];
	_ =	sdelay $0x1  }
0x99: {  	s4 =	simm.s32 $_scs_section_size  }
0x9a: {  	s5 =	simm.s32 $_size__tile_overlayer_lowered;
	s6 =	simm.s32 $_tile_overlayer_lowered  }
0x9b: {  	s22 =	simm.s32 $0x1BFF;
	s21 =	sshll.u32 s6, $0x1;
	s3 =	sadd.s32 s4, s19  }
0x9c: {  	s7 =	simm.s32 $0x0;
	s20 =	sshll.u32 s5, $0x1;
	s5 =	sadd.s32 s21, s3  }
0x9d: {  	[timem:s7], [sflag:s22] =	dma.local [hbm:s5], s20  }
0x9e: {  	_ =	swait.ge [sflag:s22], s20  }
0x9f: {  	s4 =	ssub.s32 $0x0, s20;
	[sflag:s22] =	ssyncset.done $0x0  }
0xa0: {  	[sflag:s22] =	ssyncadd.s32 s4;
	_ =	sdelay $0x1  }
0xa1: {  	s23 =	simm.s32 $0x1B8B  }
0xa2: {  	_ =	swait.ge [sflag:s23], $0x1  }
0xa3: {  	[sflag:s23] =	ssyncset.done $0x0  }
0xa4: {  	s25 =	simm.s32 $0x1B8E;
	s24 =	sld [smem:$0x3FFE];
	[sflag:s23] =	ssyncadd.s32 $0xFFFFFFFF  }
0xa5: {  	s26 =	simm.s32 $execute0_lowered;
	[smem:$0x3FD2] =	sst s25  }
0xa6: {  	s5 =	sshll.u32 s26, $0x1;
	_ =	strace $0x8000004C;
	[dreg:$0x1] =	wrdreg $0xFFFFFFFF  }
0xa7: {  	s28 =	simm.s32 $_size_execute0_lowered;
	s3 =	sadd.s32 s3, s5;
	[dreg:$0x0] =	wrdreg $0x0  }
0xa8: {  	s5 =	sshll.u32 s28, $0x1;
	[dreg:$0x2] =	wrdreg s3  }
0xa9: {  	[dreg:$0x3] =	wrdreg s5  }
0xaa: {  	[dreg:$0x4] =	wrdreg $0xC0  }
0xab: {  	_ =	task [dreg:s7], $0x5FFFF  }
0xac: {  	[dreg:$0x1] =	wrdreg $0xFFFFFFFF  }
0xad: {  	[dreg:$0x0] =	wrdreg $0x60  }
0xae: {  	[dreg:$0x2] =	wrdreg s2  }
0xaf: {  	[dreg:$0x3] =	wrdreg s24  }
0xb0: {  	[dreg:$0x4] =	wrdreg $0xB0000  }
0xb1: {  	[dreg:$0x5] =	wrdreg $0x9  }
0xb2: {  	_ =	task.clear_ibuf [dreg:s7], $0x6FFFF;
	_ =	strace $0x9000004C  }
0xb3: {  	s29 =	simm.s32 $0x9;
	_ =	strace $0x8000004E  }
0xb4: {  	_ =	swait.ge [sflag:s29], $0x1  }
0xb5: {  	[sflag:s29] =	ssyncadd.s32 $0xFFFFFFFF  }
0xb6: {  	_ =	strace $0x9000004E  }
0xb7: {  	_ =	sfence  }
0xb8: {  	s30 =	sld [smem:$0x0];
	_ =	sdelay $0x2  }
0xb9: {  	s31 =	sshll.u32 s1, $0xD;
	s1 =	sshrl.u32 s1, $0x2  }
0xba: {  	s3 =	sand.u32 $0x4000, s31;
	s1 =	sadd.s32 s1, s30  }
0xbb: {  	s0 =	sor.u32 s3, s0;
	s1 =	sshll.u32 s1, $0x11  }
0xbc: {  	s0 =	sor.u32 s1, s0  }
0xbd: {  	s0 =	sadd.s32 $0x8F2B, s0  }
0xbe: {  	[sflag:s0] =	ssyncadd.remote.s32 $0x1  }
0xbf: {  	_ =	sfence.sel $0xFFFF  }
0xc0: {  	[dreg:$0x0] =	wrdreg $0xFFFFFFFF;
	(pc) =	sbr.abs _section_cstart, $3  }
0xc1: {  	[dreg:$0x1] =	wrdreg $0xFFFFFFFF  }
0xc2: {  	_ =	task.clear_ibuf [dreg:s7], $0x2FFFF;
	_ =	strace $0x9FFFFFFF  }
0xc3: {  	(tm) =	ssettm $0x7FFFFFFF  }
tec
execute0_lowered:
.L_overlay_start_1:
0x0: {  	(tag) =	ssettag $0x1  }
0x1: {  	s2 =	rddreg [dreg:$0x0];
	s0 =	srdreg.scid  }
0x2: {  	s3 =	rddreg [dreg:$0x1];
	s19 =	stileid.u32  }
0x3: {  	s1 =	simm.s32 $0x0;
	s28 =	simm.s32 $0x1000;
	s12 =	smul.u32 $0x14000, s19  }
0x4: {  	s29 =	simm.s32 $0x4;
	s11 =	sand.u32 $0x1, s0;
	s16 =	smul.u32 $0xA000, s19  }
0x5: {  	s30 =	simm.s32 $0x7;
	[smem:$0x7FF] =	sst s1;
	s14 =	smul.u32 $0xA0000, s11  }
0x6: {  	s13 =	sadd.s32 $0x54E00, s3;
	s0 =	ssub.s32 $0x2, s11;
	s15 =	smul.u32 $0x140000, s11  }
0x7: {  	s11 =	smul.u32 $0x27100, s11;
	s4 =	sshrl.u32 s0, $0x1;
	s5 =	sadd.s32 $0x4000, s12  }
0x8: {  	s6 =	sadd.s32 $0x6000, s12;
	s7 =	sadd.s32 $0x8000, s12;
	s8 =	sadd.s32 $0xA000, s12  }
0x9: {  	s9 =	sadd.s32 $0xC000, s12;
	s10 =	sadd.s32 $0xE000, s12;
	s17 =	sadd.s32 $0x10000, s12  }
0xa: {  	s0 =	ssub.s32 s0, s4;
	s4 =	sor.u32 $0x2000, s12;
	s18 =	sadd.s32 s12, s15  }
0xb: {  	s12 =	sadd.s32 $0x12000, s12;
	s14 =	sadd.s32 s16, s14;
	s2 =	sadd.s32 s2, s11  }
0xc: {  	s25 =	sadd.s32 s15, s5;
	s26 =	sadd.s32 s15, s6;
	s21 =	sadd.s32 s15, s7  }
0xd: {  	s22 =	sshrl.u32 s18, $0x3;
	s24 =	sadd.s32 s15, s4;
	s16 =	sshrl.u32 s25, $0x3  }
0xe: {  	s18 =	sshrl.u32 s26, $0x3;
	s0 =	smax.u32 s0, $0x1;
	s23 =	sadd.s32 s13, s22  }
0xf: {  	s11 =	sshrl.u32 s24, $0x3;
	s20 =	sadd.s32 s13, s18;
	s22 =	sadd.s32 s15, s8  }
0x10: {  	s18 =	sadd.s32 s15, s17;
	[dreg:$0x4] =	wrdreg s23;
	s11 =	sadd.s32 s13, s11  }
0x11: {  	[dreg:$0x7] =	wrdreg s20;
	s23 =	sadd.s32 s15, s9;
	s24 =	sshrl.u32 s22, $0x3  }
0x12: {  	s20 =	sshrl.u32 s18, $0x3;
	s22 =	sadd.s32 $0x4600, s3;
	s18 =	rddreg [dreg:$0x2]  }
0x13: {  	[dreg:$0x5] =	wrdreg s11;
	s11 =	sadd.s32 s13, s16;
	s25 =	sshrl.u32 s23, $0x3  }
0x14: {  	s16 =	sadd.s32 s15, s10;
	s15 =	sadd.s32 s15, s12;
	s23 =	sadd.s32 $0x2C600, s3  }
0x15: {  	[dreg:$0x6] =	wrdreg s11;
	s11 =	sshrl.u32 s21, $0x3;
	s26 =	sadd.s32 s13, s25  }
0x16: {  	s15 =	sshrl.u32 s15, $0x3;
	s11 =	sadd.s32 s13, s11;
	[dreg:$0xa] =	wrdreg s26  }
0x17: {  	s3 =	sadd.s32 $0x54600, s3;
	s21 =	sadd.s32 s13, s15;
	[dreg:$0x8] =	wrdreg s11  }
0x18: {  	s25 =	sor.u32 $0x800, s14;
	s11 =	sadd.s32 s13, s24;
	[dreg:$0xd] =	wrdreg s21  }
0x19: {  	s24 =	sshrl.u32 s14, $0x3;
	s14 =	sor.u32 $0x400, s14;
	s21 =	smul.u32 $0x50000, s19  }
0x1a: {  	[dreg:$0x9] =	wrdreg s11;
	s11 =	sshrl.u32 s16, $0x3;
	s26 =	sadd.s32 s22, s24  }
0x1b: {  	s15 =	sadd.s32 s23, s24;
	s16 =	sshrl.u32 s25, $0x3;
	s14 =	sshrl.u32 s14, $0x3  }
0x1c: {  	s24 =	sadd.s32 s8, s18;
	s25 =	sadd.s32 s9, s18;
	s8 =	simm.s32 $0x5000  }
0x1d: {  	s9 =	simm.s32 $0xB00;
	s11 =	sadd.s32 s13, s11;
	[dreg:$0xe] =	wrdreg s26  }
0x1e: {  	[dreg:$0xf] =	wrdreg s15;
	s15 =	sadd.s32 s16, s23;
	s16 =	sadd.s32 s16, s22  }
0x1f: {  	s19 =	sadd.s32 s14, s23;
	[dreg:$0xb] =	wrdreg s11;
	s11 =	sadd.s32 s13, s20  }
0x20: {  	s23 =	sadd.s32 s7, s18;
	s20 =	sadd.s32 s14, s22;
	[dreg:$0xc] =	wrdreg s11  }
0x21: {  	s14 =	sadd.s32 s4, s18;
	_ =	strace $0x8000004D;
	[dreg:$0x10] =	wrdreg s3  }
0x22: {  	s13 =	sshrl.u32 s21, $0x2;
	s21 =	sadd.s32 s5, s18;
	[dreg:$0x12] =	wrdreg s14  }
0x23: {  	s26 =	sadd.s32 s10, s18;
	s22 =	sadd.s32 s6, s18;
	[dreg:$0x13] =	wrdreg s21  }
0x24: {  	s7 =	simm.s32 $0x3000;
	s10 =	simm.s32 $0x7000;
	[dreg:$0x14] =	wrdreg s22  }
0x25: {  	s4 =	simm.s32 $0x9;
	s6 =	simm.s32 $0x40;
	[dreg:$0x15] =	wrdreg s23  }
0x26: {  	s5 =	simm.s32 $0x2;
	s31 =	sadd.s32 s13, s18;
	[dreg:$0x16] =	wrdreg s24  }
0x27: {  	s11 =	simm.s32 $0x800;
	s13 =	simm.s32 $0x1;
	[dreg:$0x17] =	wrdreg s25  }
0x28: {  	[dreg:$0x18] =	wrdreg s26;
	s23 =	sadd.s32 s17, s18;
	s26 =	sadd.s32 s12, s18  }
.Ltmp0:
0x29: {  	[dreg:$0x1b] =	wrdreg s0;
	s12 =	simm.s32 $0xC00;
	(pc) =	sbr.rel .LBB2_1-.Ltmp0, $4  }
0x2a: {  	s21 =	simm.s32 $0x9000;
	s22 =	simm.s32 $0x0;
	[dreg:$0x11] =	wrdreg s31  }
0x2b: {  	s0 =	simm.s32 $0x5;
	s24 =	simm.s32 $0x3;
	[dreg:$0x1c] =	wrdreg s22  }
0x2c: {  	s25 =	simm.s32 $0x6;
	s3 =	simm.s32 $0x8;
	[dreg:$0x19] =	wrdreg s23  }
0x2d: {  	s17 =	simm.s32 $0xA00;
	s14 =	simm.s32 $0xB80;
	[dreg:$0x1a] =	wrdreg s26  }
.LBB2_4:
0x2e: {  	[spmem:s18] =	stream.indirect.scatter.add.f32 [tilespmem:s21], [sflag:$0x8], $0x80, s14, s6, $0xb8;
	[tilespmem:$0x1F000] =	vst v63  }
0x2f: {  	_ =	swait.ge [sflag:s3], $0x2000  }
0x30: {  	[sflag:s3] =	ssyncset.done $0x0  }
0x31: {  	[sflag:s3] =	ssyncadd.s32 $0xFFFFE000  }
0x32: {  	[bflag:$0x0] =	sbarrier.arrive $0xFFFF  }
0x33: {  	s28 =	simm.s32 $0x1000;
	s22 =	rddreg [dreg:$0x11]  }
0x34: {  	[tilespmem:s28], [sflag:$0x9] =	stream.linear.gather [spmem:s22], $0x2000, $0x38;
	[tilespmem:$0x1F000] =	vst v63  }
0x35: {  	_ =	swait.ge [sflag:s4], $0x2000  }
0x36: {  	[sflag:s4] =	ssyncset.done $0x0  }
0x37: {  	s23 =	rddreg [dreg:$0x4];
	[sflag:s4] =	ssyncadd.s32 $0xFFFFE000  }
0x38: {  	[hbm4b:s23+s1] =	stream.linear.scatter [tilespmem:s28], [sflag:$0x9], $0x2000, $0x38;
	[tilespmem:$0x1F000] =	vst v63  }
0x39: {  	_ =	swait.ge [sflag:s4], $0x2000  }
0x3a: {  	[sflag:s4] =	ssyncset.done $0x0  }
0x3b: {  	s26 =	rddreg [dreg:$0x12];
	[sflag:s4] =	ssyncadd.s32 $0xFFFFE000  }
0x3c: {  	[tilespmem:s28], [sflag:$0x9] =	stream.linear.gather [spmem:s26], $0x2000, $0x38;
	[tilespmem:$0x1F000] =	vst v63  }
0x3d: {  	_ =	swait.ge [sflag:s4], $0x2000  }
0x3e: {  	[sflag:s4] =	ssyncset.done $0x0  }
0x3f: {  	s23 =	rddreg [dreg:$0x5];
	[sflag:s4] =	ssyncadd.s32 $0xFFFFE000  }
0x40: {  	[hbm4b:s23+s1] =	stream.linear.scatter [tilespmem:s28], [sflag:$0x9], $0x2000, $0x38;
	[tilespmem:$0x1F000] =	vst v63  }
0x41: {  	_ =	swait.ge [sflag:s4], $0x2000  }
0x42: {  	[sflag:s4] =	ssyncset.done $0x0  }
0x43: {  	s26 =	rddreg [dreg:$0x13];
	[sflag:s4] =	ssyncadd.s32 $0xFFFFE000  }
0x44: {  	[tilespmem:s28], [sflag:$0x9] =	stream.linear.gather [spmem:s26], $0x2000, $0x38;
	[tilespmem:$0x1F000] =	vst v63  }
0x45: {  	_ =	swait.ge [sflag:s4], $0x2000  }
0x46: {  	[sflag:s4] =	ssyncset.done $0x0  }
0x47: {  	s23 =	rddreg [dreg:$0x6];
	[sflag:s4] =	ssyncadd.s32 $0xFFFFE000  }
0x48: {  	[hbm4b:s23+s1] =	stream.linear.scatter [tilespmem:s28], [sflag:$0x9], $0x2000, $0x38;
	[tilespmem:$0x1F000] =	vst v63  }
0x49: {  	_ =	swait.ge [sflag:s4], $0x2000  }
0x4a: {  	[sflag:s4] =	ssyncset.done $0x0  }
0x4b: {  	s26 =	rddreg [dreg:$0x14];
	[sflag:s4] =	ssyncadd.s32 $0xFFFFE000  }
0x4c: {  	[tilespmem:s28], [sflag:$0x9] =	stream.linear.gather [spmem:s26], $0x2000, $0x38;
	[tilespmem:$0x1F000] =	vst v63  }
0x4d: {  	_ =	swait.ge [sflag:s4], $0x2000  }
0x4e: {  	[sflag:s4] =	ssyncset.done $0x0  }
0x4f: {  	s23 =	rddreg [dreg:$0x7];
	[sflag:s4] =	ssyncadd.s32 $0xFFFFE000  }
0x50: {  	[hbm4b:s23+s1] =	stream.linear.scatter [tilespmem:s28], [sflag:$0x9], $0x2000, $0x38;
	[tilespmem:$0x1F000] =	vst v63  }
0x51: {  	_ =	swait.ge [sflag:s4], $0x2000  }
0x52: {  	[sflag:s4] =	ssyncset.done $0x0  }
0x53: {  	s26 =	rddreg [dreg:$0x15];
	[sflag:s4] =	ssyncadd.s32 $0xFFFFE000  }
0x54: {  	[tilespmem:s28], [sflag:$0x9] =	stream.linear.gather [spmem:s26], $0x2000, $0x38;
	[tilespmem:$0x1F000] =	vst v63  }
0x55: {  	_ =	swait.ge [sflag:s4], $0x2000  }
0x56: {  	[sflag:s4] =	ssyncset.done $0x0  }
0x57: {  	s23 =	rddreg [dreg:$0x8];
	[sflag:s4] =	ssyncadd.s32 $0xFFFFE000  }
0x58: {  	[hbm4b:s23+s1] =	stream.linear.scatter [tilespmem:s28], [sflag:$0x9], $0x2000, $0x38;
	[tilespmem:$0x1F000] =	vst v63  }
0x59: {  	_ =	swait.ge [sflag:s4], $0x2000  }
0x5a: {  	[sflag:s4] =	ssyncset.done $0x0  }
0x5b: {  	s26 =	rddreg [dreg:$0x16];
	[sflag:s4] =	ssyncadd.s32 $0xFFFFE000  }
0x5c: {  	[tilespmem:s28], [sflag:$0x9] =	stream.linear.gather [spmem:s26], $0x2000, $0x38;
	[tilespmem:$0x1F000] =	vst v63  }
0x5d: {  	_ =	swait.ge [sflag:s4], $0x2000  }
0x5e: {  	[sflag:s4] =	ssyncset.done $0x0  }
0x5f: {  	s23 =	rddreg [dreg:$0x9];
	[sflag:s4] =	ssyncadd.s32 $0xFFFFE000  }
0x60: {  	[hbm4b:s23+s1] =	stream.linear.scatter [tilespmem:s28], [sflag:$0x9], $0x2000, $0x38;
	[tilespmem:$0x1F000] =	vst v63  }
0x61: {  	_ =	swait.ge [sflag:s4], $0x2000  }
0x62: {  	[sflag:s4] =	ssyncset.done $0x0  }
0x63: {  	s26 =	rddreg [dreg:$0x17];
	[sflag:s4] =	ssyncadd.s32 $0xFFFFE000  }
0x64: {  	[tilespmem:s28], [sflag:$0x9] =	stream.linear.gather [spmem:s26], $0x2000, $0x38;
	[tilespmem:$0x1F000] =	vst v63  }
0x65: {  	_ =	swait.ge [sflag:s4], $0x2000  }
0x66: {  	[sflag:s4] =	ssyncset.done $0x0  }
0x67: {  	s23 =	rddreg [dreg:$0xa];
	[sflag:s4] =	ssyncadd.s32 $0xFFFFE000  }
0x68: {  	[hbm4b:s23+s1] =	stream.linear.scatter [tilespmem:s28], [sflag:$0x9], $0x2000, $0x38;
	[tilespmem:$0x1F000] =	vst v63  }
0x69: {  	_ =	swait.ge [sflag:s4], $0x2000  }
0x6a: {  	[sflag:s4] =	ssyncset.done $0x0  }
0x6b: {  	s26 =	rddreg [dreg:$0x18];
	[sflag:s4] =	ssyncadd.s32 $0xFFFFE000  }
0x6c: {  	[tilespmem:s28], [sflag:$0x9] =	stream.linear.gather [spmem:s26], $0x2000, $0x38;
	[tilespmem:$0x1F000] =	vst v63  }
0x6d: {  	_ =	swait.ge [sflag:s4], $0x2000  }
0x6e: {  	[sflag:s4] =	ssyncset.done $0x0  }
0x6f: {  	s23 =	rddreg [dreg:$0xb];
	[sflag:s4] =	ssyncadd.s32 $0xFFFFE000  }
0x70: {  	[hbm4b:s23+s1] =	stream.linear.scatter [tilespmem:s28], [sflag:$0x9], $0x2000, $0x38;
	[tilespmem:$0x1F000] =	vst v63  }
0x71: {  	_ =	swait.ge [sflag:s4], $0x2000  }
0x72: {  	[sflag:s4] =	ssyncset.done $0x0  }
0x73: {  	s23 =	rddreg [dreg:$0x19];
	[sflag:s4] =	ssyncadd.s32 $0xFFFFE000  }
0x74: {  	[tilespmem:s28], [sflag:$0x9] =	stream.linear.gather [spmem:s23], $0x2000, $0x38;
	[tilespmem:$0x1F000] =	vst v63  }
0x75: {  	_ =	swait.ge [sflag:s4], $0x2000  }
0x76: {  	[sflag:s4] =	ssyncset.done $0x0  }
0x77: {  	s26 =	rddreg [dreg:$0xc];
	[sflag:s4] =	ssyncadd.s32 $0xFFFFE000  }
0x78: {  	[hbm4b:s26+s1] =	stream.linear.scatter [tilespmem:s28], [sflag:$0x9], $0x2000, $0x38;
	[tilespmem:$0x1F000] =	vst v63  }
0x79: {  	_ =	swait.ge [sflag:s4], $0x2000  }
0x7a: {  	[sflag:s4] =	ssyncset.done $0x0  }
0x7b: {  	s26 =	rddreg [dreg:$0x1a];
	[sflag:s4] =	ssyncadd.s32 $0xFFFFE000  }
0x7c: {  	[tilespmem:s28], [sflag:$0x9] =	stream.linear.gather [spmem:s26], $0x2000, $0x38;
	[tilespmem:$0x1F000] =	vst v63  }
0x7d: {  	_ =	swait.ge [sflag:s4], $0x2000  }
0x7e: {  	[sflag:s4] =	ssyncset.done $0x0  }
0x7f: {  	s22 =	rddreg [dreg:$0xd];
	[sflag:s4] =	ssyncadd.s32 $0xFFFFE000  }
0x80: {  	[hbm4b:s22+s1] =	stream.linear.scatter [tilespmem:s28], [sflag:$0x9], $0x2000, $0x38;
	[tilespmem:$0x1F000] =	vst v63  }
0x81: {  	_ =	swait.ge [sflag:s4], $0x2000  }
0x82: {  	s31 =	rddreg [dreg:$0x1c]  }
0x83: {  	s22 =	rddreg [dreg:$0x1b];
	s31 =	sadd.s32 $0x1, s31  }
0x84: {  	p0 =	sne.s32 s31, s22  }
.Ltmp1:
0x85: {  	_ = 	snop;
	(pc) =	sbr.rel @!p0 .LBB2_5-.Ltmp1, $3  }
0x86: {  	_ =	sdelay $0x1  }
0x87: {  	[sflag:s4] =	ssyncset.done $0x0;
	[dreg:$0x1c] =	wrdreg s31  }
0x88: {  	[sflag:s4] =	ssyncadd.s32 $0xFFFFE000;
	s31 =	rddreg [dreg:$0x11]  }
.LBB2_1:
0x89: {  	s22 =	rddreg [dreg:$0x10]  }
0x8a: {  	[tilespmem:s28], [sflag:$0x9] =	stream.linear.gather [hbm4b:s22+s1], $0x2000, $0x38;
	[tilespmem:$0x1F000] =	vst v63  }
0x8b: {  	_ =	swait.ge [sflag:s4], $0x2000  }
0x8c: {  	[sflag:s4] =	ssyncset.done $0x0  }
0x8d: {  	[sflag:s4] =	ssyncadd.s32 $0xFFFFE000  }
0x8e: {  	[spmem:s31] =	stream.linear.scatter [tilespmem:s28], [sflag:$0x9], $0x2000, $0x38;
	[tilespmem:$0x1F000] =	vst v63  }
0x8f: {  	_ =	swait.ge [sflag:s4], $0x2000  }
0x90: {  	[sflag:s4] =	ssyncset.done $0x0  }
0x91: {  	s31 =	rddreg [dreg:$0x12];
	[sflag:s4] =	ssyncadd.s32 $0xFFFFE000  }
0x92: {  	[spmem:s31] =	stream.linear.scatter [tilespmem:s28], [sflag:$0x9], $0x2000, $0x38;
	[tilespmem:$0x1F000] =	vst v63  }
0x93: {  	_ =	swait.ge [sflag:s4], $0x2000  }
0x94: {  	[sflag:s4] =	ssyncset.done $0x0  }
0x95: {  	s31 =	rddreg [dreg:$0x13];
	[sflag:s4] =	ssyncadd.s32 $0xFFFFE000  }
0x96: {  	[spmem:s31] =	stream.linear.scatter [tilespmem:s28], [sflag:$0x9], $0x2000, $0x38;
	[tilespmem:$0x1F000] =	vst v63  }
0x97: {  	_ =	swait.ge [sflag:s4], $0x2000  }
0x98: {  	[sflag:s4] =	ssyncset.done $0x0  }
0x99: {  	s31 =	rddreg [dreg:$0x14];
	[sflag:s4] =	ssyncadd.s32 $0xFFFFE000  }
0x9a: {  	[spmem:s31] =	stream.linear.scatter [tilespmem:s28], [sflag:$0x9], $0x2000, $0x38;
	[tilespmem:$0x1F000] =	vst v63  }
0x9b: {  	_ =	swait.ge [sflag:s4], $0x2000  }
0x9c: {  	[sflag:s4] =	ssyncset.done $0x0  }
0x9d: {  	s31 =	rddreg [dreg:$0x15];
	[sflag:s4] =	ssyncadd.s32 $0xFFFFE000  }
0x9e: {  	[spmem:s31] =	stream.linear.scatter [tilespmem:s28], [sflag:$0x9], $0x2000, $0x38;
	[tilespmem:$0x1F000] =	vst v63  }
0x9f: {  	_ =	swait.ge [sflag:s4], $0x2000  }
0xa0: {  	[sflag:s4] =	ssyncset.done $0x0  }
0xa1: {  	s31 =	rddreg [dreg:$0x16];
	[sflag:s4] =	ssyncadd.s32 $0xFFFFE000  }
0xa2: {  	[spmem:s31] =	stream.linear.scatter [tilespmem:s28], [sflag:$0x9], $0x2000, $0x38;
	[tilespmem:$0x1F000] =	vst v63  }
0xa3: {  	_ =	swait.ge [sflag:s4], $0x2000  }
0xa4: {  	[sflag:s4] =	ssyncset.done $0x0  }
0xa5: {  	s31 =	rddreg [dreg:$0x17];
	[sflag:s4] =	ssyncadd.s32 $0xFFFFE000  }
0xa6: {  	[spmem:s31] =	stream.linear.scatter [tilespmem:s28], [sflag:$0x9], $0x2000, $0x38;
	[tilespmem:$0x1F000] =	vst v63  }
0xa7: {  	_ =	swait.ge [sflag:s4], $0x2000  }
0xa8: {  	[sflag:s4] =	ssyncset.done $0x0  }
0xa9: {  	s31 =	rddreg [dreg:$0x18];
	[sflag:s4] =	ssyncadd.s32 $0xFFFFE000  }
0xaa: {  	[spmem:s31] =	stream.linear.scatter [tilespmem:s28], [sflag:$0x9], $0x2000, $0x38;
	[tilespmem:$0x1F000] =	vst v63  }
0xab: {  	_ =	swait.ge [sflag:s4], $0x2000  }
0xac: {  	[sflag:s4] =	ssyncset.done $0x0  }
0xad: {  	[sflag:s4] =	ssyncadd.s32 $0xFFFFE000  }
0xae: {  	[spmem:s23] =	stream.linear.scatter [tilespmem:s28], [sflag:$0x9], $0x2000, $0x38;
	[tilespmem:$0x1F000] =	vst v63  }
0xaf: {  	_ =	swait.ge [sflag:s4], $0x2000  }
0xb0: {  	[sflag:s4] =	ssyncset.done $0x0  }
0xb1: {  	[sflag:s4] =	ssyncadd.s32 $0xFFFFE000  }
0xb2: {  	[spmem:s26] =	stream.linear.scatter [tilespmem:s28], [sflag:$0x9], $0x2000, $0x38;
	[tilespmem:$0x1F000] =	vst v63  }
0xb3: {  	_ =	swait.ge [sflag:s4], $0x2000  }
0xb4: {  	[sflag:s4] =	ssyncset.done $0x0  }
0xb5: {  	[sflag:s4] =	ssyncadd.s32 $0xFFFFE000  }
0xb6: {  	[bflag:$0x0] =	sbarrier.arrive $0xFFFF  }
0xb7: {  	s31 =	rddreg [dreg:$0xe]  }
0xb8: {  	[tilespmem:s1], [sflag:$0x9] =	stream.linear.gather [hbm4b:s31+s1], $0x400, $0x38;
	[tilespmem:$0x1F000] =	vst v63  }
0xb9: {  	_ =	swait.ge [sflag:s4], $0x400  }
0xba: {  	[sflag:s4] =	ssyncset.done $0x0  }
0xbb: {  	s26 =	simm.s32 $0x400;
	s23 =	rddreg [dreg:$0xf];
	[sflag:s4] =	ssyncadd.s32 $0xFFFFFC00  }
0xbc: {  	[tilespmem:s26], [sflag:$0x9] =	stream.linear.gather [hbm4b:s23+s1], $0x400, $0x38;
	[tilespmem:$0x1F000] =	vst v63  }
0xbd: {  	_ =	swait.ge [sflag:s4], $0x400  }
0xbe: {  	[sflag:s4] =	ssyncset.done $0x0  }
0xbf: {  	[sflag:s4] =	ssyncadd.s32 $0xFFFFFC00  }
0xc0: {  	[tilespmem:s7], [sflag:$0x1] =	stream.indirect.gather [hbm4b:s2+s6], $0x80, s26, s6, $0xb8;
	[tilespmem:$0x1F000] =	vst v63  }
0xc1: {  	s28 =	simm.s32 $0x480  }
0xc2: {  	[tilespmem:s8], [sflag:$0x2] =	stream.indirect.gather [hbm4b:s2+s6], $0x80, s28, s6, $0xb8;
	[tilespmem:$0x1F000] =	vst v63  }
0xc3: {  	s22 =	simm.s32 $0x0;
	s31 =	simm.s32 $0x500  }
0xc4: {  	[tilespmem:s10], [sflag:$0x3] =	stream.indirect.gather [hbm4b:s2+s6], $0x80, s31, s6, $0xb8;
	[tilespmem:$0x1F000] =	vst v63  }
.LBB2_2:
0xc5: {  	s23 =	sadd.s32 s22, s20  }
0xc6: {  	[tilespmem:s11], [sflag:$0x9] =	stream.linear.gather [hbm4b:s23+s1], $0x400, $0x38;
	[tilespmem:$0x1F000] =	vst v63  }
0xc7: {  	_ =	swait.ge [sflag:s4], $0x400  }
0xc8: {  	[sflag:s4] =	ssyncset.done $0x0  }
0xc9: {  	s28 =	sadd.s32 s22, s19;
	[sflag:s4] =	ssyncadd.s32 $0xFFFFFC00  }
0xca: {  	[tilespmem:s12], [sflag:$0x9] =	stream.linear.gather [hbm4b:s28+s1], $0x400, $0x38;
	[tilespmem:$0x1F000] =	vst v63  }
0xcb: {  	_ =	swait.ge [sflag:s4], $0x400  }
0xcc: {  	[sflag:s4] =	ssyncset.done $0x0  }
0xcd: {  	[sflag:s4] =	ssyncadd.s32 $0xFFFFFC00  }
0xce: {  	_ =	swait.ge [sflag:s13], $0x2000  }
0xcf: {  	p0 =	seq.s32 s22, $0x0;
	[sflag:s13] =	ssyncset.done $0x0  }
0xd0: {  	s23 =	simm.s32 @!p0 $0x8;
	[sflag:s13] =	ssyncadd.s32 $0xFFFFE000  }
0xd1: {  	_ =	swait.ge @!p0 [sflag:s23], $0x2000  }
0xd2: {  	[sflag:s23] =	ssyncset.done @!p0 $0x0  }
0xd3: {  	s31 =	simm.s32 $0x580;
	[sflag:s23] =	ssyncadd.s32 @!p0 $0xFFFFE000  }
0xd4: {  	[tilespmem:s21], [sflag:$0x4] =	stream.indirect.gather [hbm4b:s2+s6], $0x80, s31, s6, $0xb8;
	[tilespmem:$0x1F000] =	vst v63  }
0xd5: {  	_ = 	snop  }
0xd6: {  	[spmem:s18] =	stream.indirect.scatter.add.f32 [tilespmem:s7], [sflag:$0x5], $0x80, s1, s6, $0xb8;
	[tilespmem:$0x1F000] =	vst v63  }
0xd7: {  	_ =	swait.ge [sflag:s5], $0x2000  }
0xd8: {  	[sflag:s5] =	ssyncset.done $0x0  }
0xd9: {  	[sflag:s5] =	ssyncadd.s32 $0xFFFFE000  }
0xda: {  	_ =	swait.ge [sflag:s0], $0x2000  }
0xdb: {  	[sflag:s0] =	ssyncset.done $0x0  }
0xdc: {  	s26 =	simm.s32 $0x600;
	[sflag:s0] =	ssyncadd.s32 $0xFFFFE000  }
0xdd: {  	[tilespmem:s7], [sflag:$0x1] =	stream.indirect.gather [hbm4b:s2+s6], $0x80, s26, s6, $0xb8;
	[tilespmem:$0x1F000] =	vst v63  }
0xde: {  	s28 =	simm.s32 $0x80  }
0xdf: {  	[spmem:s18] =	stream.indirect.scatter.add.f32 [tilespmem:s8], [sflag:$0x6], $0x80, s28, s6, $0xb8;
	[tilespmem:$0x1F000] =	vst v63  }
0xe0: {  	_ =	swait.ge [sflag:s24], $0x2000  }
0xe1: {  	[sflag:s24] =	ssyncset.done $0x0  }
0xe2: {  	[sflag:s24] =	ssyncadd.s32 $0xFFFFE000  }
0xe3: {  	_ =	swait.ge [sflag:s25], $0x2000  }
0xe4: {  	[sflag:s25] =	ssyncset.done $0x0  }
0xe5: {  	s31 =	simm.s32 $0x680;
	[sflag:s25] =	ssyncadd.s32 $0xFFFFE000  }
0xe6: {  	[tilespmem:s8], [sflag:$0x2] =	stream.indirect.gather [hbm4b:s2+s6], $0x80, s31, s6, $0xb8;
	[tilespmem:$0x1F000] =	vst v63  }
0xe7: {  	s26 =	simm.s32 $0x100  }
0xe8: {  	[spmem:s18] =	stream.indirect.scatter.add.f32 [tilespmem:s10], [sflag:$0x7], $0x80, s26, s6, $0xb8;
	[tilespmem:$0x1F000] =	vst v63  }
0xe9: {  	_ =	swait.ge [sflag:s29], $0x2000  }
0xea: {  	[sflag:s29] =	ssyncset.done $0x0  }
0xeb: {  	[sflag:s29] =	ssyncadd.s32 $0xFFFFE000  }
0xec: {  	_ =	swait.ge [sflag:s30], $0x2000  }
0xed: {  	[sflag:s30] =	ssyncset.done $0x0  }
0xee: {  	s28 =	simm.s32 $0x700;
	[sflag:s30] =	ssyncadd.s32 $0xFFFFE000  }
0xef: {  	[tilespmem:s10], [sflag:$0x3] =	stream.indirect.gather [hbm4b:s2+s6], $0x80, s28, s6, $0xb8;
	[tilespmem:$0x1F000] =	vst v63  }
0xf0: {  	s31 =	simm.s32 $0x180  }
0xf1: {  	[spmem:s18] =	stream.indirect.scatter.add.f32 [tilespmem:s21], [sflag:$0x8], $0x80, s31, s6, $0xb8;
	[tilespmem:$0x1F000] =	vst v63  }
0xf2: {  	_ =	swait.ge [sflag:s13], $0x2000  }
0xf3: {  	[sflag:s13] =	ssyncset.done $0x0  }
0xf4: {  	[sflag:s13] =	ssyncadd.s32 $0xFFFFE000  }
0xf5: {  	_ =	swait.ge [sflag:s3], $0x2000  }
0xf6: {  	[sflag:s3] =	ssyncset.done $0x0  }
0xf7: {  	s26 =	simm.s32 $0x780;
	[sflag:s3] =	ssyncadd.s32 $0xFFFFE000  }
0xf8: {  	[tilespmem:s21], [sflag:$0x4] =	stream.indirect.gather [hbm4b:s2+s6], $0x80, s26, s6, $0xb8;
	[tilespmem:$0x1F000] =	vst v63  }
0xf9: {  	s28 =	simm.s32 $0x200  }
0xfa: {  	[spmem:s18] =	stream.indirect.scatter.add.f32 [tilespmem:s7], [sflag:$0x5], $0x80, s28, s6, $0xb8;
	[tilespmem:$0x1F000] =	vst v63  }
0xfb: {  	_ =	swait.ge [sflag:s5], $0x2000  }
0xfc: {  	[sflag:s5] =	ssyncset.done $0x0  }
0xfd: {  	[sflag:s5] =	ssyncadd.s32 $0xFFFFE000  }
0xfe: {  	_ =	swait.ge [sflag:s0], $0x2000  }
0xff: {  	[sflag:s0] =	ssyncset.done $0x0  }
0x100: {  	[sflag:s0] =	ssyncadd.s32 $0xFFFFE000  }
0x101: {  	[tilespmem:s7], [sflag:$0x1] =	stream.indirect.gather [hbm4b:s2+s6], $0x80, s12, s6, $0xb8;
	[tilespmem:$0x1F000] =	vst v63  }
0x102: {  	s31 =	simm.s32 $0x280  }
0x103: {  	[spmem:s18] =	stream.indirect.scatter.add.f32 [tilespmem:s8], [sflag:$0x6], $0x80, s31, s6, $0xb8;
	[tilespmem:$0x1F000] =	vst v63  }
0x104: {  	_ =	swait.ge [sflag:s24], $0x2000  }
0x105: {  	[sflag:s24] =	ssyncset.done $0x0  }
0x106: {  	[sflag:s24] =	ssyncadd.s32 $0xFFFFE000  }
0x107: {  	_ =	swait.ge [sflag:s25], $0x2000  }
0x108: {  	[sflag:s25] =	ssyncset.done $0x0  }
0x109: {  	s26 =	simm.s32 $0xC80;
	[sflag:s25] =	ssyncadd.s32 $0xFFFFE000  }
0x10a: {  	[tilespmem:s8], [sflag:$0x2] =	stream.indirect.gather [hbm4b:s2+s6], $0x80, s26, s6, $0xb8;
	[tilespmem:$0x1F000] =	vst v63  }
0x10b: {  	s28 =	simm.s32 $0x300  }
0x10c: {  	[spmem:s18] =	stream.indirect.scatter.add.f32 [tilespmem:s10], [sflag:$0x7], $0x80, s28, s6, $0xb8;
	[tilespmem:$0x1F000] =	vst v63  }
0x10d: {  	_ =	swait.ge [sflag:s29], $0x2000  }
0x10e: {  	[sflag:s29] =	ssyncset.done $0x0  }
0x10f: {  	[sflag:s29] =	ssyncadd.s32 $0xFFFFE000  }
0x110: {  	_ =	swait.ge [sflag:s30], $0x2000  }
0x111: {  	[sflag:s30] =	ssyncset.done $0x0  }
0x112: {  	s31 =	simm.s32 $0xD00;
	[sflag:s30] =	ssyncadd.s32 $0xFFFFE000  }
0x113: {  	[tilespmem:s10], [sflag:$0x3] =	stream.indirect.gather [hbm4b:s2+s6], $0x80, s31, s6, $0xb8;
	[tilespmem:$0x1F000] =	vst v63  }
0x114: {  	p0 =	seq.s32 s22, $0x1300;
	s26 =	simm.s32 $0x380  }
0x115: {  	[spmem:s18] =	stream.indirect.scatter.add.f32 [tilespmem:s21], [sflag:$0x8], $0x80, s26, s6, $0xb8;
	[tilespmem:$0x1F000] =	vst v63  }
0x116: {  	s23 =	sadd.s32 @!p0 s22, s16;
	s28 =	simm.s32 @!p0 $0x9;
	s26 =	simm.s32 @!p0 $0x0  }
0x117: {  	[tilespmem:s26], [sflag:$0x9] =	stream.linear.gather @!p0 [hbm4b:s23+s26], $0x400, $0x38;
	[tilespmem:$0x1F000] =	vst v63  }
0x118: {  	_ =	swait.ge @!p0 [sflag:s28], $0x400  }
0x119: {  	[sflag:s28] =	ssyncset.done @!p0 $0x0  }
0x11a: {  	s31 =	sadd.s32 @!p0 s22, s15;
	s23 =	simm.s32 @!p0 $0x400;
	[sflag:s28] =	ssyncadd.s32 @!p0 $0xFFFFFC00  }
0x11b: {  	[tilespmem:s23], [sflag:$0x9] =	stream.linear.gather @!p0 [hbm4b:s31+s26], $0x400, $0x38;
	[tilespmem:$0x1F000] =	vst v63  }
0x11c: {  	_ =	swait.ge @!p0 [sflag:s28], $0x400  }
0x11d: {  	[sflag:s28] =	ssyncset.done @!p0 $0x0  }
0x11e: {  	[sflag:s28] =	ssyncadd.s32 @!p0 $0xFFFFFC00  }
0x11f: {  	_ =	swait.ge [sflag:s13], $0x2000  }
0x120: {  	[sflag:s13] =	ssyncset.done $0x0  }
0x121: {  	[sflag:s13] =	ssyncadd.s32 $0xFFFFE000  }
0x122: {  	_ =	swait.ge [sflag:s3], $0x2000  }
0x123: {  	[sflag:s3] =	ssyncset.done $0x0  }
0x124: {  	s28 =	simm.s32 $0xD80;
	[sflag:s3] =	ssyncadd.s32 $0xFFFFE000  }
0x125: {  	[tilespmem:s21], [sflag:$0x4] =	stream.indirect.gather [hbm4b:s2+s6], $0x80, s28, s6, $0xb8;
	[tilespmem:$0x1F000] =	vst v63  }
0x126: {  	_ = 	snop  }
0x127: {  	[spmem:s18] =	stream.indirect.scatter.add.f32 [tilespmem:s7], [sflag:$0x5], $0x80, s11, s6, $0xb8;
	[tilespmem:$0x1F000] =	vst v63  }
0x128: {  	_ =	swait.ge [sflag:s5], $0x2000  }
0x129: {  	[sflag:s5] =	ssyncset.done $0x0  }
0x12a: {  	[sflag:s5] =	ssyncadd.s32 $0xFFFFE000  }
0x12b: {  	_ =	swait.ge [sflag:s0], $0x2000  }
0x12c: {  	[sflag:s0] =	ssyncset.done $0x0  }
0x12d: {  	s31 =	simm.s32 $0xE00;
	[sflag:s0] =	ssyncadd.s32 $0xFFFFE000  }
0x12e: {  	[tilespmem:s7], [sflag:$0x1] =	stream.indirect.gather [hbm4b:s2+s6], $0x80, s31, s6, $0xb8;
	[tilespmem:$0x1F000] =	vst v63  }
0x12f: {  	s28 =	simm.s32 $0x880  }
0x130: {  	[spmem:s18] =	stream.indirect.scatter.add.f32 [tilespmem:s8], [sflag:$0x6], $0x80, s28, s6, $0xb8;
	[tilespmem:$0x1F000] =	vst v63  }
0x131: {  	_ =	swait.ge [sflag:s24], $0x2000  }
0x132: {  	[sflag:s24] =	ssyncset.done $0x0  }
0x133: {  	[sflag:s24] =	ssyncadd.s32 $0xFFFFE000  }
0x134: {  	_ =	swait.ge [sflag:s25], $0x2000  }
0x135: {  	[sflag:s25] =	ssyncset.done $0x0  }
0x136: {  	s31 =	simm.s32 $0xE80;
	[sflag:s25] =	ssyncadd.s32 $0xFFFFE000  }
0x137: {  	[tilespmem:s8], [sflag:$0x2] =	stream.indirect.gather [hbm4b:s2+s6], $0x80, s31, s6, $0xb8;
	[tilespmem:$0x1F000] =	vst v63  }
0x138: {  	s28 =	simm.s32 $0x900  }
0x139: {  	[spmem:s18] =	stream.indirect.scatter.add.f32 [tilespmem:s10], [sflag:$0x7], $0x80, s28, s6, $0xb8;
	[tilespmem:$0x1F000] =	vst v63  }
0x13a: {  	_ =	swait.ge [sflag:s29], $0x2000  }
0x13b: {  	[sflag:s29] =	ssyncset.done $0x0  }
0x13c: {  	[sflag:s29] =	ssyncadd.s32 $0xFFFFE000  }
0x13d: {  	_ =	swait.ge [sflag:s30], $0x2000  }
0x13e: {  	[sflag:s30] =	ssyncset.done $0x0  }
0x13f: {  	s31 =	simm.s32 $0xF00;
	[sflag:s30] =	ssyncadd.s32 $0xFFFFE000  }
0x140: {  	[tilespmem:s10], [sflag:$0x3] =	stream.indirect.gather [hbm4b:s2+s6], $0x80, s31, s6, $0xb8;
	[tilespmem:$0x1F000] =	vst v63  }
0x141: {  	s28 =	simm.s32 $0x980  }
0x142: {  	[spmem:s18] =	stream.indirect.scatter.add.f32 [tilespmem:s21], [sflag:$0x8], $0x80, s28, s6, $0xb8;
	[tilespmem:$0x1F000] =	vst v63  }
0x143: {  	_ =	swait.ge [sflag:s13], $0x2000  }
0x144: {  	[sflag:s13] =	ssyncset.done $0x0  }
0x145: {  	[sflag:s13] =	ssyncadd.s32 $0xFFFFE000  }
0x146: {  	_ =	swait.ge [sflag:s3], $0x2000  }
0x147: {  	[sflag:s3] =	ssyncset.done $0x0  }
0x148: {  	s31 =	simm.s32 $0xF80;
	[sflag:s3] =	ssyncadd.s32 $0xFFFFE000  }
0x149: {  	[tilespmem:s21], [sflag:$0x4] =	stream.indirect.gather [hbm4b:s2+s6], $0x80, s31, s6, $0xb8;
	[tilespmem:$0x1F000] =	vst v63  }
0x14a: {  	_ = 	snop  }
0x14b: {  	[spmem:s18] =	stream.indirect.scatter.add.f32 [tilespmem:s7], [sflag:$0x5], $0x80, s17, s6, $0xb8;
	[tilespmem:$0x1F000] =	vst v63  }
0x14c: {  	_ =	swait.ge [sflag:s5], $0x2000  }
0x14d: {  	[sflag:s5] =	ssyncset.done $0x0  }
0x14e: {  	[sflag:s5] =	ssyncadd.s32 $0xFFFFE000  }
0x14f: {  	_ =	swait.ge [sflag:s0], $0x2000  }
0x150: {  	s26 =	simm.s32 @p0 $0x40;
	[sflag:s0] =	ssyncset.done $0x0  }
0x151: {  	s28 =	simm.s32 @p0 $0xA80;
	s31 =	simm.s32 @p0 $0x5000;
	[sflag:s0] =	ssyncadd.s32 $0xFFFFE000  }
0x152: {  	[spmem:s18] =	stream.indirect.scatter.add.f32 @p0 [tilespmem:s31], [sflag:$0x6], $0x80, s28, s26, $0xb8;
	[tilespmem:$0x1F000] =	vst v63  }
0x153: {  	s26 =	simm.s32 @p0 $0x3  }
0x154: {  	_ =	swait.ge @p0 [sflag:s26], $0x2000  }
0x155: {  	[sflag:s26] =	ssyncset.done @p0 $0x0  }
0x156: {  	[sflag:s26] =	ssyncadd.s32 @p0 $0xFFFFE000;
	s26 =	simm.s32 @p0 $0x6  }
0x157: {  	_ =	swait.ge @p0 [sflag:s26], $0x2000  }
0x158: {  	[sflag:s26] =	ssyncset.done @p0 $0x0  }
0x159: {  	s28 =	simm.s32 @!p0 $0x3000;
	[sflag:s26] =	ssyncadd.s32 @p0 $0xFFFFE000;
	s26 =	simm.s32 @!p0 $0x40  }
0x15a: {  	[tilespmem:s28], [sflag:$0x1] =	stream.indirect.gather @!p0 [hbm4b:s2+s26], $0x80, s23, s26, $0xb8;
	[tilespmem:$0x1F000] =	vst v63  }
0x15b: {  	s23 =	simm.s32 @!p0 $0xA80;
	s28 =	simm.s32 @!p0 $0x5000  }
0x15c: {  	[spmem:s18] =	stream.indirect.scatter.add.f32 @!p0 [tilespmem:s28], [sflag:$0x6], $0x80, s23, s26, $0xb8;
	[tilespmem:$0x1F000] =	vst v63  }
0x15d: {  	s23 =	simm.s32 @!p0 $0x3  }
0x15e: {  	_ =	swait.ge @!p0 [sflag:s23], $0x2000  }
0x15f: {  	[sflag:s23] =	ssyncset.done @!p0 $0x0  }
0x160: {  	[sflag:s23] =	ssyncadd.s32 @!p0 $0xFFFFE000;
	s23 =	simm.s32 @!p0 $0x6  }
0x161: {  	_ =	swait.ge @!p0 [sflag:s23], $0x2000  }
0x162: {  	[sflag:s23] =	ssyncset.done @!p0 $0x0  }
0x163: {  	[sflag:s23] =	ssyncadd.s32 @!p0 $0xFFFFE000;
	s23 =	simm.s32 @!p0 $0x480  }
0x164: {  	[tilespmem:s28], [sflag:$0x2] =	stream.indirect.gather @!p0 [hbm4b:s2+s26], $0x80, s23, s26, $0xb8;
	[tilespmem:$0x1F000] =	vst v63  }
0x165: {  	_ = 	snop  }
0x166: {  	[spmem:s18] =	stream.indirect.scatter.add.f32 [tilespmem:s10], [sflag:$0x7], $0x80, s9, s6, $0xb8;
	[tilespmem:$0x1F000] =	vst v63  }
0x167: {  	_ =	swait.ge [sflag:s29], $0x2000  }
.Ltmp2:
0x168: {  	[sflag:s29] =	ssyncset.done $0x0;
	(pc) =	sbr.rel @p0 .LBB2_4-.Ltmp2, $4  }
0x169: {  	[sflag:s29] =	ssyncadd.s32 $0xFFFFE000  }
0x16a: {  	_ =	swait.ge [sflag:s30], $0x2000  }
0x16b: {  	[sflag:s30] =	ssyncset.done $0x0  }
0x16c: {  	[sflag:s30] =	ssyncadd.s32 $0xFFFFE000  }
.Ltmp3:
0x16d: {  	(pc) =	sbr.rel .LBB2_2-.Ltmp3, $4  }
0x16e: {  	s23 =	simm.s32 $0x500  }
0x16f: {  	[tilespmem:s10], [sflag:$0x3] =	stream.indirect.gather [hbm4b:s2+s6], $0x80, s23, s6, $0xb8;
	[tilespmem:$0x1F000] =	vst v63  }
0x170: {  	s22 =	sadd.s32 $0x100, s22  }
0x171: {  	[spmem:s18] =	stream.indirect.scatter.add.f32 [tilespmem:s21], [sflag:$0x8], $0x80, s14, s6, $0xb8;
	[tilespmem:$0x1F000] =	vst v63  }
.LBB2_5:
0x172: {  	_ =	sfence.sel $0x180000  }
0x173: {  	[bflag:$0x0] =	sbarrier.arrive $0xFFFF  }
0x174: {  	_ =	strace $0x9000004D  }
0x175: {  	s0 =	stileid.u32;
	[bflag:$0x2] =	sbarrier.arrive $0xFFFF  }
0x176: {  	p0 =	sne.s32 s0, $0x0;
	s0 =	rddreg [dreg:$0x3]  }
0x177: {  	s0 =	sadd.s32 @!p0 $0x100000, s0  }
0x178: {  	[sflag:s0] =	ssyncadd.tile.s32 @!p0 $0x1;
	_ =	shalt  }
.Lfunc_end2:
_tile_overlayer_lowered:
.L_overlay_start_2:
0x179: {  	(tag) =	ssettag $0x2  }
0x17a: {  	s0 =	rddreg [dreg:$0x0];
	s2 =	stileid.u32  }
0x17b: {  	s1 =	rddreg [dreg:$0x1];
	p0 =	sne.s32 s2, $0x0  }
0x17c: {  	s3 =	rddreg [dreg:$0x2];
	[bflag:$0x3] =	sbarrier.arrive $0xFFFF;
	s2 =	simm.s32 @!p0 $0x1C09  }
0x17d: {  	[timem:s3], [sflag:s2] =	dma.local @!p0 [hbm:s0], s1  }
0x17e: {  	s0 =	simm.s32 @!p0 $0x9  }
0x17f: {  	_ =	swait.ge @!p0 [sflag:s0], s1  }
0x180: {  	s1 =	ssub.s32 @!p0 $0x0, s1;
	[sflag:s0] =	ssyncset.done @!p0 $0x0  }
0x181: {  	[sflag:s0] =	ssyncadd.s32 @!p0 s1  }
0x182: {  	[bflag:$0x3] =	sbarrier.arrive $0xFFFF  }
0x183: {  	_ =	shalt  }

// kernel: kernel.7.cloned.1.call-start
scs
__scs_entry_jumppad:
0x0: {  	(pc) =	sbr.rel $0x88, $3  }
0x1: {  	(tag) =	ssettag $0x0;
	lr =	simm.s32 $0x1  }
0x2: {  	[smem:$0x3F95] =	sst lr;
	_ =	strace $0xD0000000  }
0x3: {  	_ = 	snop  }
0x4: {  	_ = 	snop  }
0x5: {  	_ = 	snop  }
0x6: {  	_ = 	snop  }
0x7: {  	_ = 	snop  }
__scs_overlays_trampoline_lowered:
0x8: {  	[smem:$0x3FA4] =	sst s0  }
0x9: {  	[smem:$0x3FA5] =	sst s1  }
0xa: {  	[smem:$0x3FA6] =	sst s2  }
0xb: {  	[smem:$0x3FA7] =	sst s3  }
0xc: {  	[smem:$0x3FA8] =	sst s4  }
0xd: {  	[smem:$0x3FA9] =	sst s5  }
0xe: {  	[smem:$0x3FAA] =	sst s6  }
0xf: {  	[smem:$0x3FAB] =	sst s7  }
0x10: {  	[smem:$0x3FAC] =	sst s8  }
0x11: {  	[smem:$0x3FAD] =	sst s9;
	s0 =	simm.s32 @!p0 $0x0  }
0x12: {  	s1 =	sld [smem:$0x3F93];
	s0 =	simm.s32 @p0 $0x1  }
0x13: {  	[smem:$0x3FAE] =	sst s0;
	s0 =	simm.s32 @!p1 $0x0  }
0x14: {  	s2 =	sld [smem:$0x3F92];
	s0 =	simm.s32 @p1 $0x1  }
0x15: {  	[smem:$0x3FAF] =	sst s0;
	s0 =	simm.s32 @!p2 $0x0  }
0x16: {  	s3 =	sld [smem:$0x3FDB];
	s0 =	simm.s32 @p2 $0x1  }
0x17: {  	s4 =	simm.s32 $0x1BF5;
	[smem:$0x3FB1] =	sst s0  }
0x18: {  	s0 =	sld [smem:$0x3F94];
	_ =	swait.ge [sflag:s4], $0x0  }
0x19: {  	s7 =	sld [smem:$0x3F95]  }
0x1a: {  	s8 =	sadd.s32 $0xFFFFE003, lr  }
0x1b: {  	s9 =	sadd.s32 $0xFFFFFEF7, lr;
	s5 =	simm.s32 $0xFFFFFFFF;
	p2 =	slt.u32 s8, $0xFFFFF086  }
0x1c: {  	p1 =	slt.u32 s9, $0xF7A;
	s5 =	simm.s32 @!p2 $0x0  }
0x1d: {  	s5 =	simm.s32 @p1 $0x1;
	p0 =	seq.s32 s7, s2  }
0x1e: {  	s7 =	smul.u32 @!p0 $0xF7A, s2;
	p2 =	seq.s32 @!p0 s5, $0x0  }
0x1f: {  	s9 =	smul.u32 $0xF7A, s1;
	s8 =	simm.s32 @!p0 $0x1BF5;
	p2 =	por !p2, p0  }
0x20: {  	[sflag:s8] =	ssyncset.s32 @!p0 $0xFFFFF086;
	s6 =	sadd.s32 @!p0 s3, s7;
	s7 =	simm.s32 @!p0 $0x108  }
0x21: {  	s3 =	sadd.s32 s3, s9;
	s6 =	sadd.s32 @!p0 $0x88, s6;
	s7 =	simm.s32 @p2 $0x1082  }
0x22: {  	[simem:s7], [sflag:s8] =	dma.local @!p0 [hbm:s6], $0xF7A  }
0x23: {  	s9 =	sor.u32 $0xD0000000, s2;
	s6 =	simm.s32 $0x108;
	_ =	swait.ge @!p0 [sflag:s8], $0x0  }
0x24: {  	s3 =	sadd.s32 $0x88, s3;
	s6 =	simm.s32 @!p1 $0x1082;
	[sflag:s4] =	ssyncset.s32 $0xFFFFF086  }
0x25: {  	[simem:s6], [sflag:s4] =	dma.local [hbm:s3], $0xF7A  }
0x26: {  	[smem:$0x3F95] =	sst s1;
	(tag) =	ssettag s2;
	_ =	strace s9  }
0x27: {  	s1 =	sld [smem:$0x3FA5]  }
0x28: {  	s2 =	sld [smem:$0x3FA6]  }
0x29: {  	s4 =	sld [smem:$0x3FA8]  }
0x2a: {  	p0 =	seq.s32 s5, $0x0;
	s5 =	sld [smem:$0x3FA9]  }
0x2b: {  	s6 =	sld [smem:$0x3FAA]  }
0x2c: {  	s7 =	sld [smem:$0x3FAB]  }
0x2d: {  	s3 =	simm.s32 $0x108;
	s8 =	sld [smem:$0x3FAC]  }
0x2e: {  	s3 =	simm.s32 @!p0 $0x1082;
	s9 =	sld [smem:$0x3FAD]  }
0x2f: {  	lr =	sadd.s32 s0, s3;
	s0 =	sld [smem:$0x3FA4]  }
0x30: {  	s3 =	sld [smem:$0x3FA7]  }
0x31: {  	[smem:$0x3FB0] =	sst s10  }
0x32: {  	s10 =	sld [smem:$0x3FAE];
	_ =	sdelay $0x3  }
0x33: {  	p0 =	seq.s32 s10, $0x1;
	s10 =	sld [smem:$0x3FB0];
	_ =	sdelay $0x3  }
0x34: {  	[smem:$0x3FB0] =	sst s10  }
0x35: {  	s10 =	sld [smem:$0x3FAF];
	_ =	sdelay $0x3  }
0x36: {  	p1 =	seq.s32 s10, $0x1;
	s10 =	sld [smem:$0x3FB0];
	_ =	sdelay $0x3  }
0x37: {  	[smem:$0x3FB0] =	sst s10  }
0x38: {  	s10 =	sld [smem:$0x3FB1]  }
0x39: {  	_ = 	snop;
	(pc) =	sbr.ind lr, $3  }
0x3a: {  	_ = 	snop  }
0x3b: {  	_ = 	snop  }
0x3c: {  	p2 =	seq.s32 s10, $0x1;
	s10 =	sld [smem:$0x3FB0]  }
0x3d: {  	_ =	shalt  }
0x3e: {  	_ =	shalt  }
0x3f: {  	_ =	shalt  }
0x40: {  	_ =	shalt  }
0x41: {  	_ =	shalt  }
0x42: {  	_ =	shalt  }
0x43: {  	_ =	shalt  }
0x44: {  	_ =	shalt  }
0x45: {  	_ =	shalt  }
0x46: {  	_ =	shalt  }
0x47: {  	_ =	shalt  }
0x48: {  	_ =	shalt  }
0x49: {  	_ =	shalt  }
0x4a: {  	_ =	shalt  }
0x4b: {  	_ =	shalt  }
0x4c: {  	_ =	shalt  }
0x4d: {  	_ =	shalt  }
0x4e: {  	_ =	shalt  }
0x4f: {  	_ =	shalt  }
0x50: {  	_ =	shalt  }
0x51: {  	_ =	shalt  }
0x52: {  	_ =	shalt  }
0x53: {  	_ =	shalt  }
0x54: {  	_ =	shalt  }
0x55: {  	_ =	shalt  }
0x56: {  	_ =	shalt  }
0x57: {  	_ =	shalt  }
0x58: {  	_ =	shalt  }
0x59: {  	_ =	shalt  }
0x5a: {  	_ =	shalt  }
0x5b: {  	_ =	shalt  }
0x5c: {  	_ =	shalt  }
0x5d: {  	_ =	shalt  }
0x5e: {  	_ =	shalt  }
0x5f: {  	_ =	shalt  }
0x60: {  	_ =	shalt  }
0x61: {  	_ =	shalt  }
0x62: {  	_ =	shalt  }
0x63: {  	_ =	shalt  }
0x64: {  	_ =	shalt  }
0x65: {  	_ =	shalt  }
0x66: {  	_ =	shalt  }
0x67: {  	_ =	shalt  }
0x68: {  	_ =	shalt  }
0x69: {  	_ =	shalt  }
0x6a: {  	_ =	shalt  }
0x6b: {  	_ =	shalt  }
0x6c: {  	_ =	shalt  }
0x6d: {  	_ =	shalt  }
0x6e: {  	_ =	shalt  }
0x6f: {  	_ =	shalt  }
0x70: {  	_ =	shalt  }
0x71: {  	_ =	shalt  }
0x72: {  	_ =	shalt  }
0x73: {  	_ =	shalt  }
0x74: {  	_ =	shalt  }
0x75: {  	_ =	shalt  }
0x76: {  	_ =	shalt  }
0x77: {  	_ =	shalt  }
0x78: {  	_ =	shalt  }
0x79: {  	_ =	shalt  }
0x7a: {  	_ =	shalt  }
0x7b: {  	_ =	shalt  }
0x7c: {  	_ =	shalt  }
0x7d: {  	_ =	shalt  }
0x7e: {  	_ =	shalt  }
0x7f: {  	_ =	shalt  }
0x80: {  	_ =	shalt  }
0x81: {  	_ =	shalt  }
0x82: {  	_ =	shalt  }
0x83: {  	_ =	shalt  }
0x84: {  	_ =	shalt  }
0x85: {  	_ =	shalt  }
0x86: {  	_ =	shalt  }
0x87: {  	_ =	shalt  }
.Lfunc_end0:
.L_simem_size_0:
called_computation_lowered:
.L_overlay_start_0:
0x88: {  	s2 =	sld [smem:$0x3FD9]  }
0x89: {  	s3 =	sld [smem:$0x3FFE];
	_ =	sdelay $0x1  }
0x8a: {  	s1 =	srdreg.scid  }
0x8b: {  	s0 =	sand.u32 $0x1, s1  }
0x8c: {  	s17 =	sshll.u32 s0, $0xA;
	s2 =	sadd.s32 s3, s2  }
0x8d: {  	s2 =	sadd.s32 s2, s17  }
0x8e: {  	[smem:$0x3FBC] =	sst s2  }
0x8f: {  	_ = 	snop  }
0x90: {  	(tm) =	ssettm $0x1  }
0x91: {  	s18 =	sld [smem:$0x3FFB];
	_ =	sdelay $0x3  }
0x92: {  	_ =	strace s18  }
0x93: {  	s2 =	sld [smem:$0x3FFC];
	_ =	sdelay $0x3  }
0x94: {  	_ =	strace s2  }
0x95: {  	s2 =	sld [smem:$0x3FFD];
	_ =	sdelay $0x3  }
0x96: {  	_ =	strace s2  }
0x97: {  	_ =	strace $0x8FFFFFFF  }
0x98: {  	s19 =	sld [smem:$0x3FDB];
	_ =	sdelay $0x1  }
0x99: {  	s20 =	simm.s32 $_scs_section_size  }
0x9a: {  	s4 =	simm.s32 $_size__tile_overlayer_lowered;
	s5 =	simm.s32 $_tile_overlayer_lowered  }
0x9b: {  	s6 =	simm.s32 $0x1BFF;
	s21 =	sshll.u32 s5, $0x1;
	s3 =	sadd.s32 s20, s19  }
0x9c: {  	s22 =	simm.s32 $0x0;
	s4 =	sshll.u32 s4, $0x1;
	s5 =	sadd.s32 s21, s3  }
0x9d: {  	[timem:s22], [sflag:s6] =	dma.local [hbm:s5], s4  }
0x9e: {  	_ =	swait.ge [sflag:s6], s4  }
0x9f: {  	s4 =	ssub.s32 $0x0, s4;
	[sflag:s6] =	ssyncset.done $0x0  }
0xa0: {  	[sflag:s6] =	ssyncadd.s32 s4;
	_ =	sdelay $0x1  }
0xa1: {  	s23 =	simm.s32 $0x1B8B  }
0xa2: {  	_ =	swait.ge [sflag:s23], $0x1  }
0xa3: {  	[sflag:s23] =	ssyncset.done $0x0  }
0xa4: {  	[sflag:s23] =	ssyncadd.s32 $0xFFFFFFFF  }
0xa5: {  	s4 =	sld [smem:$0x0]  }
0xa6: {  	s5 =	sand.u32 $0xFFFFFFFE, s1  }
0xa7: {  	p0 =	sne.s32 s1, s5  }
0xa8: {  	s5 =	sshll.u32 @p0 s5, $0xE  }
0xa9: {  	s5 =	sadd.s32 @p0 $0x11B8D, s5;
	s6 =	sshll.u32 @p0 s4, $0x11  }
0xaa: {  	s5 =	sor.u32 @p0 s6, s5  }
0xab: {  	[sflag:s5] =	ssyncadd.remote.s32 @p0 $0x1;
	_ =	sdelay $0x1  }
0xac: {  	s5 =	simm.s32 @p0 $0x1B8D  }
0xad: {  	_ =	swait.eq @p0 [sflag:s5], $0x1  }
0xae: {  	[sflag:s5] =	ssyncadd.s32 @p0 $0xFFFFFFFF  }
0xaf: {  	s6 =	sshll.u32 @!p0 s1, $0xE  }
0xb0: {  	s6 =	sor.u32 @!p0 $0x4000, s6;
	s5 =	simm.s32 @!p0 $0x1B8D  }
0xb1: {  	s4 =	sshll.u32 @!p0 s4, $0x11;
	s6 =	sadd.s32 @!p0 $0x11B8D, s6;
	_ =	swait.eq @!p0 [sflag:s5], $0x1  }
0xb2: {  	s4 =	sor.u32 @!p0 s4, s6;
	[sflag:s5] =	ssyncadd.s32 @!p0 $0xFFFFFFFF  }
0xb3: {  	s25 =	simm.s32 $0x1B8E;
	s24 =	sld [smem:$0x3FFE];
	[sflag:s4] =	ssyncadd.remote.s32 @!p0 $0x1  }
0xb4: {  	s26 =	simm.s32 $execute0_lowered;
	[smem:$0x3FD2] =	sst s25  }
0xb5: {  	s5 =	sshll.u32 s26, $0x1;
	_ =	strace $0x80000049;
	[dreg:$0x1] =	wrdreg $0xFFFFFFFF  }
0xb6: {  	s28 =	simm.s32 $_size_execute0_lowered;
	s3 =	sadd.s32 s3, s5;
	[dreg:$0x0] =	wrdreg $0x0  }
0xb7: {  	s5 =	sshll.u32 s28, $0x1;
	[dreg:$0x2] =	wrdreg s3  }
0xb8: {  	[dreg:$0x3] =	wrdreg s5  }
0xb9: {  	[dreg:$0x4] =	wrdreg $0xC0  }
0xba: {  	_ =	task [dreg:s22], $0x5FFFF  }
0xbb: {  	[dreg:$0x1] =	wrdreg $0xFFFFFFFF  }
0xbc: {  	[dreg:$0x0] =	wrdreg $0x60  }
0xbd: {  	[dreg:$0x2] =	wrdreg s24  }
0xbe: {  	[dreg:$0x3] =	wrdreg $0x44000  }
0xbf: {  	[dreg:$0x4] =	wrdreg $0x9  }
0xc0: {  	_ =	task.clear_ibuf [dreg:s22], $0x5FFFF;
	_ =	strace $0x90000049  }
0xc1: {  	s29 =	simm.s32 $0x9;
	_ =	strace $0x8000004B  }
0xc2: {  	_ =	swait.ge [sflag:s29], $0x1  }
0xc3: {  	[sflag:s29] =	ssyncadd.s32 $0xFFFFFFFF  }
0xc4: {  	_ =	strace $0x9000004B  }
0xc5: {  	_ =	sfence  }
0xc6: {  	s30 =	sld [smem:$0x0];
	_ =	sdelay $0x2  }
0xc7: {  	s31 =	sshll.u32 s1, $0xD;
	s1 =	sshrl.u32 s1, $0x2  }
0xc8: {  	s4 =	sand.u32 $0x4000, s31;
	s1 =	sadd.s32 s1, s30  }
0xc9: {  	s0 =	sor.u32 s4, s0;
	s1 =	sshll.u32 s1, $0x11  }
0xca: {  	s0 =	sor.u32 s1, s0  }
0xcb: {  	s0 =	sadd.s32 $0x8F2B, s0  }
0xcc: {  	[sflag:s0] =	ssyncadd.remote.s32 $0x1  }
0xcd: {  	_ =	sfence.sel $0xFFFF  }
0xce: {  	[dreg:$0x0] =	wrdreg $0xFFFFFFFF;
	(pc) =	sbr.abs _section_cstart, $3  }
0xcf: {  	[dreg:$0x1] =	wrdreg $0xFFFFFFFF  }
0xd0: {  	_ =	task.clear_ibuf [dreg:s22], $0x2FFFF;
	_ =	strace $0x9FFFFFFF  }
0xd1: {  	(tm) =	ssettm $0x7FFFFFFF  }
tec
execute0_lowered:
.L_overlay_start_1:
0x0: {  	(tag) =	ssettag $0x1  }
0x1: {  	s0 =	srdreg.scid  }
0x2: {  	s1 =	rddreg [dreg:$0x0];
	s31 =	stileid.u32  }
0x3: {  	s2 =	rddreg [dreg:$0x1];
	s3 =	simm.s32 $0x0;
	s20 =	simm.s32 $0x80  }
0x4: {  	s21 =	simm.s32 $0x100;
	s22 =	simm.s32 $0x180;
	s23 =	simm.s32 $0x200  }
0x5: {  	s24 =	simm.s32 $0x280;
	s25 =	simm.s32 $0x300;
	s5 =	smul.u32 $0x5000, s31  }
0x6: {  	s26 =	simm.s32 $0x380;
	s28 =	simm.s32 $0x1;
	s6 =	smul.u32 $0x50000, s31  }
0x7: {  	s29 =	simm.s32 $0x0;
	s7 =	sand.u32 $0x1, s0;
	s10 =	smul.u32 $0x14000, s31  }
0x8: {  	[smem:$0x7FF] =	sst s3;
	s4 =	smul.u32 $0x50000, s7;
	s8 =	ssub.s32 $0x2, s7  }
0x9: {  	_ =	strace $0x8000004A;
	s15 =	smul.u32 $0x140000, s7;
	s9 =	sshrl.u32 s8, $0x1  }
0xa: {  	s6 =	sshrl.u32 s6, $0x2;
	s11 =	sadd.s32 $0x4000, s10;
	s13 =	sadd.s32 $0x8000, s10  }
0xb: {  	s14 =	sadd.s32 $0xC000, s10;
	s18 =	sadd.s32 $0x10000, s10;
	s4 =	sadd.s32 s5, s4  }
0xc: {  	s5 =	sadd.s32 $0xB8E00, s1;
	s16 =	ssub.s32 s8, s9;
	s6 =	sadd.s32 s6, s2  }
0xd: {  	s7 =	sadd.s32 s11, s2;
	s8 =	sadd.s32 s13, s2;
	s9 =	sadd.s32 s14, s2  }
0xe: {  	s12 =	sadd.s32 s10, s15;
	s11 =	sadd.s32 s15, s11;
	s10 =	sadd.s32 s18, s2  }
0xf: {  	s13 =	sadd.s32 s15, s13;
	s14 =	sadd.s32 s15, s14;
	s15 =	sadd.s32 s15, s18  }
0x10: {  	s18 =	simm.s32 $0x400;
	s4 =	sshrl.u32 s4, $0x3;
	s12 =	sshrl.u32 s12, $0x3  }
0x11: {  	s19 =	sshrl.u32 s11, $0x3;
	s13 =	sshrl.u32 s13, $0x3;
	s14 =	sshrl.u32 s14, $0x3  }
0x12: {  	s17 =	sadd.s32 s4, s1;
	s4 =	sadd.s32 $0x54600, s1;
	s1 =	sadd.s32 $0xB9600, s1  }
0x13: {  	s15 =	sshrl.u32 s15, $0x3;
	s16 =	smax.u32 s16, $0x1;
	s11 =	sadd.s32 s1, s12  }
0x14: {  	s12 =	sadd.s32 s1, s19;
	s13 =	sadd.s32 s1, s13;
	s14 =	sadd.s32 s1, s14  }
0x15: {  	s15 =	sadd.s32 s1, s15;
	s17 =	sadd.s32 $0xA4E00, s17;
	s19 =	simm.s32 $0x2  }
.LBB2_1:
0x16: {  	[tilespmem:s18], [sflag:$0x2] =	stream.linear.gather [hbm4b:s4+s3], $0x4000, $0x38;
	[tilespmem:$0x18400] =	vst v63  }
0x17: {  	_ =	swait.ge [sflag:s19], $0x4000  }
0x18: {  	[sflag:s19] =	ssyncset.done $0x0  }
0x19: {  	[sflag:s19] =	ssyncadd.s32 $0xFFFFC000  }
0x1a: {  	[spmem:s6] =	stream.linear.scatter [tilespmem:s18], [sflag:$0x2], $0x4000, $0x38;
	[tilespmem:$0x18400] =	vst v63  }
0x1b: {  	_ =	swait.ge [sflag:s19], $0x4000  }
0x1c: {  	[sflag:s19] =	ssyncset.done $0x0  }
0x1d: {  	[sflag:s19] =	ssyncadd.s32 $0xFFFFC000  }
0x1e: {  	[spmem:s7] =	stream.linear.scatter [tilespmem:s18], [sflag:$0x2], $0x4000, $0x38;
	[tilespmem:$0x18400] =	vst v63  }
0x1f: {  	_ =	swait.ge [sflag:s19], $0x4000  }
0x20: {  	[sflag:s19] =	ssyncset.done $0x0  }
0x21: {  	[sflag:s19] =	ssyncadd.s32 $0xFFFFC000  }
0x22: {  	[spmem:s8] =	stream.linear.scatter [tilespmem:s18], [sflag:$0x2], $0x4000, $0x38;
	[tilespmem:$0x18400] =	vst v63  }
0x23: {  	_ =	swait.ge [sflag:s19], $0x4000  }
0x24: {  	[sflag:s19] =	ssyncset.done $0x0  }
0x25: {  	[sflag:s19] =	ssyncadd.s32 $0xFFFFC000  }
0x26: {  	[spmem:s9] =	stream.linear.scatter [tilespmem:s18], [sflag:$0x2], $0x4000, $0x38;
	[tilespmem:$0x18400] =	vst v63  }
0x27: {  	_ =	swait.ge [sflag:s19], $0x4000  }
0x28: {  	[sflag:s19] =	ssyncset.done $0x0  }
0x29: {  	[sflag:s19] =	ssyncadd.s32 $0xFFFFC000  }
0x2a: {  	[spmem:s10] =	stream.linear.scatter [tilespmem:s18], [sflag:$0x2], $0x4000, $0x38;
	[tilespmem:$0x18400] =	vst v63  }
0x2b: {  	_ =	swait.ge [sflag:s19], $0x4000  }
0x2c: {  	[sflag:s19] =	ssyncset.done $0x0  }
0x2d: {  	[sflag:s19] =	ssyncadd.s32 $0xFFFFC000  }
0x2e: {  	[tilespmem:s18], [sflag:$0x2] =	stream.linear.gather [hbm4b:s5+s3], $0x4000, $0x38;
	[tilespmem:$0x18400] =	vst v63  }
0x2f: {  	_ =	swait.ge [sflag:s19], $0x4000  }
0x30: {  	[sflag:s19] =	ssyncset.done $0x0  }
0x31: {  	[sflag:s19] =	ssyncadd.s32 $0xFFFFC000  }
0x32: {  	s1 =	sadd.s32 $0x0, s17;
	[bflag:$0x0] =	sbarrier.arrive $0xFFFF  }
0x33: {  	[tilespmem:s3], [sflag:$0x2] =	stream.linear.gather [hbm4b:s1+s3], $0x400, $0x38;
	[tilespmem:$0x18400] =	vst v63  }
0x34: {  	_ =	swait.ge [sflag:s19], $0x400  }
0x35: {  	[sflag:s19] =	ssyncset.done $0x0  }
0x36: {  	[sflag:s19] =	ssyncadd.s32 $0xFFFFFC00  }
0x37: {  	[spmem:s2] =	stream.indirect.scatter.add.f32 [tilespmem:s18], [sflag:$0x1], $0x80, s3, s20, $0xb8;
	[tilespmem:$0x18400] =	vst v63  }
0x38: {  	_ = 	snop  }
0x39: {  	[spmem:s2] =	stream.indirect.scatter.add.f32 [tilespmem:s18], [sflag:$0x1], $0x80, s20, s20, $0xb8;
	[tilespmem:$0x18400] =	vst v63  }
0x3a: {  	_ = 	snop  }
0x3b: {  	[spmem:s2] =	stream.indirect.scatter.add.f32 [tilespmem:s18], [sflag:$0x1], $0x80, s21, s20, $0xb8;
	[tilespmem:$0x18400] =	vst v63  }
0x3c: {  	_ = 	snop  }
0x3d: {  	[spmem:s2] =	stream.indirect.scatter.add.f32 [tilespmem:s18], [sflag:$0x1], $0x80, s22, s20, $0xb8;
	[tilespmem:$0x18400] =	vst v63  }
0x3e: {  	_ = 	snop  }
0x3f: {  	[spmem:s2] =	stream.indirect.scatter.add.f32 [tilespmem:s18], [sflag:$0x1], $0x80, s23, s20, $0xb8;
	[tilespmem:$0x18400] =	vst v63  }
0x40: {  	_ = 	snop  }
0x41: {  	[spmem:s2] =	stream.indirect.scatter.add.f32 [tilespmem:s18], [sflag:$0x1], $0x80, s24, s20, $0xb8;
	[tilespmem:$0x18400] =	vst v63  }
0x42: {  	_ = 	snop  }
0x43: {  	[spmem:s2] =	stream.indirect.scatter.add.f32 [tilespmem:s18], [sflag:$0x1], $0x80, s25, s20, $0xb8;
	[tilespmem:$0x18400] =	vst v63  }
0x44: {  	_ = 	snop  }
0x45: {  	[spmem:s2] =	stream.indirect.scatter.add.f32 [tilespmem:s18], [sflag:$0x1], $0x80, s26, s20, $0xb8;
	[tilespmem:$0x18400] =	vst v63  }
0x46: {  	_ =	swait.ge [sflag:s28], $0x4000  }
0x47: {  	[sflag:s28] =	ssyncset.done $0x0  }
0x48: {  	[sflag:s28] =	ssyncadd.s32 $0xFFFFC000  }
0x49: {  	_ =	swait.ge [sflag:s28], $0x4000  }
0x4a: {  	[sflag:s28] =	ssyncset.done $0x0  }
0x4b: {  	[sflag:s28] =	ssyncadd.s32 $0xFFFFC000  }
0x4c: {  	_ =	swait.ge [sflag:s28], $0x4000  }
0x4d: {  	[sflag:s28] =	ssyncset.done $0x0  }
0x4e: {  	[sflag:s28] =	ssyncadd.s32 $0xFFFFC000  }
0x4f: {  	_ =	swait.ge [sflag:s28], $0x4000  }
0x50: {  	[sflag:s28] =	ssyncset.done $0x0  }
0x51: {  	[sflag:s28] =	ssyncadd.s32 $0xFFFFC000  }
0x52: {  	_ =	swait.ge [sflag:s28], $0x4000  }
0x53: {  	[sflag:s28] =	ssyncset.done $0x0  }
0x54: {  	[sflag:s28] =	ssyncadd.s32 $0xFFFFC000  }
0x55: {  	_ =	swait.ge [sflag:s28], $0x4000  }
0x56: {  	[sflag:s28] =	ssyncset.done $0x0  }
0x57: {  	[sflag:s28] =	ssyncadd.s32 $0xFFFFC000  }
0x58: {  	_ =	swait.ge [sflag:s28], $0x4000  }
0x59: {  	[sflag:s28] =	ssyncset.done $0x0  }
0x5a: {  	[sflag:s28] =	ssyncadd.s32 $0xFFFFC000  }
0x5b: {  	_ =	swait.ge [sflag:s28], $0x4000  }
0x5c: {  	s30 =	simm.s32 $0x80;
	s31 =	simm.s32 $0x100;
	[sflag:s28] =	ssyncset.done $0x0  }
.LBB2_2:
0x5d: {  	s0 =	sadd.s32 s30, s17  }
0x5e: {  	[sflag:s28] =	ssyncadd.s32 $0xFFFFC000;
	s30 =	smov.u32 s31;
	s1 =	sadd.s32 $0x80, s31  }
0x5f: {  	[tilespmem:s3], [sflag:$0x2] =	stream.linear.gather [hbm4b:s0+s3], $0x400, $0x38;
	[tilespmem:$0x18400] =	vst v63  }
0x60: {  	p0 =	sne.s32 s31, $0x980;
	_ =	swait.ge [sflag:s19], $0x400  }
0x61: {  	[sflag:s19] =	ssyncset.done $0x0  }
0x62: {  	[sflag:s19] =	ssyncadd.s32 $0xFFFFFC00  }
0x63: {  	[spmem:s2] =	stream.indirect.scatter.add.f32 [tilespmem:s18], [sflag:$0x1], $0x80, s3, s20, $0xb8;
	[tilespmem:$0x18400] =	vst v63  }
0x64: {  	_ = 	snop  }
0x65: {  	[spmem:s2] =	stream.indirect.scatter.add.f32 [tilespmem:s18], [sflag:$0x1], $0x80, s20, s20, $0xb8;
	[tilespmem:$0x18400] =	vst v63  }
0x66: {  	_ = 	snop  }
0x67: {  	[spmem:s2] =	stream.indirect.scatter.add.f32 [tilespmem:s18], [sflag:$0x1], $0x80, s21, s20, $0xb8;
	[tilespmem:$0x18400] =	vst v63  }
0x68: {  	_ = 	snop  }
0x69: {  	[spmem:s2] =	stream.indirect.scatter.add.f32 [tilespmem:s18], [sflag:$0x1], $0x80, s22, s20, $0xb8;
	[tilespmem:$0x18400] =	vst v63  }
0x6a: {  	_ = 	snop  }
0x6b: {  	[spmem:s2] =	stream.indirect.scatter.add.f32 [tilespmem:s18], [sflag:$0x1], $0x80, s23, s20, $0xb8;
	[tilespmem:$0x18400] =	vst v63  }
0x6c: {  	_ = 	snop  }
0x6d: {  	[spmem:s2] =	stream.indirect.scatter.add.f32 [tilespmem:s18], [sflag:$0x1], $0x80, s24, s20, $0xb8;
	[tilespmem:$0x18400] =	vst v63  }
0x6e: {  	_ = 	snop  }
0x6f: {  	[spmem:s2] =	stream.indirect.scatter.add.f32 [tilespmem:s18], [sflag:$0x1], $0x80, s25, s20, $0xb8;
	[tilespmem:$0x18400] =	vst v63  }
0x70: {  	_ = 	snop  }
0x71: {  	[spmem:s2] =	stream.indirect.scatter.add.f32 [tilespmem:s18], [sflag:$0x1], $0x80, s26, s20, $0xb8;
	[tilespmem:$0x18400] =	vst v63  }
0x72: {  	_ =	swait.ge [sflag:s28], $0x4000  }
0x73: {  	[sflag:s28] =	ssyncset.done $0x0  }
0x74: {  	[sflag:s28] =	ssyncadd.s32 $0xFFFFC000  }
0x75: {  	_ =	swait.ge [sflag:s28], $0x4000  }
0x76: {  	[sflag:s28] =	ssyncset.done $0x0  }
0x77: {  	[sflag:s28] =	ssyncadd.s32 $0xFFFFC000  }
0x78: {  	_ =	swait.ge [sflag:s28], $0x4000  }
0x79: {  	[sflag:s28] =	ssyncset.done $0x0  }
0x7a: {  	[sflag:s28] =	ssyncadd.s32 $0xFFFFC000  }
0x7b: {  	_ =	swait.ge [sflag:s28], $0x4000  }
0x7c: {  	[sflag:s28] =	ssyncset.done $0x0  }
0x7d: {  	[sflag:s28] =	ssyncadd.s32 $0xFFFFC000  }
0x7e: {  	_ =	swait.ge [sflag:s28], $0x4000  }
0x7f: {  	[sflag:s28] =	ssyncset.done $0x0  }
0x80: {  	[sflag:s28] =	ssyncadd.s32 $0xFFFFC000  }
0x81: {  	_ =	swait.ge [sflag:s28], $0x4000  }
0x82: {  	[sflag:s28] =	ssyncset.done $0x0  }
0x83: {  	[sflag:s28] =	ssyncadd.s32 $0xFFFFC000  }
.Ltmp0:
0x84: {  	_ =	swait.ge [sflag:s28], $0x4000;
	(pc) =	sbr.rel @p0 .LBB2_2-.Ltmp0, $4  }
0x85: {  	[sflag:s28] =	ssyncset.done $0x0  }
0x86: {  	[sflag:s28] =	ssyncadd.s32 $0xFFFFC000  }
0x87: {  	_ =	swait.ge [sflag:s28], $0x4000  }
0x88: {  	s31 =	smov.u32 s1;
	[sflag:s28] =	ssyncset.done $0x0  }
0x89: {  	s0 =	sadd.s32 s30, s17;
	[sflag:s28] =	ssyncadd.s32 $0xFFFFC000  }
0x8a: {  	[tilespmem:s3], [sflag:$0x2] =	stream.linear.gather [hbm4b:s0+s3], $0x400, $0x38;
	[tilespmem:$0x18400] =	vst v63  }
0x8b: {  	_ =	swait.ge [sflag:s19], $0x400  }
0x8c: {  	[sflag:s19] =	ssyncset.done $0x0  }
0x8d: {  	[sflag:s19] =	ssyncadd.s32 $0xFFFFFC00  }
0x8e: {  	[spmem:s2] =	stream.indirect.scatter.add.f32 [tilespmem:s18], [sflag:$0x1], $0x80, s3, s20, $0xb8;
	[tilespmem:$0x18400] =	vst v63  }
0x8f: {  	_ = 	snop  }
0x90: {  	[spmem:s2] =	stream.indirect.scatter.add.f32 [tilespmem:s18], [sflag:$0x1], $0x80, s20, s20, $0xb8;
	[tilespmem:$0x18400] =	vst v63  }
0x91: {  	_ = 	snop  }
0x92: {  	[spmem:s2] =	stream.indirect.scatter.add.f32 [tilespmem:s18], [sflag:$0x1], $0x80, s21, s20, $0xb8;
	[tilespmem:$0x18400] =	vst v63  }
0x93: {  	_ = 	snop  }
0x94: {  	[spmem:s2] =	stream.indirect.scatter.add.f32 [tilespmem:s18], [sflag:$0x1], $0x80, s22, s20, $0xb8;
	[tilespmem:$0x18400] =	vst v63  }
0x95: {  	_ = 	snop  }
0x96: {  	[spmem:s2] =	stream.indirect.scatter.add.f32 [tilespmem:s18], [sflag:$0x1], $0x80, s23, s20, $0xb8;
	[tilespmem:$0x18400] =	vst v63  }
0x97: {  	_ = 	snop  }
0x98: {  	[spmem:s2] =	stream.indirect.scatter.add.f32 [tilespmem:s18], [sflag:$0x1], $0x80, s24, s20, $0xb8;
	[tilespmem:$0x18400] =	vst v63  }
0x99: {  	_ = 	snop  }
0x9a: {  	[spmem:s2] =	stream.indirect.scatter.add.f32 [tilespmem:s18], [sflag:$0x1], $0x80, s25, s20, $0xb8;
	[tilespmem:$0x18400] =	vst v63  }
0x9b: {  	_ = 	snop  }
0x9c: {  	[spmem:s2] =	stream.indirect.scatter.add.f32 [tilespmem:s18], [sflag:$0x1], $0x80, s26, s20, $0xb8;
	[tilespmem:$0x18400] =	vst v63  }
0x9d: {  	_ =	swait.ge [sflag:s28], $0x4000  }
0x9e: {  	[sflag:s28] =	ssyncset.done $0x0  }
0x9f: {  	[sflag:s28] =	ssyncadd.s32 $0xFFFFC000  }
0xa0: {  	_ =	swait.ge [sflag:s28], $0x4000  }
0xa1: {  	[sflag:s28] =	ssyncset.done $0x0  }
0xa2: {  	[sflag:s28] =	ssyncadd.s32 $0xFFFFC000  }
0xa3: {  	_ =	swait.ge [sflag:s28], $0x4000  }
0xa4: {  	[sflag:s28] =	ssyncset.done $0x0  }
0xa5: {  	[sflag:s28] =	ssyncadd.s32 $0xFFFFC000  }
0xa6: {  	_ =	swait.ge [sflag:s28], $0x4000  }
0xa7: {  	[sflag:s28] =	ssyncset.done $0x0  }
0xa8: {  	[sflag:s28] =	ssyncadd.s32 $0xFFFFC000  }
0xa9: {  	_ =	swait.ge [sflag:s28], $0x4000  }
0xaa: {  	[sflag:s28] =	ssyncset.done $0x0  }
0xab: {  	[sflag:s28] =	ssyncadd.s32 $0xFFFFC000  }
0xac: {  	_ =	swait.ge [sflag:s28], $0x4000  }
0xad: {  	[sflag:s28] =	ssyncset.done $0x0  }
0xae: {  	[sflag:s28] =	ssyncadd.s32 $0xFFFFC000  }
0xaf: {  	_ =	swait.ge [sflag:s28], $0x4000  }
0xb0: {  	[sflag:s28] =	ssyncset.done $0x0  }
0xb1: {  	[sflag:s28] =	ssyncadd.s32 $0xFFFFC000  }
0xb2: {  	_ =	swait.ge [sflag:s28], $0x4000  }
0xb3: {  	[sflag:s28] =	ssyncset.done $0x0  }
0xb4: {  	[sflag:s28] =	ssyncadd.s32 $0xFFFFC000  }
0xb5: {  	[bflag:$0x0] =	sbarrier.arrive $0xFFFF  }
0xb6: {  	[tilespmem:s18], [sflag:$0x2] =	stream.linear.gather [spmem:s6], $0x4000, $0x38;
	[tilespmem:$0x18400] =	vst v63  }
0xb7: {  	_ =	swait.ge [sflag:s19], $0x4000  }
0xb8: {  	[sflag:s19] =	ssyncset.done $0x0  }
0xb9: {  	[sflag:s19] =	ssyncadd.s32 $0xFFFFC000  }
0xba: {  	[hbm4b:s11+s3] =	stream.linear.scatter [tilespmem:s18], [sflag:$0x2], $0x4000, $0x38;
	[tilespmem:$0x18400] =	vst v63  }
0xbb: {  	_ =	swait.ge [sflag:s19], $0x4000  }
0xbc: {  	[sflag:s19] =	ssyncset.done $0x0  }
0xbd: {  	[sflag:s19] =	ssyncadd.s32 $0xFFFFC000  }
0xbe: {  	[tilespmem:s18], [sflag:$0x2] =	stream.linear.gather [spmem:s7], $0x4000, $0x38;
	[tilespmem:$0x18400] =	vst v63  }
0xbf: {  	_ =	swait.ge [sflag:s19], $0x4000  }
0xc0: {  	[sflag:s19] =	ssyncset.done $0x0  }
0xc1: {  	[sflag:s19] =	ssyncadd.s32 $0xFFFFC000  }
0xc2: {  	[hbm4b:s12+s3] =	stream.linear.scatter [tilespmem:s18], [sflag:$0x2], $0x4000, $0x38;
	[tilespmem:$0x18400] =	vst v63  }
0xc3: {  	_ =	swait.ge [sflag:s19], $0x4000  }
0xc4: {  	[sflag:s19] =	ssyncset.done $0x0  }
0xc5: {  	[sflag:s19] =	ssyncadd.s32 $0xFFFFC000  }
0xc6: {  	[tilespmem:s18], [sflag:$0x2] =	stream.linear.gather [spmem:s8], $0x4000, $0x38;
	[tilespmem:$0x18400] =	vst v63  }
0xc7: {  	_ =	swait.ge [sflag:s19], $0x4000  }
0xc8: {  	[sflag:s19] =	ssyncset.done $0x0  }
0xc9: {  	[sflag:s19] =	ssyncadd.s32 $0xFFFFC000  }
0xca: {  	[hbm4b:s13+s3] =	stream.linear.scatter [tilespmem:s18], [sflag:$0x2], $0x4000, $0x38;
	[tilespmem:$0x18400] =	vst v63  }
0xcb: {  	_ =	swait.ge [sflag:s19], $0x4000  }
0xcc: {  	[sflag:s19] =	ssyncset.done $0x0  }
0xcd: {  	[sflag:s19] =	ssyncadd.s32 $0xFFFFC000  }
0xce: {  	[tilespmem:s18], [sflag:$0x2] =	stream.linear.gather [spmem:s9], $0x4000, $0x38;
	[tilespmem:$0x18400] =	vst v63  }
0xcf: {  	_ =	swait.ge [sflag:s19], $0x4000  }
0xd0: {  	[sflag:s19] =	ssyncset.done $0x0  }
0xd1: {  	[sflag:s19] =	ssyncadd.s32 $0xFFFFC000  }
0xd2: {  	[hbm4b:s14+s3] =	stream.linear.scatter [tilespmem:s18], [sflag:$0x2], $0x4000, $0x38;
	[tilespmem:$0x18400] =	vst v63  }
0xd3: {  	_ =	swait.ge [sflag:s19], $0x4000  }
0xd4: {  	[sflag:s19] =	ssyncset.done $0x0  }
0xd5: {  	[sflag:s19] =	ssyncadd.s32 $0xFFFFC000  }
0xd6: {  	[tilespmem:s18], [sflag:$0x2] =	stream.linear.gather [spmem:s10], $0x4000, $0x38;
	[tilespmem:$0x18400] =	vst v63  }
0xd7: {  	s29 =	sadd.s32 $0x1, s29;
	_ =	swait.ge [sflag:s19], $0x4000  }
0xd8: {  	p0 =	sne.s32 s29, s16;
	[sflag:s19] =	ssyncset.done $0x0  }
.Ltmp1:
0xd9: {  	[sflag:s19] =	ssyncadd.s32 $0xFFFFC000;
	(pc) =	sbr.rel @p0 .LBB2_1-.Ltmp1, $4  }
0xda: {  	[hbm4b:s15+s3] =	stream.linear.scatter [tilespmem:s18], [sflag:$0x2], $0x4000, $0x38;
	[tilespmem:$0x18400] =	vst v63  }
0xdb: {  	_ =	swait.ge [sflag:s19], $0x4000  }
0xdc: {  	[sflag:s19] =	ssyncset.done $0x0  }
0xdd: {  	[sflag:s19] =	ssyncadd.s32 $0xFFFFC000  }
0xde: {  	_ =	sfence.sel $0x180000  }
0xdf: {  	[bflag:$0x0] =	sbarrier.arrive $0xFFFF  }
0xe0: {  	_ =	strace $0x9000004A  }
0xe1: {  	s0 =	stileid.u32;
	[bflag:$0x2] =	sbarrier.arrive $0xFFFF  }
0xe2: {  	p0 =	sne.s32 s0, $0x0;
	s0 =	rddreg [dreg:$0x2]  }
0xe3: {  	s0 =	sadd.s32 @!p0 $0x100000, s0  }
0xe4: {  	[sflag:s0] =	ssyncadd.tile.s32 @!p0 $0x1;
	_ =	shalt  }
.Lfunc_end2:
_tile_overlayer_lowered:
.L_overlay_start_2:
0xe5: {  	(tag) =	ssettag $0x2  }
0xe6: {  	s0 =	rddreg [dreg:$0x0];
	s2 =	stileid.u32  }
0xe7: {  	s1 =	rddreg [dreg:$0x1];
	p0 =	sne.s32 s2, $0x0  }
0xe8: {  	s3 =	rddreg [dreg:$0x2];
	[bflag:$0x3] =	sbarrier.arrive $0xFFFF;
	s2 =	simm.s32 @!p0 $0x1C02  }
0xe9: {  	[timem:s3], [sflag:s2] =	dma.local @!p0 [hbm:s0], s1  }
0xea: {  	s0 =	simm.s32 @!p0 $0x2  }
0xeb: {  	_ =	swait.ge @!p0 [sflag:s0], s1  }
0xec: {  	s1 =	ssub.s32 @!p0 $0x0, s1;
	[sflag:s0] =	ssyncset.done @!p0 $0x0  }
0xed: {  	[sflag:s0] =	ssyncadd.s32 @!p0 s1  }
0xee: {  	[bflag:$0x3] =	sbarrier.arrive $0xFFFF  }
0xef: {  	_ =	shalt  }

</sc_bundles>
